<compile_context>
chip_gen: v7x
topology: tpu7x:2x2x1
jax: 0.10.2.dev20260603
libtpu: 0.0.44.dev20260713+nightly
codegen_flags: <defaults>
</compile_context>

<pallas_src>
import functools

import jax
import jax.numpy as jnp
from jax import lax
from jax.experimental import pallas as pl
from jax.experimental.pallas import tpu as pltpu
from jax.experimental.pallas import tpu_sc as plsc

N = 10000
E = 320000
NS = 16
EPT = E // NS
SL = 640
NPAD = NS * SL
NPAD2 = 2 * NPAD
VPE = EPT // 16
VPS = SL // 16

_F32 = jnp.float32
_I32 = jnp.int32
_NEG = -3.0e38


def _mm_body(x_ref, wl_ref, wr_ref, o1_ref, o2_ref):
    o1_ref[...] = jnp.dot(x_ref[...], wl_ref[...], preferred_element_type=_F32)
    o2_ref[...] = jnp.dot(x_ref[...], wr_ref[...], preferred_element_type=_F32)


def _proj(x, Wl, Wr):
    return pl.pallas_call(
        _mm_body,
        grid=(10,),
        in_specs=[
            pl.BlockSpec((1000, 128), lambda i: (i, 0)),
            pl.BlockSpec((128, 1), lambda i: (0, 0)),
            pl.BlockSpec((128, 1), lambda i: (0, 0)),
        ],
        out_specs=[
            pl.BlockSpec((1000, 1), lambda i: (i, 0)),
            pl.BlockSpec((1000, 1), lambda i: (i, 0)),
        ],
        out_shape=[
            jax.ShapeDtypeStruct((N, 1), _F32),
            jax.ShapeDtypeStruct((N, 1), _F32),
        ],
    )(x, Wl, Wr)


def _rsqrt_vec(a):
    i = plsc.bitcast(a, _I32)
    i = 0x5F3759DF - (i >> 1)
    y = plsc.bitcast(i, _F32)
    for _ in range(4):
        y = y * (1.5 - 0.5 * a * y * y)
    return y


def _sc_body(xl_hbm, xr_hbm, src_hbm, dst_hbm, par_hbm, out_hbm, alpha_hbm,
             tab_t, fin_t, src_t, dst_t, e_t, s_t, acc_t, rs_buf, ra_buf,
             red_row, red_t, par_t, sem_e, sem_a, sh_stage, sh_s, sh_nodes,
             sh_red):
    t = lax.axis_index("s")
    lanes = lax.broadcasted_iota(_I32, (16,), 0)
    zeros16 = jnp.zeros((16,), _F32)

    d_src = pltpu.async_copy(src_hbm.at[pl.ds(t * EPT, EPT)], src_t, sem_e)
    d_dst = pltpu.async_copy(dst_hbm.at[pl.ds(t * EPT, EPT)], dst_t, sem_e)
    pltpu.sync_copy(par_hbm, par_t)
    pltpu.sync_copy(xl_hbm, tab_t.at[pl.ds(0, N)])
    pltpu.sync_copy(xr_hbm, tab_t.at[pl.ds(NPAD, N)])

    pv = par_t[...]

    def _take(v, idx):
        return v.at[idx].get(mode="promise_in_bounds")

    def _lane(k):
        return _take(pv, jnp.full((16,), k, _I32))

    def _allmax(v):
        for sh in (1, 2, 4, 8):
            v = jnp.maximum(v, _take(v, lanes ^ sh))
        return v

    def _allsum(v):
        for sh in (1, 2, 4, 8):
            v = v + _take(v, lanes ^ sh)
        return v

    att1 = _lane(0)
    b1 = _lane(1)
    g1 = _lane(2)
    be1 = _lane(3)
    wl2 = _lane(4)
    wr2 = _lane(5)
    att2 = _lane(6)
    b2 = _lane(7)
    g2 = _lane(8)
    be2 = _lane(9)

    def _zero_tables(_):
        @plsc.parallel_loop(0, NPAD // 16, unroll=8)
        def zb(i):
            s_t[pl.ds(i * 16, 16)] = zeros16
            acc_t[pl.ds(i * 16, 16)] = zeros16

    _zero_tables(None)

    def _lk(v):
        return jnp.maximum(v, 0.2 * v)

    def _global_reduce(vec, rnd):
        red_row[...] = vec
        pltpu.sync_copy(red_row, sh_red.at[pl.ds(rnd * 256 + t * 16, 16)])
        plsc.subcore_barrier()
        pltpu.sync_copy(sh_red.at[pl.ds(rnd * 256, 256)], red_t)

    def rmax(k, m):
        return jnp.maximum(m, red_t[pl.ds(k * 16, 16)])

    nb = t * SL
    neg4 = (jnp.full((16,), _NEG, _F32),) * 4

    @plsc.parallel_loop(0, VPS, unroll=8, carry=neg4)
    def xstats(v, carry):
        pxl, nxl, pxr, nxr = carry
        gi = nb + v * 16 + lanes
        ok = gi < N
        xl = tab_t[pl.ds(nb + v * 16, 16)]
        xr = tab_t[pl.ds(NPAD + nb + v * 16, 16)]
        pxl = jnp.maximum(pxl, jnp.where(ok, xl, _NEG))
        nxl = jnp.maximum(nxl, jnp.where(ok, -xl, _NEG))
        pxr = jnp.maximum(pxr, jnp.where(ok, xr, _NEG))
        nxr = jnp.maximum(nxr, jnp.where(ok, -xr, _NEG))
        return pxl, nxl, pxr, nxr

    pxl, nxl, pxr, nxr = xstats
    svec0 = jnp.where(lanes == 0, _allmax(pxl),
                      jnp.where(lanes == 1, _allmax(nxl),
                                jnp.where(lanes == 2, _allmax(pxr),
                                          jnp.where(lanes == 3, _allmax(nxr),
                                                    _NEG))))
    _global_reduce(svec0, 0)
    mm = lax.fori_loop(0, NS, rmax, jnp.full((16,), _NEG, _F32))
    zmax = _take(mm, jnp.zeros((16,), _I32)) + _take(mm, jnp.full((16,), 2, _I32))
    zmin = -(_take(mm, jnp.ones((16,), _I32)) + _take(mm, jnp.full((16,), 3, _I32)))
    M1 = jnp.maximum(att1 * _lk(zmax), att1 * _lk(zmin))
    d_src.wait()
    d_dst.wait()

    @plsc.parallel_loop(0, VPE, unroll=10)
    def _p2(i):
        sl = pl.ds(i * 16, 16)
        si = src_t[sl]
        di = dst_t[sl]
        a = plsc.load_gather(tab_t, [si])
        b = plsc.load_gather(tab_t, [di + NPAD])
        ex = jnp.exp(att1 * _lk(a + b) - M1)
        e_t[sl] = ex
        plsc.addupdate_scatter(s_t, [di], ex)
        plsc.addupdate_scatter(acc_t, [di], ex * a)

    def _combine_and_norm(att_b, gamma, beta, layer):
        pltpu.sync_copy(s_t, sh_stage.at[t])
        plsc.subcore_barrier()

        @plsc.parallel_loop(0, VPS, unroll=8)
        def _zs(i):
            s_t[pl.ds(i * 16, 16)] = zeros16

        def csum_s(k, _c):
            pltpu.sync_copy(sh_stage.at[k, pl.ds(t * SL, SL)], rs_buf)

            @plsc.parallel_loop(0, VPS, unroll=8)
            def _addv(v):
                sl = pl.ds(v * 16, 16)
                s_t[sl] = s_t[sl] + rs_buf[sl]
            return _c
        lax.fori_loop(0, NS, csum_s, 0)
        plsc.subcore_barrier()

        pltpu.sync_copy(acc_t, sh_stage.at[t])
        plsc.subcore_barrier()

        @plsc.parallel_loop(0, VPS, unroll=8)
        def _za(i):
            acc_t[pl.ds(i * 16, 16)] = zeros16

        def csum_a(k, _c):
            pltpu.sync_copy(sh_stage.at[k, pl.ds(t * SL, SL)], ra_buf)

            @plsc.parallel_loop(0, VPS, unroll=8)
            def _addv(v):
                sl = pl.ds(v * 16, 16)
                acc_t[sl] = acc_t[sl] + ra_buf[sl]
            return _c
        lax.fori_loop(0, NS, csum_a, 0)

        base = t * SL

        @plsc.parallel_loop(0, VPS, unroll=8, carry=(zeros16, zeros16))
        def smsq(v, carry):
            sm, sq = carry
            sl = pl.ds(v * 16, 16)
            hp = acc_t[sl] / (s_t[sl] + 1e-16) + att_b
            gi = base + v * 16 + lanes
            hp = jnp.where(gi < N, hp, 0.0)
            acc_t[sl] = hp
            return sm + hp, sq + hp * hp
        sm, sq = smsq
        svec = jnp.where(lanes == 0, _allsum(sm),
                         jnp.where(lanes == 1, _allsum(sq), 0.0))
        _global_reduce(svec, 1 + 2 * layer)

        def rsum(k, acc):
            return acc + red_t[pl.ds(k * 16, 16)]
        tot = lax.fori_loop(0, NS, rsum, zeros16)
        mu = _take(tot, jnp.zeros((16,), _I32)) / N
        var = _take(tot, jnp.ones((16,), _I32)) / N - mu * mu
        rinv = _rsqrt_vec(var + 1e-5)

        @plsc.parallel_loop(0, VPS, unroll=8, carry=zeros16)
        def hmx(v, m):
            sl = pl.ds(v * 16, 16)
            h = jnp.maximum(gamma * (acc_t[sl] - mu) * rinv + beta, 0.0)
            acc_t[sl] = h
            return jnp.maximum(m, h)
        return hmx

    hmx1 = _combine_and_norm(b1, g1, be1, layer=0)
    _global_reduce(_allmax(hmx1), 2)
    maxh = lax.fori_loop(0, NS, rmax, jnp.full((16,), _NEG, _F32))

    pltpu.sync_copy(acc_t.at[pl.ds(0, SL)], sh_nodes.at[pl.ds(t * SL, SL)])
    pltpu.sync_copy(s_t.at[pl.ds(0, SL)], sh_s.at[pl.ds(t * SL, SL)])
    plsc.subcore_barrier()
    pltpu.sync_copy(sh_nodes, tab_t.at[pl.ds(0, NPAD)])
    pltpu.sync_copy(sh_s, fin_t)

    @plsc.parallel_loop(0, VPE, unroll=10)
    def _pa(i):
        sl = pl.ds(i * 16, 16)
        sv = plsc.load_gather(fin_t, [dst_t[sl]])
        e_t[sl] = e_t[sl] / (sv + 1e-16)

    d_alpha = pltpu.async_copy(e_t, alpha_hbm.at[pl.ds(t * EPT, EPT)], sem_a)

    _zero_tables(None)

    zmax2 = (jnp.maximum(wl2, 0.0) + jnp.maximum(wr2, 0.0)) * maxh
    zmin2 = (jnp.minimum(wl2, 0.0) + jnp.minimum(wr2, 0.0)) * maxh
    M2 = jnp.maximum(att2 * _lk(zmax2), att2 * _lk(zmin2))

    @plsc.parallel_loop(0, VPE, unroll=10)
    def _q2(i):
        sl = pl.ds(i * 16, 16)
        si = src_t[sl]
        di = dst_t[sl]
        hs = plsc.load_gather(tab_t, [si])
        hd = plsc.load_gather(tab_t, [di])
        ex = jnp.exp(att2 * _lk(wl2 * hs + wr2 * hd) - M2)
        plsc.addupdate_scatter(s_t, [di], ex)
        plsc.addupdate_scatter(acc_t, [di], ex * (wl2 * hs))

    _combine_and_norm(b2, g2, be2, layer=1)

    @pl.when(t == NS - 1)
    def _tail():
        pltpu.sync_copy(acc_t.at[pl.ds(0, N - (NS - 1) * SL)],
                        out_hbm.at[pl.ds((NS - 1) * SL, N - (NS - 1) * SL)])

    @pl.when(t != NS - 1)
    def _body():
        pltpu.sync_copy(acc_t.at[pl.ds(0, SL)], out_hbm.at[pl.ds(t * SL, SL)])

    d_alpha.wait()


@jax.jit
def _sc_gnn(xl_flat, xr_flat, src, dst, par):
    mesh = plsc.VectorSubcoreMesh(core_axis_name="c", subcore_axis_name="s",
                                  num_cores=1)
    f = functools.partial(
        pl.kernel,
        out_type=[
            jax.ShapeDtypeStruct((N,), _F32),
            jax.ShapeDtypeStruct((E,), _F32),
        ],
        mesh=mesh,
        compiler_params=pltpu.CompilerParams(needs_layout_passes=False),
        scratch_types=[
            pltpu.VMEM((NPAD2,), _F32),
            pltpu.VMEM((NPAD,), _F32),
            pltpu.VMEM((EPT,), _I32),
            pltpu.VMEM((EPT,), _I32),
            pltpu.VMEM((EPT,), _F32),
            pltpu.VMEM((NPAD,), _F32),
            pltpu.VMEM((NPAD,), _F32),
            pltpu.VMEM((SL,), _F32),
            pltpu.VMEM((SL,), _F32),
            pltpu.VMEM((16,), _F32),
            pltpu.VMEM((256,), _F32),
            pltpu.VMEM((16,), _F32),
            pltpu.SemaphoreType.DMA,
            pltpu.SemaphoreType.DMA,
            pltpu.VMEM_SHARED((NS, NPAD), _F32),
            pltpu.VMEM_SHARED((NPAD,), _F32),
            pltpu.VMEM_SHARED((NPAD,), _F32),
            pltpu.VMEM_SHARED((4 * 256,), _F32),
        ],
    )(_sc_body)
    return f(xl_flat, xr_flat, src, dst, par)


def kernel(x, edge_index, Wl1, Wr1, att1, b1, g1, be1, Wl2, Wr2, att2, b2, g2, be2):
    src = edge_index[0].astype(_I32)
    dst = edge_index[1].astype(_I32)
    xl, xr = _proj(x, Wl1, Wr1)
    par = jnp.concatenate([
        att1, b1, g1, be1,
        jnp.reshape(Wl2, (1,)), jnp.reshape(Wr2, (1,)),
        att2, b2, g2, be2,
        jnp.zeros((6,), _F32),
    ])
    h2, a1 = _sc_gnn(jnp.reshape(xl, (-1,)), jnp.reshape(xr, (-1,)),
                     src, dst, par)
    return (jnp.reshape(h2, (1, N)), a1)

# --- scband reference (transcript-rebuilt; emitter-appended) ---
"""Pipeline reference for scband-inner-gnn-87067577024886 (READ-ONLY COPY).

The authoritative reference and input builder live on the scoring server;
editing this copy changes nothing except your own understanding.
"""

import jax, jax.numpy as jnp
import numpy as np

N_NODES = 10000
N_EDGES = 320000
D_FEAT = 128
HID = 1


def setup_inputs(seed: int = 0) -> dict:
    key = jax.random.key(seed)
    ks = jax.random.split(key, 16)
    x = jax.random.normal(ks[0], (N_NODES, D_FEAT), dtype=jnp.float32)
    edge_index = jax.random.randint(ks[1], (2, N_EDGES), 0, N_NODES, dtype=jnp.int64)
    sc1 = 1.0 / np.sqrt(D_FEAT)
    Wl1 = jax.random.normal(ks[2], (D_FEAT, HID), dtype=jnp.float32) * sc1
    Wr1 = jax.random.normal(ks[3], (D_FEAT, HID), dtype=jnp.float32) * sc1
    att1 = jax.random.normal(ks[4], (HID,), dtype=jnp.float32)
    b1 = jnp.zeros((HID,), dtype=jnp.float32)
    g1 = jnp.ones((HID,), dtype=jnp.float32)
    be1 = jnp.zeros((HID,), dtype=jnp.float32)
    Wl2 = jax.random.normal(ks[5], (HID, 1), dtype=jnp.float32)
    Wr2 = jax.random.normal(ks[6], (HID, 1), dtype=jnp.float32)
    att2 = jax.random.normal(ks[7], (1,), dtype=jnp.float32)
    b2 = jnp.zeros((1,), dtype=jnp.float32)
    g2 = jnp.ones((1,), dtype=jnp.float32)
    be2 = jnp.zeros((1,), dtype=jnp.float32)
    return {"x": x, "edge_index": edge_index, "Wl1": Wl1, "Wr1": Wr1, "att1": att1, "b1": b1, "g1": g1, "be1": be1, "Wl2": Wl2, "Wr2": Wr2, "att2": att2, "b2": b2, "g2": g2, "be2": be2}


def _gatv2(x, src, dst, Wl, Wr, att, b, n_nodes):
    xl = x @ Wl
    xr = x @ Wr
    e = jax.nn.leaky_relu(xl[src] + xr[dst], negative_slope=0.2) @ att
    m = jax.ops.segment_max(e, dst, num_segments=n_nodes)
    ex = jnp.exp(e - m[dst])
    s = jax.ops.segment_sum(ex, dst, num_segments=n_nodes)
    alpha = ex / (s[dst] + 1e-16)
    out = jax.ops.segment_sum(alpha[:, None] * xl[src], dst, num_segments=n_nodes) + b
    return out, alpha


def _bn(h, gamma, beta, eps=1e-5):
    mu = jnp.mean(h, axis=0)
    var = jnp.var(h, axis=0)
    return gamma * (h - mu) / jnp.sqrt(var + eps) + beta


def reference(x, edge_index, Wl1, Wr1, att1, b1, g1, be1, Wl2, Wr2, att2, b2, g2, be2):
    n_nodes = x.shape[0]
    src = edge_index[0]
    dst = edge_index[1]
    h, a1 = _gatv2(x, src, dst, Wl1, Wr1, att1, b1, n_nodes)
    h = jax.nn.relu(_bn(h, g1, be1))
    h, a2 = _gatv2(h, src, dst, Wl2, Wr2, att2, b2, n_nodes)
    h = jax.nn.relu(_bn(h, g2, be2))
    out = jnp.reshape(h, (1, -1))
    return (out, a1)

if __name__ == "__main__":
    import jax
    _d = setup_inputs()
    print(jax.jit(kernel)(*tuple(_d.values())))

</pallas_src>

<mosaic_0001>
#map = affine_map<(d0, d1) -> (0)>
module attributes {stable_mosaic.version = 14 : i64} {
  func.func @_sc_body(%arg0: i32, %arg1: i32, %arg2: memref<10000xf32, #tpu.memory_space<hbm>>, %arg3: memref<10000xf32, #tpu.memory_space<hbm>>, %arg4: memref<320000xi32, #tpu.memory_space<hbm>>, %arg5: memref<320000xi32, #tpu.memory_space<hbm>>, %arg6: memref<16xf32, #tpu.memory_space<hbm>>, %arg7: memref<10000xf32, #tpu.memory_space<hbm>>, %arg8: memref<320000xf32, #tpu.memory_space<hbm>>, %arg9: memref<20480xf32, #tpu.memory_space<vmem>>, %arg10: memref<10240xf32, #tpu.memory_space<vmem>>, %arg11: memref<20000xi32, #tpu.memory_space<vmem>>, %arg12: memref<20000xi32, #tpu.memory_space<vmem>>, %arg13: memref<20000xf32, #tpu.memory_space<vmem>>, %arg14: memref<10240xf32, #tpu.memory_space<vmem>>, %arg15: memref<10240xf32, #tpu.memory_space<vmem>>, %arg16: memref<640xf32, #tpu.memory_space<vmem>>, %arg17: memref<640xf32, #tpu.memory_space<vmem>>, %arg18: memref<16xf32, #tpu.memory_space<vmem>>, %arg19: memref<256xf32, #tpu.memory_space<vmem>>, %arg20: memref<16xf32, #tpu.memory_space<vmem>>, %arg21: memref<!tpu.dma_semaphore, #tpu.memory_space<semaphore_mem>>, %arg22: memref<!tpu.dma_semaphore, #tpu.memory_space<semaphore_mem>>, %arg23: memref<16x10240xf32, #tpu.memory_space<vmem_shared>>, %arg24: memref<10240xf32, #tpu.memory_space<vmem_shared>>, %arg25: memref<10240xf32, #tpu.memory_space<vmem_shared>>, %arg26: memref<1024xf32, #tpu.memory_space<vmem_shared>>) attributes {dimension_semantics = [#tpu.dimension_semantics<core_parallel>, #tpu.dimension_semantics<subcore_parallel>], iteration_bounds = array<i64: 1, 16>, scalar_prefetch = 0 : i64, scratch_operands = 18 : i64, tpu.core_type = #tpu.core_type<sc_vector_subcore>, window_params = [{transform_indices = #map}, {transform_indices = #map}, {transform_indices = #map}, {transform_indices = #map}, {transform_indices = #map}, {transform_indices = #map}, {transform_indices = #map}]} {
    %iota3A = tpu.iota {dimensions = array<i32: 0>} : vector<16xi32>
    %broadcast_in_dim3A = arith.constant 0.000000e+00 : f32
    %broadcast_in_dim3A_0 = vector.broadcast %broadcast_in_dim3A : f32 to vector<16xf32>
    %mul3A = arith.constant 20000 : i32
    %mul3A_1 = arith.muli %arg1, %mul3A : i32
    %dma_start3A = tpu.memref_slice %arg4[%mul3A_1] : memref<320000xi32, #tpu.memory_space<hbm>> -> memref<20000xi32, #tpu.memory_space<hbm>>
    %dma_start3A_2 = tpu.memref_slice %arg4[%mul3A_1] : memref<320000xi32, #tpu.memory_space<hbm>> -> memref<20000xi32, #tpu.memory_space<hbm>>
    tpu.enqueue_dma source(%dma_start3A_2 : memref<20000xi32, #tpu.memory_space<hbm>>) target(%arg11 : memref<20000xi32, #tpu.memory_space<vmem>>) target_semaphore(%arg21 : memref<!tpu.dma_semaphore, #tpu.memory_space<semaphore_mem>>)
    %mul3A_3 = arith.constant 20000 : i32
    %mul3A_4 = arith.muli %arg1, %mul3A_3 : i32
    %dma_start3A_5 = tpu.memref_slice %arg5[%mul3A_4] : memref<320000xi32, #tpu.memory_space<hbm>> -> memref<20000xi32, #tpu.memory_space<hbm>>
    %dma_start3A_6 = tpu.memref_slice %arg5[%mul3A_4] : memref<320000xi32, #tpu.memory_space<hbm>> -> memref<20000xi32, #tpu.memory_space<hbm>>
    tpu.enqueue_dma source(%dma_start3A_6 : memref<20000xi32, #tpu.memory_space<hbm>>) target(%arg12 : memref<20000xi32, #tpu.memory_space<vmem>>) target_semaphore(%arg21 : memref<!tpu.dma_semaphore, #tpu.memory_space<semaphore_mem>>)
    "tpu.region"() ({
      %run_scoped3A = tpu.sem_alloc : memref<!tpu.dma_semaphore, #tpu.memory_space<semaphore_mem>>
      tpu.enqueue_dma source(%arg6 : memref<16xf32, #tpu.memory_space<hbm>>) target(%arg20 : memref<16xf32, #tpu.memory_space<vmem>>) target_semaphore(%run_scoped3A : memref<!tpu.dma_semaphore, #tpu.memory_space<semaphore_mem>>)
      tpu.wait_dma2 semaphore(%run_scoped3A : memref<!tpu.dma_semaphore, #tpu.memory_space<semaphore_mem>>) src(%arg6 : memref<16xf32, #tpu.memory_space<hbm>>) dst(%arg20 : memref<16xf32, #tpu.memory_space<vmem>>)
      tpu.yield
    }) : () -> ()
    "tpu.region"() ({
      %run_scoped3A = tpu.sem_alloc : memref<!tpu.dma_semaphore, #tpu.memory_space<semaphore_mem>>
      %dma_start3A_1063 = arith.constant 0 : i32
      %dma_start3A_1064 = tpu.memref_slice %arg9[%dma_start3A_1063] : memref<20480xf32, #tpu.memory_space<vmem>> -> memref<10000xf32, #tpu.memory_space<vmem>>
      %dma_start3A_1065 = arith.constant 0 : i32
      %dma_start3A_1066 = tpu.memref_slice %arg9[%dma_start3A_1065] : memref<20480xf32, #tpu.memory_space<vmem>> -> memref<10000xf32, #tpu.memory_space<vmem>>
      tpu.enqueue_dma source(%arg2 : memref<10000xf32, #tpu.memory_space<hbm>>) target(%dma_start3A_1066 : memref<10000xf32, #tpu.memory_space<vmem>>) target_semaphore(%run_scoped3A : memref<!tpu.dma_semaphore, #tpu.memory_space<semaphore_mem>>)
      %dma_wait3A_1067 = arith.constant 0 : i32
      %dma_wait3A_1068 = tpu.memref_slice %arg9[%dma_wait3A_1067] : memref<20480xf32, #tpu.memory_space<vmem>> -> memref<10000xf32, #tpu.memory_space<vmem>>
      %dma_wait3A_1069 = arith.constant 0 : i32
      %dma_wait3A_1070 = tpu.memref_slice %arg9[%dma_wait3A_1069] : memref<20480xf32, #tpu.memory_space<vmem>> -> memref<10000xf32, #tpu.memory_space<vmem>>
      tpu.wait_dma2 semaphore(%run_scoped3A : memref<!tpu.dma_semaphore, #tpu.memory_space<semaphore_mem>>) src(%arg2 : memref<10000xf32, #tpu.memory_space<hbm>>) dst(%dma_wait3A_1070 : memref<10000xf32, #tpu.memory_space<vmem>>)
      tpu.yield
    }) : () -> ()
    "tpu.region"() ({
      %run_scoped3A = tpu.sem_alloc : memref<!tpu.dma_semaphore, #tpu.memory_space<semaphore_mem>>
      %dma_start3A_1063 = arith.constant 10240 : i32
      %dma_start3A_1064 = tpu.memref_slice %arg9[%dma_start3A_1063] : memref<20480xf32, #tpu.memory_space<vmem>> -> memref<10000xf32, #tpu.memory_space<vmem>>
      %dma_start3A_1065 = arith.constant 10240 : i32
      %dma_start3A_1066 = tpu.memref_slice %arg9[%dma_start3A_1065] : memref<20480xf32, #tpu.memory_space<vmem>> -> memref<10000xf32, #tpu.memory_space<vmem>>
      tpu.enqueue_dma source(%arg3 : memref<10000xf32, #tpu.memory_space<hbm>>) target(%dma_start3A_1066 : memref<10000xf32, #tpu.memory_space<vmem>>) target_semaphore(%run_scoped3A : memref<!tpu.dma_semaphore, #tpu.memory_space<semaphore_mem>>)
      %dma_wait3A_1067 = arith.constant 10240 : i32
      %dma_wait3A_1068 = tpu.memref_slice %arg9[%dma_wait3A_1067] : memref<20480xf32, #tpu.memory_space<vmem>> -> memref<10000xf32, #tpu.memory_space<vmem>>
      %dma_wait3A_1069 = arith.constant 10240 : i32
      %dma_wait3A_1070 = tpu.memref_slice %arg9[%dma_wait3A_1069] : memref<20480xf32, #tpu.memory_space<vmem>> -> memref<10000xf32, #tpu.memory_space<vmem>>
      tpu.wait_dma2 semaphore(%run_scoped3A : memref<!tpu.dma_semaphore, #tpu.memory_space<semaphore_mem>>) src(%arg3 : memref<10000xf32, #tpu.memory_space<hbm>>) dst(%dma_wait3A_1070 : memref<10000xf32, #tpu.memory_space<vmem>>)
      tpu.yield
    }) : () -> ()
    %get3A = arith.constant 0 : index
    %get3A_7 = tpu.vector_load %arg20[%get3A] {strides = array<i32>} : memref<16xf32, #tpu.memory_space<vmem>>, vector<16xf32>,
    %broadcast_in_dim3A_8 = arith.constant 0 : i32
    %broadcast_in_dim3A_9 = vector.broadcast %broadcast_in_dim3A_8 : i32 to vector<16xi32>
    %lt3A = arith.constant 0 : i32
    %lt3A_10 = vector.broadcast %lt3A : i32 to vector<16xi32>
    %lt3A_11 = arith.cmpi slt, %broadcast_in_dim3A_9, %lt3A_10 : vector<16xi32>
    %add3A = arith.constant 16 : i32
    %add3A_12 = vector.broadcast %add3A : i32 to vector<16xi32>
    %add3A_13 = arith.addi %broadcast_in_dim3A_9, %add3A_12 : vector<16xi32>
    %select_n3A = arith.select %lt3A_11, %add3A_13, %broadcast_in_dim3A_9 : vector<16xi1>, vector<16xi32>
    %broadcast_in_dim3A_14 = vector.shape_cast %select_n3A : vector<16xi32> to vector<16x1xi32>
    %gather3A = vector.shape_cast %broadcast_in_dim3A_14 : vector<16x1xi32> to vector<16xi32>
    %gather3A_15 = tpu.dynamic_gather %get3A_7[%gather3A] in [0] : vector<16xf32>, vector<16xi32> -> vector<16xf32>
    %broadcast_in_dim3A_16 = arith.constant 1 : i32
    %broadcast_in_dim3A_17 = vector.broadcast %broadcast_in_dim3A_16 : i32 to vector<16xi32>
    %lt3A_18 = arith.constant 0 : i32
    %lt3A_19 = vector.broadcast %lt3A_18 : i32 to vector<16xi32>
    %lt3A_20 = arith.cmpi slt, %broadcast_in_dim3A_17, %lt3A_19 : vector<16xi32>
    %add3A_21 = arith.constant 16 : i32
    %add3A_22 = vector.broadcast %add3A_21 : i32 to vector<16xi32>
    %add3A_23 = arith.addi %broadcast_in_dim3A_17, %add3A_22 : vector<16xi32>
    %select_n3A_24 = arith.select %lt3A_20, %add3A_23, %broadcast_in_dim3A_17 : vector<16xi1>, vector<16xi32>
    %broadcast_in_dim3A_25 = vector.shape_cast %select_n3A_24 : vector<16xi32> to vector<16x1xi32>
    %gather3A_26 = vector.shape_cast %broadcast_in_dim3A_25 : vector<16x1xi32> to vector<16xi32>
    %gather3A_27 = tpu.dynamic_gather %get3A_7[%gather3A_26] in [0] : vector<16xf32>, vector<16xi32> -> vector<16xf32>
    %broadcast_in_dim3A_28 = arith.constant 2 : i32
    %broadcast_in_dim3A_29 = vector.broadcast %broadcast_in_dim3A_28 : i32 to vector<16xi32>
    %lt3A_30 = arith.constant 0 : i32
    %lt3A_31 = vector.broadcast %lt3A_30 : i32 to vector<16xi32>
    %lt3A_32 = arith.cmpi slt, %broadcast_in_dim3A_29, %lt3A_31 : vector<16xi32>
    %add3A_33 = arith.constant 16 : i32
    %add3A_34 = vector.broadcast %add3A_33 : i32 to vector<16xi32>
    %add3A_35 = arith.addi %broadcast_in_dim3A_29, %add3A_34 : vector<16xi32>
    %select_n3A_36 = arith.select %lt3A_32, %add3A_35, %broadcast_in_dim3A_29 : vector<16xi1>, vector<16xi32>
    %broadcast_in_dim3A_37 = vector.shape_cast %select_n3A_36 : vector<16xi32> to vector<16x1xi32>
    %gather3A_38 = vector.shape_cast %broadcast_in_dim3A_37 : vector<16x1xi32> to vector<16xi32>
    %gather3A_39 = tpu.dynamic_gather %get3A_7[%gather3A_38] in [0] : vector<16xf32>, vector<16xi32> -> vector<16xf32>
    %broadcast_in_dim3A_40 = arith.constant 3 : i32
    %broadcast_in_dim3A_41 = vector.broadcast %broadcast_in_dim3A_40 : i32 to vector<16xi32>
    %lt3A_42 = arith.constant 0 : i32
    %lt3A_43 = vector.broadcast %lt3A_42 : i32 to vector<16xi32>
    %lt3A_44 = arith.cmpi slt, %broadcast_in_dim3A_41, %lt3A_43 : vector<16xi32>
    %add3A_45 = arith.constant 16 : i32
    %add3A_46 = vector.broadcast %add3A_45 : i32 to vector<16xi32>
    %add3A_47 = arith.addi %broadcast_in_dim3A_41, %add3A_46 : vector<16xi32>
    %select_n3A_48 = arith.select %lt3A_44, %add3A_47, %broadcast_in_dim3A_41 : vector<16xi1>, vector<16xi32>
    %broadcast_in_dim3A_49 = vector.shape_cast %select_n3A_48 : vector<16xi32> to vector<16x1xi32>
    %gather3A_50 = vector.shape_cast %broadcast_in_dim3A_49 : vector<16x1xi32> to vector<16xi32>
    %gather3A_51 = tpu.dynamic_gather %get3A_7[%gather3A_50] in [0] : vector<16xf32>, vector<16xi32> -> vector<16xf32>
    %broadcast_in_dim3A_52 = arith.constant 4 : i32
    %broadcast_in_dim3A_53 = vector.broadcast %broadcast_in_dim3A_52 : i32 to vector<16xi32>
    %lt3A_54 = arith.constant 0 : i32
    %lt3A_55 = vector.broadcast %lt3A_54 : i32 to vector<16xi32>
    %lt3A_56 = arith.cmpi slt, %broadcast_in_dim3A_53, %lt3A_55 : vector<16xi32>
    %add3A_57 = arith.constant 16 : i32
    %add3A_58 = vector.broadcast %add3A_57 : i32 to vector<16xi32>
    %add3A_59 = arith.addi %broadcast_in_dim3A_53, %add3A_58 : vector<16xi32>
    %select_n3A_60 = arith.select %lt3A_56, %add3A_59, %broadcast_in_dim3A_53 : vector<16xi1>, vector<16xi32>
    %broadcast_in_dim3A_61 = vector.shape_cast %select_n3A_60 : vector<16xi32> to vector<16x1xi32>
    %gather3A_62 = vector.shape_cast %broadcast_in_dim3A_61 : vector<16x1xi32> to vector<16xi32>
    %gather3A_63 = tpu.dynamic_gather %get3A_7[%gather3A_62] in [0] : vector<16xf32>, vector<16xi32> -> vector<16xf32>
    %broadcast_in_dim3A_64 = arith.constant 5 : i32
    %broadcast_in_dim3A_65 = vector.broadcast %broadcast_in_dim3A_64 : i32 to vector<16xi32>
    %lt3A_66 = arith.constant 0 : i32
    %lt3A_67 = vector.broadcast %lt3A_66 : i32 to vector<16xi32>
    %lt3A_68 = arith.cmpi slt, %broadcast_in_dim3A_65, %lt3A_67 : vector<16xi32>
    %add3A_69 = arith.constant 16 : i32
    %add3A_70 = vector.broadcast %add3A_69 : i32 to vector<16xi32>
    %add3A_71 = arith.addi %broadcast_in_dim3A_65, %add3A_70 : vector<16xi32>
    %select_n3A_72 = arith.select %lt3A_68, %add3A_71, %broadcast_in_dim3A_65 : vector<16xi1>, vector<16xi32>
    %broadcast_in_dim3A_73 = vector.shape_cast %select_n3A_72 : vector<16xi32> to vector<16x1xi32>
    %gather3A_74 = vector.shape_cast %broadcast_in_dim3A_73 : vector<16x1xi32> to vector<16xi32>
    %gather3A_75 = tpu.dynamic_gather %get3A_7[%gather3A_74] in [0] : vector<16xf32>, vector<16xi32> -> vector<16xf32>
    %broadcast_in_dim3A_76 = arith.constant 6 : i32
    %broadcast_in_dim3A_77 = vector.broadcast %broadcast_in_dim3A_76 : i32 to vector<16xi32>
    %lt3A_78 = arith.constant 0 : i32
    %lt3A_79 = vector.broadcast %lt3A_78 : i32 to vector<16xi32>
    %lt3A_80 = arith.cmpi slt, %broadcast_in_dim3A_77, %lt3A_79 : vector<16xi32>
    %add3A_81 = arith.constant 16 : i32
    %add3A_82 = vector.broadcast %add3A_81 : i32 to vector<16xi32>
    %add3A_83 = arith.addi %broadcast_in_dim3A_77, %add3A_82 : vector<16xi32>
    %select_n3A_84 = arith.select %lt3A_80, %add3A_83, %broadcast_in_dim3A_77 : vector<16xi1>, vector<16xi32>
    %broadcast_in_dim3A_85 = vector.shape_cast %select_n3A_84 : vector<16xi32> to vector<16x1xi32>
    %gather3A_86 = vector.shape_cast %broadcast_in_dim3A_85 : vector<16x1xi32> to vector<16xi32>
    %gather3A_87 = tpu.dynamic_gather %get3A_7[%gather3A_86] in [0] : vector<16xf32>, vector<16xi32> -> vector<16xf32>
    %broadcast_in_dim3A_88 = arith.constant 7 : i32
    %broadcast_in_dim3A_89 = vector.broadcast %broadcast_in_dim3A_88 : i32 to vector<16xi32>
    %lt3A_90 = arith.constant 0 : i32
    %lt3A_91 = vector.broadcast %lt3A_90 : i32 to vector<16xi32>
    %lt3A_92 = arith.cmpi slt, %broadcast_in_dim3A_89, %lt3A_91 : vector<16xi32>
    %add3A_93 = arith.constant 16 : i32
    %add3A_94 = vector.broadcast %add3A_93 : i32 to vector<16xi32>
    %add3A_95 = arith.addi %broadcast_in_dim3A_89, %add3A_94 : vector<16xi32>
    %select_n3A_96 = arith.select %lt3A_92, %add3A_95, %broadcast_in_dim3A_89 : vector<16xi1>, vector<16xi32>
    %broadcast_in_dim3A_97 = vector.shape_cast %select_n3A_96 : vector<16xi32> to vector<16x1xi32>
    %gather3A_98 = vector.shape_cast %broadcast_in_dim3A_97 : vector<16x1xi32> to vector<16xi32>
    %gather3A_99 = tpu.dynamic_gather %get3A_7[%gather3A_98] in [0] : vector<16xf32>, vector<16xi32> -> vector<16xf32>
    %broadcast_in_dim3A_100 = arith.constant 8 : i32
    %broadcast_in_dim3A_101 = vector.broadcast %broadcast_in_dim3A_100 : i32 to vector<16xi32>
    %lt3A_102 = arith.constant 0 : i32
    %lt3A_103 = vector.broadcast %lt3A_102 : i32 to vector<16xi32>
    %lt3A_104 = arith.cmpi slt, %broadcast_in_dim3A_101, %lt3A_103 : vector<16xi32>
    %add3A_105 = arith.constant 16 : i32
    %add3A_106 = vector.broadcast %add3A_105 : i32 to vector<16xi32>
    %add3A_107 = arith.addi %broadcast_in_dim3A_101, %add3A_106 : vector<16xi32>
    %select_n3A_108 = arith.select %lt3A_104, %add3A_107, %broadcast_in_dim3A_101 : vector<16xi1>, vector<16xi32>
    %broadcast_in_dim3A_109 = vector.shape_cast %select_n3A_108 : vector<16xi32> to vector<16x1xi32>
    %gather3A_110 = vector.shape_cast %broadcast_in_dim3A_109 : vector<16x1xi32> to vector<16xi32>
    %gather3A_111 = tpu.dynamic_gather %get3A_7[%gather3A_110] in [0] : vector<16xf32>, vector<16xi32> -> vector<16xf32>
    %broadcast_in_dim3A_112 = arith.constant 9 : i32
    %broadcast_in_dim3A_113 = vector.broadcast %broadcast_in_dim3A_112 : i32 to vector<16xi32>
    %lt3A_114 = arith.constant 0 : i32
    %lt3A_115 = vector.broadcast %lt3A_114 : i32 to vector<16xi32>
    %lt3A_116 = arith.cmpi slt, %broadcast_in_dim3A_113, %lt3A_115 : vector<16xi32>
    %add3A_117 = arith.constant 16 : i32
    %add3A_118 = vector.broadcast %add3A_117 : i32 to vector<16xi32>
    %add3A_119 = arith.addi %broadcast_in_dim3A_113, %add3A_118 : vector<16xi32>
    %select_n3A_120 = arith.select %lt3A_116, %add3A_119, %broadcast_in_dim3A_113 : vector<16xi1>, vector<16xi32>
    %broadcast_in_dim3A_121 = vector.shape_cast %select_n3A_120 : vector<16xi32> to vector<16x1xi32>
    %gather3A_122 = vector.shape_cast %broadcast_in_dim3A_121 : vector<16x1xi32> to vector<16xi32>
    %gather3A_123 = tpu.dynamic_gather %get3A_7[%gather3A_122] in [0] : vector<16xf32>, vector<16xi32> -> vector<16xf32>
    %parallel_loop3A = arith.constant 0 : i32
    %parallel_loop3A_124 = arith.constant 640 : i32
    %parallel_loop3A_125 = arith.constant 1 : i32
    scf.for %parallel_loop3A_1063 = %parallel_loop3A to %parallel_loop3A_124 step %parallel_loop3A_125  : i32 {
      %parallel_loop3A_1064 = arith.constant 16 : i32
      %parallel_loop3A_1065 = arith.muli %parallel_loop3A_1063, %parallel_loop3A_1064 : i32
      %parallel_loop3A_1066 = arith.index_cast %parallel_loop3A_1065 : i32 to index
      %parallel_loop3A_1067 = tpu.vector_load %arg14[%parallel_loop3A_1066] {strides = array<i32>} : memref<10240xf32, #tpu.memory_space<vmem>>, vector<16xf32>,
      tpu.vector_store %arg14[%parallel_loop3A_1066], %broadcast_in_dim3A_0 {strides = array<i32>} : memref<10240xf32, #tpu.memory_space<vmem>>, vector<16xf32>,
      %parallel_loop3A_1068 = arith.constant 16 : i32
      %parallel_loop3A_1069 = arith.muli %parallel_loop3A_1063, %parallel_loop3A_1068 : i32
      %parallel_loop3A_1070 = arith.index_cast %parallel_loop3A_1069 : i32 to index
      %parallel_loop3A_1071 = tpu.vector_load %arg15[%parallel_loop3A_1070] {strides = array<i32>} : memref<10240xf32, #tpu.memory_space<vmem>>, vector<16xf32>,
      tpu.vector_store %arg15[%parallel_loop3A_1070], %broadcast_in_dim3A_0 {strides = array<i32>} : memref<10240xf32, #tpu.memory_space<vmem>>, vector<16xf32>,
    } {sc.loop_unroll_factor = 8 : i64, sc.parallel_access}
    %mul3A_126 = arith.constant 640 : i32
    %mul3A_127 = arith.muli %arg1, %mul3A_126 : i32
    %broadcast_in_dim3A_128 = arith.constant -3.000000e+38 : f32
    %broadcast_in_dim3A_129 = vector.broadcast %broadcast_in_dim3A_128 : f32 to vector<16xf32>
    %parallel_loop3A_130 = arith.constant 0 : i32
    %parallel_loop3A_131 = arith.constant 40 : i32
    %parallel_loop3A_132 = arith.constant 1 : i32
    %parallel_loop3A_133:4 = scf.for %parallel_loop3A_1063 = %parallel_loop3A_130 to %parallel_loop3A_131 step %parallel_loop3A_132 iter_args(%parallel_loop3A_1064 = %broadcast_in_dim3A_129, %parallel_loop3A_1065 = %broadcast_in_dim3A_129, %parallel_loop3A_1066 = %broadcast_in_dim3A_129, %parallel_loop3A_1067 = %broadcast_in_dim3A_129) -> (vector<16xf32>, vector<16xf32>, vector<16xf32>, vector<16xf32>)  : i32 {
      %parallel_loop3A_1068 = arith.constant 16 : i32
      %parallel_loop3A_1069 = arith.muli %parallel_loop3A_1063, %parallel_loop3A_1068 : i32
      %parallel_loop3A_1070 = arith.addi %mul3A_127, %parallel_loop3A_1069 : i32
      %parallel_loop3A_1071 = vector.broadcast %parallel_loop3A_1070 : i32 to vector<16xi32>
      %parallel_loop3A_1072 = arith.addi %parallel_loop3A_1071, %iota3A : vector<16xi32>
      %parallel_loop3A_1073 = arith.constant 10000 : i32
      %parallel_loop3A_1074 = vector.broadcast %parallel_loop3A_1073 : i32 to vector<16xi32>
      %parallel_loop3A_1075 = arith.cmpi slt, %parallel_loop3A_1072, %parallel_loop3A_1074 : vector<16xi32>
      %parallel_loop3A_1076 = arith.constant 16 : i32
      %parallel_loop3A_1077 = arith.muli %parallel_loop3A_1063, %parallel_loop3A_1076 : i32
      %parallel_loop3A_1078 = arith.addi %mul3A_127, %parallel_loop3A_1077 : i32
      %parallel_loop3A_1079 = arith.index_cast %parallel_loop3A_1078 : i32 to index
      %parallel_loop3A_1080 = tpu.vector_load %arg9[%parallel_loop3A_1079] {strides = array<i32>} : memref<20480xf32, #tpu.memory_space<vmem>>, vector<16xf32>,
      %parallel_loop3A_1081 = arith.constant 10240 : i32
      %parallel_loop3A_1082 = arith.addi %parallel_loop3A_1081, %mul3A_127 : i32
      %parallel_loop3A_1083 = arith.constant 16 : i32
      %parallel_loop3A_1084 = arith.muli %parallel_loop3A_1063, %parallel_loop3A_1083 : i32
      %parallel_loop3A_1085 = arith.addi %parallel_loop3A_1082, %parallel_loop3A_1084 : i32
      %parallel_loop3A_1086 = arith.index_cast %parallel_loop3A_1085 : i32 to index
      %parallel_loop3A_1087 = tpu.vector_load %arg9[%parallel_loop3A_1086] {strides = array<i32>} : memref<20480xf32, #tpu.memory_space<vmem>>, vector<16xf32>,
      %parallel_loop3A_1088 = arith.constant -3.000000e+38 : f32
      %parallel_loop3A_1089 = vector.broadcast %parallel_loop3A_1088 : f32 to vector<16xf32>
      %parallel_loop3A_1090 = arith.select %parallel_loop3A_1075, %parallel_loop3A_1080, %parallel_loop3A_1089 : vector<16xi1>, vector<16xf32>
      %parallel_loop3A_1091 = arith.maximumf %parallel_loop3A_1064, %parallel_loop3A_1090 : vector<16xf32>
      %parallel_loop3A_1092 = arith.constant 0.000000e+00 : f32
      %parallel_loop3A_1093 = vector.broadcast %parallel_loop3A_1092 : f32 to vector<16xf32>
      %parallel_loop3A_1094 = arith.subf %parallel_loop3A_1093, %parallel_loop3A_1080 : vector<16xf32>
      %parallel_loop3A_1095 = arith.constant -3.000000e+38 : f32
      %parallel_loop3A_1096 = vector.broadcast %parallel_loop3A_1095 : f32 to vector<16xf32>
      %parallel_loop3A_1097 = arith.select %parallel_loop3A_1075, %parallel_loop3A_1094, %parallel_loop3A_1096 : vector<16xi1>, vector<16xf32>
      %parallel_loop3A_1098 = arith.maximumf %parallel_loop3A_1065, %parallel_loop3A_1097 : vector<16xf32>
      %parallel_loop3A_1099 = arith.constant -3.000000e+38 : f32
      %parallel_loop3A_1100 = vector.broadcast %parallel_loop3A_1099 : f32 to vector<16xf32>
      %parallel_loop3A_1101 = arith.select %parallel_loop3A_1075, %parallel_loop3A_1087, %parallel_loop3A_1100 : vector<16xi1>, vector<16xf32>
      %parallel_loop3A_1102 = arith.maximumf %parallel_loop3A_1066, %parallel_loop3A_1101 : vector<16xf32>
      %parallel_loop3A_1103 = arith.constant 0.000000e+00 : f32
      %parallel_loop3A_1104 = vector.broadcast %parallel_loop3A_1103 : f32 to vector<16xf32>
      %parallel_loop3A_1105 = arith.subf %parallel_loop3A_1104, %parallel_loop3A_1087 : vector<16xf32>
      %parallel_loop3A_1106 = arith.constant -3.000000e+38 : f32
      %parallel_loop3A_1107 = vector.broadcast %parallel_loop3A_1106 : f32 to vector<16xf32>
      %parallel_loop3A_1108 = arith.select %parallel_loop3A_1075, %parallel_loop3A_1105, %parallel_loop3A_1107 : vector<16xi1>, vector<16xf32>
      %parallel_loop3A_1109 = arith.maximumf %parallel_loop3A_1067, %parallel_loop3A_1108 : vector<16xf32>
      scf.yield %parallel_loop3A_1091, %parallel_loop3A_1098, %parallel_loop3A_1102, %parallel_loop3A_1109 : vector<16xf32>, vector<16xf32>, vector<16xf32>, vector<16xf32>
    } {sc.loop_unroll_factor = 8 : i64, sc.parallel_access}
    %eq3A = arith.constant 0 : i32
    %eq3A_134 = vector.broadcast %eq3A : i32 to vector<16xi32>
    %eq3A_135 = arith.cmpi eq, %iota3A, %eq3A_134 : vector<16xi32>
    %xor3A = arith.constant 1 : i32
    %xor3A_136 = vector.broadcast %xor3A : i32 to vector<16xi32>
    %xor3A_137 = arith.xori %iota3A, %xor3A_136 : vector<16xi32>
    %lt3A_138 = arith.constant 0 : i32
    %lt3A_139 = vector.broadcast %lt3A_138 : i32 to vector<16xi32>
    %lt3A_140 = arith.cmpi slt, %xor3A_137, %lt3A_139 : vector<16xi32>
    %add3A_141 = arith.constant 16 : i32
    %add3A_142 = vector.broadcast %add3A_141 : i32 to vector<16xi32>
    %add3A_143 = arith.addi %xor3A_137, %add3A_142 : vector<16xi32>
    %select_n3A_144 = arith.select %lt3A_140, %add3A_143, %xor3A_137 : vector<16xi1>, vector<16xi32>
    %broadcast_in_dim3A_145 = vector.shape_cast %select_n3A_144 : vector<16xi32> to vector<16x1xi32>
    %gather3A_146 = vector.shape_cast %broadcast_in_dim3A_145 : vector<16x1xi32> to vector<16xi32>
    %gather3A_147 = tpu.dynamic_gather %parallel_loop3A_133#0[%gather3A_146] in [0] : vector<16xf32>, vector<16xi32> -> vector<16xf32>
    %max3A = arith.maximumf %parallel_loop3A_133#0, %gather3A_147 : vector<16xf32>
    %xor3A_148 = arith.constant 2 : i32
    %xor3A_149 = vector.broadcast %xor3A_148 : i32 to vector<16xi32>
    %xor3A_150 = arith.xori %iota3A, %xor3A_149 : vector<16xi32>
    %lt3A_151 = arith.constant 0 : i32
    %lt3A_152 = vector.broadcast %lt3A_151 : i32 to vector<16xi32>
    %lt3A_153 = arith.cmpi slt, %xor3A_150, %lt3A_152 : vector<16xi32>
    %add3A_154 = arith.constant 16 : i32
    %add3A_155 = vector.broadcast %add3A_154 : i32 to vector<16xi32>
    %add3A_156 = arith.addi %xor3A_150, %add3A_155 : vector<16xi32>
    %select_n3A_157 = arith.select %lt3A_153, %add3A_156, %xor3A_150 : vector<16xi1>, vector<16xi32>
    %broadcast_in_dim3A_158 = vector.shape_cast %select_n3A_157 : vector<16xi32> to vector<16x1xi32>
    %gather3A_159 = vector.shape_cast %broadcast_in_dim3A_158 : vector<16x1xi32> to vector<16xi32>
    %gather3A_160 = tpu.dynamic_gather %max3A[%gather3A_159] in [0] : vector<16xf32>, vector<16xi32> -> vector<16xf32>
    %max3A_161 = arith.maximumf %max3A, %gather3A_160 : vector<16xf32>
    %xor3A_162 = arith.constant 4 : i32
    %xor3A_163 = vector.broadcast %xor3A_162 : i32 to vector<16xi32>
    %xor3A_164 = arith.xori %iota3A, %xor3A_163 : vector<16xi32>
    %lt3A_165 = arith.constant 0 : i32
    %lt3A_166 = vector.broadcast %lt3A_165 : i32 to vector<16xi32>
    %lt3A_167 = arith.cmpi slt, %xor3A_164, %lt3A_166 : vector<16xi32>
    %add3A_168 = arith.constant 16 : i32
    %add3A_169 = vector.broadcast %add3A_168 : i32 to vector<16xi32>
    %add3A_170 = arith.addi %xor3A_164, %add3A_169 : vector<16xi32>
    %select_n3A_171 = arith.select %lt3A_167, %add3A_170, %xor3A_164 : vector<16xi1>, vector<16xi32>
    %broadcast_in_dim3A_172 = vector.shape_cast %select_n3A_171 : vector<16xi32> to vector<16x1xi32>
    %gather3A_173 = vector.shape_cast %broadcast_in_dim3A_172 : vector<16x1xi32> to vector<16xi32>
    %gather3A_174 = tpu.dynamic_gather %max3A_161[%gather3A_173] in [0] : vector<16xf32>, vector<16xi32> -> vector<16xf32>
    %max3A_175 = arith.maximumf %max3A_161, %gather3A_174 : vector<16xf32>
    %xor3A_176 = arith.constant 8 : i32
    %xor3A_177 = vector.broadcast %xor3A_176 : i32 to vector<16xi32>
    %xor3A_178 = arith.xori %iota3A, %xor3A_177 : vector<16xi32>
    %lt3A_179 = arith.constant 0 : i32
    %lt3A_180 = vector.broadcast %lt3A_179 : i32 to vector<16xi32>
    %lt3A_181 = arith.cmpi slt, %xor3A_178, %lt3A_180 : vector<16xi32>
    %add3A_182 = arith.constant 16 : i32
    %add3A_183 = vector.broadcast %add3A_182 : i32 to vector<16xi32>
    %add3A_184 = arith.addi %xor3A_178, %add3A_183 : vector<16xi32>
    %select_n3A_185 = arith.select %lt3A_181, %add3A_184, %xor3A_178 : vector<16xi1>, vector<16xi32>
    %broadcast_in_dim3A_186 = vector.shape_cast %select_n3A_185 : vector<16xi32> to vector<16x1xi32>
    %gather3A_187 = vector.shape_cast %broadcast_in_dim3A_186 : vector<16x1xi32> to vector<16xi32>
    %gather3A_188 = tpu.dynamic_gather %max3A_175[%gather3A_187] in [0] : vector<16xf32>, vector<16xi32> -> vector<16xf32>
    %max3A_189 = arith.maximumf %max3A_175, %gather3A_188 : vector<16xf32>
    %eq3A_190 = arith.constant 1 : i32
    %eq3A_191 = vector.broadcast %eq3A_190 : i32 to vector<16xi32>
    %eq3A_192 = arith.cmpi eq, %iota3A, %eq3A_191 : vector<16xi32>
    %xor3A_193 = arith.constant 1 : i32
    %xor3A_194 = vector.broadcast %xor3A_193 : i32 to vector<16xi32>
    %xor3A_195 = arith.xori %iota3A, %xor3A_194 : vector<16xi32>
    %lt3A_196 = arith.constant 0 : i32
    %lt3A_197 = vector.broadcast %lt3A_196 : i32 to vector<16xi32>
    %lt3A_198 = arith.cmpi slt, %xor3A_195, %lt3A_197 : vector<16xi32>
    %add3A_199 = arith.constant 16 : i32
    %add3A_200 = vector.broadcast %add3A_199 : i32 to vector<16xi32>
    %add3A_201 = arith.addi %xor3A_195, %add3A_200 : vector<16xi32>
    %select_n3A_202 = arith.select %lt3A_198, %add3A_201, %xor3A_195 : vector<16xi1>, vector<16xi32>
    %broadcast_in_dim3A_203 = vector.shape_cast %select_n3A_202 : vector<16xi32> to vector<16x1xi32>
    %gather3A_204 = vector.shape_cast %broadcast_in_dim3A_203 : vector<16x1xi32> to vector<16xi32>
    %gather3A_205 = tpu.dynamic_gather %parallel_loop3A_133#1[%gather3A_204] in [0] : vector<16xf32>, vector<16xi32> -> vector<16xf32>
    %max3A_206 = arith.maximumf %parallel_loop3A_133#1, %gather3A_205 : vector<16xf32>
    %xor3A_207 = arith.constant 2 : i32
    %xor3A_208 = vector.broadcast %xor3A_207 : i32 to vector<16xi32>
    %xor3A_209 = arith.xori %iota3A, %xor3A_208 : vector<16xi32>
    %lt3A_210 = arith.constant 0 : i32
    %lt3A_211 = vector.broadcast %lt3A_210 : i32 to vector<16xi32>
    %lt3A_212 = arith.cmpi slt, %xor3A_209, %lt3A_211 : vector<16xi32>
    %add3A_213 = arith.constant 16 : i32
    %add3A_214 = vector.broadcast %add3A_213 : i32 to vector<16xi32>
    %add3A_215 = arith.addi %xor3A_209, %add3A_214 : vector<16xi32>
    %select_n3A_216 = arith.select %lt3A_212, %add3A_215, %xor3A_209 : vector<16xi1>, vector<16xi32>
    %broadcast_in_dim3A_217 = vector.shape_cast %select_n3A_216 : vector<16xi32> to vector<16x1xi32>
    %gather3A_218 = vector.shape_cast %broadcast_in_dim3A_217 : vector<16x1xi32> to vector<16xi32>
    %gather3A_219 = tpu.dynamic_gather %max3A_206[%gather3A_218] in [0] : vector<16xf32>, vector<16xi32> -> vector<16xf32>
    %max3A_220 = arith.maximumf %max3A_206, %gather3A_219 : vector<16xf32>
    %xor3A_221 = arith.constant 4 : i32
    %xor3A_222 = vector.broadcast %xor3A_221 : i32 to vector<16xi32>
    %xor3A_223 = arith.xori %iota3A, %xor3A_222 : vector<16xi32>
    %lt3A_224 = arith.constant 0 : i32
    %lt3A_225 = vector.broadcast %lt3A_224 : i32 to vector<16xi32>
    %lt3A_226 = arith.cmpi slt, %xor3A_223, %lt3A_225 : vector<16xi32>
    %add3A_227 = arith.constant 16 : i32
    %add3A_228 = vector.broadcast %add3A_227 : i32 to vector<16xi32>
    %add3A_229 = arith.addi %xor3A_223, %add3A_228 : vector<16xi32>
    %select_n3A_230 = arith.select %lt3A_226, %add3A_229, %xor3A_223 : vector<16xi1>, vector<16xi32>
    %broadcast_in_dim3A_231 = vector.shape_cast %select_n3A_230 : vector<16xi32> to vector<16x1xi32>
    %gather3A_232 = vector.shape_cast %broadcast_in_dim3A_231 : vector<16x1xi32> to vector<16xi32>
    %gather3A_233 = tpu.dynamic_gather %max3A_220[%gather3A_232] in [0] : vector<16xf32>, vector<16xi32> -> vector<16xf32>
    %max3A_234 = arith.maximumf %max3A_220, %gather3A_233 : vector<16xf32>
    %xor3A_235 = arith.constant 8 : i32
    %xor3A_236 = vector.broadcast %xor3A_235 : i32 to vector<16xi32>
    %xor3A_237 = arith.xori %iota3A, %xor3A_236 : vector<16xi32>
    %lt3A_238 = arith.constant 0 : i32
    %lt3A_239 = vector.broadcast %lt3A_238 : i32 to vector<16xi32>
    %lt3A_240 = arith.cmpi slt, %xor3A_237, %lt3A_239 : vector<16xi32>
    %add3A_241 = arith.constant 16 : i32
    %add3A_242 = vector.broadcast %add3A_241 : i32 to vector<16xi32>
    %add3A_243 = arith.addi %xor3A_237, %add3A_242 : vector<16xi32>
    %select_n3A_244 = arith.select %lt3A_240, %add3A_243, %xor3A_237 : vector<16xi1>, vector<16xi32>
    %broadcast_in_dim3A_245 = vector.shape_cast %select_n3A_244 : vector<16xi32> to vector<16x1xi32>
    %gather3A_246 = vector.shape_cast %broadcast_in_dim3A_245 : vector<16x1xi32> to vector<16xi32>
    %gather3A_247 = tpu.dynamic_gather %max3A_234[%gather3A_246] in [0] : vector<16xf32>, vector<16xi32> -> vector<16xf32>
    %max3A_248 = arith.maximumf %max3A_234, %gather3A_247 : vector<16xf32>
    %eq3A_249 = arith.constant 2 : i32
    %eq3A_250 = vector.broadcast %eq3A_249 : i32 to vector<16xi32>
    %eq3A_251 = arith.cmpi eq, %iota3A, %eq3A_250 : vector<16xi32>
    %xor3A_252 = arith.constant 1 : i32
    %xor3A_253 = vector.broadcast %xor3A_252 : i32 to vector<16xi32>
    %xor3A_254 = arith.xori %iota3A, %xor3A_253 : vector<16xi32>
    %lt3A_255 = arith.constant 0 : i32
    %lt3A_256 = vector.broadcast %lt3A_255 : i32 to vector<16xi32>
    %lt3A_257 = arith.cmpi slt, %xor3A_254, %lt3A_256 : vector<16xi32>
    %add3A_258 = arith.constant 16 : i32
    %add3A_259 = vector.broadcast %add3A_258 : i32 to vector<16xi32>
    %add3A_260 = arith.addi %xor3A_254, %add3A_259 : vector<16xi32>
    %select_n3A_261 = arith.select %lt3A_257, %add3A_260, %xor3A_254 : vector<16xi1>, vector<16xi32>
    %broadcast_in_dim3A_262 = vector.shape_cast %select_n3A_261 : vector<16xi32> to vector<16x1xi32>
    %gather3A_263 = vector.shape_cast %broadcast_in_dim3A_262 : vector<16x1xi32> to vector<16xi32>
    %gather3A_264 = tpu.dynamic_gather %parallel_loop3A_133#2[%gather3A_263] in [0] : vector<16xf32>, vector<16xi32> -> vector<16xf32>
    %max3A_265 = arith.maximumf %parallel_loop3A_133#2, %gather3A_264 : vector<16xf32>
    %xor3A_266 = arith.constant 2 : i32
    %xor3A_267 = vector.broadcast %xor3A_266 : i32 to vector<16xi32>
    %xor3A_268 = arith.xori %iota3A, %xor3A_267 : vector<16xi32>
    %lt3A_269 = arith.constant 0 : i32
    %lt3A_270 = vector.broadcast %lt3A_269 : i32 to vector<16xi32>
    %lt3A_271 = arith.cmpi slt, %xor3A_268, %lt3A_270 : vector<16xi32>
    %add3A_272 = arith.constant 16 : i32
    %add3A_273 = vector.broadcast %add3A_272 : i32 to vector<16xi32>
    %add3A_274 = arith.addi %xor3A_268, %add3A_273 : vector<16xi32>
    %select_n3A_275 = arith.select %lt3A_271, %add3A_274, %xor3A_268 : vector<16xi1>, vector<16xi32>
    %broadcast_in_dim3A_276 = vector.shape_cast %select_n3A_275 : vector<16xi32> to vector<16x1xi32>
    %gather3A_277 = vector.shape_cast %broadcast_in_dim3A_276 : vector<16x1xi32> to vector<16xi32>
    %gather3A_278 = tpu.dynamic_gather %max3A_265[%gather3A_277] in [0] : vector<16xf32>, vector<16xi32> -> vector<16xf32>
    %max3A_279 = arith.maximumf %max3A_265, %gather3A_278 : vector<16xf32>
    %xor3A_280 = arith.constant 4 : i32
    %xor3A_281 = vector.broadcast %xor3A_280 : i32 to vector<16xi32>
    %xor3A_282 = arith.xori %iota3A, %xor3A_281 : vector<16xi32>
    %lt3A_283 = arith.constant 0 : i32
    %lt3A_284 = vector.broadcast %lt3A_283 : i32 to vector<16xi32>
    %lt3A_285 = arith.cmpi slt, %xor3A_282, %lt3A_284 : vector<16xi32>
    %add3A_286 = arith.constant 16 : i32
    %add3A_287 = vector.broadcast %add3A_286 : i32 to vector<16xi32>
    %add3A_288 = arith.addi %xor3A_282, %add3A_287 : vector<16xi32>
    %select_n3A_289 = arith.select %lt3A_285, %add3A_288, %xor3A_282 : vector<16xi1>, vector<16xi32>
    %broadcast_in_dim3A_290 = vector.shape_cast %select_n3A_289 : vector<16xi32> to vector<16x1xi32>
    %gather3A_291 = vector.shape_cast %broadcast_in_dim3A_290 : vector<16x1xi32> to vector<16xi32>
    %gather3A_292 = tpu.dynamic_gather %max3A_279[%gather3A_291] in [0] : vector<16xf32>, vector<16xi32> -> vector<16xf32>
    %max3A_293 = arith.maximumf %max3A_279, %gather3A_292 : vector<16xf32>
    %xor3A_294 = arith.constant 8 : i32
    %xor3A_295 = vector.broadcast %xor3A_294 : i32 to vector<16xi32>
    %xor3A_296 = arith.xori %iota3A, %xor3A_295 : vector<16xi32>
    %lt3A_297 = arith.constant 0 : i32
    %lt3A_298 = vector.broadcast %lt3A_297 : i32 to vector<16xi32>
    %lt3A_299 = arith.cmpi slt, %xor3A_296, %lt3A_298 : vector<16xi32>
    %add3A_300 = arith.constant 16 : i32
    %add3A_301 = vector.broadcast %add3A_300 : i32 to vector<16xi32>
    %add3A_302 = arith.addi %xor3A_296, %add3A_301 : vector<16xi32>
    %select_n3A_303 = arith.select %lt3A_299, %add3A_302, %xor3A_296 : vector<16xi1>, vector<16xi32>
    %broadcast_in_dim3A_304 = vector.shape_cast %select_n3A_303 : vector<16xi32> to vector<16x1xi32>
    %gather3A_305 = vector.shape_cast %broadcast_in_dim3A_304 : vector<16x1xi32> to vector<16xi32>
    %gather3A_306 = tpu.dynamic_gather %max3A_293[%gather3A_305] in [0] : vector<16xf32>, vector<16xi32> -> vector<16xf32>
    %max3A_307 = arith.maximumf %max3A_293, %gather3A_306 : vector<16xf32>
    %eq3A_308 = arith.constant 3 : i32
    %eq3A_309 = vector.broadcast %eq3A_308 : i32 to vector<16xi32>
    %eq3A_310 = arith.cmpi eq, %iota3A, %eq3A_309 : vector<16xi32>
    %xor3A_311 = arith.constant 1 : i32
    %xor3A_312 = vector.broadcast %xor3A_311 : i32 to vector<16xi32>
    %xor3A_313 = arith.xori %iota3A, %xor3A_312 : vector<16xi32>
    %lt3A_314 = arith.constant 0 : i32
    %lt3A_315 = vector.broadcast %lt3A_314 : i32 to vector<16xi32>
    %lt3A_316 = arith.cmpi slt, %xor3A_313, %lt3A_315 : vector<16xi32>
    %add3A_317 = arith.constant 16 : i32
    %add3A_318 = vector.broadcast %add3A_317 : i32 to vector<16xi32>
    %add3A_319 = arith.addi %xor3A_313, %add3A_318 : vector<16xi32>
    %select_n3A_320 = arith.select %lt3A_316, %add3A_319, %xor3A_313 : vector<16xi1>, vector<16xi32>
    %broadcast_in_dim3A_321 = vector.shape_cast %select_n3A_320 : vector<16xi32> to vector<16x1xi32>
    %gather3A_322 = vector.shape_cast %broadcast_in_dim3A_321 : vector<16x1xi32> to vector<16xi32>
    %gather3A_323 = tpu.dynamic_gather %parallel_loop3A_133#3[%gather3A_322] in [0] : vector<16xf32>, vector<16xi32> -> vector<16xf32>
    %max3A_324 = arith.maximumf %parallel_loop3A_133#3, %gather3A_323 : vector<16xf32>
    %xor3A_325 = arith.constant 2 : i32
    %xor3A_326 = vector.broadcast %xor3A_325 : i32 to vector<16xi32>
    %xor3A_327 = arith.xori %iota3A, %xor3A_326 : vector<16xi32>
    %lt3A_328 = arith.constant 0 : i32
    %lt3A_329 = vector.broadcast %lt3A_328 : i32 to vector<16xi32>
    %lt3A_330 = arith.cmpi slt, %xor3A_327, %lt3A_329 : vector<16xi32>
    %add3A_331 = arith.constant 16 : i32
    %add3A_332 = vector.broadcast %add3A_331 : i32 to vector<16xi32>
    %add3A_333 = arith.addi %xor3A_327, %add3A_332 : vector<16xi32>
    %select_n3A_334 = arith.select %lt3A_330, %add3A_333, %xor3A_327 : vector<16xi1>, vector<16xi32>
    %broadcast_in_dim3A_335 = vector.shape_cast %select_n3A_334 : vector<16xi32> to vector<16x1xi32>
    %gather3A_336 = vector.shape_cast %broadcast_in_dim3A_335 : vector<16x1xi32> to vector<16xi32>
    %gather3A_337 = tpu.dynamic_gather %max3A_324[%gather3A_336] in [0] : vector<16xf32>, vector<16xi32> -> vector<16xf32>
    %max3A_338 = arith.maximumf %max3A_324, %gather3A_337 : vector<16xf32>
    %xor3A_339 = arith.constant 4 : i32
    %xor3A_340 = vector.broadcast %xor3A_339 : i32 to vector<16xi32>
    %xor3A_341 = arith.xori %iota3A, %xor3A_340 : vector<16xi32>
    %lt3A_342 = arith.constant 0 : i32
    %lt3A_343 = vector.broadcast %lt3A_342 : i32 to vector<16xi32>
    %lt3A_344 = arith.cmpi slt, %xor3A_341, %lt3A_343 : vector<16xi32>
    %add3A_345 = arith.constant 16 : i32
    %add3A_346 = vector.broadcast %add3A_345 : i32 to vector<16xi32>
    %add3A_347 = arith.addi %xor3A_341, %add3A_346 : vector<16xi32>
    %select_n3A_348 = arith.select %lt3A_344, %add3A_347, %xor3A_341 : vector<16xi1>, vector<16xi32>
    %broadcast_in_dim3A_349 = vector.shape_cast %select_n3A_348 : vector<16xi32> to vector<16x1xi32>
    %gather3A_350 = vector.shape_cast %broadcast_in_dim3A_349 : vector<16x1xi32> to vector<16xi32>
    %gather3A_351 = tpu.dynamic_gather %max3A_338[%gather3A_350] in [0] : vector<16xf32>, vector<16xi32> -> vector<16xf32>
    %max3A_352 = arith.maximumf %max3A_338, %gather3A_351 : vector<16xf32>
    %xor3A_353 = arith.constant 8 : i32
    %xor3A_354 = vector.broadcast %xor3A_353 : i32 to vector<16xi32>
    %xor3A_355 = arith.xori %iota3A, %xor3A_354 : vector<16xi32>
    %lt3A_356 = arith.constant 0 : i32
    %lt3A_357 = vector.broadcast %lt3A_356 : i32 to vector<16xi32>
    %lt3A_358 = arith.cmpi slt, %xor3A_355, %lt3A_357 : vector<16xi32>
    %add3A_359 = arith.constant 16 : i32
    %add3A_360 = vector.broadcast %add3A_359 : i32 to vector<16xi32>
    %add3A_361 = arith.addi %xor3A_355, %add3A_360 : vector<16xi32>
    %select_n3A_362 = arith.select %lt3A_358, %add3A_361, %xor3A_355 : vector<16xi1>, vector<16xi32>
    %broadcast_in_dim3A_363 = vector.shape_cast %select_n3A_362 : vector<16xi32> to vector<16x1xi32>
    %gather3A_364 = vector.shape_cast %broadcast_in_dim3A_363 : vector<16x1xi32> to vector<16xi32>
    %gather3A_365 = tpu.dynamic_gather %max3A_352[%gather3A_364] in [0] : vector<16xf32>, vector<16xi32> -> vector<16xf32>
    %max3A_366 = arith.maximumf %max3A_352, %gather3A_365 : vector<16xf32>
    %jit3A = arith.constant -3.000000e+38 : f32
    %broadcast_in_dim3A_367 = vector.broadcast %jit3A : f32 to vector<16xf32>
    %select_n3A_368 = arith.select %eq3A_310, %max3A_366, %broadcast_in_dim3A_367 : vector<16xi1>, vector<16xf32>
    %select_n3A_369 = arith.select %eq3A_251, %max3A_307, %select_n3A_368 : vector<16xi1>, vector<16xf32>
    %select_n3A_370 = arith.select %eq3A_192, %max3A_248, %select_n3A_369 : vector<16xi1>, vector<16xf32>
    %select_n3A_371 = arith.select %eq3A_135, %max3A_189, %select_n3A_370 : vector<16xi1>, vector<16xf32>
    %swap3A = arith.constant 0 : index
    %swap3A_372 = tpu.vector_load %arg18[%swap3A] {strides = array<i32>} : memref<16xf32, #tpu.memory_space<vmem>>, vector<16xf32>,
    tpu.vector_store %arg18[%swap3A], %select_n3A_371 {strides = array<i32>} : memref<16xf32, #tpu.memory_space<vmem>>, vector<16xf32>,
    %mul3A_373 = arith.constant 16 : i32
    %mul3A_374 = arith.muli %arg1, %mul3A_373 : i32
    %add3A_375 = arith.constant 0 : i32
    %add3A_376 = arith.addi %add3A_375, %mul3A_374 : i32
    "tpu.region"() ({
      %run_scoped3A = tpu.sem_alloc : memref<!tpu.dma_semaphore, #tpu.memory_space<semaphore_mem>>
      %dma_start3A_1063 = tpu.memref_slice %arg26[%add3A_376] : memref<1024xf32, #tpu.memory_space<vmem_shared>> -> memref<16xf32, #tpu.memory_space<vmem_shared>>
      %dma_start3A_1064 = tpu.memref_slice %arg26[%add3A_376] : memref<1024xf32, #tpu.memory_space<vmem_shared>> -> memref<16xf32, #tpu.memory_space<vmem_shared>>
      tpu.enqueue_dma source(%arg18 : memref<16xf32, #tpu.memory_space<vmem>>) target(%dma_start3A_1064 : memref<16xf32, #tpu.memory_space<vmem_shared>>) target_semaphore(%run_scoped3A : memref<!tpu.dma_semaphore, #tpu.memory_space<semaphore_mem>>)
      %dma_wait3A_1065 = tpu.memref_slice %arg26[%add3A_376] : memref<1024xf32, #tpu.memory_space<vmem_shared>> -> memref<16xf32, #tpu.memory_space<vmem_shared>>
      %dma_wait3A_1066 = tpu.memref_slice %arg26[%add3A_376] : memref<1024xf32, #tpu.memory_space<vmem_shared>> -> memref<16xf32, #tpu.memory_space<vmem_shared>>
      tpu.wait_dma2 semaphore(%run_scoped3A : memref<!tpu.dma_semaphore, #tpu.memory_space<semaphore_mem>>) src(%arg18 : memref<16xf32, #tpu.memory_space<vmem>>) dst(%dma_wait3A_1066 : memref<16xf32, #tpu.memory_space<vmem_shared>>)
      tpu.yield
    }) : () -> ()
    %barrier3A = arith.constant 0 : index
    tpu.barrier barrier_id(%barrier3A)
    "tpu.region"() ({
      %run_scoped3A = tpu.sem_alloc : memref<!tpu.dma_semaphore, #tpu.memory_space<semaphore_mem>>
      %dma_start3A_1063 = arith.constant 0 : i32
      %dma_start3A_1064 = tpu.memref_slice %arg26[%dma_start3A_1063] : memref<1024xf32, #tpu.memory_space<vmem_shared>> -> memref<256xf32, #tpu.memory_space<vmem_shared>>
      %dma_start3A_1065 = arith.constant 0 : i32
      %dma_start3A_1066 = tpu.memref_slice %arg26[%dma_start3A_1065] : memref<1024xf32, #tpu.memory_space<vmem_shared>> -> memref<256xf32, #tpu.memory_space<vmem_shared>>
      tpu.enqueue_dma source(%dma_start3A_1066 : memref<256xf32, #tpu.memory_space<vmem_shared>>) target(%arg19 : memref<256xf32, #tpu.memory_space<vmem>>) target_semaphore(%run_scoped3A : memref<!tpu.dma_semaphore, #tpu.memory_space<semaphore_mem>>)
      %dma_wait3A_1067 = arith.constant 0 : i32
      %dma_wait3A_1068 = tpu.memref_slice %arg26[%dma_wait3A_1067] : memref<1024xf32, #tpu.memory_space<vmem_shared>> -> memref<256xf32, #tpu.memory_space<vmem_shared>>
      %dma_wait3A_1069 = arith.constant 0 : i32
      %dma_wait3A_1070 = tpu.memref_slice %arg26[%dma_wait3A_1069] : memref<1024xf32, #tpu.memory_space<vmem_shared>> -> memref<256xf32, #tpu.memory_space<vmem_shared>>
      tpu.wait_dma2 semaphore(%run_scoped3A : memref<!tpu.dma_semaphore, #tpu.memory_space<semaphore_mem>>) src(%dma_wait3A_1070 : memref<256xf32, #tpu.memory_space<vmem_shared>>) dst(%arg19 : memref<256xf32, #tpu.memory_space<vmem>>)
      tpu.yield
    }) : () -> ()
    %broadcast_in_dim3A_377 = arith.constant -3.000000e+38 : f32
    %broadcast_in_dim3A_378 = vector.broadcast %broadcast_in_dim3A_377 : f32 to vector<16xf32>
    %scan3A = arith.constant 0 : i32
    %scan3A_379 = arith.constant 16 : i32
    %scan3A_380 = arith.addi %scan3A, %scan3A_379 : i32
    %scan3A_381 = arith.constant 1 : i32
    %scan3A_382 = scf.for %scan3A_1063 = %scan3A to %scan3A_380 step %scan3A_381 iter_args(%scan3A_1064 = %broadcast_in_dim3A_378) -> (vector<16xf32>)  : i32 {
      %mul3A_1065 = arith.constant 16 : i32
      %mul3A_1066 = arith.muli %scan3A_1063, %mul3A_1065 : i32
      %get3A_1067 = arith.index_cast %mul3A_1066 : i32 to index
      %get3A_1068 = tpu.vector_load %arg19[%get3A_1067] {strides = array<i32>} : memref<256xf32, #tpu.memory_space<vmem>>, vector<16xf32>,
      %max3A_1069 = arith.maximumf %scan3A_1064, %get3A_1068 : vector<16xf32>
      scf.yield %max3A_1069 : vector<16xf32>
    }
    %scan3A_383 = arith.constant 16 : i32
    %broadcast_in_dim3A_384 = arith.constant 0 : i32
    %broadcast_in_dim3A_385 = vector.broadcast %broadcast_in_dim3A_384 : i32 to vector<16xi32>
    %lt3A_386 = arith.constant 0 : i32
    %lt3A_387 = vector.broadcast %lt3A_386 : i32 to vector<16xi32>
    %lt3A_388 = arith.cmpi slt, %broadcast_in_dim3A_385, %lt3A_387 : vector<16xi32>
    %add3A_389 = arith.constant 16 : i32
    %add3A_390 = vector.broadcast %add3A_389 : i32 to vector<16xi32>
    %add3A_391 = arith.addi %broadcast_in_dim3A_385, %add3A_390 : vector<16xi32>
    %select_n3A_392 = arith.select %lt3A_388, %add3A_391, %broadcast_in_dim3A_385 : vector<16xi1>, vector<16xi32>
    %broadcast_in_dim3A_393 = vector.shape_cast %select_n3A_392 : vector<16xi32> to vector<16x1xi32>
    %gather3A_394 = vector.shape_cast %broadcast_in_dim3A_393 : vector<16x1xi32> to vector<16xi32>
    %gather3A_395 = tpu.dynamic_gather %scan3A_382[%gather3A_394] in [0] : vector<16xf32>, vector<16xi32> -> vector<16xf32>
    %broadcast_in_dim3A_396 = arith.constant 2 : i32
    %broadcast_in_dim3A_397 = vector.broadcast %broadcast_in_dim3A_396 : i32 to vector<16xi32>
    %lt3A_398 = arith.constant 0 : i32
    %lt3A_399 = vector.broadcast %lt3A_398 : i32 to vector<16xi32>
    %lt3A_400 = arith.cmpi slt, %broadcast_in_dim3A_397, %lt3A_399 : vector<16xi32>
    %add3A_401 = arith.constant 16 : i32
    %add3A_402 = vector.broadcast %add3A_401 : i32 to vector<16xi32>
    %add3A_403 = arith.addi %broadcast_in_dim3A_397, %add3A_402 : vector<16xi32>
    %select_n3A_404 = arith.select %lt3A_400, %add3A_403, %broadcast_in_dim3A_397 : vector<16xi1>, vector<16xi32>
    %broadcast_in_dim3A_405 = vector.shape_cast %select_n3A_404 : vector<16xi32> to vector<16x1xi32>
    %gather3A_406 = vector.shape_cast %broadcast_in_dim3A_405 : vector<16x1xi32> to vector<16xi32>
    %gather3A_407 = tpu.dynamic_gather %scan3A_382[%gather3A_406] in [0] : vector<16xf32>, vector<16xi32> -> vector<16xf32>
    %add3A_408 = arith.addf %gather3A_395, %gather3A_407 : vector<16xf32>
    %broadcast_in_dim3A_409 = arith.constant 1 : i32
    %broadcast_in_dim3A_410 = vector.broadcast %broadcast_in_dim3A_409 : i32 to vector<16xi32>
    %lt3A_411 = arith.constant 0 : i32
    %lt3A_412 = vector.broadcast %lt3A_411 : i32 to vector<16xi32>
    %lt3A_413 = arith.cmpi slt, %broadcast_in_dim3A_410, %lt3A_412 : vector<16xi32>
    %add3A_414 = arith.constant 16 : i32
    %add3A_415 = vector.broadcast %add3A_414 : i32 to vector<16xi32>
    %add3A_416 = arith.addi %broadcast_in_dim3A_410, %add3A_415 : vector<16xi32>
    %select_n3A_417 = arith.select %lt3A_413, %add3A_416, %broadcast_in_dim3A_410 : vector<16xi1>, vector<16xi32>
    %broadcast_in_dim3A_418 = vector.shape_cast %select_n3A_417 : vector<16xi32> to vector<16x1xi32>
    %gather3A_419 = vector.shape_cast %broadcast_in_dim3A_418 : vector<16x1xi32> to vector<16xi32>
    %gather3A_420 = tpu.dynamic_gather %scan3A_382[%gather3A_419] in [0] : vector<16xf32>, vector<16xi32> -> vector<16xf32>
    %broadcast_in_dim3A_421 = arith.constant 3 : i32
    %broadcast_in_dim3A_422 = vector.broadcast %broadcast_in_dim3A_421 : i32 to vector<16xi32>
    %lt3A_423 = arith.constant 0 : i32
    %lt3A_424 = vector.broadcast %lt3A_423 : i32 to vector<16xi32>
    %lt3A_425 = arith.cmpi slt, %broadcast_in_dim3A_422, %lt3A_424 : vector<16xi32>
    %add3A_426 = arith.constant 16 : i32
    %add3A_427 = vector.broadcast %add3A_426 : i32 to vector<16xi32>
    %add3A_428 = arith.addi %broadcast_in_dim3A_422, %add3A_427 : vector<16xi32>
    %select_n3A_429 = arith.select %lt3A_425, %add3A_428, %broadcast_in_dim3A_422 : vector<16xi1>, vector<16xi32>
    %broadcast_in_dim3A_430 = vector.shape_cast %select_n3A_429 : vector<16xi32> to vector<16x1xi32>
    %gather3A_431 = vector.shape_cast %broadcast_in_dim3A_430 : vector<16x1xi32> to vector<16xi32>
    %gather3A_432 = tpu.dynamic_gather %scan3A_382[%gather3A_431] in [0] : vector<16xf32>, vector<16xi32> -> vector<16xf32>
    %add3A_433 = arith.addf %gather3A_420, %gather3A_432 : vector<16xf32>
    %neg3A = arith.constant 0.000000e+00 : f32
    %neg3A_434 = vector.broadcast %neg3A : f32 to vector<16xf32>
    %neg3A_435 = arith.subf %neg3A_434, %add3A_433 : vector<16xf32>
    %mul3A_436 = arith.constant 2.000000e-01 : f32
    %mul3A_437 = vector.broadcast %mul3A_436 : f32 to vector<16xf32>
    %mul3A_438 = arith.mulf %mul3A_437, %add3A_408 : vector<16xf32>
    %max3A_439 = arith.maximumf %add3A_408, %mul3A_438 : vector<16xf32>
    %mul3A_440 = arith.mulf %gather3A_15, %max3A_439 : vector<16xf32>
    %mul3A_441 = arith.constant 2.000000e-01 : f32
    %mul3A_442 = vector.broadcast %mul3A_441 : f32 to vector<16xf32>
    %mul3A_443 = arith.mulf %mul3A_442, %neg3A_435 : vector<16xf32>
    %max3A_444 = arith.maximumf %neg3A_435, %mul3A_443 : vector<16xf32>
    %mul3A_445 = arith.mulf %gather3A_15, %max3A_444 : vector<16xf32>
    %max3A_446 = arith.maximumf %mul3A_440, %mul3A_445 : vector<16xf32>
    %dma_wait3A = tpu.memref_slice %arg4[%mul3A_1] : memref<320000xi32, #tpu.memory_space<hbm>> -> memref<20000xi32, #tpu.memory_space<hbm>>
    %dma_wait3A_447 = tpu.memref_slice %arg4[%mul3A_1] : memref<320000xi32, #tpu.memory_space<hbm>> -> memref<20000xi32, #tpu.memory_space<hbm>>
    tpu.wait_dma2 semaphore(%arg21 : memref<!tpu.dma_semaphore, #tpu.memory_space<semaphore_mem>>) src(%dma_wait3A_447 : memref<20000xi32, #tpu.memory_space<hbm>>) dst(%arg11 : memref<20000xi32, #tpu.memory_space<vmem>>)
    %dma_wait3A_448 = tpu.memref_slice %arg5[%mul3A_4] : memref<320000xi32, #tpu.memory_space<hbm>> -> memref<20000xi32, #tpu.memory_space<hbm>>
    %dma_wait3A_449 = tpu.memref_slice %arg5[%mul3A_4] : memref<320000xi32, #tpu.memory_space<hbm>> -> memref<20000xi32, #tpu.memory_space<hbm>>
    tpu.wait_dma2 semaphore(%arg21 : memref<!tpu.dma_semaphore, #tpu.memory_space<semaphore_mem>>) src(%dma_wait3A_449 : memref<20000xi32, #tpu.memory_space<hbm>>) dst(%arg12 : memref<20000xi32, #tpu.memory_space<vmem>>)
    %parallel_loop3A_450 = arith.constant 0 : i32
    %parallel_loop3A_451 = arith.constant 1250 : i32
    %parallel_loop3A_452 = arith.constant 1 : i32
    scf.for %parallel_loop3A_1063 = %parallel_loop3A_450 to %parallel_loop3A_451 step %parallel_loop3A_452  : i32 {
      %parallel_loop3A_1064 = arith.constant 16 : i32
      %parallel_loop3A_1065 = arith.muli %parallel_loop3A_1063, %parallel_loop3A_1064 : i32
      %parallel_loop3A_1066 = arith.index_cast %parallel_loop3A_1065 : i32 to index
      %parallel_loop3A_1067 = tpu.vector_load %arg11[%parallel_loop3A_1066] {strides = array<i32>} : memref<20000xi32, #tpu.memory_space<vmem>>, vector<16xi32>,
      %parallel_loop3A_1068 = arith.index_cast %parallel_loop3A_1065 : i32 to index
      %parallel_loop3A_1069 = tpu.vector_load %arg12[%parallel_loop3A_1068] {strides = array<i32>} : memref<20000xi32, #tpu.memory_space<vmem>>, vector<16xi32>,
      %parallel_loop3A_1070 = tpu.vector_load_idx %arg9[%parallel_loop3A_1067] : memref<20480xf32, #tpu.memory_space<vmem>>[vector<16xi32>], vector<16xf32>,
      %parallel_loop3A_1071 = arith.constant 10240 : i32
      %parallel_loop3A_1072 = vector.broadcast %parallel_loop3A_1071 : i32 to vector<16xi32>
      %parallel_loop3A_1073 = arith.addi %parallel_loop3A_1069, %parallel_loop3A_1072 : vector<16xi32>
      %parallel_loop3A_1074 = tpu.vector_load_idx %arg9[%parallel_loop3A_1073] : memref<20480xf32, #tpu.memory_space<vmem>>[vector<16xi32>], vector<16xf32>,
      %parallel_loop3A_1075 = arith.addf %parallel_loop3A_1070, %parallel_loop3A_1074 : vector<16xf32>
      %parallel_loop3A_1076 = arith.constant 2.000000e-01 : f32
      %parallel_loop3A_1077 = vector.broadcast %parallel_loop3A_1076 : f32 to vector<16xf32>
      %parallel_loop3A_1078 = arith.mulf %parallel_loop3A_1077, %parallel_loop3A_1075 : vector<16xf32>
      %parallel_loop3A_1079 = arith.maximumf %parallel_loop3A_1075, %parallel_loop3A_1078 : vector<16xf32>
      %parallel_loop3A_1080 = arith.mulf %gather3A_15, %parallel_loop3A_1079 : vector<16xf32>
      %parallel_loop3A_1081 = arith.subf %parallel_loop3A_1080, %max3A_446 : vector<16xf32>
      %parallel_loop3A_1082 = math.exp %parallel_loop3A_1081 : vector<16xf32>
      %parallel_loop3A_1083 = arith.index_cast %parallel_loop3A_1065 : i32 to index
      %parallel_loop3A_1084 = tpu.vector_load %arg13[%parallel_loop3A_1083] {strides = array<i32>} : memref<20000xf32, #tpu.memory_space<vmem>>, vector<16xf32>,
      tpu.vector_store %arg13[%parallel_loop3A_1083], %parallel_loop3A_1082 {strides = array<i32>} : memref<20000xf32, #tpu.memory_space<vmem>>, vector<16xf32>,
      tpu.vector_store_idx %arg14[%parallel_loop3A_1069], %parallel_loop3A_1082 {add = true} : memref<10240xf32, #tpu.memory_space<vmem>>[vector<16xi32>], vector<16xf32>,
      %parallel_loop3A_1085 = arith.mulf %parallel_loop3A_1082, %parallel_loop3A_1070 : vector<16xf32>
      tpu.vector_store_idx %arg15[%parallel_loop3A_1069], %parallel_loop3A_1085 {add = true} : memref<10240xf32, #tpu.memory_space<vmem>>[vector<16xi32>], vector<16xf32>,
    } {sc.loop_unroll_factor = 10 : i64, sc.parallel_access}
    "tpu.region"() ({
      %run_scoped3A = tpu.sem_alloc : memref<!tpu.dma_semaphore, #tpu.memory_space<semaphore_mem>>
      %dma_start3A_1063 = arith.constant 0 : i32
      %dma_start3A_1064 = tpu.memref_slice %arg23[%arg1, %dma_start3A_1063] : memref<16x10240xf32, #tpu.memory_space<vmem_shared>> -> memref<1x10240xf32, #tpu.memory_space<vmem_shared>>
      %dma_start3A_1065 = tpu.memref_squeeze %dma_start3A_1064 : memref<1x10240xf32, #tpu.memory_space<vmem_shared>> -> memref<10240xf32, #tpu.memory_space<vmem_shared>>
      %dma_start3A_1066 = arith.constant 0 : i32
      %dma_start3A_1067 = tpu.memref_slice %arg23[%arg1, %dma_start3A_1066] : memref<16x10240xf32, #tpu.memory_space<vmem_shared>> -> memref<1x10240xf32, #tpu.memory_space<vmem_shared>>
      %dma_start3A_1068 = tpu.memref_squeeze %dma_start3A_1067 : memref<1x10240xf32, #tpu.memory_space<vmem_shared>> -> memref<10240xf32, #tpu.memory_space<vmem_shared>>
      tpu.enqueue_dma source(%arg14 : memref<10240xf32, #tpu.memory_space<vmem>>) target(%dma_start3A_1068 : memref<10240xf32, #tpu.memory_space<vmem_shared>>) target_semaphore(%run_scoped3A : memref<!tpu.dma_semaphore, #tpu.memory_space<semaphore_mem>>)
      %dma_wait3A_1069 = arith.constant 0 : i32
      %dma_wait3A_1070 = tpu.memref_slice %arg23[%arg1, %dma_wait3A_1069] : memref<16x10240xf32, #tpu.memory_space<vmem_shared>> -> memref<1x10240xf32, #tpu.memory_space<vmem_shared>>
      %dma_wait3A_1071 = tpu.memref_squeeze %dma_wait3A_1070 : memref<1x10240xf32, #tpu.memory_space<vmem_shared>> -> memref<10240xf32, #tpu.memory_space<vmem_shared>>
      %dma_wait3A_1072 = arith.constant 0 : i32
      %dma_wait3A_1073 = tpu.memref_slice %arg23[%arg1, %dma_wait3A_1072] : memref<16x10240xf32, #tpu.memory_space<vmem_shared>> -> memref<1x10240xf32, #tpu.memory_space<vmem_shared>>
      %dma_wait3A_1074 = tpu.memref_squeeze %dma_wait3A_1073 : memref<1x10240xf32, #tpu.memory_space<vmem_shared>> -> memref<10240xf32, #tpu.memory_space<vmem_shared>>
      tpu.wait_dma2 semaphore(%run_scoped3A : memref<!tpu.dma_semaphore, #tpu.memory_space<semaphore_mem>>) src(%arg14 : memref<10240xf32, #tpu.memory_space<vmem>>) dst(%dma_wait3A_1074 : memref<10240xf32, #tpu.memory_space<vmem_shared>>)
      tpu.yield
    }) : () -> ()
    %barrier3A_453 = arith.constant 0 : index
    tpu.barrier barrier_id(%barrier3A_453)
    %parallel_loop3A_454 = arith.constant 0 : i32
    %parallel_loop3A_455 = arith.constant 40 : i32
    %parallel_loop3A_456 = arith.constant 1 : i32
    scf.for %parallel_loop3A_1063 = %parallel_loop3A_454 to %parallel_loop3A_455 step %parallel_loop3A_456  : i32 {
      %parallel_loop3A_1064 = arith.constant 16 : i32
      %parallel_loop3A_1065 = arith.muli %parallel_loop3A_1063, %parallel_loop3A_1064 : i32
      %parallel_loop3A_1066 = arith.index_cast %parallel_loop3A_1065 : i32 to index
      %parallel_loop3A_1067 = tpu.vector_load %arg14[%parallel_loop3A_1066] {strides = array<i32>} : memref<10240xf32, #tpu.memory_space<vmem>>, vector<16xf32>,
      tpu.vector_store %arg14[%parallel_loop3A_1066], %broadcast_in_dim3A_0 {strides = array<i32>} : memref<10240xf32, #tpu.memory_space<vmem>>, vector<16xf32>,
    } {sc.loop_unroll_factor = 8 : i64, sc.parallel_access}
    %scan3A_457 = arith.constant 0 : i32
    %scan3A_458 = arith.constant 0 : i32
    %scan3A_459 = arith.constant 16 : i32
    %scan3A_460 = arith.addi %scan3A_458, %scan3A_459 : i32
    %scan3A_461 = arith.constant 1 : i32
    scf.for %scan3A_1063 = %scan3A_458 to %scan3A_460 step %scan3A_461  : i32 {
      %mul3A_1064 = arith.constant 640 : i32
      %mul3A_1065 = arith.muli %arg1, %mul3A_1064 : i32
      "tpu.region"() ({
        %run_scoped3A = tpu.sem_alloc : memref<!tpu.dma_semaphore, #tpu.memory_space<semaphore_mem>>
        %dma_start3A_1069 = tpu.memref_slice %arg23[%scan3A_1063, %mul3A_1065] : memref<16x10240xf32, #tpu.memory_space<vmem_shared>> -> memref<1x640xf32, #tpu.memory_space<vmem_shared>>
        %dma_start3A_1070 = tpu.memref_squeeze %dma_start3A_1069 : memref<1x640xf32, #tpu.memory_space<vmem_shared>> -> memref<640xf32, #tpu.memory_space<vmem_shared>>
        %dma_start3A_1071 = tpu.memref_slice %arg23[%scan3A_1063, %mul3A_1065] : memref<16x10240xf32, #tpu.memory_space<vmem_shared>> -> memref<1x640xf32, #tpu.memory_space<vmem_shared>>
        %dma_start3A_1072 = tpu.memref_squeeze %dma_start3A_1071 : memref<1x640xf32, #tpu.memory_space<vmem_shared>> -> memref<640xf32, #tpu.memory_space<vmem_shared>>
        tpu.enqueue_dma source(%dma_start3A_1072 : memref<640xf32, #tpu.memory_space<vmem_shared>>) target(%arg16 : memref<640xf32, #tpu.memory_space<vmem>>) target_semaphore(%run_scoped3A : memref<!tpu.dma_semaphore, #tpu.memory_space<semaphore_mem>>)
        %dma_wait3A_1073 = tpu.memref_slice %arg23[%scan3A_1063, %mul3A_1065] : memref<16x10240xf32, #tpu.memory_space<vmem_shared>> -> memref<1x640xf32, #tpu.memory_space<vmem_shared>>
        %dma_wait3A_1074 = tpu.memref_squeeze %dma_wait3A_1073 : memref<1x640xf32, #tpu.memory_space<vmem_shared>> -> memref<640xf32, #tpu.memory_space<vmem_shared>>
        %dma_wait3A_1075 = tpu.memref_slice %arg23[%scan3A_1063, %mul3A_1065] : memref<16x10240xf32, #tpu.memory_space<vmem_shared>> -> memref<1x640xf32, #tpu.memory_space<vmem_shared>>
        %dma_wait3A_1076 = tpu.memref_squeeze %dma_wait3A_1075 : memref<1x640xf32, #tpu.memory_space<vmem_shared>> -> memref<640xf32, #tpu.memory_space<vmem_shared>>
        tpu.wait_dma2 semaphore(%run_scoped3A : memref<!tpu.dma_semaphore, #tpu.memory_space<semaphore_mem>>) src(%dma_wait3A_1076 : memref<640xf32, #tpu.memory_space<vmem_shared>>) dst(%arg16 : memref<640xf32, #tpu.memory_space<vmem>>)
        tpu.yield
      }) : () -> ()
      %parallel_loop3A_1066 = arith.constant 0 : i32
      %parallel_loop3A_1067 = arith.constant 40 : i32
      %parallel_loop3A_1068 = arith.constant 1 : i32
      scf.for %parallel_loop3A_1069 = %parallel_loop3A_1066 to %parallel_loop3A_1067 step %parallel_loop3A_1068  : i32 {
        %parallel_loop3A_1070 = arith.constant 16 : i32
        %parallel_loop3A_1071 = arith.muli %parallel_loop3A_1069, %parallel_loop3A_1070 : i32
        %parallel_loop3A_1072 = arith.index_cast %parallel_loop3A_1071 : i32 to index
        %parallel_loop3A_1073 = tpu.vector_load %arg14[%parallel_loop3A_1072] {strides = array<i32>} : memref<10240xf32, #tpu.memory_space<vmem>>, vector<16xf32>,
        %parallel_loop3A_1074 = arith.index_cast %parallel_loop3A_1071 : i32 to index
        %parallel_loop3A_1075 = tpu.vector_load %arg16[%parallel_loop3A_1074] {strides = array<i32>} : memref<640xf32, #tpu.memory_space<vmem>>, vector<16xf32>,
        %parallel_loop3A_1076 = arith.addf %parallel_loop3A_1073, %parallel_loop3A_1075 : vector<16xf32>
        %parallel_loop3A_1077 = arith.index_cast %parallel_loop3A_1071 : i32 to index
        %parallel_loop3A_1078 = tpu.vector_load %arg14[%parallel_loop3A_1077] {strides = array<i32>} : memref<10240xf32, #tpu.memory_space<vmem>>, vector<16xf32>,
        tpu.vector_store %arg14[%parallel_loop3A_1077], %parallel_loop3A_1076 {strides = array<i32>} : memref<10240xf32, #tpu.memory_space<vmem>>, vector<16xf32>,
      } {sc.loop_unroll_factor = 8 : i64, sc.parallel_access}
    }
    %scan3A_462 = arith.constant 16 : i32
    %barrier3A_463 = arith.constant 0 : index
    tpu.barrier barrier_id(%barrier3A_463)
    "tpu.region"() ({
      %run_scoped3A = tpu.sem_alloc : memref<!tpu.dma_semaphore, #tpu.memory_space<semaphore_mem>>
      %dma_start3A_1063 = arith.constant 0 : i32
      %dma_start3A_1064 = tpu.memref_slice %arg23[%arg1, %dma_start3A_1063] : memref<16x10240xf32, #tpu.memory_space<vmem_shared>> -> memref<1x10240xf32, #tpu.memory_space<vmem_shared>>
      %dma_start3A_1065 = tpu.memref_squeeze %dma_start3A_1064 : memref<1x10240xf32, #tpu.memory_space<vmem_shared>> -> memref<10240xf32, #tpu.memory_space<vmem_shared>>
      %dma_start3A_1066 = arith.constant 0 : i32
      %dma_start3A_1067 = tpu.memref_slice %arg23[%arg1, %dma_start3A_1066] : memref<16x10240xf32, #tpu.memory_space<vmem_shared>> -> memref<1x10240xf32, #tpu.memory_space<vmem_shared>>
      %dma_start3A_1068 = tpu.memref_squeeze %dma_start3A_1067 : memref<1x10240xf32, #tpu.memory_space<vmem_shared>> -> memref<10240xf32, #tpu.memory_space<vmem_shared>>
      tpu.enqueue_dma source(%arg15 : memref<10240xf32, #tpu.memory_space<vmem>>) target(%dma_start3A_1068 : memref<10240xf32, #tpu.memory_space<vmem_shared>>) target_semaphore(%run_scoped3A : memref<!tpu.dma_semaphore, #tpu.memory_space<semaphore_mem>>)
      %dma_wait3A_1069 = arith.constant 0 : i32
      %dma_wait3A_1070 = tpu.memref_slice %arg23[%arg1, %dma_wait3A_1069] : memref<16x10240xf32, #tpu.memory_space<vmem_shared>> -> memref<1x10240xf32, #tpu.memory_space<vmem_shared>>
      %dma_wait3A_1071 = tpu.memref_squeeze %dma_wait3A_1070 : memref<1x10240xf32, #tpu.memory_space<vmem_shared>> -> memref<10240xf32, #tpu.memory_space<vmem_shared>>
      %dma_wait3A_1072 = arith.constant 0 : i32
      %dma_wait3A_1073 = tpu.memref_slice %arg23[%arg1, %dma_wait3A_1072] : memref<16x10240xf32, #tpu.memory_space<vmem_shared>> -> memref<1x10240xf32, #tpu.memory_space<vmem_shared>>
      %dma_wait3A_1074 = tpu.memref_squeeze %dma_wait3A_1073 : memref<1x10240xf32, #tpu.memory_space<vmem_shared>> -> memref<10240xf32, #tpu.memory_space<vmem_shared>>
      tpu.wait_dma2 semaphore(%run_scoped3A : memref<!tpu.dma_semaphore, #tpu.memory_space<semaphore_mem>>) src(%arg15 : memref<10240xf32, #tpu.memory_space<vmem>>) dst(%dma_wait3A_1074 : memref<10240xf32, #tpu.memory_space<vmem_shared>>)
      tpu.yield
    }) : () -> ()
    %barrier3A_464 = arith.constant 0 : index
    tpu.barrier barrier_id(%barrier3A_464)
    %parallel_loop3A_465 = arith.constant 0 : i32
    %parallel_loop3A_466 = arith.constant 40 : i32
    %parallel_loop3A_467 = arith.constant 1 : i32
    scf.for %parallel_loop3A_1063 = %parallel_loop3A_465 to %parallel_loop3A_466 step %parallel_loop3A_467  : i32 {
      %parallel_loop3A_1064 = arith.constant 16 : i32
      %parallel_loop3A_1065 = arith.muli %parallel_loop3A_1063, %parallel_loop3A_1064 : i32
      %parallel_loop3A_1066 = arith.index_cast %parallel_loop3A_1065 : i32 to index
      %parallel_loop3A_1067 = tpu.vector_load %arg15[%parallel_loop3A_1066] {strides = array<i32>} : memref<10240xf32, #tpu.memory_space<vmem>>, vector<16xf32>,
      tpu.vector_store %arg15[%parallel_loop3A_1066], %broadcast_in_dim3A_0 {strides = array<i32>} : memref<10240xf32, #tpu.memory_space<vmem>>, vector<16xf32>,
    } {sc.loop_unroll_factor = 8 : i64, sc.parallel_access}
    %scan3A_468 = arith.constant 0 : i32
    %scan3A_469 = arith.constant 0 : i32
    %scan3A_470 = arith.constant 16 : i32
    %scan3A_471 = arith.addi %scan3A_469, %scan3A_470 : i32
    %scan3A_472 = arith.constant 1 : i32
    scf.for %scan3A_1063 = %scan3A_469 to %scan3A_471 step %scan3A_472  : i32 {
      %mul3A_1064 = arith.constant 640 : i32
      %mul3A_1065 = arith.muli %arg1, %mul3A_1064 : i32
      "tpu.region"() ({
        %run_scoped3A = tpu.sem_alloc : memref<!tpu.dma_semaphore, #tpu.memory_space<semaphore_mem>>
        %dma_start3A_1069 = tpu.memref_slice %arg23[%scan3A_1063, %mul3A_1065] : memref<16x10240xf32, #tpu.memory_space<vmem_shared>> -> memref<1x640xf32, #tpu.memory_space<vmem_shared>>
        %dma_start3A_1070 = tpu.memref_squeeze %dma_start3A_1069 : memref<1x640xf32, #tpu.memory_space<vmem_shared>> -> memref<640xf32, #tpu.memory_space<vmem_shared>>
        %dma_start3A_1071 = tpu.memref_slice %arg23[%scan3A_1063, %mul3A_1065] : memref<16x10240xf32, #tpu.memory_space<vmem_shared>> -> memref<1x640xf32, #tpu.memory_space<vmem_shared>>
        %dma_start3A_1072 = tpu.memref_squeeze %dma_start3A_1071 : memref<1x640xf32, #tpu.memory_space<vmem_shared>> -> memref<640xf32, #tpu.memory_space<vmem_shared>>
        tpu.enqueue_dma source(%dma_start3A_1072 : memref<640xf32, #tpu.memory_space<vmem_shared>>) target(%arg17 : memref<640xf32, #tpu.memory_space<vmem>>) target_semaphore(%run_scoped3A : memref<!tpu.dma_semaphore, #tpu.memory_space<semaphore_mem>>)
        %dma_wait3A_1073 = tpu.memref_slice %arg23[%scan3A_1063, %mul3A_1065] : memref<16x10240xf32, #tpu.memory_space<vmem_shared>> -> memref<1x640xf32, #tpu.memory_space<vmem_shared>>
        %dma_wait3A_1074 = tpu.memref_squeeze %dma_wait3A_1073 : memref<1x640xf32, #tpu.memory_space<vmem_shared>> -> memref<640xf32, #tpu.memory_space<vmem_shared>>
        %dma_wait3A_1075 = tpu.memref_slice %arg23[%scan3A_1063, %mul3A_1065] : memref<16x10240xf32, #tpu.memory_space<vmem_shared>> -> memref<1x640xf32, #tpu.memory_space<vmem_shared>>
        %dma_wait3A_1076 = tpu.memref_squeeze %dma_wait3A_1075 : memref<1x640xf32, #tpu.memory_space<vmem_shared>> -> memref<640xf32, #tpu.memory_space<vmem_shared>>
        tpu.wait_dma2 semaphore(%run_scoped3A : memref<!tpu.dma_semaphore, #tpu.memory_space<semaphore_mem>>) src(%dma_wait3A_1076 : memref<640xf32, #tpu.memory_space<vmem_shared>>) dst(%arg17 : memref<640xf32, #tpu.memory_space<vmem>>)
        tpu.yield
      }) : () -> ()
      %parallel_loop3A_1066 = arith.constant 0 : i32
      %parallel_loop3A_1067 = arith.constant 40 : i32
      %parallel_loop3A_1068 = arith.constant 1 : i32
      scf.for %parallel_loop3A_1069 = %parallel_loop3A_1066 to %parallel_loop3A_1067 step %parallel_loop3A_1068  : i32 {
        %parallel_loop3A_1070 = arith.constant 16 : i32
        %parallel_loop3A_1071 = arith.muli %parallel_loop3A_1069, %parallel_loop3A_1070 : i32
        %parallel_loop3A_1072 = arith.index_cast %parallel_loop3A_1071 : i32 to index
        %parallel_loop3A_1073 = tpu.vector_load %arg15[%parallel_loop3A_1072] {strides = array<i32>} : memref<10240xf32, #tpu.memory_space<vmem>>, vector<16xf32>,
        %parallel_loop3A_1074 = arith.index_cast %parallel_loop3A_1071 : i32 to index
        %parallel_loop3A_1075 = tpu.vector_load %arg17[%parallel_loop3A_1074] {strides = array<i32>} : memref<640xf32, #tpu.memory_space<vmem>>, vector<16xf32>,
        %parallel_loop3A_1076 = arith.addf %parallel_loop3A_1073, %parallel_loop3A_1075 : vector<16xf32>
        %parallel_loop3A_1077 = arith.index_cast %parallel_loop3A_1071 : i32 to index
        %parallel_loop3A_1078 = tpu.vector_load %arg15[%parallel_loop3A_1077] {strides = array<i32>} : memref<10240xf32, #tpu.memory_space<vmem>>, vector<16xf32>,
        tpu.vector_store %arg15[%parallel_loop3A_1077], %parallel_loop3A_1076 {strides = array<i32>} : memref<10240xf32, #tpu.memory_space<vmem>>, vector<16xf32>,
      } {sc.loop_unroll_factor = 8 : i64, sc.parallel_access}
    }
    %scan3A_473 = arith.constant 16 : i32
    %mul3A_474 = arith.constant 640 : i32
    %mul3A_475 = arith.muli %arg1, %mul3A_474 : i32
    %parallel_loop3A_476 = arith.constant 0 : i32
    %parallel_loop3A_477 = arith.constant 40 : i32
    %parallel_loop3A_478 = arith.constant 1 : i32
    %parallel_loop3A_479:2 = scf.for %parallel_loop3A_1063 = %parallel_loop3A_476 to %parallel_loop3A_477 step %parallel_loop3A_478 iter_args(%parallel_loop3A_1064 = %broadcast_in_dim3A_0, %parallel_loop3A_1065 = %broadcast_in_dim3A_0) -> (vector<16xf32>, vector<16xf32>)  : i32 {
      %parallel_loop3A_1066 = arith.constant 16 : i32
      %parallel_loop3A_1067 = arith.muli %parallel_loop3A_1063, %parallel_loop3A_1066 : i32
      %parallel_loop3A_1068 = arith.index_cast %parallel_loop3A_1067 : i32 to index
      %parallel_loop3A_1069 = tpu.vector_load %arg15[%parallel_loop3A_1068] {strides = array<i32>} : memref<10240xf32, #tpu.memory_space<vmem>>, vector<16xf32>,
      %parallel_loop3A_1070 = arith.index_cast %parallel_loop3A_1067 : i32 to index
      %parallel_loop3A_1071 = tpu.vector_load %arg14[%parallel_loop3A_1070] {strides = array<i32>} : memref<10240xf32, #tpu.memory_space<vmem>>, vector<16xf32>,
      %parallel_loop3A_1072 = arith.constant 1.000000e-16 : f32
      %parallel_loop3A_1073 = vector.broadcast %parallel_loop3A_1072 : f32 to vector<16xf32>
      %parallel_loop3A_1074 = arith.addf %parallel_loop3A_1071, %parallel_loop3A_1073 : vector<16xf32>
      %parallel_loop3A_1075 = arith.divf %parallel_loop3A_1069, %parallel_loop3A_1074 : vector<16xf32>
      %parallel_loop3A_1076 = arith.addf %parallel_loop3A_1075, %gather3A_27 : vector<16xf32>
      %parallel_loop3A_1077 = arith.constant 16 : i32
      %parallel_loop3A_1078 = arith.muli %parallel_loop3A_1063, %parallel_loop3A_1077 : i32
      %parallel_loop3A_1079 = arith.addi %mul3A_475, %parallel_loop3A_1078 : i32
      %parallel_loop3A_1080 = vector.broadcast %parallel_loop3A_1079 : i32 to vector<16xi32>
      %parallel_loop3A_1081 = arith.addi %parallel_loop3A_1080, %iota3A : vector<16xi32>
      %parallel_loop3A_1082 = arith.constant 10000 : i32
      %parallel_loop3A_1083 = vector.broadcast %parallel_loop3A_1082 : i32 to vector<16xi32>
      %parallel_loop3A_1084 = arith.cmpi slt, %parallel_loop3A_1081, %parallel_loop3A_1083 : vector<16xi32>
      %parallel_loop3A_1085 = arith.constant 0.000000e+00 : f32
      %parallel_loop3A_1086 = vector.broadcast %parallel_loop3A_1085 : f32 to vector<16xf32>
      %parallel_loop3A_1087 = arith.select %parallel_loop3A_1084, %parallel_loop3A_1076, %parallel_loop3A_1086 : vector<16xi1>, vector<16xf32>
      %parallel_loop3A_1088 = arith.index_cast %parallel_loop3A_1067 : i32 to index
      %parallel_loop3A_1089 = tpu.vector_load %arg15[%parallel_loop3A_1088] {strides = array<i32>} : memref<10240xf32, #tpu.memory_space<vmem>>, vector<16xf32>,
      tpu.vector_store %arg15[%parallel_loop3A_1088], %parallel_loop3A_1087 {strides = array<i32>} : memref<10240xf32, #tpu.memory_space<vmem>>, vector<16xf32>,
      %parallel_loop3A_1090 = arith.addf %parallel_loop3A_1064, %parallel_loop3A_1087 : vector<16xf32>
      %parallel_loop3A_1091 = arith.mulf %parallel_loop3A_1087, %parallel_loop3A_1087 : vector<16xf32>
      %parallel_loop3A_1092 = arith.addf %parallel_loop3A_1065, %parallel_loop3A_1091 : vector<16xf32>
      scf.yield %parallel_loop3A_1090, %parallel_loop3A_1092 : vector<16xf32>, vector<16xf32>
    } {sc.loop_unroll_factor = 8 : i64, sc.parallel_access}
    %eq3A_480 = arith.constant 0 : i32
    %eq3A_481 = vector.broadcast %eq3A_480 : i32 to vector<16xi32>
    %eq3A_482 = arith.cmpi eq, %iota3A, %eq3A_481 : vector<16xi32>
    %xor3A_483 = arith.constant 1 : i32
    %xor3A_484 = vector.broadcast %xor3A_483 : i32 to vector<16xi32>
    %xor3A_485 = arith.xori %iota3A, %xor3A_484 : vector<16xi32>
    %lt3A_486 = arith.constant 0 : i32
    %lt3A_487 = vector.broadcast %lt3A_486 : i32 to vector<16xi32>
    %lt3A_488 = arith.cmpi slt, %xor3A_485, %lt3A_487 : vector<16xi32>
    %add3A_489 = arith.constant 16 : i32
    %add3A_490 = vector.broadcast %add3A_489 : i32 to vector<16xi32>
    %add3A_491 = arith.addi %xor3A_485, %add3A_490 : vector<16xi32>
    %select_n3A_492 = arith.select %lt3A_488, %add3A_491, %xor3A_485 : vector<16xi1>, vector<16xi32>
    %broadcast_in_dim3A_493 = vector.shape_cast %select_n3A_492 : vector<16xi32> to vector<16x1xi32>
    %gather3A_494 = vector.shape_cast %broadcast_in_dim3A_493 : vector<16x1xi32> to vector<16xi32>
    %gather3A_495 = tpu.dynamic_gather %parallel_loop3A_479#0[%gather3A_494] in [0] : vector<16xf32>, vector<16xi32> -> vector<16xf32>
    %add3A_496 = arith.addf %parallel_loop3A_479#0, %gather3A_495 : vector<16xf32>
    %xor3A_497 = arith.constant 2 : i32
    %xor3A_498 = vector.broadcast %xor3A_497 : i32 to vector<16xi32>
    %xor3A_499 = arith.xori %iota3A, %xor3A_498 : vector<16xi32>
    %lt3A_500 = arith.constant 0 : i32
    %lt3A_501 = vector.broadcast %lt3A_500 : i32 to vector<16xi32>
    %lt3A_502 = arith.cmpi slt, %xor3A_499, %lt3A_501 : vector<16xi32>
    %add3A_503 = arith.constant 16 : i32
    %add3A_504 = vector.broadcast %add3A_503 : i32 to vector<16xi32>
    %add3A_505 = arith.addi %xor3A_499, %add3A_504 : vector<16xi32>
    %select_n3A_506 = arith.select %lt3A_502, %add3A_505, %xor3A_499 : vector<16xi1>, vector<16xi32>
    %broadcast_in_dim3A_507 = vector.shape_cast %select_n3A_506 : vector<16xi32> to vector<16x1xi32>
    %gather3A_508 = vector.shape_cast %broadcast_in_dim3A_507 : vector<16x1xi32> to vector<16xi32>
    %gather3A_509 = tpu.dynamic_gather %add3A_496[%gather3A_508] in [0] : vector<16xf32>, vector<16xi32> -> vector<16xf32>
    %add3A_510 = arith.addf %add3A_496, %gather3A_509 : vector<16xf32>
    %xor3A_511 = arith.constant 4 : i32
    %xor3A_512 = vector.broadcast %xor3A_511 : i32 to vector<16xi32>
    %xor3A_513 = arith.xori %iota3A, %xor3A_512 : vector<16xi32>
    %lt3A_514 = arith.constant 0 : i32
    %lt3A_515 = vector.broadcast %lt3A_514 : i32 to vector<16xi32>
    %lt3A_516 = arith.cmpi slt, %xor3A_513, %lt3A_515 : vector<16xi32>
    %add3A_517 = arith.constant 16 : i32
    %add3A_518 = vector.broadcast %add3A_517 : i32 to vector<16xi32>
    %add3A_519 = arith.addi %xor3A_513, %add3A_518 : vector<16xi32>
    %select_n3A_520 = arith.select %lt3A_516, %add3A_519, %xor3A_513 : vector<16xi1>, vector<16xi32>
    %broadcast_in_dim3A_521 = vector.shape_cast %select_n3A_520 : vector<16xi32> to vector<16x1xi32>
    %gather3A_522 = vector.shape_cast %broadcast_in_dim3A_521 : vector<16x1xi32> to vector<16xi32>
    %gather3A_523 = tpu.dynamic_gather %add3A_510[%gather3A_522] in [0] : vector<16xf32>, vector<16xi32> -> vector<16xf32>
    %add3A_524 = arith.addf %add3A_510, %gather3A_523 : vector<16xf32>
    %xor3A_525 = arith.constant 8 : i32
    %xor3A_526 = vector.broadcast %xor3A_525 : i32 to vector<16xi32>
    %xor3A_527 = arith.xori %iota3A, %xor3A_526 : vector<16xi32>
    %lt3A_528 = arith.constant 0 : i32
    %lt3A_529 = vector.broadcast %lt3A_528 : i32 to vector<16xi32>
    %lt3A_530 = arith.cmpi slt, %xor3A_527, %lt3A_529 : vector<16xi32>
    %add3A_531 = arith.constant 16 : i32
    %add3A_532 = vector.broadcast %add3A_531 : i32 to vector<16xi32>
    %add3A_533 = arith.addi %xor3A_527, %add3A_532 : vector<16xi32>
    %select_n3A_534 = arith.select %lt3A_530, %add3A_533, %xor3A_527 : vector<16xi1>, vector<16xi32>
    %broadcast_in_dim3A_535 = vector.shape_cast %select_n3A_534 : vector<16xi32> to vector<16x1xi32>
    %gather3A_536 = vector.shape_cast %broadcast_in_dim3A_535 : vector<16x1xi32> to vector<16xi32>
    %gather3A_537 = tpu.dynamic_gather %add3A_524[%gather3A_536] in [0] : vector<16xf32>, vector<16xi32> -> vector<16xf32>
    %add3A_538 = arith.addf %add3A_524, %gather3A_537 : vector<16xf32>
    %eq3A_539 = arith.constant 1 : i32
    %eq3A_540 = vector.broadcast %eq3A_539 : i32 to vector<16xi32>
    %eq3A_541 = arith.cmpi eq, %iota3A, %eq3A_540 : vector<16xi32>
    %xor3A_542 = arith.constant 1 : i32
    %xor3A_543 = vector.broadcast %xor3A_542 : i32 to vector<16xi32>
    %xor3A_544 = arith.xori %iota3A, %xor3A_543 : vector<16xi32>
    %lt3A_545 = arith.constant 0 : i32
    %lt3A_546 = vector.broadcast %lt3A_545 : i32 to vector<16xi32>
    %lt3A_547 = arith.cmpi slt, %xor3A_544, %lt3A_546 : vector<16xi32>
    %add3A_548 = arith.constant 16 : i32
    %add3A_549 = vector.broadcast %add3A_548 : i32 to vector<16xi32>
    %add3A_550 = arith.addi %xor3A_544, %add3A_549 : vector<16xi32>
    %select_n3A_551 = arith.select %lt3A_547, %add3A_550, %xor3A_544 : vector<16xi1>, vector<16xi32>
    %broadcast_in_dim3A_552 = vector.shape_cast %select_n3A_551 : vector<16xi32> to vector<16x1xi32>
    %gather3A_553 = vector.shape_cast %broadcast_in_dim3A_552 : vector<16x1xi32> to vector<16xi32>
    %gather3A_554 = tpu.dynamic_gather %parallel_loop3A_479#1[%gather3A_553] in [0] : vector<16xf32>, vector<16xi32> -> vector<16xf32>
    %add3A_555 = arith.addf %parallel_loop3A_479#1, %gather3A_554 : vector<16xf32>
    %xor3A_556 = arith.constant 2 : i32
    %xor3A_557 = vector.broadcast %xor3A_556 : i32 to vector<16xi32>
    %xor3A_558 = arith.xori %iota3A, %xor3A_557 : vector<16xi32>
    %lt3A_559 = arith.constant 0 : i32
    %lt3A_560 = vector.broadcast %lt3A_559 : i32 to vector<16xi32>
    %lt3A_561 = arith.cmpi slt, %xor3A_558, %lt3A_560 : vector<16xi32>
    %add3A_562 = arith.constant 16 : i32
    %add3A_563 = vector.broadcast %add3A_562 : i32 to vector<16xi32>
    %add3A_564 = arith.addi %xor3A_558, %add3A_563 : vector<16xi32>
    %select_n3A_565 = arith.select %lt3A_561, %add3A_564, %xor3A_558 : vector<16xi1>, vector<16xi32>
    %broadcast_in_dim3A_566 = vector.shape_cast %select_n3A_565 : vector<16xi32> to vector<16x1xi32>
    %gather3A_567 = vector.shape_cast %broadcast_in_dim3A_566 : vector<16x1xi32> to vector<16xi32>
    %gather3A_568 = tpu.dynamic_gather %add3A_555[%gather3A_567] in [0] : vector<16xf32>, vector<16xi32> -> vector<16xf32>
    %add3A_569 = arith.addf %add3A_555, %gather3A_568 : vector<16xf32>
    %xor3A_570 = arith.constant 4 : i32
    %xor3A_571 = vector.broadcast %xor3A_570 : i32 to vector<16xi32>
    %xor3A_572 = arith.xori %iota3A, %xor3A_571 : vector<16xi32>
    %lt3A_573 = arith.constant 0 : i32
    %lt3A_574 = vector.broadcast %lt3A_573 : i32 to vector<16xi32>
    %lt3A_575 = arith.cmpi slt, %xor3A_572, %lt3A_574 : vector<16xi32>
    %add3A_576 = arith.constant 16 : i32
    %add3A_577 = vector.broadcast %add3A_576 : i32 to vector<16xi32>
    %add3A_578 = arith.addi %xor3A_572, %add3A_577 : vector<16xi32>
    %select_n3A_579 = arith.select %lt3A_575, %add3A_578, %xor3A_572 : vector<16xi1>, vector<16xi32>
    %broadcast_in_dim3A_580 = vector.shape_cast %select_n3A_579 : vector<16xi32> to vector<16x1xi32>
    %gather3A_581 = vector.shape_cast %broadcast_in_dim3A_580 : vector<16x1xi32> to vector<16xi32>
    %gather3A_582 = tpu.dynamic_gather %add3A_569[%gather3A_581] in [0] : vector<16xf32>, vector<16xi32> -> vector<16xf32>
    %add3A_583 = arith.addf %add3A_569, %gather3A_582 : vector<16xf32>
    %xor3A_584 = arith.constant 8 : i32
    %xor3A_585 = vector.broadcast %xor3A_584 : i32 to vector<16xi32>
    %xor3A_586 = arith.xori %iota3A, %xor3A_585 : vector<16xi32>
    %lt3A_587 = arith.constant 0 : i32
    %lt3A_588 = vector.broadcast %lt3A_587 : i32 to vector<16xi32>
    %lt3A_589 = arith.cmpi slt, %xor3A_586, %lt3A_588 : vector<16xi32>
    %add3A_590 = arith.constant 16 : i32
    %add3A_591 = vector.broadcast %add3A_590 : i32 to vector<16xi32>
    %add3A_592 = arith.addi %xor3A_586, %add3A_591 : vector<16xi32>
    %select_n3A_593 = arith.select %lt3A_589, %add3A_592, %xor3A_586 : vector<16xi1>, vector<16xi32>
    %broadcast_in_dim3A_594 = vector.shape_cast %select_n3A_593 : vector<16xi32> to vector<16x1xi32>
    %gather3A_595 = vector.shape_cast %broadcast_in_dim3A_594 : vector<16x1xi32> to vector<16xi32>
    %gather3A_596 = tpu.dynamic_gather %add3A_583[%gather3A_595] in [0] : vector<16xf32>, vector<16xi32> -> vector<16xf32>
    %add3A_597 = arith.addf %add3A_583, %gather3A_596 : vector<16xf32>
    %jit3A_598 = arith.constant 0.000000e+00 : f32
    %broadcast_in_dim3A_599 = vector.broadcast %jit3A_598 : f32 to vector<16xf32>
    %select_n3A_600 = arith.select %eq3A_541, %add3A_597, %broadcast_in_dim3A_599 : vector<16xi1>, vector<16xf32>
    %select_n3A_601 = arith.select %eq3A_482, %add3A_538, %select_n3A_600 : vector<16xi1>, vector<16xf32>
    %swap3A_602 = arith.constant 0 : index
    %swap3A_603 = tpu.vector_load %arg18[%swap3A_602] {strides = array<i32>} : memref<16xf32, #tpu.memory_space<vmem>>, vector<16xf32>,
    tpu.vector_store %arg18[%swap3A_602], %select_n3A_601 {strides = array<i32>} : memref<16xf32, #tpu.memory_space<vmem>>, vector<16xf32>,
    %mul3A_604 = arith.constant 16 : i32
    %mul3A_605 = arith.muli %arg1, %mul3A_604 : i32
    %add3A_606 = arith.constant 256 : i32
    %add3A_607 = arith.addi %add3A_606, %mul3A_605 : i32
    "tpu.region"() ({
      %run_scoped3A = tpu.sem_alloc : memref<!tpu.dma_semaphore, #tpu.memory_space<semaphore_mem>>
      %dma_start3A_1063 = tpu.memref_slice %arg26[%add3A_607] : memref<1024xf32, #tpu.memory_space<vmem_shared>> -> memref<16xf32, #tpu.memory_space<vmem_shared>>
      %dma_start3A_1064 = tpu.memref_slice %arg26[%add3A_607] : memref<1024xf32, #tpu.memory_space<vmem_shared>> -> memref<16xf32, #tpu.memory_space<vmem_shared>>
      tpu.enqueue_dma source(%arg18 : memref<16xf32, #tpu.memory_space<vmem>>) target(%dma_start3A_1064 : memref<16xf32, #tpu.memory_space<vmem_shared>>) target_semaphore(%run_scoped3A : memref<!tpu.dma_semaphore, #tpu.memory_space<semaphore_mem>>)
      %dma_wait3A_1065 = tpu.memref_slice %arg26[%add3A_607] : memref<1024xf32, #tpu.memory_space<vmem_shared>> -> memref<16xf32, #tpu.memory_space<vmem_shared>>
      %dma_wait3A_1066 = tpu.memref_slice %arg26[%add3A_607] : memref<1024xf32, #tpu.memory_space<vmem_shared>> -> memref<16xf32, #tpu.memory_space<vmem_shared>>
      tpu.wait_dma2 semaphore(%run_scoped3A : memref<!tpu.dma_semaphore, #tpu.memory_space<semaphore_mem>>) src(%arg18 : memref<16xf32, #tpu.memory_space<vmem>>) dst(%dma_wait3A_1066 : memref<16xf32, #tpu.memory_space<vmem_shared>>)
      tpu.yield
    }) : () -> ()
    %barrier3A_608 = arith.constant 0 : index
    tpu.barrier barrier_id(%barrier3A_608)
    "tpu.region"() ({
      %run_scoped3A = tpu.sem_alloc : memref<!tpu.dma_semaphore, #tpu.memory_space<semaphore_mem>>
      %dma_start3A_1063 = arith.constant 256 : i32
      %dma_start3A_1064 = tpu.memref_slice %arg26[%dma_start3A_1063] : memref<1024xf32, #tpu.memory_space<vmem_shared>> -> memref<256xf32, #tpu.memory_space<vmem_shared>>
      %dma_start3A_1065 = arith.constant 256 : i32
      %dma_start3A_1066 = tpu.memref_slice %arg26[%dma_start3A_1065] : memref<1024xf32, #tpu.memory_space<vmem_shared>> -> memref<256xf32, #tpu.memory_space<vmem_shared>>
      tpu.enqueue_dma source(%dma_start3A_1066 : memref<256xf32, #tpu.memory_space<vmem_shared>>) target(%arg19 : memref<256xf32, #tpu.memory_space<vmem>>) target_semaphore(%run_scoped3A : memref<!tpu.dma_semaphore, #tpu.memory_space<semaphore_mem>>)
      %dma_wait3A_1067 = arith.constant 256 : i32
      %dma_wait3A_1068 = tpu.memref_slice %arg26[%dma_wait3A_1067] : memref<1024xf32, #tpu.memory_space<vmem_shared>> -> memref<256xf32, #tpu.memory_space<vmem_shared>>
      %dma_wait3A_1069 = arith.constant 256 : i32
      %dma_wait3A_1070 = tpu.memref_slice %arg26[%dma_wait3A_1069] : memref<1024xf32, #tpu.memory_space<vmem_shared>> -> memref<256xf32, #tpu.memory_space<vmem_shared>>
      tpu.wait_dma2 semaphore(%run_scoped3A : memref<!tpu.dma_semaphore, #tpu.memory_space<semaphore_mem>>) src(%dma_wait3A_1070 : memref<256xf32, #tpu.memory_space<vmem_shared>>) dst(%arg19 : memref<256xf32, #tpu.memory_space<vmem>>)
      tpu.yield
    }) : () -> ()
    %scan3A_609 = arith.constant 0 : i32
    %scan3A_610 = arith.constant 16 : i32
    %scan3A_611 = arith.addi %scan3A_609, %scan3A_610 : i32
    %scan3A_612 = arith.constant 1 : i32
    %scan3A_613 = scf.for %scan3A_1063 = %scan3A_609 to %scan3A_611 step %scan3A_612 iter_args(%scan3A_1064 = %broadcast_in_dim3A_0) -> (vector<16xf32>)  : i32 {
      %mul3A_1065 = arith.constant 16 : i32
      %mul3A_1066 = arith.muli %scan3A_1063, %mul3A_1065 : i32
      %get3A_1067 = arith.index_cast %mul3A_1066 : i32 to index
      %get3A_1068 = tpu.vector_load %arg19[%get3A_1067] {strides = array<i32>} : memref<256xf32, #tpu.memory_space<vmem>>, vector<16xf32>,
      %add3A_1069 = arith.addf %scan3A_1064, %get3A_1068 : vector<16xf32>
      scf.yield %add3A_1069 : vector<16xf32>
    }
    %scan3A_614 = arith.constant 16 : i32
    %broadcast_in_dim3A_615 = arith.constant 0 : i32
    %broadcast_in_dim3A_616 = vector.broadcast %broadcast_in_dim3A_615 : i32 to vector<16xi32>
    %lt3A_617 = arith.constant 0 : i32
    %lt3A_618 = vector.broadcast %lt3A_617 : i32 to vector<16xi32>
    %lt3A_619 = arith.cmpi slt, %broadcast_in_dim3A_616, %lt3A_618 : vector<16xi32>
    %add3A_620 = arith.constant 16 : i32
    %add3A_621 = vector.broadcast %add3A_620 : i32 to vector<16xi32>
    %add3A_622 = arith.addi %broadcast_in_dim3A_616, %add3A_621 : vector<16xi32>
    %select_n3A_623 = arith.select %lt3A_619, %add3A_622, %broadcast_in_dim3A_616 : vector<16xi1>, vector<16xi32>
    %broadcast_in_dim3A_624 = vector.shape_cast %select_n3A_623 : vector<16xi32> to vector<16x1xi32>
    %gather3A_625 = vector.shape_cast %broadcast_in_dim3A_624 : vector<16x1xi32> to vector<16xi32>
    %gather3A_626 = tpu.dynamic_gather %scan3A_613[%gather3A_625] in [0] : vector<16xf32>, vector<16xi32> -> vector<16xf32>
    %div3A = arith.constant 1.000000e+04 : f32
    %div3A_627 = vector.broadcast %div3A : f32 to vector<16xf32>
    %div3A_628 = arith.divf %gather3A_626, %div3A_627 : vector<16xf32>
    %broadcast_in_dim3A_629 = arith.constant 1 : i32
    %broadcast_in_dim3A_630 = vector.broadcast %broadcast_in_dim3A_629 : i32 to vector<16xi32>
    %lt3A_631 = arith.constant 0 : i32
    %lt3A_632 = vector.broadcast %lt3A_631 : i32 to vector<16xi32>
    %lt3A_633 = arith.cmpi slt, %broadcast_in_dim3A_630, %lt3A_632 : vector<16xi32>
    %add3A_634 = arith.constant 16 : i32
    %add3A_635 = vector.broadcast %add3A_634 : i32 to vector<16xi32>
    %add3A_636 = arith.addi %broadcast_in_dim3A_630, %add3A_635 : vector<16xi32>
    %select_n3A_637 = arith.select %lt3A_633, %add3A_636, %broadcast_in_dim3A_630 : vector<16xi1>, vector<16xi32>
    %broadcast_in_dim3A_638 = vector.shape_cast %select_n3A_637 : vector<16xi32> to vector<16x1xi32>
    %gather3A_639 = vector.shape_cast %broadcast_in_dim3A_638 : vector<16x1xi32> to vector<16xi32>
    %gather3A_640 = tpu.dynamic_gather %scan3A_613[%gather3A_639] in [0] : vector<16xf32>, vector<16xi32> -> vector<16xf32>
    %div3A_641 = arith.constant 1.000000e+04 : f32
    %div3A_642 = vector.broadcast %div3A_641 : f32 to vector<16xf32>
    %div3A_643 = arith.divf %gather3A_640, %div3A_642 : vector<16xf32>
    %mul3A_644 = arith.mulf %div3A_628, %div3A_628 : vector<16xf32>
    %sub3A = arith.subf %div3A_643, %mul3A_644 : vector<16xf32>
    %add3A_645 = arith.constant 9.99999974E-6 : f32
    %add3A_646 = vector.broadcast %add3A_645 : f32 to vector<16xf32>
    %add3A_647 = arith.addf %sub3A, %add3A_646 : vector<16xf32>
    %bitcast3A = vector.bitcast %add3A_647 : vector<16xf32> to vector<16xi32>
    %shift_right_arithmetic3A = arith.constant 1 : i32
    %shift_right_arithmetic3A_648 = vector.broadcast %shift_right_arithmetic3A : i32 to vector<16xi32>
    %shift_right_arithmetic3A_649 = arith.shrsi %bitcast3A, %shift_right_arithmetic3A_648 : vector<16xi32>
    %sub3A_650 = arith.constant 1597463007 : i32
    %sub3A_651 = vector.broadcast %sub3A_650 : i32 to vector<16xi32>
    %sub3A_652 = arith.subi %sub3A_651, %shift_right_arithmetic3A_649 : vector<16xi32>
    %bitcast3A_653 = vector.bitcast %sub3A_652 : vector<16xi32> to vector<16xf32>
    %mul3A_654 = arith.constant 5.000000e-01 : f32
    %mul3A_655 = vector.broadcast %mul3A_654 : f32 to vector<16xf32>
    %mul3A_656 = arith.mulf %mul3A_655, %add3A_647 : vector<16xf32>
    %mul3A_657 = arith.mulf %mul3A_656, %bitcast3A_653 : vector<16xf32>
    %mul3A_658 = arith.mulf %mul3A_657, %bitcast3A_653 : vector<16xf32>
    %sub3A_659 = arith.constant 1.500000e+00 : f32
    %sub3A_660 = vector.broadcast %sub3A_659 : f32 to vector<16xf32>
    %sub3A_661 = arith.subf %sub3A_660, %mul3A_658 : vector<16xf32>
    %mul3A_662 = arith.mulf %bitcast3A_653, %sub3A_661 : vector<16xf32>
    %mul3A_663 = arith.constant 5.000000e-01 : f32
    %mul3A_664 = vector.broadcast %mul3A_663 : f32 to vector<16xf32>
    %mul3A_665 = arith.mulf %mul3A_664, %add3A_647 : vector<16xf32>
    %mul3A_666 = arith.mulf %mul3A_665, %mul3A_662 : vector<16xf32>
    %mul3A_667 = arith.mulf %mul3A_666, %mul3A_662 : vector<16xf32>
    %sub3A_668 = arith.constant 1.500000e+00 : f32
    %sub3A_669 = vector.broadcast %sub3A_668 : f32 to vector<16xf32>
    %sub3A_670 = arith.subf %sub3A_669, %mul3A_667 : vector<16xf32>
    %mul3A_671 = arith.mulf %mul3A_662, %sub3A_670 : vector<16xf32>
    %mul3A_672 = arith.constant 5.000000e-01 : f32
    %mul3A_673 = vector.broadcast %mul3A_672 : f32 to vector<16xf32>
    %mul3A_674 = arith.mulf %mul3A_673, %add3A_647 : vector<16xf32>
    %mul3A_675 = arith.mulf %mul3A_674, %mul3A_671 : vector<16xf32>
    %mul3A_676 = arith.mulf %mul3A_675, %mul3A_671 : vector<16xf32>
    %sub3A_677 = arith.constant 1.500000e+00 : f32
    %sub3A_678 = vector.broadcast %sub3A_677 : f32 to vector<16xf32>
    %sub3A_679 = arith.subf %sub3A_678, %mul3A_676 : vector<16xf32>
    %mul3A_680 = arith.mulf %mul3A_671, %sub3A_679 : vector<16xf32>
    %mul3A_681 = arith.constant 5.000000e-01 : f32
    %mul3A_682 = vector.broadcast %mul3A_681 : f32 to vector<16xf32>
    %mul3A_683 = arith.mulf %mul3A_682, %add3A_647 : vector<16xf32>
    %mul3A_684 = arith.mulf %mul3A_683, %mul3A_680 : vector<16xf32>
    %mul3A_685 = arith.mulf %mul3A_684, %mul3A_680 : vector<16xf32>
    %sub3A_686 = arith.constant 1.500000e+00 : f32
    %sub3A_687 = vector.broadcast %sub3A_686 : f32 to vector<16xf32>
    %sub3A_688 = arith.subf %sub3A_687, %mul3A_685 : vector<16xf32>
    %mul3A_689 = arith.mulf %mul3A_680, %sub3A_688 : vector<16xf32>
    %parallel_loop3A_690 = arith.constant 0 : i32
    %parallel_loop3A_691 = arith.constant 40 : i32
    %parallel_loop3A_692 = arith.constant 1 : i32
    %parallel_loop3A_693 = scf.for %parallel_loop3A_1063 = %parallel_loop3A_690 to %parallel_loop3A_691 step %parallel_loop3A_692 iter_args(%parallel_loop3A_1064 = %broadcast_in_dim3A_0) -> (vector<16xf32>)  : i32 {
      %parallel_loop3A_1065 = arith.constant 16 : i32
      %parallel_loop3A_1066 = arith.muli %parallel_loop3A_1063, %parallel_loop3A_1065 : i32
      %parallel_loop3A_1067 = arith.index_cast %parallel_loop3A_1066 : i32 to index
      %parallel_loop3A_1068 = tpu.vector_load %arg15[%parallel_loop3A_1067] {strides = array<i32>} : memref<10240xf32, #tpu.memory_space<vmem>>, vector<16xf32>,
      %parallel_loop3A_1069 = arith.subf %parallel_loop3A_1068, %div3A_628 : vector<16xf32>
      %parallel_loop3A_1070 = arith.mulf %gather3A_39, %parallel_loop3A_1069 : vector<16xf32>
      %parallel_loop3A_1071 = arith.mulf %parallel_loop3A_1070, %mul3A_689 : vector<16xf32>
      %parallel_loop3A_1072 = arith.addf %parallel_loop3A_1071, %gather3A_51 : vector<16xf32>
      %parallel_loop3A_1073 = arith.constant 0.000000e+00 : f32
      %parallel_loop3A_1074 = vector.broadcast %parallel_loop3A_1073 : f32 to vector<16xf32>
      %parallel_loop3A_1075 = arith.maximumf %parallel_loop3A_1072, %parallel_loop3A_1074 : vector<16xf32>
      %parallel_loop3A_1076 = arith.index_cast %parallel_loop3A_1066 : i32 to index
      %parallel_loop3A_1077 = tpu.vector_load %arg15[%parallel_loop3A_1076] {strides = array<i32>} : memref<10240xf32, #tpu.memory_space<vmem>>, vector<16xf32>,
      tpu.vector_store %arg15[%parallel_loop3A_1076], %parallel_loop3A_1075 {strides = array<i32>} : memref<10240xf32, #tpu.memory_space<vmem>>, vector<16xf32>,
      %parallel_loop3A_1078 = arith.maximumf %parallel_loop3A_1064, %parallel_loop3A_1075 : vector<16xf32>
      scf.yield %parallel_loop3A_1078 : vector<16xf32>
    } {sc.loop_unroll_factor = 8 : i64, sc.parallel_access}
    %xor3A_694 = arith.constant 1 : i32
    %xor3A_695 = vector.broadcast %xor3A_694 : i32 to vector<16xi32>
    %xor3A_696 = arith.xori %iota3A, %xor3A_695 : vector<16xi32>
    %lt3A_697 = arith.constant 0 : i32
    %lt3A_698 = vector.broadcast %lt3A_697 : i32 to vector<16xi32>
    %lt3A_699 = arith.cmpi slt, %xor3A_696, %lt3A_698 : vector<16xi32>
    %add3A_700 = arith.constant 16 : i32
    %add3A_701 = vector.broadcast %add3A_700 : i32 to vector<16xi32>
    %add3A_702 = arith.addi %xor3A_696, %add3A_701 : vector<16xi32>
    %select_n3A_703 = arith.select %lt3A_699, %add3A_702, %xor3A_696 : vector<16xi1>, vector<16xi32>
    %broadcast_in_dim3A_704 = vector.shape_cast %select_n3A_703 : vector<16xi32> to vector<16x1xi32>
    %gather3A_705 = vector.shape_cast %broadcast_in_dim3A_704 : vector<16x1xi32> to vector<16xi32>
    %gather3A_706 = tpu.dynamic_gather %parallel_loop3A_693[%gather3A_705] in [0] : vector<16xf32>, vector<16xi32> -> vector<16xf32>
    %max3A_707 = arith.maximumf %parallel_loop3A_693, %gather3A_706 : vector<16xf32>
    %xor3A_708 = arith.constant 2 : i32
    %xor3A_709 = vector.broadcast %xor3A_708 : i32 to vector<16xi32>
    %xor3A_710 = arith.xori %iota3A, %xor3A_709 : vector<16xi32>
    %lt3A_711 = arith.constant 0 : i32
    %lt3A_712 = vector.broadcast %lt3A_711 : i32 to vector<16xi32>
    %lt3A_713 = arith.cmpi slt, %xor3A_710, %lt3A_712 : vector<16xi32>
    %add3A_714 = arith.constant 16 : i32
    %add3A_715 = vector.broadcast %add3A_714 : i32 to vector<16xi32>
    %add3A_716 = arith.addi %xor3A_710, %add3A_715 : vector<16xi32>
    %select_n3A_717 = arith.select %lt3A_713, %add3A_716, %xor3A_710 : vector<16xi1>, vector<16xi32>
    %broadcast_in_dim3A_718 = vector.shape_cast %select_n3A_717 : vector<16xi32> to vector<16x1xi32>
    %gather3A_719 = vector.shape_cast %broadcast_in_dim3A_718 : vector<16x1xi32> to vector<16xi32>
    %gather3A_720 = tpu.dynamic_gather %max3A_707[%gather3A_719] in [0] : vector<16xf32>, vector<16xi32> -> vector<16xf32>
    %max3A_721 = arith.maximumf %max3A_707, %gather3A_720 : vector<16xf32>
    %xor3A_722 = arith.constant 4 : i32
    %xor3A_723 = vector.broadcast %xor3A_722 : i32 to vector<16xi32>
    %xor3A_724 = arith.xori %iota3A, %xor3A_723 : vector<16xi32>
    %lt3A_725 = arith.constant 0 : i32
    %lt3A_726 = vector.broadcast %lt3A_725 : i32 to vector<16xi32>
    %lt3A_727 = arith.cmpi slt, %xor3A_724, %lt3A_726 : vector<16xi32>
    %add3A_728 = arith.constant 16 : i32
    %add3A_729 = vector.broadcast %add3A_728 : i32 to vector<16xi32>
    %add3A_730 = arith.addi %xor3A_724, %add3A_729 : vector<16xi32>
    %select_n3A_731 = arith.select %lt3A_727, %add3A_730, %xor3A_724 : vector<16xi1>, vector<16xi32>
    %broadcast_in_dim3A_732 = vector.shape_cast %select_n3A_731 : vector<16xi32> to vector<16x1xi32>
    %gather3A_733 = vector.shape_cast %broadcast_in_dim3A_732 : vector<16x1xi32> to vector<16xi32>
    %gather3A_734 = tpu.dynamic_gather %max3A_721[%gather3A_733] in [0] : vector<16xf32>, vector<16xi32> -> vector<16xf32>
    %max3A_735 = arith.maximumf %max3A_721, %gather3A_734 : vector<16xf32>
    %xor3A_736 = arith.constant 8 : i32
    %xor3A_737 = vector.broadcast %xor3A_736 : i32 to vector<16xi32>
    %xor3A_738 = arith.xori %iota3A, %xor3A_737 : vector<16xi32>
    %lt3A_739 = arith.constant 0 : i32
    %lt3A_740 = vector.broadcast %lt3A_739 : i32 to vector<16xi32>
    %lt3A_741 = arith.cmpi slt, %xor3A_738, %lt3A_740 : vector<16xi32>
    %add3A_742 = arith.constant 16 : i32
    %add3A_743 = vector.broadcast %add3A_742 : i32 to vector<16xi32>
    %add3A_744 = arith.addi %xor3A_738, %add3A_743 : vector<16xi32>
    %select_n3A_745 = arith.select %lt3A_741, %add3A_744, %xor3A_738 : vector<16xi1>, vector<16xi32>
    %broadcast_in_dim3A_746 = vector.shape_cast %select_n3A_745 : vector<16xi32> to vector<16x1xi32>
    %gather3A_747 = vector.shape_cast %broadcast_in_dim3A_746 : vector<16x1xi32> to vector<16xi32>
    %gather3A_748 = tpu.dynamic_gather %max3A_735[%gather3A_747] in [0] : vector<16xf32>, vector<16xi32> -> vector<16xf32>
    %max3A_749 = arith.maximumf %max3A_735, %gather3A_748 : vector<16xf32>
    %swap3A_750 = arith.constant 0 : index
    %swap3A_751 = tpu.vector_load %arg18[%swap3A_750] {strides = array<i32>} : memref<16xf32, #tpu.memory_space<vmem>>, vector<16xf32>,
    tpu.vector_store %arg18[%swap3A_750], %max3A_749 {strides = array<i32>} : memref<16xf32, #tpu.memory_space<vmem>>, vector<16xf32>,
    %mul3A_752 = arith.constant 16 : i32
    %mul3A_753 = arith.muli %arg1, %mul3A_752 : i32
    %add3A_754 = arith.constant 512 : i32
    %add3A_755 = arith.addi %add3A_754, %mul3A_753 : i32
    "tpu.region"() ({
      %run_scoped3A = tpu.sem_alloc : memref<!tpu.dma_semaphore, #tpu.memory_space<semaphore_mem>>
      %dma_start3A_1063 = tpu.memref_slice %arg26[%add3A_755] : memref<1024xf32, #tpu.memory_space<vmem_shared>> -> memref<16xf32, #tpu.memory_space<vmem_shared>>
      %dma_start3A_1064 = tpu.memref_slice %arg26[%add3A_755] : memref<1024xf32, #tpu.memory_space<vmem_shared>> -> memref<16xf32, #tpu.memory_space<vmem_shared>>
      tpu.enqueue_dma source(%arg18 : memref<16xf32, #tpu.memory_space<vmem>>) target(%dma_start3A_1064 : memref<16xf32, #tpu.memory_space<vmem_shared>>) target_semaphore(%run_scoped3A : memref<!tpu.dma_semaphore, #tpu.memory_space<semaphore_mem>>)
      %dma_wait3A_1065 = tpu.memref_slice %arg26[%add3A_755] : memref<1024xf32, #tpu.memory_space<vmem_shared>> -> memref<16xf32, #tpu.memory_space<vmem_shared>>
      %dma_wait3A_1066 = tpu.memref_slice %arg26[%add3A_755] : memref<1024xf32, #tpu.memory_space<vmem_shared>> -> memref<16xf32, #tpu.memory_space<vmem_shared>>
      tpu.wait_dma2 semaphore(%run_scoped3A : memref<!tpu.dma_semaphore, #tpu.memory_space<semaphore_mem>>) src(%arg18 : memref<16xf32, #tpu.memory_space<vmem>>) dst(%dma_wait3A_1066 : memref<16xf32, #tpu.memory_space<vmem_shared>>)
      tpu.yield
    }) : () -> ()
    %barrier3A_756 = arith.constant 0 : index
    tpu.barrier barrier_id(%barrier3A_756)
    "tpu.region"() ({
      %run_scoped3A = tpu.sem_alloc : memref<!tpu.dma_semaphore, #tpu.memory_space<semaphore_mem>>
      %dma_start3A_1063 = arith.constant 512 : i32
      %dma_start3A_1064 = tpu.memref_slice %arg26[%dma_start3A_1063] : memref<1024xf32, #tpu.memory_space<vmem_shared>> -> memref<256xf32, #tpu.memory_space<vmem_shared>>
      %dma_start3A_1065 = arith.constant 512 : i32
      %dma_start3A_1066 = tpu.memref_slice %arg26[%dma_start3A_1065] : memref<1024xf32, #tpu.memory_space<vmem_shared>> -> memref<256xf32, #tpu.memory_space<vmem_shared>>
      tpu.enqueue_dma source(%dma_start3A_1066 : memref<256xf32, #tpu.memory_space<vmem_shared>>) target(%arg19 : memref<256xf32, #tpu.memory_space<vmem>>) target_semaphore(%run_scoped3A : memref<!tpu.dma_semaphore, #tpu.memory_space<semaphore_mem>>)
      %dma_wait3A_1067 = arith.constant 512 : i32
      %dma_wait3A_1068 = tpu.memref_slice %arg26[%dma_wait3A_1067] : memref<1024xf32, #tpu.memory_space<vmem_shared>> -> memref<256xf32, #tpu.memory_space<vmem_shared>>
      %dma_wait3A_1069 = arith.constant 512 : i32
      %dma_wait3A_1070 = tpu.memref_slice %arg26[%dma_wait3A_1069] : memref<1024xf32, #tpu.memory_space<vmem_shared>> -> memref<256xf32, #tpu.memory_space<vmem_shared>>
      tpu.wait_dma2 semaphore(%run_scoped3A : memref<!tpu.dma_semaphore, #tpu.memory_space<semaphore_mem>>) src(%dma_wait3A_1070 : memref<256xf32, #tpu.memory_space<vmem_shared>>) dst(%arg19 : memref<256xf32, #tpu.memory_space<vmem>>)
      tpu.yield
    }) : () -> ()
    %broadcast_in_dim3A_757 = arith.constant -3.000000e+38 : f32
    %broadcast_in_dim3A_758 = vector.broadcast %broadcast_in_dim3A_757 : f32 to vector<16xf32>
    %scan3A_759 = arith.constant 0 : i32
    %scan3A_760 = arith.constant 16 : i32
    %scan3A_761 = arith.addi %scan3A_759, %scan3A_760 : i32
    %scan3A_762 = arith.constant 1 : i32
    %scan3A_763 = scf.for %scan3A_1063 = %scan3A_759 to %scan3A_761 step %scan3A_762 iter_args(%scan3A_1064 = %broadcast_in_dim3A_758) -> (vector<16xf32>)  : i32 {
      %mul3A_1065 = arith.constant 16 : i32
      %mul3A_1066 = arith.muli %scan3A_1063, %mul3A_1065 : i32
      %get3A_1067 = arith.index_cast %mul3A_1066 : i32 to index
      %get3A_1068 = tpu.vector_load %arg19[%get3A_1067] {strides = array<i32>} : memref<256xf32, #tpu.memory_space<vmem>>, vector<16xf32>,
      %max3A_1069 = arith.maximumf %scan3A_1064, %get3A_1068 : vector<16xf32>
      scf.yield %max3A_1069 : vector<16xf32>
    }
    %scan3A_764 = arith.constant 16 : i32
    %mul3A_765 = arith.constant 640 : i32
    %mul3A_766 = arith.muli %arg1, %mul3A_765 : i32
    "tpu.region"() ({
      %run_scoped3A = tpu.sem_alloc : memref<!tpu.dma_semaphore, #tpu.memory_space<semaphore_mem>>
      %dma_start3A_1063 = arith.constant 0 : i32
      %dma_start3A_1064 = tpu.memref_slice %arg15[%dma_start3A_1063] : memref<10240xf32, #tpu.memory_space<vmem>> -> memref<640xf32, #tpu.memory_space<vmem>>
      %dma_start3A_1065 = tpu.memref_slice %arg25[%mul3A_766] : memref<10240xf32, #tpu.memory_space<vmem_shared>> -> memref<640xf32, #tpu.memory_space<vmem_shared>>
      %dma_start3A_1066 = tpu.memref_slice %arg25[%mul3A_766] : memref<10240xf32, #tpu.memory_space<vmem_shared>> -> memref<640xf32, #tpu.memory_space<vmem_shared>>
      %dma_start3A_1067 = arith.constant 0 : i32
      %dma_start3A_1068 = tpu.memref_slice %arg15[%dma_start3A_1067] : memref<10240xf32, #tpu.memory_space<vmem>> -> memref<640xf32, #tpu.memory_space<vmem>>
      tpu.enqueue_dma source(%dma_start3A_1068 : memref<640xf32, #tpu.memory_space<vmem>>) target(%dma_start3A_1066 : memref<640xf32, #tpu.memory_space<vmem_shared>>) target_semaphore(%run_scoped3A : memref<!tpu.dma_semaphore, #tpu.memory_space<semaphore_mem>>)
      %dma_wait3A_1069 = arith.constant 0 : i32
      %dma_wait3A_1070 = tpu.memref_slice %arg15[%dma_wait3A_1069] : memref<10240xf32, #tpu.memory_space<vmem>> -> memref<640xf32, #tpu.memory_space<vmem>>
      %dma_wait3A_1071 = tpu.memref_slice %arg25[%mul3A_766] : memref<10240xf32, #tpu.memory_space<vmem_shared>> -> memref<640xf32, #tpu.memory_space<vmem_shared>>
      %dma_wait3A_1072 = tpu.memref_slice %arg25[%mul3A_766] : memref<10240xf32, #tpu.memory_space<vmem_shared>> -> memref<640xf32, #tpu.memory_space<vmem_shared>>
      %dma_wait3A_1073 = arith.constant 0 : i32
      %dma_wait3A_1074 = tpu.memref_slice %arg15[%dma_wait3A_1073] : memref<10240xf32, #tpu.memory_space<vmem>> -> memref<640xf32, #tpu.memory_space<vmem>>
      tpu.wait_dma2 semaphore(%run_scoped3A : memref<!tpu.dma_semaphore, #tpu.memory_space<semaphore_mem>>) src(%dma_wait3A_1074 : memref<640xf32, #tpu.memory_space<vmem>>) dst(%dma_wait3A_1072 : memref<640xf32, #tpu.memory_space<vmem_shared>>)
      tpu.yield
    }) : () -> ()
    %mul3A_767 = arith.constant 640 : i32
    %mul3A_768 = arith.muli %arg1, %mul3A_767 : i32
    "tpu.region"() ({
      %run_scoped3A = tpu.sem_alloc : memref<!tpu.dma_semaphore, #tpu.memory_space<semaphore_mem>>
      %dma_start3A_1063 = arith.constant 0 : i32
      %dma_start3A_1064 = tpu.memref_slice %arg14[%dma_start3A_1063] : memref<10240xf32, #tpu.memory_space<vmem>> -> memref<640xf32, #tpu.memory_space<vmem>>
      %dma_start3A_1065 = tpu.memref_slice %arg24[%mul3A_768] : memref<10240xf32, #tpu.memory_space<vmem_shared>> -> memref<640xf32, #tpu.memory_space<vmem_shared>>
      %dma_start3A_1066 = tpu.memref_slice %arg24[%mul3A_768] : memref<10240xf32, #tpu.memory_space<vmem_shared>> -> memref<640xf32, #tpu.memory_space<vmem_shared>>
      %dma_start3A_1067 = arith.constant 0 : i32
      %dma_start3A_1068 = tpu.memref_slice %arg14[%dma_start3A_1067] : memref<10240xf32, #tpu.memory_space<vmem>> -> memref<640xf32, #tpu.memory_space<vmem>>
      tpu.enqueue_dma source(%dma_start3A_1068 : memref<640xf32, #tpu.memory_space<vmem>>) target(%dma_start3A_1066 : memref<640xf32, #tpu.memory_space<vmem_shared>>) target_semaphore(%run_scoped3A : memref<!tpu.dma_semaphore, #tpu.memory_space<semaphore_mem>>)
      %dma_wait3A_1069 = arith.constant 0 : i32
      %dma_wait3A_1070 = tpu.memref_slice %arg14[%dma_wait3A_1069] : memref<10240xf32, #tpu.memory_space<vmem>> -> memref<640xf32, #tpu.memory_space<vmem>>
      %dma_wait3A_1071 = tpu.memref_slice %arg24[%mul3A_768] : memref<10240xf32, #tpu.memory_space<vmem_shared>> -> memref<640xf32, #tpu.memory_space<vmem_shared>>
      %dma_wait3A_1072 = tpu.memref_slice %arg24[%mul3A_768] : memref<10240xf32, #tpu.memory_space<vmem_shared>> -> memref<640xf32, #tpu.memory_space<vmem_shared>>
      %dma_wait3A_1073 = arith.constant 0 : i32
      %dma_wait3A_1074 = tpu.memref_slice %arg14[%dma_wait3A_1073] : memref<10240xf32, #tpu.memory_space<vmem>> -> memref<640xf32, #tpu.memory_space<vmem>>
      tpu.wait_dma2 semaphore(%run_scoped3A : memref<!tpu.dma_semaphore, #tpu.memory_space<semaphore_mem>>) src(%dma_wait3A_1074 : memref<640xf32, #tpu.memory_space<vmem>>) dst(%dma_wait3A_1072 : memref<640xf32, #tpu.memory_space<vmem_shared>>)
      tpu.yield
    }) : () -> ()
    %barrier3A_769 = arith.constant 0 : index
    tpu.barrier barrier_id(%barrier3A_769)
    "tpu.region"() ({
      %run_scoped3A = tpu.sem_alloc : memref<!tpu.dma_semaphore, #tpu.memory_space<semaphore_mem>>
      %dma_start3A_1063 = arith.constant 0 : i32
      %dma_start3A_1064 = tpu.memref_slice %arg9[%dma_start3A_1063] : memref<20480xf32, #tpu.memory_space<vmem>> -> memref<10240xf32, #tpu.memory_space<vmem>>
      %dma_start3A_1065 = arith.constant 0 : i32
      %dma_start3A_1066 = tpu.memref_slice %arg9[%dma_start3A_1065] : memref<20480xf32, #tpu.memory_space<vmem>> -> memref<10240xf32, #tpu.memory_space<vmem>>
      tpu.enqueue_dma source(%arg25 : memref<10240xf32, #tpu.memory_space<vmem_shared>>) target(%dma_start3A_1066 : memref<10240xf32, #tpu.memory_space<vmem>>) target_semaphore(%run_scoped3A : memref<!tpu.dma_semaphore, #tpu.memory_space<semaphore_mem>>)
      %dma_wait3A_1067 = arith.constant 0 : i32
      %dma_wait3A_1068 = tpu.memref_slice %arg9[%dma_wait3A_1067] : memref<20480xf32, #tpu.memory_space<vmem>> -> memref<10240xf32, #tpu.memory_space<vmem>>
      %dma_wait3A_1069 = arith.constant 0 : i32
      %dma_wait3A_1070 = tpu.memref_slice %arg9[%dma_wait3A_1069] : memref<20480xf32, #tpu.memory_space<vmem>> -> memref<10240xf32, #tpu.memory_space<vmem>>
      tpu.wait_dma2 semaphore(%run_scoped3A : memref<!tpu.dma_semaphore, #tpu.memory_space<semaphore_mem>>) src(%arg25 : memref<10240xf32, #tpu.memory_space<vmem_shared>>) dst(%dma_wait3A_1070 : memref<10240xf32, #tpu.memory_space<vmem>>)
      tpu.yield
    }) : () -> ()
    "tpu.region"() ({
      %run_scoped3A = tpu.sem_alloc : memref<!tpu.dma_semaphore, #tpu.memory_space<semaphore_mem>>
      tpu.enqueue_dma source(%arg24 : memref<10240xf32, #tpu.memory_space<vmem_shared>>) target(%arg10 : memref<10240xf32, #tpu.memory_space<vmem>>) target_semaphore(%run_scoped3A : memref<!tpu.dma_semaphore, #tpu.memory_space<semaphore_mem>>)
      tpu.wait_dma2 semaphore(%run_scoped3A : memref<!tpu.dma_semaphore, #tpu.memory_space<semaphore_mem>>) src(%arg24 : memref<10240xf32, #tpu.memory_space<vmem_shared>>) dst(%arg10 : memref<10240xf32, #tpu.memory_space<vmem>>)
      tpu.yield
    }) : () -> ()
    %parallel_loop3A_770 = arith.constant 0 : i32
    %parallel_loop3A_771 = arith.constant 1250 : i32
    %parallel_loop3A_772 = arith.constant 1 : i32
    scf.for %parallel_loop3A_1063 = %parallel_loop3A_770 to %parallel_loop3A_771 step %parallel_loop3A_772  : i32 {
      %parallel_loop3A_1064 = arith.constant 16 : i32
      %parallel_loop3A_1065 = arith.muli %parallel_loop3A_1063, %parallel_loop3A_1064 : i32
      %parallel_loop3A_1066 = arith.index_cast %parallel_loop3A_1065 : i32 to index
      %parallel_loop3A_1067 = tpu.vector_load %arg12[%parallel_loop3A_1066] {strides = array<i32>} : memref<20000xi32, #tpu.memory_space<vmem>>, vector<16xi32>,
      %parallel_loop3A_1068 = tpu.vector_load_idx %arg10[%parallel_loop3A_1067] : memref<10240xf32, #tpu.memory_space<vmem>>[vector<16xi32>], vector<16xf32>,
      %parallel_loop3A_1069 = arith.index_cast %parallel_loop3A_1065 : i32 to index
      %parallel_loop3A_1070 = tpu.vector_load %arg13[%parallel_loop3A_1069] {strides = array<i32>} : memref<20000xf32, #tpu.memory_space<vmem>>, vector<16xf32>,
      %parallel_loop3A_1071 = arith.constant 1.000000e-16 : f32
      %parallel_loop3A_1072 = vector.broadcast %parallel_loop3A_1071 : f32 to vector<16xf32>
      %parallel_loop3A_1073 = arith.addf %parallel_loop3A_1068, %parallel_loop3A_1072 : vector<16xf32>
      %parallel_loop3A_1074 = arith.divf %parallel_loop3A_1070, %parallel_loop3A_1073 : vector<16xf32>
      %parallel_loop3A_1075 = arith.index_cast %parallel_loop3A_1065 : i32 to index
      %parallel_loop3A_1076 = tpu.vector_load %arg13[%parallel_loop3A_1075] {strides = array<i32>} : memref<20000xf32, #tpu.memory_space<vmem>>, vector<16xf32>,
      tpu.vector_store %arg13[%parallel_loop3A_1075], %parallel_loop3A_1074 {strides = array<i32>} : memref<20000xf32, #tpu.memory_space<vmem>>, vector<16xf32>,
    } {sc.loop_unroll_factor = 10 : i64, sc.parallel_access}
    %mul3A_773 = arith.constant 20000 : i32
    %mul3A_774 = arith.muli %arg1, %mul3A_773 : i32
    %dma_start3A_775 = tpu.memref_slice %arg8[%mul3A_774] : memref<320000xf32, #tpu.memory_space<hbm>> -> memref<20000xf32, #tpu.memory_space<hbm>>
    %dma_start3A_776 = tpu.memref_slice %arg8[%mul3A_774] : memref<320000xf32, #tpu.memory_space<hbm>> -> memref<20000xf32, #tpu.memory_space<hbm>>
    tpu.enqueue_dma source(%arg13 : memref<20000xf32, #tpu.memory_space<vmem>>) target(%dma_start3A_776 : memref<20000xf32, #tpu.memory_space<hbm>>) target_semaphore(%arg22 : memref<!tpu.dma_semaphore, #tpu.memory_space<semaphore_mem>>)
    %parallel_loop3A_777 = arith.constant 0 : i32
    %parallel_loop3A_778 = arith.constant 640 : i32
    %parallel_loop3A_779 = arith.constant 1 : i32
    scf.for %parallel_loop3A_1063 = %parallel_loop3A_777 to %parallel_loop3A_778 step %parallel_loop3A_779  : i32 {
      %parallel_loop3A_1064 = arith.constant 16 : i32
      %parallel_loop3A_1065 = arith.muli %parallel_loop3A_1063, %parallel_loop3A_1064 : i32
      %parallel_loop3A_1066 = arith.index_cast %parallel_loop3A_1065 : i32 to index
      %parallel_loop3A_1067 = tpu.vector_load %arg14[%parallel_loop3A_1066] {strides = array<i32>} : memref<10240xf32, #tpu.memory_space<vmem>>, vector<16xf32>,
      tpu.vector_store %arg14[%parallel_loop3A_1066], %broadcast_in_dim3A_0 {strides = array<i32>} : memref<10240xf32, #tpu.memory_space<vmem>>, vector<16xf32>,
      %parallel_loop3A_1068 = arith.constant 16 : i32
      %parallel_loop3A_1069 = arith.muli %parallel_loop3A_1063, %parallel_loop3A_1068 : i32
      %parallel_loop3A_1070 = arith.index_cast %parallel_loop3A_1069 : i32 to index
      %parallel_loop3A_1071 = tpu.vector_load %arg15[%parallel_loop3A_1070] {strides = array<i32>} : memref<10240xf32, #tpu.memory_space<vmem>>, vector<16xf32>,
      tpu.vector_store %arg15[%parallel_loop3A_1070], %broadcast_in_dim3A_0 {strides = array<i32>} : memref<10240xf32, #tpu.memory_space<vmem>>, vector<16xf32>,
    } {sc.loop_unroll_factor = 8 : i64, sc.parallel_access}
    %max3A_780 = arith.constant 0.000000e+00 : f32
    %max3A_781 = vector.broadcast %max3A_780 : f32 to vector<16xf32>
    %max3A_782 = arith.maximumf %gather3A_63, %max3A_781 : vector<16xf32>
    %max3A_783 = arith.constant 0.000000e+00 : f32
    %max3A_784 = vector.broadcast %max3A_783 : f32 to vector<16xf32>
    %max3A_785 = arith.maximumf %gather3A_75, %max3A_784 : vector<16xf32>
    %add3A_786 = arith.addf %max3A_782, %max3A_785 : vector<16xf32>
    %mul3A_787 = arith.mulf %add3A_786, %scan3A_763 : vector<16xf32>
    %min3A = arith.constant 0.000000e+00 : f32
    %min3A_788 = vector.broadcast %min3A : f32 to vector<16xf32>
    %min3A_789 = arith.minimumf %gather3A_63, %min3A_788 : vector<16xf32>
    %min3A_790 = arith.constant 0.000000e+00 : f32
    %min3A_791 = vector.broadcast %min3A_790 : f32 to vector<16xf32>
    %min3A_792 = arith.minimumf %gather3A_75, %min3A_791 : vector<16xf32>
    %add3A_793 = arith.addf %min3A_789, %min3A_792 : vector<16xf32>
    %mul3A_794 = arith.mulf %add3A_793, %scan3A_763 : vector<16xf32>
    %mul3A_795 = arith.constant 2.000000e-01 : f32
    %mul3A_796 = vector.broadcast %mul3A_795 : f32 to vector<16xf32>
    %mul3A_797 = arith.mulf %mul3A_796, %mul3A_787 : vector<16xf32>
    %max3A_798 = arith.maximumf %mul3A_787, %mul3A_797 : vector<16xf32>
    %mul3A_799 = arith.mulf %gather3A_87, %max3A_798 : vector<16xf32>
    %mul3A_800 = arith.constant 2.000000e-01 : f32
    %mul3A_801 = vector.broadcast %mul3A_800 : f32 to vector<16xf32>
    %mul3A_802 = arith.mulf %mul3A_801, %mul3A_794 : vector<16xf32>
    %max3A_803 = arith.maximumf %mul3A_794, %mul3A_802 : vector<16xf32>
    %mul3A_804 = arith.mulf %gather3A_87, %max3A_803 : vector<16xf32>
    %max3A_805 = arith.maximumf %mul3A_799, %mul3A_804 : vector<16xf32>
    %parallel_loop3A_806 = arith.constant 0 : i32
    %parallel_loop3A_807 = arith.constant 1250 : i32
    %parallel_loop3A_808 = arith.constant 1 : i32
    scf.for %parallel_loop3A_1063 = %parallel_loop3A_806 to %parallel_loop3A_807 step %parallel_loop3A_808  : i32 {
      %parallel_loop3A_1064 = arith.constant 16 : i32
      %parallel_loop3A_1065 = arith.muli %parallel_loop3A_1063, %parallel_loop3A_1064 : i32
      %parallel_loop3A_1066 = arith.index_cast %parallel_loop3A_1065 : i32 to index
      %parallel_loop3A_1067 = tpu.vector_load %arg11[%parallel_loop3A_1066] {strides = array<i32>} : memref<20000xi32, #tpu.memory_space<vmem>>, vector<16xi32>,
      %parallel_loop3A_1068 = arith.index_cast %parallel_loop3A_1065 : i32 to index
      %parallel_loop3A_1069 = tpu.vector_load %arg12[%parallel_loop3A_1068] {strides = array<i32>} : memref<20000xi32, #tpu.memory_space<vmem>>, vector<16xi32>,
      %parallel_loop3A_1070 = tpu.vector_load_idx %arg9[%parallel_loop3A_1067] : memref<20480xf32, #tpu.memory_space<vmem>>[vector<16xi32>], vector<16xf32>,
      %parallel_loop3A_1071 = tpu.vector_load_idx %arg9[%parallel_loop3A_1069] : memref<20480xf32, #tpu.memory_space<vmem>>[vector<16xi32>], vector<16xf32>,
      %parallel_loop3A_1072 = arith.mulf %gather3A_63, %parallel_loop3A_1070 : vector<16xf32>
      %parallel_loop3A_1073 = arith.mulf %gather3A_75, %parallel_loop3A_1071 : vector<16xf32>
      %parallel_loop3A_1074 = arith.addf %parallel_loop3A_1072, %parallel_loop3A_1073 : vector<16xf32>
      %parallel_loop3A_1075 = arith.constant 2.000000e-01 : f32
      %parallel_loop3A_1076 = vector.broadcast %parallel_loop3A_1075 : f32 to vector<16xf32>
      %parallel_loop3A_1077 = arith.mulf %parallel_loop3A_1076, %parallel_loop3A_1074 : vector<16xf32>
      %parallel_loop3A_1078 = arith.maximumf %parallel_loop3A_1074, %parallel_loop3A_1077 : vector<16xf32>
      %parallel_loop3A_1079 = arith.mulf %gather3A_87, %parallel_loop3A_1078 : vector<16xf32>
      %parallel_loop3A_1080 = arith.subf %parallel_loop3A_1079, %max3A_805 : vector<16xf32>
      %parallel_loop3A_1081 = math.exp %parallel_loop3A_1080 : vector<16xf32>
      tpu.vector_store_idx %arg14[%parallel_loop3A_1069], %parallel_loop3A_1081 {add = true} : memref<10240xf32, #tpu.memory_space<vmem>>[vector<16xi32>], vector<16xf32>,
      %parallel_loop3A_1082 = arith.mulf %gather3A_63, %parallel_loop3A_1070 : vector<16xf32>
      %parallel_loop3A_1083 = arith.mulf %parallel_loop3A_1081, %parallel_loop3A_1082 : vector<16xf32>
      tpu.vector_store_idx %arg15[%parallel_loop3A_1069], %parallel_loop3A_1083 {add = true} : memref<10240xf32, #tpu.memory_space<vmem>>[vector<16xi32>], vector<16xf32>,
    } {sc.loop_unroll_factor = 10 : i64, sc.parallel_access}
    "tpu.region"() ({
      %run_scoped3A = tpu.sem_alloc : memref<!tpu.dma_semaphore, #tpu.memory_space<semaphore_mem>>
      %dma_start3A_1063 = arith.constant 0 : i32
      %dma_start3A_1064 = tpu.memref_slice %arg23[%arg1, %dma_start3A_1063] : memref<16x10240xf32, #tpu.memory_space<vmem_shared>> -> memref<1x10240xf32, #tpu.memory_space<vmem_shared>>
      %dma_start3A_1065 = tpu.memref_squeeze %dma_start3A_1064 : memref<1x10240xf32, #tpu.memory_space<vmem_shared>> -> memref<10240xf32, #tpu.memory_space<vmem_shared>>
      %dma_start3A_1066 = arith.constant 0 : i32
      %dma_start3A_1067 = tpu.memref_slice %arg23[%arg1, %dma_start3A_1066] : memref<16x10240xf32, #tpu.memory_space<vmem_shared>> -> memref<1x10240xf32, #tpu.memory_space<vmem_shared>>
      %dma_start3A_1068 = tpu.memref_squeeze %dma_start3A_1067 : memref<1x10240xf32, #tpu.memory_space<vmem_shared>> -> memref<10240xf32, #tpu.memory_space<vmem_shared>>
      tpu.enqueue_dma source(%arg14 : memref<10240xf32, #tpu.memory_space<vmem>>) target(%dma_start3A_1068 : memref<10240xf32, #tpu.memory_space<vmem_shared>>) target_semaphore(%run_scoped3A : memref<!tpu.dma_semaphore, #tpu.memory_space<semaphore_mem>>)
      %dma_wait3A_1069 = arith.constant 0 : i32
      %dma_wait3A_1070 = tpu.memref_slice %arg23[%arg1, %dma_wait3A_1069] : memref<16x10240xf32, #tpu.memory_space<vmem_shared>> -> memref<1x10240xf32, #tpu.memory_space<vmem_shared>>
      %dma_wait3A_1071 = tpu.memref_squeeze %dma_wait3A_1070 : memref<1x10240xf32, #tpu.memory_space<vmem_shared>> -> memref<10240xf32, #tpu.memory_space<vmem_shared>>
      %dma_wait3A_1072 = arith.constant 0 : i32
      %dma_wait3A_1073 = tpu.memref_slice %arg23[%arg1, %dma_wait3A_1072] : memref<16x10240xf32, #tpu.memory_space<vmem_shared>> -> memref<1x10240xf32, #tpu.memory_space<vmem_shared>>
      %dma_wait3A_1074 = tpu.memref_squeeze %dma_wait3A_1073 : memref<1x10240xf32, #tpu.memory_space<vmem_shared>> -> memref<10240xf32, #tpu.memory_space<vmem_shared>>
      tpu.wait_dma2 semaphore(%run_scoped3A : memref<!tpu.dma_semaphore, #tpu.memory_space<semaphore_mem>>) src(%arg14 : memref<10240xf32, #tpu.memory_space<vmem>>) dst(%dma_wait3A_1074 : memref<10240xf32, #tpu.memory_space<vmem_shared>>)
      tpu.yield
    }) : () -> ()
    %barrier3A_809 = arith.constant 0 : index
    tpu.barrier barrier_id(%barrier3A_809)
    %parallel_loop3A_810 = arith.constant 0 : i32
    %parallel_loop3A_811 = arith.constant 40 : i32
    %parallel_loop3A_812 = arith.constant 1 : i32
    scf.for %parallel_loop3A_1063 = %parallel_loop3A_810 to %parallel_loop3A_811 step %parallel_loop3A_812  : i32 {
      %parallel_loop3A_1064 = arith.constant 16 : i32
      %parallel_loop3A_1065 = arith.muli %parallel_loop3A_1063, %parallel_loop3A_1064 : i32
      %parallel_loop3A_1066 = arith.index_cast %parallel_loop3A_1065 : i32 to index
      %parallel_loop3A_1067 = tpu.vector_load %arg14[%parallel_loop3A_1066] {strides = array<i32>} : memref<10240xf32, #tpu.memory_space<vmem>>, vector<16xf32>,
      tpu.vector_store %arg14[%parallel_loop3A_1066], %broadcast_in_dim3A_0 {strides = array<i32>} : memref<10240xf32, #tpu.memory_space<vmem>>, vector<16xf32>,
    } {sc.loop_unroll_factor = 8 : i64, sc.parallel_access}
    %scan3A_813 = arith.constant 0 : i32
    %scan3A_814 = arith.constant 0 : i32
    %scan3A_815 = arith.constant 16 : i32
    %scan3A_816 = arith.addi %scan3A_814, %scan3A_815 : i32
    %scan3A_817 = arith.constant 1 : i32
    scf.for %scan3A_1063 = %scan3A_814 to %scan3A_816 step %scan3A_817  : i32 {
      %mul3A_1064 = arith.constant 640 : i32
      %mul3A_1065 = arith.muli %arg1, %mul3A_1064 : i32
      "tpu.region"() ({
        %run_scoped3A = tpu.sem_alloc : memref<!tpu.dma_semaphore, #tpu.memory_space<semaphore_mem>>
        %dma_start3A_1069 = tpu.memref_slice %arg23[%scan3A_1063, %mul3A_1065] : memref<16x10240xf32, #tpu.memory_space<vmem_shared>> -> memref<1x640xf32, #tpu.memory_space<vmem_shared>>
        %dma_start3A_1070 = tpu.memref_squeeze %dma_start3A_1069 : memref<1x640xf32, #tpu.memory_space<vmem_shared>> -> memref<640xf32, #tpu.memory_space<vmem_shared>>
        %dma_start3A_1071 = tpu.memref_slice %arg23[%scan3A_1063, %mul3A_1065] : memref<16x10240xf32, #tpu.memory_space<vmem_shared>> -> memref<1x640xf32, #tpu.memory_space<vmem_shared>>
        %dma_start3A_1072 = tpu.memref_squeeze %dma_start3A_1071 : memref<1x640xf32, #tpu.memory_space<vmem_shared>> -> memref<640xf32, #tpu.memory_space<vmem_shared>>
        tpu.enqueue_dma source(%dma_start3A_1072 : memref<640xf32, #tpu.memory_space<vmem_shared>>) target(%arg16 : memref<640xf32, #tpu.memory_space<vmem>>) target_semaphore(%run_scoped3A : memref<!tpu.dma_semaphore, #tpu.memory_space<semaphore_mem>>)
        %dma_wait3A_1073 = tpu.memref_slice %arg23[%scan3A_1063, %mul3A_1065] : memref<16x10240xf32, #tpu.memory_space<vmem_shared>> -> memref<1x640xf32, #tpu.memory_space<vmem_shared>>
        %dma_wait3A_1074 = tpu.memref_squeeze %dma_wait3A_1073 : memref<1x640xf32, #tpu.memory_space<vmem_shared>> -> memref<640xf32, #tpu.memory_space<vmem_shared>>
        %dma_wait3A_1075 = tpu.memref_slice %arg23[%scan3A_1063, %mul3A_1065] : memref<16x10240xf32, #tpu.memory_space<vmem_shared>> -> memref<1x640xf32, #tpu.memory_space<vmem_shared>>
        %dma_wait3A_1076 = tpu.memref_squeeze %dma_wait3A_1075 : memref<1x640xf32, #tpu.memory_space<vmem_shared>> -> memref<640xf32, #tpu.memory_space<vmem_shared>>
        tpu.wait_dma2 semaphore(%run_scoped3A : memref<!tpu.dma_semaphore, #tpu.memory_space<semaphore_mem>>) src(%dma_wait3A_1076 : memref<640xf32, #tpu.memory_space<vmem_shared>>) dst(%arg16 : memref<640xf32, #tpu.memory_space<vmem>>)
        tpu.yield
      }) : () -> ()
      %parallel_loop3A_1066 = arith.constant 0 : i32
      %parallel_loop3A_1067 = arith.constant 40 : i32
      %parallel_loop3A_1068 = arith.constant 1 : i32
      scf.for %parallel_loop3A_1069 = %parallel_loop3A_1066 to %parallel_loop3A_1067 step %parallel_loop3A_1068  : i32 {
        %parallel_loop3A_1070 = arith.constant 16 : i32
        %parallel_loop3A_1071 = arith.muli %parallel_loop3A_1069, %parallel_loop3A_1070 : i32
        %parallel_loop3A_1072 = arith.index_cast %parallel_loop3A_1071 : i32 to index
        %parallel_loop3A_1073 = tpu.vector_load %arg14[%parallel_loop3A_1072] {strides = array<i32>} : memref<10240xf32, #tpu.memory_space<vmem>>, vector<16xf32>,
        %parallel_loop3A_1074 = arith.index_cast %parallel_loop3A_1071 : i32 to index
        %parallel_loop3A_1075 = tpu.vector_load %arg16[%parallel_loop3A_1074] {strides = array<i32>} : memref<640xf32, #tpu.memory_space<vmem>>, vector<16xf32>,
        %parallel_loop3A_1076 = arith.addf %parallel_loop3A_1073, %parallel_loop3A_1075 : vector<16xf32>
        %parallel_loop3A_1077 = arith.index_cast %parallel_loop3A_1071 : i32 to index
        %parallel_loop3A_1078 = tpu.vector_load %arg14[%parallel_loop3A_1077] {strides = array<i32>} : memref<10240xf32, #tpu.memory_space<vmem>>, vector<16xf32>,
        tpu.vector_store %arg14[%parallel_loop3A_1077], %parallel_loop3A_1076 {strides = array<i32>} : memref<10240xf32, #tpu.memory_space<vmem>>, vector<16xf32>,
      } {sc.loop_unroll_factor = 8 : i64, sc.parallel_access}
    }
    %scan3A_818 = arith.constant 16 : i32
    %barrier3A_819 = arith.constant 0 : index
    tpu.barrier barrier_id(%barrier3A_819)
    "tpu.region"() ({
      %run_scoped3A = tpu.sem_alloc : memref<!tpu.dma_semaphore, #tpu.memory_space<semaphore_mem>>
      %dma_start3A_1063 = arith.constant 0 : i32
      %dma_start3A_1064 = tpu.memref_slice %arg23[%arg1, %dma_start3A_1063] : memref<16x10240xf32, #tpu.memory_space<vmem_shared>> -> memref<1x10240xf32, #tpu.memory_space<vmem_shared>>
      %dma_start3A_1065 = tpu.memref_squeeze %dma_start3A_1064 : memref<1x10240xf32, #tpu.memory_space<vmem_shared>> -> memref<10240xf32, #tpu.memory_space<vmem_shared>>
      %dma_start3A_1066 = arith.constant 0 : i32
      %dma_start3A_1067 = tpu.memref_slice %arg23[%arg1, %dma_start3A_1066] : memref<16x10240xf32, #tpu.memory_space<vmem_shared>> -> memref<1x10240xf32, #tpu.memory_space<vmem_shared>>
      %dma_start3A_1068 = tpu.memref_squeeze %dma_start3A_1067 : memref<1x10240xf32, #tpu.memory_space<vmem_shared>> -> memref<10240xf32, #tpu.memory_space<vmem_shared>>
      tpu.enqueue_dma source(%arg15 : memref<10240xf32, #tpu.memory_space<vmem>>) target(%dma_start3A_1068 : memref<10240xf32, #tpu.memory_space<vmem_shared>>) target_semaphore(%run_scoped3A : memref<!tpu.dma_semaphore, #tpu.memory_space<semaphore_mem>>)
      %dma_wait3A_1069 = arith.constant 0 : i32
      %dma_wait3A_1070 = tpu.memref_slice %arg23[%arg1, %dma_wait3A_1069] : memref<16x10240xf32, #tpu.memory_space<vmem_shared>> -> memref<1x10240xf32, #tpu.memory_space<vmem_shared>>
      %dma_wait3A_1071 = tpu.memref_squeeze %dma_wait3A_1070 : memref<1x10240xf32, #tpu.memory_space<vmem_shared>> -> memref<10240xf32, #tpu.memory_space<vmem_shared>>
      %dma_wait3A_1072 = arith.constant 0 : i32
      %dma_wait3A_1073 = tpu.memref_slice %arg23[%arg1, %dma_wait3A_1072] : memref<16x10240xf32, #tpu.memory_space<vmem_shared>> -> memref<1x10240xf32, #tpu.memory_space<vmem_shared>>
      %dma_wait3A_1074 = tpu.memref_squeeze %dma_wait3A_1073 : memref<1x10240xf32, #tpu.memory_space<vmem_shared>> -> memref<10240xf32, #tpu.memory_space<vmem_shared>>
      tpu.wait_dma2 semaphore(%run_scoped3A : memref<!tpu.dma_semaphore, #tpu.memory_space<semaphore_mem>>) src(%arg15 : memref<10240xf32, #tpu.memory_space<vmem>>) dst(%dma_wait3A_1074 : memref<10240xf32, #tpu.memory_space<vmem_shared>>)
      tpu.yield
    }) : () -> ()
    %barrier3A_820 = arith.constant 0 : index
    tpu.barrier barrier_id(%barrier3A_820)
    %parallel_loop3A_821 = arith.constant 0 : i32
    %parallel_loop3A_822 = arith.constant 40 : i32
    %parallel_loop3A_823 = arith.constant 1 : i32
    scf.for %parallel_loop3A_1063 = %parallel_loop3A_821 to %parallel_loop3A_822 step %parallel_loop3A_823  : i32 {
      %parallel_loop3A_1064 = arith.constant 16 : i32
      %parallel_loop3A_1065 = arith.muli %parallel_loop3A_1063, %parallel_loop3A_1064 : i32
      %parallel_loop3A_1066 = arith.index_cast %parallel_loop3A_1065 : i32 to index
      %parallel_loop3A_1067 = tpu.vector_load %arg15[%parallel_loop3A_1066] {strides = array<i32>} : memref<10240xf32, #tpu.memory_space<vmem>>, vector<16xf32>,
      tpu.vector_store %arg15[%parallel_loop3A_1066], %broadcast_in_dim3A_0 {strides = array<i32>} : memref<10240xf32, #tpu.memory_space<vmem>>, vector<16xf32>,
    } {sc.loop_unroll_factor = 8 : i64, sc.parallel_access}
    %scan3A_824 = arith.constant 0 : i32
    %scan3A_825 = arith.constant 0 : i32
    %scan3A_826 = arith.constant 16 : i32
    %scan3A_827 = arith.addi %scan3A_825, %scan3A_826 : i32
    %scan3A_828 = arith.constant 1 : i32
    scf.for %scan3A_1063 = %scan3A_825 to %scan3A_827 step %scan3A_828  : i32 {
      %mul3A_1064 = arith.constant 640 : i32
      %mul3A_1065 = arith.muli %arg1, %mul3A_1064 : i32
      "tpu.region"() ({
        %run_scoped3A = tpu.sem_alloc : memref<!tpu.dma_semaphore, #tpu.memory_space<semaphore_mem>>
        %dma_start3A_1069 = tpu.memref_slice %arg23[%scan3A_1063, %mul3A_1065] : memref<16x10240xf32, #tpu.memory_space<vmem_shared>> -> memref<1x640xf32, #tpu.memory_space<vmem_shared>>
        %dma_start3A_1070 = tpu.memref_squeeze %dma_start3A_1069 : memref<1x640xf32, #tpu.memory_space<vmem_shared>> -> memref<640xf32, #tpu.memory_space<vmem_shared>>
        %dma_start3A_1071 = tpu.memref_slice %arg23[%scan3A_1063, %mul3A_1065] : memref<16x10240xf32, #tpu.memory_space<vmem_shared>> -> memref<1x640xf32, #tpu.memory_space<vmem_shared>>
        %dma_start3A_1072 = tpu.memref_squeeze %dma_start3A_1071 : memref<1x640xf32, #tpu.memory_space<vmem_shared>> -> memref<640xf32, #tpu.memory_space<vmem_shared>>
        tpu.enqueue_dma source(%dma_start3A_1072 : memref<640xf32, #tpu.memory_space<vmem_shared>>) target(%arg17 : memref<640xf32, #tpu.memory_space<vmem>>) target_semaphore(%run_scoped3A : memref<!tpu.dma_semaphore, #tpu.memory_space<semaphore_mem>>)
        %dma_wait3A_1073 = tpu.memref_slice %arg23[%scan3A_1063, %mul3A_1065] : memref<16x10240xf32, #tpu.memory_space<vmem_shared>> -> memref<1x640xf32, #tpu.memory_space<vmem_shared>>
        %dma_wait3A_1074 = tpu.memref_squeeze %dma_wait3A_1073 : memref<1x640xf32, #tpu.memory_space<vmem_shared>> -> memref<640xf32, #tpu.memory_space<vmem_shared>>
        %dma_wait3A_1075 = tpu.memref_slice %arg23[%scan3A_1063, %mul3A_1065] : memref<16x10240xf32, #tpu.memory_space<vmem_shared>> -> memref<1x640xf32, #tpu.memory_space<vmem_shared>>
        %dma_wait3A_1076 = tpu.memref_squeeze %dma_wait3A_1075 : memref<1x640xf32, #tpu.memory_space<vmem_shared>> -> memref<640xf32, #tpu.memory_space<vmem_shared>>
        tpu.wait_dma2 semaphore(%run_scoped3A : memref<!tpu.dma_semaphore, #tpu.memory_space<semaphore_mem>>) src(%dma_wait3A_1076 : memref<640xf32, #tpu.memory_space<vmem_shared>>) dst(%arg17 : memref<640xf32, #tpu.memory_space<vmem>>)
        tpu.yield
      }) : () -> ()
      %parallel_loop3A_1066 = arith.constant 0 : i32
      %parallel_loop3A_1067 = arith.constant 40 : i32
      %parallel_loop3A_1068 = arith.constant 1 : i32
      scf.for %parallel_loop3A_1069 = %parallel_loop3A_1066 to %parallel_loop3A_1067 step %parallel_loop3A_1068  : i32 {
        %parallel_loop3A_1070 = arith.constant 16 : i32
        %parallel_loop3A_1071 = arith.muli %parallel_loop3A_1069, %parallel_loop3A_1070 : i32
        %parallel_loop3A_1072 = arith.index_cast %parallel_loop3A_1071 : i32 to index
        %parallel_loop3A_1073 = tpu.vector_load %arg15[%parallel_loop3A_1072] {strides = array<i32>} : memref<10240xf32, #tpu.memory_space<vmem>>, vector<16xf32>,
        %parallel_loop3A_1074 = arith.index_cast %parallel_loop3A_1071 : i32 to index
        %parallel_loop3A_1075 = tpu.vector_load %arg17[%parallel_loop3A_1074] {strides = array<i32>} : memref<640xf32, #tpu.memory_space<vmem>>, vector<16xf32>,
        %parallel_loop3A_1076 = arith.addf %parallel_loop3A_1073, %parallel_loop3A_1075 : vector<16xf32>
        %parallel_loop3A_1077 = arith.index_cast %parallel_loop3A_1071 : i32 to index
        %parallel_loop3A_1078 = tpu.vector_load %arg15[%parallel_loop3A_1077] {strides = array<i32>} : memref<10240xf32, #tpu.memory_space<vmem>>, vector<16xf32>,
        tpu.vector_store %arg15[%parallel_loop3A_1077], %parallel_loop3A_1076 {strides = array<i32>} : memref<10240xf32, #tpu.memory_space<vmem>>, vector<16xf32>,
      } {sc.loop_unroll_factor = 8 : i64, sc.parallel_access}
    }
    %scan3A_829 = arith.constant 16 : i32
    %mul3A_830 = arith.constant 640 : i32
    %mul3A_831 = arith.muli %arg1, %mul3A_830 : i32
    %parallel_loop3A_832 = arith.constant 0 : i32
    %parallel_loop3A_833 = arith.constant 40 : i32
    %parallel_loop3A_834 = arith.constant 1 : i32
    %parallel_loop3A_835:2 = scf.for %parallel_loop3A_1063 = %parallel_loop3A_832 to %parallel_loop3A_833 step %parallel_loop3A_834 iter_args(%parallel_loop3A_1064 = %broadcast_in_dim3A_0, %parallel_loop3A_1065 = %broadcast_in_dim3A_0) -> (vector<16xf32>, vector<16xf32>)  : i32 {
      %parallel_loop3A_1066 = arith.constant 16 : i32
      %parallel_loop3A_1067 = arith.muli %parallel_loop3A_1063, %parallel_loop3A_1066 : i32
      %parallel_loop3A_1068 = arith.index_cast %parallel_loop3A_1067 : i32 to index
      %parallel_loop3A_1069 = tpu.vector_load %arg15[%parallel_loop3A_1068] {strides = array<i32>} : memref<10240xf32, #tpu.memory_space<vmem>>, vector<16xf32>,
      %parallel_loop3A_1070 = arith.index_cast %parallel_loop3A_1067 : i32 to index
      %parallel_loop3A_1071 = tpu.vector_load %arg14[%parallel_loop3A_1070] {strides = array<i32>} : memref<10240xf32, #tpu.memory_space<vmem>>, vector<16xf32>,
      %parallel_loop3A_1072 = arith.constant 1.000000e-16 : f32
      %parallel_loop3A_1073 = vector.broadcast %parallel_loop3A_1072 : f32 to vector<16xf32>
      %parallel_loop3A_1074 = arith.addf %parallel_loop3A_1071, %parallel_loop3A_1073 : vector<16xf32>
      %parallel_loop3A_1075 = arith.divf %parallel_loop3A_1069, %parallel_loop3A_1074 : vector<16xf32>
      %parallel_loop3A_1076 = arith.addf %parallel_loop3A_1075, %gather3A_99 : vector<16xf32>
      %parallel_loop3A_1077 = arith.constant 16 : i32
      %parallel_loop3A_1078 = arith.muli %parallel_loop3A_1063, %parallel_loop3A_1077 : i32
      %parallel_loop3A_1079 = arith.addi %mul3A_831, %parallel_loop3A_1078 : i32
      %parallel_loop3A_1080 = vector.broadcast %parallel_loop3A_1079 : i32 to vector<16xi32>
      %parallel_loop3A_1081 = arith.addi %parallel_loop3A_1080, %iota3A : vector<16xi32>
      %parallel_loop3A_1082 = arith.constant 10000 : i32
      %parallel_loop3A_1083 = vector.broadcast %parallel_loop3A_1082 : i32 to vector<16xi32>
      %parallel_loop3A_1084 = arith.cmpi slt, %parallel_loop3A_1081, %parallel_loop3A_1083 : vector<16xi32>
      %parallel_loop3A_1085 = arith.constant 0.000000e+00 : f32
      %parallel_loop3A_1086 = vector.broadcast %parallel_loop3A_1085 : f32 to vector<16xf32>
      %parallel_loop3A_1087 = arith.select %parallel_loop3A_1084, %parallel_loop3A_1076, %parallel_loop3A_1086 : vector<16xi1>, vector<16xf32>
      %parallel_loop3A_1088 = arith.index_cast %parallel_loop3A_1067 : i32 to index
      %parallel_loop3A_1089 = tpu.vector_load %arg15[%parallel_loop3A_1088] {strides = array<i32>} : memref<10240xf32, #tpu.memory_space<vmem>>, vector<16xf32>,
      tpu.vector_store %arg15[%parallel_loop3A_1088], %parallel_loop3A_1087 {strides = array<i32>} : memref<10240xf32, #tpu.memory_space<vmem>>, vector<16xf32>,
      %parallel_loop3A_1090 = arith.addf %parallel_loop3A_1064, %parallel_loop3A_1087 : vector<16xf32>
      %parallel_loop3A_1091 = arith.mulf %parallel_loop3A_1087, %parallel_loop3A_1087 : vector<16xf32>
      %parallel_loop3A_1092 = arith.addf %parallel_loop3A_1065, %parallel_loop3A_1091 : vector<16xf32>
      scf.yield %parallel_loop3A_1090, %parallel_loop3A_1092 : vector<16xf32>, vector<16xf32>
    } {sc.loop_unroll_factor = 8 : i64, sc.parallel_access}
    %eq3A_836 = arith.constant 0 : i32
    %eq3A_837 = vector.broadcast %eq3A_836 : i32 to vector<16xi32>
    %eq3A_838 = arith.cmpi eq, %iota3A, %eq3A_837 : vector<16xi32>
    %xor3A_839 = arith.constant 1 : i32
    %xor3A_840 = vector.broadcast %xor3A_839 : i32 to vector<16xi32>
    %xor3A_841 = arith.xori %iota3A, %xor3A_840 : vector<16xi32>
    %lt3A_842 = arith.constant 0 : i32
    %lt3A_843 = vector.broadcast %lt3A_842 : i32 to vector<16xi32>
    %lt3A_844 = arith.cmpi slt, %xor3A_841, %lt3A_843 : vector<16xi32>
    %add3A_845 = arith.constant 16 : i32
    %add3A_846 = vector.broadcast %add3A_845 : i32 to vector<16xi32>
    %add3A_847 = arith.addi %xor3A_841, %add3A_846 : vector<16xi32>
    %select_n3A_848 = arith.select %lt3A_844, %add3A_847, %xor3A_841 : vector<16xi1>, vector<16xi32>
    %broadcast_in_dim3A_849 = vector.shape_cast %select_n3A_848 : vector<16xi32> to vector<16x1xi32>
    %gather3A_850 = vector.shape_cast %broadcast_in_dim3A_849 : vector<16x1xi32> to vector<16xi32>
    %gather3A_851 = tpu.dynamic_gather %parallel_loop3A_835#0[%gather3A_850] in [0] : vector<16xf32>, vector<16xi32> -> vector<16xf32>
    %add3A_852 = arith.addf %parallel_loop3A_835#0, %gather3A_851 : vector<16xf32>
    %xor3A_853 = arith.constant 2 : i32
    %xor3A_854 = vector.broadcast %xor3A_853 : i32 to vector<16xi32>
    %xor3A_855 = arith.xori %iota3A, %xor3A_854 : vector<16xi32>
    %lt3A_856 = arith.constant 0 : i32
    %lt3A_857 = vector.broadcast %lt3A_856 : i32 to vector<16xi32>
    %lt3A_858 = arith.cmpi slt, %xor3A_855, %lt3A_857 : vector<16xi32>
    %add3A_859 = arith.constant 16 : i32
    %add3A_860 = vector.broadcast %add3A_859 : i32 to vector<16xi32>
    %add3A_861 = arith.addi %xor3A_855, %add3A_860 : vector<16xi32>
    %select_n3A_862 = arith.select %lt3A_858, %add3A_861, %xor3A_855 : vector<16xi1>, vector<16xi32>
    %broadcast_in_dim3A_863 = vector.shape_cast %select_n3A_862 : vector<16xi32> to vector<16x1xi32>
    %gather3A_864 = vector.shape_cast %broadcast_in_dim3A_863 : vector<16x1xi32> to vector<16xi32>
    %gather3A_865 = tpu.dynamic_gather %add3A_852[%gather3A_864] in [0] : vector<16xf32>, vector<16xi32> -> vector<16xf32>
    %add3A_866 = arith.addf %add3A_852, %gather3A_865 : vector<16xf32>
    %xor3A_867 = arith.constant 4 : i32
    %xor3A_868 = vector.broadcast %xor3A_867 : i32 to vector<16xi32>
    %xor3A_869 = arith.xori %iota3A, %xor3A_868 : vector<16xi32>
    %lt3A_870 = arith.constant 0 : i32
    %lt3A_871 = vector.broadcast %lt3A_870 : i32 to vector<16xi32>
    %lt3A_872 = arith.cmpi slt, %xor3A_869, %lt3A_871 : vector<16xi32>
    %add3A_873 = arith.constant 16 : i32
    %add3A_874 = vector.broadcast %add3A_873 : i32 to vector<16xi32>
    %add3A_875 = arith.addi %xor3A_869, %add3A_874 : vector<16xi32>
    %select_n3A_876 = arith.select %lt3A_872, %add3A_875, %xor3A_869 : vector<16xi1>, vector<16xi32>
    %broadcast_in_dim3A_877 = vector.shape_cast %select_n3A_876 : vector<16xi32> to vector<16x1xi32>
    %gather3A_878 = vector.shape_cast %broadcast_in_dim3A_877 : vector<16x1xi32> to vector<16xi32>
    %gather3A_879 = tpu.dynamic_gather %add3A_866[%gather3A_878] in [0] : vector<16xf32>, vector<16xi32> -> vector<16xf32>
    %add3A_880 = arith.addf %add3A_866, %gather3A_879 : vector<16xf32>
    %xor3A_881 = arith.constant 8 : i32
    %xor3A_882 = vector.broadcast %xor3A_881 : i32 to vector<16xi32>
    %xor3A_883 = arith.xori %iota3A, %xor3A_882 : vector<16xi32>
    %lt3A_884 = arith.constant 0 : i32
    %lt3A_885 = vector.broadcast %lt3A_884 : i32 to vector<16xi32>
    %lt3A_886 = arith.cmpi slt, %xor3A_883, %lt3A_885 : vector<16xi32>
    %add3A_887 = arith.constant 16 : i32
    %add3A_888 = vector.broadcast %add3A_887 : i32 to vector<16xi32>
    %add3A_889 = arith.addi %xor3A_883, %add3A_888 : vector<16xi32>
    %select_n3A_890 = arith.select %lt3A_886, %add3A_889, %xor3A_883 : vector<16xi1>, vector<16xi32>
    %broadcast_in_dim3A_891 = vector.shape_cast %select_n3A_890 : vector<16xi32> to vector<16x1xi32>
    %gather3A_892 = vector.shape_cast %broadcast_in_dim3A_891 : vector<16x1xi32> to vector<16xi32>
    %gather3A_893 = tpu.dynamic_gather %add3A_880[%gather3A_892] in [0] : vector<16xf32>, vector<16xi32> -> vector<16xf32>
    %add3A_894 = arith.addf %add3A_880, %gather3A_893 : vector<16xf32>
    %eq3A_895 = arith.constant 1 : i32
    %eq3A_896 = vector.broadcast %eq3A_895 : i32 to vector<16xi32>
    %eq3A_897 = arith.cmpi eq, %iota3A, %eq3A_896 : vector<16xi32>
    %xor3A_898 = arith.constant 1 : i32
    %xor3A_899 = vector.broadcast %xor3A_898 : i32 to vector<16xi32>
    %xor3A_900 = arith.xori %iota3A, %xor3A_899 : vector<16xi32>
    %lt3A_901 = arith.constant 0 : i32
    %lt3A_902 = vector.broadcast %lt3A_901 : i32 to vector<16xi32>
    %lt3A_903 = arith.cmpi slt, %xor3A_900, %lt3A_902 : vector<16xi32>
    %add3A_904 = arith.constant 16 : i32
    %add3A_905 = vector.broadcast %add3A_904 : i32 to vector<16xi32>
    %add3A_906 = arith.addi %xor3A_900, %add3A_905 : vector<16xi32>
    %select_n3A_907 = arith.select %lt3A_903, %add3A_906, %xor3A_900 : vector<16xi1>, vector<16xi32>
    %broadcast_in_dim3A_908 = vector.shape_cast %select_n3A_907 : vector<16xi32> to vector<16x1xi32>
    %gather3A_909 = vector.shape_cast %broadcast_in_dim3A_908 : vector<16x1xi32> to vector<16xi32>
    %gather3A_910 = tpu.dynamic_gather %parallel_loop3A_835#1[%gather3A_909] in [0] : vector<16xf32>, vector<16xi32> -> vector<16xf32>
    %add3A_911 = arith.addf %parallel_loop3A_835#1, %gather3A_910 : vector<16xf32>
    %xor3A_912 = arith.constant 2 : i32
    %xor3A_913 = vector.broadcast %xor3A_912 : i32 to vector<16xi32>
    %xor3A_914 = arith.xori %iota3A, %xor3A_913 : vector<16xi32>
    %lt3A_915 = arith.constant 0 : i32
    %lt3A_916 = vector.broadcast %lt3A_915 : i32 to vector<16xi32>
    %lt3A_917 = arith.cmpi slt, %xor3A_914, %lt3A_916 : vector<16xi32>
    %add3A_918 = arith.constant 16 : i32
    %add3A_919 = vector.broadcast %add3A_918 : i32 to vector<16xi32>
    %add3A_920 = arith.addi %xor3A_914, %add3A_919 : vector<16xi32>
    %select_n3A_921 = arith.select %lt3A_917, %add3A_920, %xor3A_914 : vector<16xi1>, vector<16xi32>
    %broadcast_in_dim3A_922 = vector.shape_cast %select_n3A_921 : vector<16xi32> to vector<16x1xi32>
    %gather3A_923 = vector.shape_cast %broadcast_in_dim3A_922 : vector<16x1xi32> to vector<16xi32>
    %gather3A_924 = tpu.dynamic_gather %add3A_911[%gather3A_923] in [0] : vector<16xf32>, vector<16xi32> -> vector<16xf32>
    %add3A_925 = arith.addf %add3A_911, %gather3A_924 : vector<16xf32>
    %xor3A_926 = arith.constant 4 : i32
    %xor3A_927 = vector.broadcast %xor3A_926 : i32 to vector<16xi32>
    %xor3A_928 = arith.xori %iota3A, %xor3A_927 : vector<16xi32>
    %lt3A_929 = arith.constant 0 : i32
    %lt3A_930 = vector.broadcast %lt3A_929 : i32 to vector<16xi32>
    %lt3A_931 = arith.cmpi slt, %xor3A_928, %lt3A_930 : vector<16xi32>
    %add3A_932 = arith.constant 16 : i32
    %add3A_933 = vector.broadcast %add3A_932 : i32 to vector<16xi32>
    %add3A_934 = arith.addi %xor3A_928, %add3A_933 : vector<16xi32>
    %select_n3A_935 = arith.select %lt3A_931, %add3A_934, %xor3A_928 : vector<16xi1>, vector<16xi32>
    %broadcast_in_dim3A_936 = vector.shape_cast %select_n3A_935 : vector<16xi32> to vector<16x1xi32>
    %gather3A_937 = vector.shape_cast %broadcast_in_dim3A_936 : vector<16x1xi32> to vector<16xi32>
    %gather3A_938 = tpu.dynamic_gather %add3A_925[%gather3A_937] in [0] : vector<16xf32>, vector<16xi32> -> vector<16xf32>
    %add3A_939 = arith.addf %add3A_925, %gather3A_938 : vector<16xf32>
    %xor3A_940 = arith.constant 8 : i32
    %xor3A_941 = vector.broadcast %xor3A_940 : i32 to vector<16xi32>
    %xor3A_942 = arith.xori %iota3A, %xor3A_941 : vector<16xi32>
    %lt3A_943 = arith.constant 0 : i32
    %lt3A_944 = vector.broadcast %lt3A_943 : i32 to vector<16xi32>
    %lt3A_945 = arith.cmpi slt, %xor3A_942, %lt3A_944 : vector<16xi32>
    %add3A_946 = arith.constant 16 : i32
    %add3A_947 = vector.broadcast %add3A_946 : i32 to vector<16xi32>
    %add3A_948 = arith.addi %xor3A_942, %add3A_947 : vector<16xi32>
    %select_n3A_949 = arith.select %lt3A_945, %add3A_948, %xor3A_942 : vector<16xi1>, vector<16xi32>
    %broadcast_in_dim3A_950 = vector.shape_cast %select_n3A_949 : vector<16xi32> to vector<16x1xi32>
    %gather3A_951 = vector.shape_cast %broadcast_in_dim3A_950 : vector<16x1xi32> to vector<16xi32>
    %gather3A_952 = tpu.dynamic_gather %add3A_939[%gather3A_951] in [0] : vector<16xf32>, vector<16xi32> -> vector<16xf32>
    %add3A_953 = arith.addf %add3A_939, %gather3A_952 : vector<16xf32>
    %jit3A_954 = arith.constant 0.000000e+00 : f32
    %broadcast_in_dim3A_955 = vector.broadcast %jit3A_954 : f32 to vector<16xf32>
    %select_n3A_956 = arith.select %eq3A_897, %add3A_953, %broadcast_in_dim3A_955 : vector<16xi1>, vector<16xf32>
    %select_n3A_957 = arith.select %eq3A_838, %add3A_894, %select_n3A_956 : vector<16xi1>, vector<16xf32>
    %swap3A_958 = arith.constant 0 : index
    %swap3A_959 = tpu.vector_load %arg18[%swap3A_958] {strides = array<i32>} : memref<16xf32, #tpu.memory_space<vmem>>, vector<16xf32>,
    tpu.vector_store %arg18[%swap3A_958], %select_n3A_957 {strides = array<i32>} : memref<16xf32, #tpu.memory_space<vmem>>, vector<16xf32>,
    %mul3A_960 = arith.constant 16 : i32
    %mul3A_961 = arith.muli %arg1, %mul3A_960 : i32
    %add3A_962 = arith.constant 768 : i32
    %add3A_963 = arith.addi %add3A_962, %mul3A_961 : i32
    "tpu.region"() ({
      %run_scoped3A = tpu.sem_alloc : memref<!tpu.dma_semaphore, #tpu.memory_space<semaphore_mem>>
      %dma_start3A_1063 = tpu.memref_slice %arg26[%add3A_963] : memref<1024xf32, #tpu.memory_space<vmem_shared>> -> memref<16xf32, #tpu.memory_space<vmem_shared>>
      %dma_start3A_1064 = tpu.memref_slice %arg26[%add3A_963] : memref<1024xf32, #tpu.memory_space<vmem_shared>> -> memref<16xf32, #tpu.memory_space<vmem_shared>>
      tpu.enqueue_dma source(%arg18 : memref<16xf32, #tpu.memory_space<vmem>>) target(%dma_start3A_1064 : memref<16xf32, #tpu.memory_space<vmem_shared>>) target_semaphore(%run_scoped3A : memref<!tpu.dma_semaphore, #tpu.memory_space<semaphore_mem>>)
      %dma_wait3A_1065 = tpu.memref_slice %arg26[%add3A_963] : memref<1024xf32, #tpu.memory_space<vmem_shared>> -> memref<16xf32, #tpu.memory_space<vmem_shared>>
      %dma_wait3A_1066 = tpu.memref_slice %arg26[%add3A_963] : memref<1024xf32, #tpu.memory_space<vmem_shared>> -> memref<16xf32, #tpu.memory_space<vmem_shared>>
      tpu.wait_dma2 semaphore(%run_scoped3A : memref<!tpu.dma_semaphore, #tpu.memory_space<semaphore_mem>>) src(%arg18 : memref<16xf32, #tpu.memory_space<vmem>>) dst(%dma_wait3A_1066 : memref<16xf32, #tpu.memory_space<vmem_shared>>)
      tpu.yield
    }) : () -> ()
    %barrier3A_964 = arith.constant 0 : index
    tpu.barrier barrier_id(%barrier3A_964)
    "tpu.region"() ({
      %run_scoped3A = tpu.sem_alloc : memref<!tpu.dma_semaphore, #tpu.memory_space<semaphore_mem>>
      %dma_start3A_1063 = arith.constant 768 : i32
      %dma_start3A_1064 = tpu.memref_slice %arg26[%dma_start3A_1063] : memref<1024xf32, #tpu.memory_space<vmem_shared>> -> memref<256xf32, #tpu.memory_space<vmem_shared>>
      %dma_start3A_1065 = arith.constant 768 : i32
      %dma_start3A_1066 = tpu.memref_slice %arg26[%dma_start3A_1065] : memref<1024xf32, #tpu.memory_space<vmem_shared>> -> memref<256xf32, #tpu.memory_space<vmem_shared>>
      tpu.enqueue_dma source(%dma_start3A_1066 : memref<256xf32, #tpu.memory_space<vmem_shared>>) target(%arg19 : memref<256xf32, #tpu.memory_space<vmem>>) target_semaphore(%run_scoped3A : memref<!tpu.dma_semaphore, #tpu.memory_space<semaphore_mem>>)
      %dma_wait3A_1067 = arith.constant 768 : i32
      %dma_wait3A_1068 = tpu.memref_slice %arg26[%dma_wait3A_1067] : memref<1024xf32, #tpu.memory_space<vmem_shared>> -> memref<256xf32, #tpu.memory_space<vmem_shared>>
      %dma_wait3A_1069 = arith.constant 768 : i32
      %dma_wait3A_1070 = tpu.memref_slice %arg26[%dma_wait3A_1069] : memref<1024xf32, #tpu.memory_space<vmem_shared>> -> memref<256xf32, #tpu.memory_space<vmem_shared>>
      tpu.wait_dma2 semaphore(%run_scoped3A : memref<!tpu.dma_semaphore, #tpu.memory_space<semaphore_mem>>) src(%dma_wait3A_1070 : memref<256xf32, #tpu.memory_space<vmem_shared>>) dst(%arg19 : memref<256xf32, #tpu.memory_space<vmem>>)
      tpu.yield
    }) : () -> ()
    %scan3A_965 = arith.constant 0 : i32
    %scan3A_966 = arith.constant 16 : i32
    %scan3A_967 = arith.addi %scan3A_965, %scan3A_966 : i32
    %scan3A_968 = arith.constant 1 : i32
    %scan3A_969 = scf.for %scan3A_1063 = %scan3A_965 to %scan3A_967 step %scan3A_968 iter_args(%scan3A_1064 = %broadcast_in_dim3A_0) -> (vector<16xf32>)  : i32 {
      %mul3A_1065 = arith.constant 16 : i32
      %mul3A_1066 = arith.muli %scan3A_1063, %mul3A_1065 : i32
      %get3A_1067 = arith.index_cast %mul3A_1066 : i32 to index
      %get3A_1068 = tpu.vector_load %arg19[%get3A_1067] {strides = array<i32>} : memref<256xf32, #tpu.memory_space<vmem>>, vector<16xf32>,
      %add3A_1069 = arith.addf %scan3A_1064, %get3A_1068 : vector<16xf32>
      scf.yield %add3A_1069 : vector<16xf32>
    }
    %scan3A_970 = arith.constant 16 : i32
    %broadcast_in_dim3A_971 = arith.constant 0 : i32
    %broadcast_in_dim3A_972 = vector.broadcast %broadcast_in_dim3A_971 : i32 to vector<16xi32>
    %lt3A_973 = arith.constant 0 : i32
    %lt3A_974 = vector.broadcast %lt3A_973 : i32 to vector<16xi32>
    %lt3A_975 = arith.cmpi slt, %broadcast_in_dim3A_972, %lt3A_974 : vector<16xi32>
    %add3A_976 = arith.constant 16 : i32
    %add3A_977 = vector.broadcast %add3A_976 : i32 to vector<16xi32>
    %add3A_978 = arith.addi %broadcast_in_dim3A_972, %add3A_977 : vector<16xi32>
    %select_n3A_979 = arith.select %lt3A_975, %add3A_978, %broadcast_in_dim3A_972 : vector<16xi1>, vector<16xi32>
    %broadcast_in_dim3A_980 = vector.shape_cast %select_n3A_979 : vector<16xi32> to vector<16x1xi32>
    %gather3A_981 = vector.shape_cast %broadcast_in_dim3A_980 : vector<16x1xi32> to vector<16xi32>
    %gather3A_982 = tpu.dynamic_gather %scan3A_969[%gather3A_981] in [0] : vector<16xf32>, vector<16xi32> -> vector<16xf32>
    %div3A_983 = arith.constant 1.000000e+04 : f32
    %div3A_984 = vector.broadcast %div3A_983 : f32 to vector<16xf32>
    %div3A_985 = arith.divf %gather3A_982, %div3A_984 : vector<16xf32>
    %broadcast_in_dim3A_986 = arith.constant 1 : i32
    %broadcast_in_dim3A_987 = vector.broadcast %broadcast_in_dim3A_986 : i32 to vector<16xi32>
    %lt3A_988 = arith.constant 0 : i32
    %lt3A_989 = vector.broadcast %lt3A_988 : i32 to vector<16xi32>
    %lt3A_990 = arith.cmpi slt, %broadcast_in_dim3A_987, %lt3A_989 : vector<16xi32>
    %add3A_991 = arith.constant 16 : i32
    %add3A_992 = vector.broadcast %add3A_991 : i32 to vector<16xi32>
    %add3A_993 = arith.addi %broadcast_in_dim3A_987, %add3A_992 : vector<16xi32>
    %select_n3A_994 = arith.select %lt3A_990, %add3A_993, %broadcast_in_dim3A_987 : vector<16xi1>, vector<16xi32>
    %broadcast_in_dim3A_995 = vector.shape_cast %select_n3A_994 : vector<16xi32> to vector<16x1xi32>
    %gather3A_996 = vector.shape_cast %broadcast_in_dim3A_995 : vector<16x1xi32> to vector<16xi32>
    %gather3A_997 = tpu.dynamic_gather %scan3A_969[%gather3A_996] in [0] : vector<16xf32>, vector<16xi32> -> vector<16xf32>
    %div3A_998 = arith.constant 1.000000e+04 : f32
    %div3A_999 = vector.broadcast %div3A_998 : f32 to vector<16xf32>
    %div3A_1000 = arith.divf %gather3A_997, %div3A_999 : vector<16xf32>
    %mul3A_1001 = arith.mulf %div3A_985, %div3A_985 : vector<16xf32>
    %sub3A_1002 = arith.subf %div3A_1000, %mul3A_1001 : vector<16xf32>
    %add3A_1003 = arith.constant 9.99999974E-6 : f32
    %add3A_1004 = vector.broadcast %add3A_1003 : f32 to vector<16xf32>
    %add3A_1005 = arith.addf %sub3A_1002, %add3A_1004 : vector<16xf32>
    %bitcast3A_1006 = vector.bitcast %add3A_1005 : vector<16xf32> to vector<16xi32>
    %shift_right_arithmetic3A_1007 = arith.constant 1 : i32
    %shift_right_arithmetic3A_1008 = vector.broadcast %shift_right_arithmetic3A_1007 : i32 to vector<16xi32>
    %shift_right_arithmetic3A_1009 = arith.shrsi %bitcast3A_1006, %shift_right_arithmetic3A_1008 : vector<16xi32>
    %sub3A_1010 = arith.constant 1597463007 : i32
    %sub3A_1011 = vector.broadcast %sub3A_1010 : i32 to vector<16xi32>
    %sub3A_1012 = arith.subi %sub3A_1011, %shift_right_arithmetic3A_1009 : vector<16xi32>
    %bitcast3A_1013 = vector.bitcast %sub3A_1012 : vector<16xi32> to vector<16xf32>
    %mul3A_1014 = arith.constant 5.000000e-01 : f32
    %mul3A_1015 = vector.broadcast %mul3A_1014 : f32 to vector<16xf32>
    %mul3A_1016 = arith.mulf %mul3A_1015, %add3A_1005 : vector<16xf32>
    %mul3A_1017 = arith.mulf %mul3A_1016, %bitcast3A_1013 : vector<16xf32>
    %mul3A_1018 = arith.mulf %mul3A_1017, %bitcast3A_1013 : vector<16xf32>
    %sub3A_1019 = arith.constant 1.500000e+00 : f32
    %sub3A_1020 = vector.broadcast %sub3A_1019 : f32 to vector<16xf32>
    %sub3A_1021 = arith.subf %sub3A_1020, %mul3A_1018 : vector<16xf32>
    %mul3A_1022 = arith.mulf %bitcast3A_1013, %sub3A_1021 : vector<16xf32>
    %mul3A_1023 = arith.constant 5.000000e-01 : f32
    %mul3A_1024 = vector.broadcast %mul3A_1023 : f32 to vector<16xf32>
    %mul3A_1025 = arith.mulf %mul3A_1024, %add3A_1005 : vector<16xf32>
    %mul3A_1026 = arith.mulf %mul3A_1025, %mul3A_1022 : vector<16xf32>
    %mul3A_1027 = arith.mulf %mul3A_1026, %mul3A_1022 : vector<16xf32>
    %sub3A_1028 = arith.constant 1.500000e+00 : f32
    %sub3A_1029 = vector.broadcast %sub3A_1028 : f32 to vector<16xf32>
    %sub3A_1030 = arith.subf %sub3A_1029, %mul3A_1027 : vector<16xf32>
    %mul3A_1031 = arith.mulf %mul3A_1022, %sub3A_1030 : vector<16xf32>
    %mul3A_1032 = arith.constant 5.000000e-01 : f32
    %mul3A_1033 = vector.broadcast %mul3A_1032 : f32 to vector<16xf32>
    %mul3A_1034 = arith.mulf %mul3A_1033, %add3A_1005 : vector<16xf32>
    %mul3A_1035 = arith.mulf %mul3A_1034, %mul3A_1031 : vector<16xf32>
    %mul3A_1036 = arith.mulf %mul3A_1035, %mul3A_1031 : vector<16xf32>
    %sub3A_1037 = arith.constant 1.500000e+00 : f32
    %sub3A_1038 = vector.broadcast %sub3A_1037 : f32 to vector<16xf32>
    %sub3A_1039 = arith.subf %sub3A_1038, %mul3A_1036 : vector<16xf32>
    %mul3A_1040 = arith.mulf %mul3A_1031, %sub3A_1039 : vector<16xf32>
    %mul3A_1041 = arith.constant 5.000000e-01 : f32
    %mul3A_1042 = vector.broadcast %mul3A_1041 : f32 to vector<16xf32>
    %mul3A_1043 = arith.mulf %mul3A_1042, %add3A_1005 : vector<16xf32>
    %mul3A_1044 = arith.mulf %mul3A_1043, %mul3A_1040 : vector<16xf32>
    %mul3A_1045 = arith.mulf %mul3A_1044, %mul3A_1040 : vector<16xf32>
    %sub3A_1046 = arith.constant 1.500000e+00 : f32
    %sub3A_1047 = vector.broadcast %sub3A_1046 : f32 to vector<16xf32>
    %sub3A_1048 = arith.subf %sub3A_1047, %mul3A_1045 : vector<16xf32>
    %mul3A_1049 = arith.mulf %mul3A_1040, %sub3A_1048 : vector<16xf32>
    %parallel_loop3A_1050 = arith.constant 0 : i32
    %parallel_loop3A_1051 = arith.constant 40 : i32
    %parallel_loop3A_1052 = arith.constant 1 : i32
    %parallel_loop3A_1053 = scf.for %parallel_loop3A_1063 = %parallel_loop3A_1050 to %parallel_loop3A_1051 step %parallel_loop3A_1052 iter_args(%parallel_loop3A_1064 = %broadcast_in_dim3A_0) -> (vector<16xf32>)  : i32 {
      %parallel_loop3A_1065 = arith.constant 16 : i32
      %parallel_loop3A_1066 = arith.muli %parallel_loop3A_1063, %parallel_loop3A_1065 : i32
      %parallel_loop3A_1067 = arith.index_cast %parallel_loop3A_1066 : i32 to index
      %parallel_loop3A_1068 = tpu.vector_load %arg15[%parallel_loop3A_1067] {strides = array<i32>} : memref<10240xf32, #tpu.memory_space<vmem>>, vector<16xf32>,
      %parallel_loop3A_1069 = arith.subf %parallel_loop3A_1068, %div3A_985 : vector<16xf32>
      %parallel_loop3A_1070 = arith.mulf %gather3A_111, %parallel_loop3A_1069 : vector<16xf32>
      %parallel_loop3A_1071 = arith.mulf %parallel_loop3A_1070, %mul3A_1049 : vector<16xf32>
      %parallel_loop3A_1072 = arith.addf %parallel_loop3A_1071, %gather3A_123 : vector<16xf32>
      %parallel_loop3A_1073 = arith.constant 0.000000e+00 : f32
      %parallel_loop3A_1074 = vector.broadcast %parallel_loop3A_1073 : f32 to vector<16xf32>
      %parallel_loop3A_1075 = arith.maximumf %parallel_loop3A_1072, %parallel_loop3A_1074 : vector<16xf32>
      %parallel_loop3A_1076 = arith.index_cast %parallel_loop3A_1066 : i32 to index
      %parallel_loop3A_1077 = tpu.vector_load %arg15[%parallel_loop3A_1076] {strides = array<i32>} : memref<10240xf32, #tpu.memory_space<vmem>>, vector<16xf32>,
      tpu.vector_store %arg15[%parallel_loop3A_1076], %parallel_loop3A_1075 {strides = array<i32>} : memref<10240xf32, #tpu.memory_space<vmem>>, vector<16xf32>,
      %parallel_loop3A_1078 = arith.maximumf %parallel_loop3A_1064, %parallel_loop3A_1075 : vector<16xf32>
      scf.yield %parallel_loop3A_1078 : vector<16xf32>
    } {sc.loop_unroll_factor = 8 : i64, sc.parallel_access}
    %eq3A_1054 = arith.constant 15 : i32
    %eq3A_1055 = arith.cmpi eq, %arg1, %eq3A_1054 : i32
    %convert_element_type3A = arith.extui %eq3A_1055 : i1 to i32
    %cond3A = arith.constant 0 : i32
    %cond3A_1056 = arith.cmpi ne, %convert_element_type3A, %cond3A : i32
    scf.if %cond3A_1056 {
      "tpu.region"() ({
        %run_scoped3A = tpu.sem_alloc : memref<!tpu.dma_semaphore, #tpu.memory_space<semaphore_mem>>
        %dma_start3A_1063 = arith.constant 0 : i32
        %dma_start3A_1064 = tpu.memref_slice %arg15[%dma_start3A_1063] : memref<10240xf32, #tpu.memory_space<vmem>> -> memref<400xf32, #tpu.memory_space<vmem>>
        %dma_start3A_1065 = arith.constant 9600 : i32
        %dma_start3A_1066 = tpu.memref_slice %arg7[%dma_start3A_1065] : memref<10000xf32, #tpu.memory_space<hbm>> -> memref<400xf32, #tpu.memory_space<hbm>>
        %dma_start3A_1067 = arith.constant 9600 : i32
        %dma_start3A_1068 = tpu.memref_slice %arg7[%dma_start3A_1067] : memref<10000xf32, #tpu.memory_space<hbm>> -> memref<400xf32, #tpu.memory_space<hbm>>
        %dma_start3A_1069 = arith.constant 0 : i32
        %dma_start3A_1070 = tpu.memref_slice %arg15[%dma_start3A_1069] : memref<10240xf32, #tpu.memory_space<vmem>> -> memref<400xf32, #tpu.memory_space<vmem>>
        tpu.enqueue_dma source(%dma_start3A_1070 : memref<400xf32, #tpu.memory_space<vmem>>) target(%dma_start3A_1068 : memref<400xf32, #tpu.memory_space<hbm>>) target_semaphore(%run_scoped3A : memref<!tpu.dma_semaphore, #tpu.memory_space<semaphore_mem>>)
        %dma_wait3A_1071 = arith.constant 0 : i32
        %dma_wait3A_1072 = tpu.memref_slice %arg15[%dma_wait3A_1071] : memref<10240xf32, #tpu.memory_space<vmem>> -> memref<400xf32, #tpu.memory_space<vmem>>
        %dma_wait3A_1073 = arith.constant 9600 : i32
        %dma_wait3A_1074 = tpu.memref_slice %arg7[%dma_wait3A_1073] : memref<10000xf32, #tpu.memory_space<hbm>> -> memref<400xf32, #tpu.memory_space<hbm>>
        %dma_wait3A_1075 = arith.constant 9600 : i32
        %dma_wait3A_1076 = tpu.memref_slice %arg7[%dma_wait3A_1075] : memref<10000xf32, #tpu.memory_space<hbm>> -> memref<400xf32, #tpu.memory_space<hbm>>
        %dma_wait3A_1077 = arith.constant 0 : i32
        %dma_wait3A_1078 = tpu.memref_slice %arg15[%dma_wait3A_1077] : memref<10240xf32, #tpu.memory_space<vmem>> -> memref<400xf32, #tpu.memory_space<vmem>>
        tpu.wait_dma2 semaphore(%run_scoped3A : memref<!tpu.dma_semaphore, #tpu.memory_space<semaphore_mem>>) src(%dma_wait3A_1078 : memref<400xf32, #tpu.memory_space<vmem>>) dst(%dma_wait3A_1076 : memref<400xf32, #tpu.memory_space<hbm>>)
        tpu.yield
      }) : () -> ()
    } else {
    }
    %ne3A = arith.constant 15 : i32
    %ne3A_1057 = arith.cmpi ne, %arg1, %ne3A : i32
    %convert_element_type3A_1058 = arith.extui %ne3A_1057 : i1 to i32
    %cond3A_1059 = arith.constant 0 : i32
    %cond3A_1060 = arith.cmpi ne, %convert_element_type3A_1058, %cond3A_1059 : i32
    scf.if %cond3A_1060 {
      %mul3A_1063 = arith.constant 640 : i32
      %mul3A_1064 = arith.muli %arg1, %mul3A_1063 : i32
      "tpu.region"() ({
        %run_scoped3A = tpu.sem_alloc : memref<!tpu.dma_semaphore, #tpu.memory_space<semaphore_mem>>
        %dma_start3A_1065 = arith.constant 0 : i32
        %dma_start3A_1066 = tpu.memref_slice %arg15[%dma_start3A_1065] : memref<10240xf32, #tpu.memory_space<vmem>> -> memref<640xf32, #tpu.memory_space<vmem>>
        %dma_start3A_1067 = tpu.memref_slice %arg7[%mul3A_1064] : memref<10000xf32, #tpu.memory_space<hbm>> -> memref<640xf32, #tpu.memory_space<hbm>>
        %dma_start3A_1068 = tpu.memref_slice %arg7[%mul3A_1064] : memref<10000xf32, #tpu.memory_space<hbm>> -> memref<640xf32, #tpu.memory_space<hbm>>
        %dma_start3A_1069 = arith.constant 0 : i32
        %dma_start3A_1070 = tpu.memref_slice %arg15[%dma_start3A_1069] : memref<10240xf32, #tpu.memory_space<vmem>> -> memref<640xf32, #tpu.memory_space<vmem>>
        tpu.enqueue_dma source(%dma_start3A_1070 : memref<640xf32, #tpu.memory_space<vmem>>) target(%dma_start3A_1068 : memref<640xf32, #tpu.memory_space<hbm>>) target_semaphore(%run_scoped3A : memref<!tpu.dma_semaphore, #tpu.memory_space<semaphore_mem>>)
        %dma_wait3A_1071 = arith.constant 0 : i32
        %dma_wait3A_1072 = tpu.memref_slice %arg15[%dma_wait3A_1071] : memref<10240xf32, #tpu.memory_space<vmem>> -> memref<640xf32, #tpu.memory_space<vmem>>
        %dma_wait3A_1073 = tpu.memref_slice %arg7[%mul3A_1064] : memref<10000xf32, #tpu.memory_space<hbm>> -> memref<640xf32, #tpu.memory_space<hbm>>
        %dma_wait3A_1074 = tpu.memref_slice %arg7[%mul3A_1064] : memref<10000xf32, #tpu.memory_space<hbm>> -> memref<640xf32, #tpu.memory_space<hbm>>
        %dma_wait3A_1075 = arith.constant 0 : i32
        %dma_wait3A_1076 = tpu.memref_slice %arg15[%dma_wait3A_1075] : memref<10240xf32, #tpu.memory_space<vmem>> -> memref<640xf32, #tpu.memory_space<vmem>>
        tpu.wait_dma2 semaphore(%run_scoped3A : memref<!tpu.dma_semaphore, #tpu.memory_space<semaphore_mem>>) src(%dma_wait3A_1076 : memref<640xf32, #tpu.memory_space<vmem>>) dst(%dma_wait3A_1074 : memref<640xf32, #tpu.memory_space<hbm>>)
        tpu.yield
      }) : () -> ()
    } else {
    }
    %dma_wait3A_1061 = tpu.memref_slice %arg8[%mul3A_774] : memref<320000xf32, #tpu.memory_space<hbm>> -> memref<20000xf32, #tpu.memory_space<hbm>>
    %dma_wait3A_1062 = tpu.memref_slice %arg8[%mul3A_774] : memref<320000xf32, #tpu.memory_space<hbm>> -> memref<20000xf32, #tpu.memory_space<hbm>>
    tpu.wait_dma2 semaphore(%arg22 : memref<!tpu.dma_semaphore, #tpu.memory_space<semaphore_mem>>) src(%arg13 : memref<20000xf32, #tpu.memory_space<vmem>>) dst(%dma_wait3A_1062 : memref<20000xf32, #tpu.memory_space<hbm>>)
    return
  }
}

</mosaic_0001>

<sc_bundles>
// kernel: _sc_gnn.3.cloned.1.call-start
scs
__scs_entry_jumppad:
0x0: {  	(pc) =	sbr.rel $0x88, $3  }
0x1: {  	(tag) =	ssettag $0x0;
	lr =	simm.s32 $0x1  }
0x2: {  	[smem:$0x3F9C] =	sst lr;
	_ =	strace $0xD0000000  }
0x3: {  	_ = 	snop  }
0x4: {  	_ = 	snop  }
0x5: {  	_ = 	snop  }
0x6: {  	_ = 	snop  }
0x7: {  	_ = 	snop  }
__scs_overlays_trampoline_lowered:
0x8: {  	[smem:$0x3FAB] =	sst s0  }
0x9: {  	[smem:$0x3FAC] =	sst s1  }
0xa: {  	[smem:$0x3FAD] =	sst s2  }
0xb: {  	[smem:$0x3FAE] =	sst s3  }
0xc: {  	[smem:$0x3FAF] =	sst s4  }
0xd: {  	[smem:$0x3FB0] =	sst s5  }
0xe: {  	[smem:$0x3FB1] =	sst s6  }
0xf: {  	[smem:$0x3FB2] =	sst s7  }
0x10: {  	[smem:$0x3FB3] =	sst s8  }
0x11: {  	[smem:$0x3FB4] =	sst s9;
	s0 =	simm.s32 @!p0 $0x0  }
0x12: {  	s1 =	sld [smem:$0x3F9A];
	s0 =	simm.s32 @p0 $0x1  }
0x13: {  	[smem:$0x3FB5] =	sst s0;
	s0 =	simm.s32 @!p1 $0x0  }
0x14: {  	s2 =	sld [smem:$0x3F99];
	s0 =	simm.s32 @p1 $0x1  }
0x15: {  	[smem:$0x3FB6] =	sst s0;
	s0 =	simm.s32 @!p2 $0x0  }
0x16: {  	s3 =	sld [smem:$0x3FDB];
	s0 =	simm.s32 @p2 $0x1  }
0x17: {  	s4 =	simm.s32 $0x1BF5;
	[smem:$0x3FB8] =	sst s0  }
0x18: {  	s0 =	sld [smem:$0x3F9B];
	_ =	swait.ge [sflag:s4], $0x0  }
0x19: {  	s7 =	sld [smem:$0x3F9C]  }
0x1a: {  	s8 =	sadd.s32 $0xFFFFE003, lr  }
0x1b: {  	s9 =	sadd.s32 $0xFFFFFEF7, lr;
	s5 =	simm.s32 $0xFFFFFFFF;
	p2 =	slt.u32 s8, $0xFFFFF086  }
0x1c: {  	p1 =	slt.u32 s9, $0xF7A;
	s5 =	simm.s32 @!p2 $0x0  }
0x1d: {  	s5 =	simm.s32 @p1 $0x1;
	p0 =	seq.s32 s7, s2  }
0x1e: {  	s7 =	smul.u32 @!p0 $0xF7A, s2;
	p2 =	seq.s32 @!p0 s5, $0x0  }
0x1f: {  	s9 =	smul.u32 $0xF7A, s1;
	s8 =	simm.s32 @!p0 $0x1BF5;
	p2 =	por !p2, p0  }
0x20: {  	[sflag:s8] =	ssyncset.s32 @!p0 $0xFFFFF086;
	s6 =	sadd.s32 @!p0 s3, s7;
	s7 =	simm.s32 @!p0 $0x108  }
0x21: {  	s3 =	sadd.s32 s3, s9;
	s6 =	sadd.s32 @!p0 $0x88, s6;
	s7 =	simm.s32 @p2 $0x1082  }
0x22: {  	[simem:s7], [sflag:s8] =	dma.local @!p0 [hbm:s6], $0xF7A  }
0x23: {  	s9 =	sor.u32 $0xD0000000, s2;
	s6 =	simm.s32 $0x108;
	_ =	swait.ge @!p0 [sflag:s8], $0x0  }
0x24: {  	s3 =	sadd.s32 $0x88, s3;
	s6 =	simm.s32 @!p1 $0x1082;
	[sflag:s4] =	ssyncset.s32 $0xFFFFF086  }
0x25: {  	[simem:s6], [sflag:s4] =	dma.local [hbm:s3], $0xF7A  }
0x26: {  	[smem:$0x3F9C] =	sst s1;
	(tag) =	ssettag s2;
	_ =	strace s9  }
0x27: {  	s1 =	sld [smem:$0x3FAC]  }
0x28: {  	s2 =	sld [smem:$0x3FAD]  }
0x29: {  	s4 =	sld [smem:$0x3FAF]  }
0x2a: {  	p0 =	seq.s32 s5, $0x0;
	s5 =	sld [smem:$0x3FB0]  }
0x2b: {  	s6 =	sld [smem:$0x3FB1]  }
0x2c: {  	s7 =	sld [smem:$0x3FB2]  }
0x2d: {  	s3 =	simm.s32 $0x108;
	s8 =	sld [smem:$0x3FB3]  }
0x2e: {  	s3 =	simm.s32 @!p0 $0x1082;
	s9 =	sld [smem:$0x3FB4]  }
0x2f: {  	lr =	sadd.s32 s0, s3;
	s0 =	sld [smem:$0x3FAB]  }
0x30: {  	s3 =	sld [smem:$0x3FAE]  }
0x31: {  	[smem:$0x3FB7] =	sst s10  }
0x32: {  	s10 =	sld [smem:$0x3FB5];
	_ =	sdelay $0x3  }
0x33: {  	p0 =	seq.s32 s10, $0x1;
	s10 =	sld [smem:$0x3FB7];
	_ =	sdelay $0x3  }
0x34: {  	[smem:$0x3FB7] =	sst s10  }
0x35: {  	s10 =	sld [smem:$0x3FB6];
	_ =	sdelay $0x3  }
0x36: {  	p1 =	seq.s32 s10, $0x1;
	s10 =	sld [smem:$0x3FB7];
	_ =	sdelay $0x3  }
0x37: {  	[smem:$0x3FB7] =	sst s10  }
0x38: {  	s10 =	sld [smem:$0x3FB8]  }
0x39: {  	_ = 	snop;
	(pc) =	sbr.ind lr, $3  }
0x3a: {  	_ = 	snop  }
0x3b: {  	_ = 	snop  }
0x3c: {  	p2 =	seq.s32 s10, $0x1;
	s10 =	sld [smem:$0x3FB7]  }
0x3d: {  	_ =	shalt  }
0x3e: {  	_ =	shalt  }
0x3f: {  	_ =	shalt  }
0x40: {  	_ =	shalt  }
0x41: {  	_ =	shalt  }
0x42: {  	_ =	shalt  }
0x43: {  	_ =	shalt  }
0x44: {  	_ =	shalt  }
0x45: {  	_ =	shalt  }
0x46: {  	_ =	shalt  }
0x47: {  	_ =	shalt  }
0x48: {  	_ =	shalt  }
0x49: {  	_ =	shalt  }
0x4a: {  	_ =	shalt  }
0x4b: {  	_ =	shalt  }
0x4c: {  	_ =	shalt  }
0x4d: {  	_ =	shalt  }
0x4e: {  	_ =	shalt  }
0x4f: {  	_ =	shalt  }
0x50: {  	_ =	shalt  }
0x51: {  	_ =	shalt  }
0x52: {  	_ =	shalt  }
0x53: {  	_ =	shalt  }
0x54: {  	_ =	shalt  }
0x55: {  	_ =	shalt  }
0x56: {  	_ =	shalt  }
0x57: {  	_ =	shalt  }
0x58: {  	_ =	shalt  }
0x59: {  	_ =	shalt  }
0x5a: {  	_ =	shalt  }
0x5b: {  	_ =	shalt  }
0x5c: {  	_ =	shalt  }
0x5d: {  	_ =	shalt  }
0x5e: {  	_ =	shalt  }
0x5f: {  	_ =	shalt  }
0x60: {  	_ =	shalt  }
0x61: {  	_ =	shalt  }
0x62: {  	_ =	shalt  }
0x63: {  	_ =	shalt  }
0x64: {  	_ =	shalt  }
0x65: {  	_ =	shalt  }
0x66: {  	_ =	shalt  }
0x67: {  	_ =	shalt  }
0x68: {  	_ =	shalt  }
0x69: {  	_ =	shalt  }
0x6a: {  	_ =	shalt  }
0x6b: {  	_ =	shalt  }
0x6c: {  	_ =	shalt  }
0x6d: {  	_ =	shalt  }
0x6e: {  	_ =	shalt  }
0x6f: {  	_ =	shalt  }
0x70: {  	_ =	shalt  }
0x71: {  	_ =	shalt  }
0x72: {  	_ =	shalt  }
0x73: {  	_ =	shalt  }
0x74: {  	_ =	shalt  }
0x75: {  	_ =	shalt  }
0x76: {  	_ =	shalt  }
0x77: {  	_ =	shalt  }
0x78: {  	_ =	shalt  }
0x79: {  	_ =	shalt  }
0x7a: {  	_ =	shalt  }
0x7b: {  	_ =	shalt  }
0x7c: {  	_ =	shalt  }
0x7d: {  	_ =	shalt  }
0x7e: {  	_ =	shalt  }
0x7f: {  	_ =	shalt  }
0x80: {  	_ =	shalt  }
0x81: {  	_ =	shalt  }
0x82: {  	_ =	shalt  }
0x83: {  	_ =	shalt  }
0x84: {  	_ =	shalt  }
0x85: {  	_ =	shalt  }
0x86: {  	_ =	shalt  }
0x87: {  	_ =	shalt  }
.Lfunc_end0:
.L_simem_size_0:
called_computation_lowered:
.L_overlay_start_0:
0x88: {  	s0 =	sld [smem:$0x3FD9]  }
0x89: {  	s1 =	sld [smem:$0x3FFE];
	_ =	sdelay $0x3  }
0x8a: {  	s0 =	sadd.s32 s1, s0  }
0x8b: {  	[smem:$0x3FC3] =	sst s0  }
0x8c: {  	_ = 	snop  }
0x8d: {  	s0 =	sld [smem:$0x3FC9]  }
0x8e: {  	s14 =	sld [smem:$0x3FC8]  }
0x8f: {  	s2 =	sld [smem:$0x3FD0]  }
0x90: {  	s3 =	sld [smem:$0x3FC7]  }
0x91: {  	s4 =	sld [smem:$0x3FC6]  }
0x92: {  	s6 =	simm.s32 $0xA;
	s7 =	simm.s32 $0x10;
	s5 =	sld [smem:$0x3FC5]  }
0x93: {  	[smem:s7], [sflag:s6] =	dma.local [hbm:s2], $0x1  }
0x94: {  	_ =	swait.eq [sflag:s6], $0x1  }
0x95: {  	[sflag:s6] =	ssyncset.done $0x0  }
0x96: {  	s15 =	sld [smem:$0x10];
	[sflag:s6] =	ssyncadd.s32 $0xFFFFFFFF  }
0x97: {  	s16 =	sld [smem:$0x11];
	(tm) =	ssettm $0x1  }
0x98: {  	s17 =	sld [smem:$0x3FFB];
	_ =	sdelay $0x3  }
0x99: {  	_ =	strace s17  }
0x9a: {  	s7 =	sld [smem:$0x3FFC];
	_ =	sdelay $0x3  }
0x9b: {  	_ =	strace s7  }
0x9c: {  	s7 =	sld [smem:$0x3FFD];
	_ =	sdelay $0x3  }
0x9d: {  	_ =	strace s7  }
0x9e: {  	_ =	strace $0x8FFFFFFF  }
0x9f: {  	s18 =	sld [smem:$0x3FDB];
	_ =	sdelay $0x1  }
0xa0: {  	s8 =	simm.s32 $_scs_section_size  }
0xa1: {  	s9 =	simm.s32 $_size__tile_overlayer_lowered;
	s10 =	simm.s32 $_tile_overlayer_lowered  }
0xa2: {  	s21 =	simm.s32 $0x1BFF;
	s20 =	sshll.u32 s10, $0x1;
	s7 =	sadd.s32 s8, s18  }
0xa3: {  	s11 =	simm.s32 $0x0;
	s19 =	sshll.u32 s9, $0x1;
	s9 =	sadd.s32 s20, s7  }
0xa4: {  	[timem:s11], [sflag:s21] =	dma.local [hbm:s9], s19  }
0xa5: {  	_ =	swait.ge [sflag:s21], s19  }
0xa6: {  	s8 =	ssub.s32 $0x0, s19;
	[sflag:s21] =	ssyncset.done $0x0  }
0xa7: {  	[sflag:s21] =	ssyncadd.s32 s8;
	_ =	sdelay $0x1  }
0xa8: {  	s22 =	simm.s32 $0x1B8B  }
0xa9: {  	_ =	swait.ge [sflag:s22], $0x1  }
0xaa: {  	[sflag:s22] =	ssyncset.done $0x0  }
0xab: {  	s23 =	simm.s32 $0x1B8E;
	[sflag:s22] =	ssyncadd.s32 $0xFFFFFFFF  }
0xac: {  	s24 =	simm.s32 $execute0_lowered;
	[smem:$0x3FD2] =	sst s23  }
0xad: {  	s8 =	sshll.u32 s24, $0x1;
	_ =	strace $0x80000046;
	[dreg:$0x1] =	wrdreg $0xFFFFFFFF  }
0xae: {  	s25 =	simm.s32 $_size_execute0_lowered;
	s7 =	sadd.s32 s7, s8;
	[dreg:$0x0] =	wrdreg $0x0  }
0xaf: {  	s8 =	sshll.u32 s25, $0x1;
	[dreg:$0x2] =	wrdreg s7  }
0xb0: {  	[dreg:$0x3] =	wrdreg s8  }
0xb1: {  	[dreg:$0x4] =	wrdreg $0xC0  }
0xb2: {  	_ =	task [dreg:s11], $0x5FFFF  }
0xb3: {  	[dreg:$0x1] =	wrdreg $0xFFFFFFFF  }
0xb4: {  	[dreg:$0x0] =	wrdreg $0x60  }
0xb5: {  	[dreg:$0x2] =	wrdreg s0  }
0xb6: {  	[dreg:$0x3] =	wrdreg s14  }
0xb7: {  	[dreg:$0x4] =	wrdreg s3  }
0xb8: {  	[dreg:$0x5] =	wrdreg s4  }
0xb9: {  	[dreg:$0x6] =	wrdreg s5  }
0xba: {  	[dreg:$0x7] =	wrdreg s15  }
0xbb: {  	[dreg:$0x8] =	wrdreg s16  }
0xbc: {  	[dreg:$0x9] =	wrdreg $0x1E7800  }
0xbd: {  	[dreg:$0xa] =	wrdreg $0x1BA800  }
0xbe: {  	[dreg:$0xb] =	wrdreg $0x1E5000  }
0xbf: {  	[dreg:$0xc] =	wrdreg $0x1E2800  }
0xc0: {  	[dreg:$0xd] =	wrdreg $0x9  }
0xc1: {  	_ =	task.clear_ibuf [dreg:s11], $0xEFFFF;
	_ =	strace $0x90000046  }
0xc2: {  	s26 =	simm.s32 $0x9;
	_ =	strace $0x80000048  }
0xc3: {  	_ =	swait.ge [sflag:s26], $0x1  }
0xc4: {  	[sflag:s26] =	ssyncadd.s32 $0xFFFFFFFF  }
0xc5: {  	_ =	strace $0x90000048  }
0xc6: {  	_ =	sfence  }
0xc7: {  	s28 =	sld [smem:$0x0];
	_ =	sdelay $0x1  }
0xc8: {  	s29 =	srdreg.scid  }
0xc9: {  	s30 =	sshll.u32 s29, $0xD;
	s31 =	sshrl.u32 s29, $0x2  }
0xca: {  	s1 =	sand.u32 $0x1, s29;
	s2 =	sand.u32 $0x4000, s30;
	s0 =	sadd.s32 s31, s28  }
0xcb: {  	s1 =	sor.u32 s2, s1;
	s0 =	sshll.u32 s0, $0x11  }
0xcc: {  	s0 =	sor.u32 s0, s1  }
0xcd: {  	s0 =	sadd.s32 $0x8F2B, s0  }
0xce: {  	[sflag:s0] =	ssyncadd.remote.s32 $0x1  }
0xcf: {  	_ =	sfence.sel $0xFFFF  }
0xd0: {  	[dreg:$0x0] =	wrdreg $0xFFFFFFFF;
	(pc) =	sbr.abs _section_cstart, $3  }
0xd1: {  	[dreg:$0x1] =	wrdreg $0xFFFFFFFF  }
0xd2: {  	_ =	task.clear_ibuf [dreg:s11], $0x2FFFF;
	_ =	strace $0x9FFFFFFF  }
0xd3: {  	(tm) =	ssettm $0x7FFFFFFF  }
tec
execute0_lowered:
.L_overlay_start_1:
0x0: {  	(tag) =	ssettag $0x1  }
0x1: {  	s3 =	rddreg [dreg:$0x0]  }
0x2: {  	s5 =	rddreg [dreg:$0x1]  }
0x3: {  	s11 =	rddreg [dreg:$0x2]  }
0x4: {  	s12 =	rddreg [dreg:$0x3]  }
0x5: {  	s13 =	rddreg [dreg:$0x4]  }
0x6: {  	s2 =	rddreg [dreg:$0x5]  }
0x7: {  	s6 =	rddreg [dreg:$0x6]  }
0x8: {  	s4 =	rddreg [dreg:$0x7]  }
0x9: {  	s8 =	rddreg [dreg:$0x8]  }
0xa: {  	s10 =	rddreg [dreg:$0x9]  }
0xb: {  	s9 =	rddreg [dreg:$0xa];
	s1 =	stileid.u32  }
0xc: {  	s0 =	rddreg [dreg:$0xb];
	s14 =	simm.s32 $0x0;
	s7 =	smul.u32 $0x9C4, s1  }
0xd: {  	[smem:$0x7FF] =	sst s14  }
0xe: {  	s15 =	simm.s32 $0x7800;
	_ =	strace $0x80000047;
	s11 =	sadd.s32 s11, s7  }
0xf: {  	[tilespmem:s15], [sflag:$0x1] =	stream.linear.gather [hbm4b:s11+s14], $0x4E20, $0x38;
	[tilespmem:$0x1E7C0] =	vst v63  }
0x10: {  	s28 =	simm.s32 $0xC680;
	s26 =	sadd.s32 s12, s7  }
0x11: {  	[tilespmem:s28], [sflag:$0x1] =	stream.linear.gather [hbm4b:s26+s14], $0x4E20, $0x38;
	[tilespmem:$0x1E7C0] =	vst v63  }
0x12: {  	s29 =	simm.s32 $0x1BA00;
	s30 =	simm.s32 $0x3  }
0x13: {  	[tilespmem:s29], [sflag:$0x3] =	stream.linear.gather [hbm4b:s13+s14], $0x80, $0x38;
	[tilespmem:$0x1E7C0] =	vst v63  }
0x14: {  	_ =	swait.ge [sflag:s30], $0x80  }
0x15: {  	[sflag:s30] =	ssyncset.done $0x0  }
0x16: {  	[sflag:s30] =	ssyncadd.s32 $0xFFFFFF80  }
0x17: {  	[tilespmem:s14], [sflag:$0x3] =	stream.linear.gather [hbm4b:s3+s14], $0x2710, $0x38;
	[tilespmem:$0x1E7C0] =	vst v63  }
0x18: {  	_ =	swait.ge [sflag:s30], $0x2710  }
0x19: {  	[sflag:s30] =	ssyncset.done $0x0  }
0x1a: {  	s31 =	simm.s32 $0x2800;
	[sflag:s30] =	ssyncadd.s32 $0xFFFFD8F0  }
0x1b: {  	[tilespmem:s31], [sflag:$0x3] =	stream.linear.gather [hbm4b:s5+s14], $0x2710, $0x38;
	[tilespmem:$0x1E7C0] =	vst v63  }
0x1c: {  	_ =	swait.ge [sflag:s30], $0x2710  }
0x1d: {  	[sflag:s30] =	ssyncset.done $0x0  }
0x1e: {  	v10 =	vimm.f32 $0.0e+00;
	s3 =	simm.s32 $0x163C0;
	[sflag:s30] =	ssyncadd.s32 $0xFFFFD8F0  }
0x1f: {  	v0 =	vld [tilespmem:$0x1BA00];
	[tilespmem:s3+$0x30] =	vst v10  }
0x20: {  	[tilespmem:s3+$0xFFFFFFF0] =	vst v10  }
0x21: {  	[tilespmem:s3+$0xFFFFFFC0] =	vst v10  }
0x22: {  	[tilespmem:s3+$0xFFFFFFE0] =	vst v10  }
0x23: {  	[tilespmem:s3+$0x10] =	vst v10  }
0x24: {  	[tilespmem:s3+$0x20] =	vst v10  }
0x25: {  	v1 =	vimm.s32 $0x0;
	[tilespmem:s3+$0x0] =	vst v10  }
0x26: {  	s5 =	simm.s32 $0x18BC0;
	[tilespmem:s3+$0xFFFFFFD0] =	vst v10;
	v9 =	vperm.xlane v0, v1;
	v1 =	vimm.s32 $0x1  }
0x27: {  	v2 =	vimm.s32 $0x3;
	[tilespmem:s5+$0xFFFFFFC0] =	vst v10;
	v8 =	vperm.xlane v0, v1;
	v1 =	vimm.s32 $0x2  }
0x28: {  	v11 =	vimm.s32 $0x9;
	[tilespmem:s5+$0x30] =	vst v10;
	v7 =	vperm.xlane v0, v1;
	v1 =	vimm.s32 $0x4  }
0x29: {  	[tilespmem:s5+$0x20] =	vst v10;
	v6 =	vperm.xlane v0, v2;
	v4 =	vperm.xlane v0, v1;
	v1 =	vimm.s32 $0x5  }
0x2a: {  	[tilespmem:s5+$0x10] =	vst v10;
	v2 =	vimm.s32 $0x6;
	v5 =	vperm.xlane v0, v1;
	v1 =	vimm.s32 $0x7  }
0x2b: {  	[tilespmem:s5+$0xFFFFFFE0] =	vst v10;
	v3 =	vperm.xlane v0, v2;
	v2 =	vperm.xlane v0, v1;
	v1 =	vimm.s32 $0x8  }
0x2c: {  	[tilespmem:s5+$0x0] =	vst v10;
	v1 =	vperm.xlane v0, v1;
	v0 =	vperm.xlane v0, v11  }
0x2d: {  	s11 =	simm.s32 $0x0;
	[tilespmem:s5+$0xFFFFFFF0] =	vst v10  }
.LBB2_1:
0x2e: {  	s11 =	sadd.s32 $0x8, s11;
	[tilespmem:s5+$0xFFFFFFD0] =	vst v10;
	s3 =	sadd.s32 $0x80, s3;
	s5 =	sadd.s32 $0x80, s5  }
0x2f: {  	[tilespmem:s3+$0x30] =	vst v10;
	p0 =	slt.u32 s11, $0x278  }
0x30: {  	[tilespmem:s3+$0xFFFFFFF0] =	vst v10  }
0x31: {  	[tilespmem:s3+$0xFFFFFFC0] =	vst v10  }
0x32: {  	[tilespmem:s5+$0xFFFFFFC0] =	vst v10  }
0x33: {  	[tilespmem:s5+$0x30] =	vst v10  }
0x34: {  	[tilespmem:s3+$0xFFFFFFE0] =	vst v10  }
0x35: {  	[tilespmem:s3+$0x10] =	vst v10  }
0x36: {  	[tilespmem:s3+$0x20] =	vst v10  }
0x37: {  	[tilespmem:s5+$0x20] =	vst v10  }
0x38: {  	[tilespmem:s5+$0x10] =	vst v10  }
.Ltmp0:
0x39: {  	[tilespmem:s5+$0xFFFFFFE0] =	vst v10;
	(pc) =	sbr.rel @p0 .LBB2_1-.Ltmp0, $4  }
0x3a: {  	[tilespmem:s3+$0x0] =	vst v10  }
0x3b: {  	[tilespmem:s5+$0x0] =	vst v10  }
0x3c: {  	[tilespmem:s5+$0xFFFFFFF0] =	vst v10  }
0x3d: {  	[tilespmem:s3+$0xFFFFFFD0] =	vst v10  }
0x3e: {  	s3 =	smul.u32 $0xA00, s1;
	_ =	sdelay $0x1  }
0x3f: {  	s3 =	sshrl.u32 s3, $0x2  }
0x40: {  	[tilespmem:s5+$0xFFFFFFD0] =	vst v10;
	s12 =	sadd.s32 $0x2870, s3  }
0x41: {  	v11 =	vld [tilespmem:s12+$0xFFFFD800]  }
0x42: {  	v12 =	vld [tilespmem:s12+$0x0]  }
0x43: {  	v16 =	vld [tilespmem:s12+$0xFFFFD7F0]  }
0x44: {  	v18 =	vld [tilespmem:s12+$0xFFFFFFF0]  }
0x45: {  	v19 =	vld [tilespmem:s12+$0xFFFFD7E0]  }
0x46: {  	s3 =	smul.u32 $0x280, s1;
	v22 =	vld [tilespmem:s12+$0xFFFFD7D0]  }
0x47: {  	v23 =	vld [tilespmem:s12+$0xFFFFFFD0]  }
0x48: {  	v24 =	vld [tilespmem:s12+$0xFFFFD7C0];
	s5 =	sor.u32 $0x70, s3  }
0x49: {  	v26 =	vld [tilespmem:s12+$0xFFFFFFC0];
	p1 =	slt.u32 s5, $0x2710  }
0x4a: {  	v15 =	vimm.f32 $-3.000000010e+38;
	v30 =	vld [tilespmem:s12+$0xFFFFD7B0];
	s11 =	sadd.s32 $0xFFFFFFE0, s5;
	s13 =	sadd.s32 $0xFFFFFFF0, s5;
	v17 =	vpsel !p1, $0xFF61B1E6, v11  }
0x4b: {  	v32 =	vld [tilespmem:s12+$0xFFFFFFB0];
	s26 =	sadd.s32 $0xFFFFFFD0, s5;
	p0 =	slt.u32 s11, $0x2710;
	p2 =	slt.u32 s13, $0x2710;
	v10 =	vpsel !p1, $0xFF61B1E6, v12;
	v13 =	vsub.f32 $0.0e+00, v11;
	v12 =	vsub.f32 $0.0e+00, v12  }
0x4c: {  	v21 =	vld [tilespmem:s12+$0xFFFFFFE0];
	p5 =	slt.u32 s26, $0x2710;
	v25 =	vpsel !p0, $0xFF61B1E6, v19;
	v20 =	vpsel !p2, $0xFF61B1E6, v16;
	v11 =	vpsel !p2, $0xFF61B1E6, v18  }
0x4d: {  	s28 =	sadd.s32 $0xFFFFFFC0, s5;
	v39 =	vpsel !p5, $0xFF61B1E6, v22;
	v27 =	vsub.f32 $0.0e+00, v16;
	v18 =	vsub.f32 $0.0e+00, v18  }
0x4e: {  	s29 =	sadd.s32 $0xFFFFFFB0, s5;
	p3 =	slt.u32 s28, $0x2710;
	v16 =	vpsel !p5, $0xFF61B1E6, v23;
	v28 =	vsub.f32 $0.0e+00, v19;
	v29 =	vsub.f32 $0.0e+00, v22  }
0x4f: {  	v33 =	vld [tilespmem:s12+$0xFFFFD790];
	p6 =	slt.u32 s29, $0x2710;
	v38 =	vpsel !p3, $0xFF61B1E6, v24;
	v24 =	vsub.f32 $0.0e+00, v24;
	v34 =	vsub.f32 $0.0e+00, v26  }
0x50: {  	v35 =	vld [tilespmem:s12+$0xFFFFD7A0];
	v40 =	vpsel !p6, $0xFF61B1E6, v30;
	v30 =	vsub.f32 $0.0e+00, v30;
	v36 =	vsub.f32 $0.0e+00, v32  }
0x51: {  	v37 =	vld [tilespmem:s12+$0xFFFFFFA0];
	v14 =	vpsel !p1, $0xFF61B1E6, v13;
	v13 =	vpsel !p1, $0xFF61B1E6, v12;
	v12 =	vpsel !p0, $0xFF61B1E6, v21  }
0x52: {  	v21 =	vsub.f32 $0.0e+00, v21;
	v19 =	vpsel !p2, $0xFF61B1E6, v27;
	v18 =	vpsel !p2, $0xFF61B1E6, v18  }
0x53: {  	s30 =	sadd.s32 $0xFFFFFF90, s5;
	s31 =	sadd.s32 $0xFFFFFFA0, s5;
	v27 =	vsub.f32 $0.0e+00, v23;
	v23 =	vpsel !p0, $0xFF61B1E6, v28;
	v28 =	vpsel !p5, $0xFF61B1E6, v29  }
0x54: {  	v31 =	vpsel !p3, $0xFF61B1E6, v24;
	v29 =	vpsel !p3, $0xFF61B1E6, v34;
	p1 =	slt.u32 s31, $0x2710;
	v22 =	vpsel !p0, $0xFF61B1E6, v21;
	p0 =	slt.u32 s30, $0x2710  }
0x55: {  	v24 =	vld [tilespmem:s12+$0xFFFFFF90];
	v34 =	vpsel !p6, $0xFF61B1E6, v30;
	v41 =	vpsel !p1, $0xFF61B1E6, v35;
	v63 =	vpsel !p0, $0xFF61B1E6, v33  }
0x56: {  	v30 =	vpsel !p1, $0xFF61B1E6, v37;
	v37 =	vsub.f32 $0.0e+00, v37;
	v42 =	vmax.f32 v15, v63  }
0x57: {  	v21 =	vpsel !p3, $0xFF61B1E6, v26;
	v27 =	vpsel !p5, $0xFF61B1E6, v27;
	v41 =	vmax.f32 v42, v41  }
0x58: {  	v26 =	vpsel !p6, $0xFF61B1E6, v32;
	v32 =	vpsel !p6, $0xFF61B1E6, v36;
	v40 =	vmax.f32 v41, v40  }
0x59: {  	v36 =	vsub.f32 $0.0e+00, v35;
	v35 =	vsub.f32 $0.0e+00, v33;
	v40 =	vmax.f32 v40, v38  }
0x5a: {  	v33 =	vpsel !p0, $0xFF61B1E6, v24;
	v38 =	vsub.f32 $0.0e+00, v24;
	v24 =	vmax.f32 v40, v39  }
0x5b: {  	s11 =	simm.s32 $0x0;
	s12 =	sadd.s32 $0x80, s12;
	v39 =	vmax.f32 v24, v25;
	v24 =	vimm.f32 $-3.000000010e+38;
	v25 =	vimm.f32 $-3.000000010e+38  }
.LBB2_3:
0x5c: {  	v42 =	vld [tilespmem:s12+$0xFFFFD7F0]  }
0x5d: {  	v36 =	vpsel !p1, $0xFF61B1E6, v36;
	v20 =	vmax.f32 v39, v20;
	v55 =	vld [tilespmem:s12+$0xFFFFFFF0]  }
0x5e: {  	v58 =	vld [tilespmem:s12+$0xFFFFD790];
	v37 =	vpsel !p1, $0xFF61B1E6, v37;
	v35 =	vpsel !p0, $0xFF61B1E6, v35;
	v38 =	vpsel !p0, $0xFF61B1E6, v38  }
0x5f: {  	v61 =	vld [tilespmem:s12+$0xFFFFFF90];
	v41 =	vmax.f32 v20, v17;
	v17 =	vmax.f32 v24, v33;
	v15 =	vmax.f32 v15, v35  }
0x60: {  	v40 =	vld [tilespmem:s12+$0xFFFFD800];
	v20 =	vmax.f32 v25, v38;
	v17 =	vmax.f32 v17, v30;
	v15 =	vmax.f32 v15, v36  }
0x61: {  	v54 =	vld [tilespmem:s12+$0x0];
	v20 =	vmax.f32 v20, v37;
	v17 =	vmax.f32 v17, v26;
	v15 =	vmax.f32 v15, v34  }
0x62: {  	v30 =	vld [tilespmem:s12+$0xFFFFD7E0];
	v20 =	vmax.f32 v20, v32;
	v17 =	vmax.f32 v17, v21;
	v15 =	vmax.f32 v15, v31  }
0x63: {  	s5 =	sadd.s32 $0x80, s5;
	v26 =	vld [tilespmem:s12+$0xFFFFFFE0];
	v20 =	vmax.f32 v20, v29;
	v57 =	vsub.f32 $0.0e+00, v42;
	v60 =	vsub.f32 $0.0e+00, v55  }
0x64: {  	s14 =	sadd.s32 $0xFFFFFFF0, s5;
	v29 =	vld [tilespmem:s12+$0xFFFFD7D0];
	v16 =	vmax.f32 v17, v16;
	v35 =	vsub.f32 $0.0e+00, v58;
	v38 =	vsub.f32 $0.0e+00, v61  }
0x65: {  	p4 =	slt.u32 s14, $0x2710;
	v31 =	vld [tilespmem:s12+$0xFFFFFFA0];
	v15 =	vmax.f32 v15, v28;
	v17 =	vmax.f32 v20, v27;
	v12 =	vmax.f32 v16, v12  }
0x66: {  	s13 =	sadd.s32 $0xFFFFFFE0, s5;
	p3 =	slt.u32 s5, $0x2710;
	v27 =	vld [tilespmem:s12+$0xFFFFFFD0];
	v20 =	vpsel !p4, $0xFF61B1E6, v42;
	v28 =	vsub.f32 $0.0e+00, v54;
	v15 =	vmax.f32 v15, v23  }
0x67: {  	p0 =	slt.u32 s13, $0x2710;
	v16 =	vmax.f32 v17, v22;
	v22 =	vld [tilespmem:s12+$0xFFFFD7C0];
	v11 =	vmax.f32 v12, v11;
	v17 =	vpsel !p3, $0xFF61B1E6, v40  }
0x68: {  	v43 =	vpsel !p0, $0xFF61B1E6, v30;
	v23 =	vsub.f32 $0.0e+00, v40;
	v12 =	vmax.f32 v16, v18;
	v18 =	vld [tilespmem:s12+$0xFFFFFFC0]  }
0x69: {  	s25 =	sadd.s32 $0xFFFFFFD0, s5;
	v44 =	vsub.f32 $0.0e+00, v30;
	v15 =	vmax.f32 v15, v19;
	v24 =	vmax.f32 v11, v10;
	v19 =	vld [tilespmem:s12+$0xFFFFD7A0]  }
0x6a: {  	s29 =	sadd.s32 $0xFFFFFFA0, s5;
	s30 =	sadd.s32 $0xFFFFFF90, s5;
	v10 =	vpsel !p3, $0xFF61B1E6, v54;
	v11 =	vpsel !p4, $0xFF61B1E6, v55;
	v25 =	vmax.f32 v12, v13;
	v13 =	vld [tilespmem:s12+$0xFFFFD7B0]  }
0x6b: {  	p5 =	slt.u32 s25, $0x2710;
	p1 =	slt.u32 s29, $0x2710;
	s13 =	simm.s32 @!p0 $0x0;
	v45 =	vsub.f32 $0.0e+00, v26;
	v15 =	vmax.f32 v15, v14;
	v14 =	vld [tilespmem:s12+$0xFFFFFFB0];
	v12 =	vpsel !p0, $0xFF61B1E6, v26  }
0x6c: {  	s26 =	sadd.s32 $0xFFFFFFC0, s5;
	s13 =	simm.s32 @p0 $0x1;
	p0 =	slt.u32 s30, $0x2710;
	v56 =	vpsel !p5, $0xFF61B1E6, v29;
	v29 =	vsub.f32 $0.0e+00, v29;
	v30 =	vpsel !p1, $0xFF61B1E6, v31  }
0x6d: {  	p6 =	slt.u32 s26, $0x2710;
	v37 =	vsub.f32 $0.0e+00, v31;
	v33 =	vpsel !p0, $0xFF61B1E6, v61;
	v16 =	vpsel !p5, $0xFF61B1E6, v27  }
0x6e: {  	s28 =	sadd.s32 $0xFFFFFFB0, s5;
	v27 =	vsub.f32 $0.0e+00, v27;
	v59 =	vpsel !p6, $0xFF61B1E6, v22;
	v47 =	vsub.f32 $0.0e+00, v22  }
0x6f: {  	p2 =	slt.u32 s28, $0x2710;
	v21 =	vpsel !p6, $0xFF61B1E6, v18;
	v46 =	vpsel !p1, $0xFF61B1E6, v19;
	v48 =	vsub.f32 $0.0e+00, v18  }
0x70: {  	v36 =	vsub.f32 $0.0e+00, v19;
	v62 =	vpsel !p2, $0xFF61B1E6, v13;
	v26 =	vpsel !p2, $0xFF61B1E6, v14  }
0x71: {  	s11 =	sadd.s32 $0x8, s11;
	[smem:$0x7FD] =	sst s13;
	v49 =	vsub.f32 $0.0e+00, v13;
	v50 =	vsub.f32 $0.0e+00, v14;
	v13 =	vpsel !p0, $0xFF61B1E6, v58  }
0x72: {  	s31 =	sld [smem:$0x7FD];
	v14 =	vpsel !p3, $0xFF61B1E6, v23;
	v18 =	vmax.f32 v41, v13;
	v13 =	vpsel !p3, $0xFF61B1E6, v28;
	p3 =	slt.u32 s11, $0x20  }
.Ltmp1:
0x73: {  	v19 =	vpsel !p4, $0xFF61B1E6, v57;
	v27 =	vpsel !p5, $0xFF61B1E6, v27;
	v22 =	vmax.f32 v18, v46;
	(pc) =	sbr.rel @p3 .LBB2_3-.Ltmp1, $4  }
0x74: {  	v31 =	vpsel !p6, $0xFF61B1E6, v47;
	v18 =	vpsel !p4, $0xFF61B1E6, v60;
	v28 =	vmax.f32 v22, v62  }
0x75: {  	p4 =	seq.s32 s31, $0x1;
	v34 =	vpsel !p2, $0xFF61B1E6, v49;
	v32 =	vpsel !p2, $0xFF61B1E6, v50;
	v63 =	vmax.f32 v28, v59  }
0x76: {  	v23 =	vpsel !p4, $0xFF61B1E6, v44;
	v22 =	vpsel !p4, $0xFF61B1E6, v45;
	v39 =	vmax.f32 v63, v56  }
0x77: {  	s12 =	sadd.s32 $0x80, s12;
	v28 =	vpsel !p5, $0xFF61B1E6, v29;
	v29 =	vpsel !p6, $0xFF61B1E6, v48;
	v39 =	vmax.f32 v39, v43  }
0x78: {  	v36 =	vpsel !p1, $0xFF61B1E6, v36;
	v37 =	vpsel !p1, $0xFF61B1E6, v37;
	v20 =	vmax.f32 v39, v20  }
0x79: {  	v35 =	vpsel !p0, $0xFF61B1E6, v35;
	v38 =	vpsel !p0, $0xFF61B1E6, v38;
	v17 =	vmax.f32 v20, v17  }
0x7a: {  	v15 =	vmax.f32 v15, v35;
	v20 =	vmax.f32 v24, v33;
	v24 =	vmax.f32 v25, v38  }
0x7b: {  	v25 =	vimm.s32 $0xEFCDAB89;
	v15 =	vmax.f32 v15, v36;
	v20 =	vmax.f32 v20, v30  }
0x7c: {  	v24 =	vmax.f32 v24, v37;
	v25 =	vunpack.c.l.s4.s8 v25;
	v15 =	vmax.f32 v15, v34  }
0x7d: {  	v20 =	vmax.f32 v20, v26;
	v24 =	vmax.f32 v24, v32;
	v26 =	vimm.s32 $0x67452301  }
0x7e: {  	v15 =	vmax.f32 v15, v31;
	v20 =	vmax.f32 v20, v21;
	v21 =	vunpack.c.l.s4.s8 v26  }
0x7f: {  	v24 =	vmax.f32 v24, v29;
	v25 =	vunpack.c.0.s8.s32 v25;
	v26 =	vimm.s32 $0xDCFE98BA  }
0x80: {  	v29 =	vimm.s32 $0x54761032;
	v26 =	vunpack.c.l.s4.s8 v26;
	v16 =	vmax.f32 v20, v16  }
0x81: {  	v20 =	vunpack.c.l.s4.s8 v29;
	v24 =	vmax.f32 v24, v27;
	v27 =	vimm.s32 $0x32107654  }
0x82: {  	v15 =	vmax.f32 v15, v28;
	v21 =	vunpack.c.0.s8.s32 v21;
	v27 =	vunpack.c.l.s4.s8 v27  }
0x83: {  	v15 =	vmax.f32 v15, v23;
	v12 =	vmax.f32 v16, v12;
	v20 =	vunpack.c.0.s8.s32 v20  }
0x84: {  	v21 =	vcombine.low v21, v25;
	v25 =	vunpack.c.0.s8.s32 v26;
	v26 =	vimm.s32 $0xBA98FEDC  }
0x85: {  	v22 =	vmax.f32 v24, v22;
	v15 =	vmax.f32 v15, v19;
	v26 =	vunpack.c.l.s4.s8 v26  }
0x86: {  	v11 =	vmax.f32 v12, v11;
	v21 =	vand.u32 $0xF, v21;
	v20 =	vcombine.low v20, v25  }
0x87: {  	v25 =	vunpack.c.0.s8.s32 v27;
	v23 =	vperm.xlane v17, v21;
	v16 =	vunpack.c.0.s8.s32 v26  }
0x88: {  	v12 =	vmax.f32 v22, v18;
	v18 =	vimm.s32 $0xFEDCBA98;
	v14 =	vmax.f32 v15, v14  }
0x89: {  	v20 =	vand.u32 $0xF, v20;
	v17 =	vmax.f32 v17, v23;
	v16 =	vcombine.low v25, v16  }
0x8a: {  	v12 =	vmax.f32 v12, v13;
	v18 =	vunpack.c.l.s4.s8 v18;
	v19 =	vperm.xlane v17, v20  }
0x8b: {  	v10 =	vmax.f32 v11, v10;
	v15 =	vand.u32 $0xF, v16;
	v16 =	vperm.xlane v12, v21  }
0x8c: {  	v18 =	vunpack.c.0.s8.s32 v18;
	v13 =	vmax.f32 v17, v19;
	v19 =	vperm.xlane v10, v21  }
0x8d: {  	v17 =	vimm.s32 $0x76543210;
	v21 =	vperm.xlane v14, v21;
	v12 =	vmax.f32 v12, v16  }
0x8e: {  	v16 =	vunpack.c.l.s4.s8 v17;
	v10 =	vmax.f32 v10, v19;
	v17 =	vperm.xlane v12, v20  }
0x8f: {  	v11 =	vperm.xlane v13, v15;
	v14 =	vmax.f32 v14, v21;
	v19 =	vperm.xlane v10, v20  }
0x90: {  	v16 =	vunpack.c.0.s8.s32 v16;
	v20 =	vperm.xlane v14, v20;
	v12 =	vmax.f32 v12, v17  }
0x91: {  	v17 =	vand.u32 $0xF, v18;
	v10 =	vmax.f32 v10, v19;
	v18 =	vperm.xlane v12, v15  }
0x92: {  	v16 =	vcombine.low v17, v16;
	v14 =	vmax.f32 v14, v20;
	v17 =	vperm.xlane v10, v15  }
0x93: {  	v15 =	vperm.xlane v14, v15;
	v12 =	vmax.f32 v12, v18  }
0x94: {  	v11 =	vmax.f32 v13, v11;
	v10 =	vmax.f32 v10, v17;
	v13 =	vperm.xlane v12, v16  }
0x95: {  	vm0 =	vcmask $0x3F10;
	v14 =	vmax.f32 v14, v15;
	v15 =	vperm.xlane v10, v16  }
0x96: {  	v17 =	vperm.xlane v11, v16;
	v16 =	vperm.xlane v14, v16;
	v12 =	vmax.f32 v12, v13  }
0x97: {  	v10 =	vmax.f32 v10, v15;
	v12 =	vsel vm0, $0xFF61B1E6, v12;
	vm0 =	vcmask $0x3F0C  }
0x98: {  	v13 =	vmax.f32 v14, v16;
	v10 =	vsel vm0, v12, v10;
	vm0 =	vcmask $0x3F08  }
0x99: {  	vm1 =	vmmov $0x1;
	v11 =	vmax.f32 v11, v17;
	v10 =	vsel vm0, v10, v13  }
0x9a: {  	s5 =	sshll.u32 s1, $0x4;
	v10 =	vsel vm1, v11, v10  }
0x9b: {  	s11 =	simm.s32 $0x1B880;
	s30 =	simm.s32 $0x3;
	s5 =	sadd.s32 s5, s4;
	[tilespmem:$0x1B880] =	vst v10  }
0x9c: {  	[spmem:s5] =	stream.linear.scatter [tilespmem:s11], [sflag:$0x3], $0x10, $0x38;
	[tilespmem:$0x1E7C0] =	vst v63  }
0x9d: {  	_ =	swait.ge [sflag:s30], $0x10  }
0x9e: {  	[sflag:s30] =	ssyncset.done $0x0  }
0x9f: {  	[sflag:s30] =	ssyncadd.s32 $0xFFFFFFF0  }
0xa0: {  	s12 =	simm.s32 $0x1B900;
	[bflag:$0x0] =	sbarrier.arrive $0xFFFF  }
0xa1: {  	[tilespmem:s12], [sflag:$0x3] =	stream.linear.gather [spmem:s4], $0x100, $0x38;
	[tilespmem:$0x1E7C0] =	vst v63  }
0xa2: {  	_ =	swait.ge [sflag:s30], $0x100  }
0xa3: {  	[sflag:s30] =	ssyncset.done $0x0  }
0xa4: {  	[sflag:s30] =	ssyncadd.s32 $0xFFFFFF00  }
0xa5: {  	v11 =	vld [tilespmem:$0x1B900]  }
0xa6: {  	v12 =	vld [tilespmem:$0x1B910]  }
0xa7: {  	v13 =	vld [tilespmem:$0x1B920]  }
0xa8: {  	v15 =	vld [tilespmem:$0x1B930]  }
0xa9: {  	v16 =	vld [tilespmem:$0x1B940]  }
0xaa: {  	v18 =	vld [tilespmem:$0x1B950]  }
0xab: {  	v19 =	vld [tilespmem:$0x1B960]  }
0xac: {  	v20 =	vld [tilespmem:$0x1B970]  }
0xad: {  	v21 =	vld [tilespmem:$0x1B980]  }
0xae: {  	v22 =	vld [tilespmem:$0x1B990]  }
0xaf: {  	v23 =	vld [tilespmem:$0x1B9A0]  }
0xb0: {  	v24 =	vld [tilespmem:$0x1B9B0]  }
0xb1: {  	v25 =	vld [tilespmem:$0x1B9C0]  }
0xb2: {  	v26 =	vld [tilespmem:$0x1B9D0]  }
0xb3: {  	s31 =	simm.s32 $0x1;
	v27 =	vld [tilespmem:$0x1B9E0]  }
0xb4: {  	v28 =	vld [tilespmem:$0x1B9F0];
	_ =	swait.ge [sflag:s31], $0x4E20  }
0xb5: {  	[sflag:s31] =	ssyncset.done $0x0  }
0xb6: {  	[sflag:s31] =	ssyncadd.s32 $0xFFFFB1E0  }
0xb7: {  	_ =	swait.ge [sflag:s31], $0x4E20  }
0xb8: {  	[sflag:s31] =	ssyncset.done $0x0  }
0xb9: {  	s14 =	simm.s32 $0x7850;
	[sflag:s31] =	ssyncadd.s32 $0xFFFFB1E0  }
0xba: {  	s13 =	simm.s32 $0xC6D0;
	v29 =	vld [tilespmem:s14+$0x20]  }
0xbb: {  	s12 =	simm.s32 $0x0;
	v10 =	vld [tilespmem:s13+$0xFFFFFFB0]  }
0xbc: {  	s11 =	sand.u32 $0x7FE0, s12;
	v11 =	vmax.f32 v11, $-3.000000010e+38;
	v31 =	vld [tilespmem:s14+$0xFFFFFFC0]  }
0xbd: {  	v11 =	vmax.f32 v11, v12;
	v14 =	vld [tilespmem:s11+$0xC700]  }
0xbe: {  	v17 =	vld [tilespmem:s13+$0x0];
	v12 =	vmax.f32 v11, v13  }
0xbf: {  	v13 =	vld [tilespmem:s13+$0xFFFFFFE0];
	v12 =	vmax.f32 v12, v15  }
0xc0: {  	v11 =	vld [tilespmem:s13+$0xFFFFFFC0];
	v12 =	vmax.f32 v12, v16  }
0xc1: {  	v15 =	vld [tilespmem:s13+$0x10];
	v12 =	vmax.f32 v12, v18  }
0xc2: {  	v16 =	vld [tilespmem:s13+$0xFFFFFFF0];
	v12 =	vmax.f32 v12, v19  }
0xc3: {  	v18 =	vld [tilespmem:s14+$0xFFFFFFE0];
	v12 =	vmax.f32 v12, v20  }
0xc4: {  	v19 =	vld [tilespmem:s14+$0x0];
	v30 =	vadd.s32 $0x2800, v13;
	v12 =	vmax.f32 v12, v21  }
0xc5: {  	v20 =	vadd.s32 $0x2800, v17;
	v21 =	vld [tilespmem:s14+$0xFFFFFFF0];
	v12 =	vmax.f32 v12, v22  }
0xc6: {  	v22 =	vld [tilespmem:s14+$0x10];
	v12 =	vmax.f32 v12, v23  }
0xc7: {  	v23 =	vadd.s32 $0x2800, v16;
	v24 =	vmax.f32 v12, v24;
	v12 =	vld [tilespmem:s13+$0xFFFFFFD0]  }
0xc8: {  	v24 =	vmax.f32 v24, v25;
	v25 =	vld [tilespmem:s11+$0x7880]  }
0xc9: {  	v50 =	vld.idx.msk [tilespmem:v30+s12+$0x0], $0xffff;
	v24 =	vmax.f32 v24, v26  }
0xca: {  	v26 =	vld.idx.msk [tilespmem:v20+s12+$0x0], $0xffff;
	v20 =	vmax.f32 v24, v27;
	v27 =	vadd.s32 $0x2800, v14  }
0xcb: {  	v18 =	vld.idx.msk [tilespmem:v18+s12+$0x0], $0xffff;
	v24 =	vimm.s32 $0x1;
	v20 =	vmax.f32 v20, v28  }
0xcc: {  	v28 =	vimm.s32 $0x3;
	v48 =	vld.idx.msk [tilespmem:v23+s12+$0x0], $0xffff;
	v23 =	vimm.s32 $0x0;
	v49 =	vperm.xlane v20, v24  }
0xcd: {  	v28 =	vperm.xlane v20, v28;
	v30 =	vperm.xlane v20, v23;
	v23 =	vimm.s32 $0x2;
	v24 =	vld.idx.msk [tilespmem:v21+s12+$0x0], $0xffff  }
0xce: {  	v20 =	vperm.xlane v20, v23;
	v23 =	vld.idx.msk [tilespmem:v22+s12+$0x0], $0xffff  }
0xcf: {  	v51 =	vadd.s32 $0x2800, v15;
	v21 =	vadd.f32 v28, v49;
	v27 =	vld.idx.msk [tilespmem:v27+s12+$0x0], $0xffff  }
0xd0: {  	v22 =	vadd.s32 $0x2800, v12;
	v52 =	vadd.f32 v20, v30;
	v30 =	vld.idx.msk [tilespmem:v19+s12+$0x0], $0xffff  }
0xd1: {  	v20 =	vld [tilespmem:s13+$0x20];
	v21 =	vsub.f32 $0.0e+00, v21  }
0xd2: {  	v35 =	vadd.f32 v50, v18;
	v28 =	vld.idx.msk [tilespmem:v25+s12+$0x0], $0xffff  }
0xd3: {  	v54 =	vld [tilespmem:s14+$0xFFFFFFB0];
	v19 =	vmul.f32 $2.000000030e-01, v52;
	v32 =	vadd.f32 v48, v24;
	v53 =	vmul.f32 $2.000000030e-01, v21  }
0xd4: {  	v57 =	vadd.s32 $0x2800, v10;
	v41 =	vadd.s32 $0x2800, v11;
	v25 =	vld.idx.msk [tilespmem:v51+s12+$0x0], $0xffff;
	v60 =	vmul.f32 $2.000000030e-01, v35  }
0xd5: {  	v34 =	vld.idx.msk [tilespmem:v22+s12+$0x0], $0xffff;
	v19 =	vmax.f32 v52, v19;
	v22 =	vmul.f32 $2.000000030e-01, v32;
	v21 =	vmax.f32 v21, v53  }
0xd6: {  	v56 =	vld [tilespmem:s14+$0x40];
	v19 =	vmul.f32 v19, v9;
	v26 =	vadd.f32 v26, v30;
	v21 =	vmul.f32 v21, v9  }
0xd7: {  	v58 =	vld [tilespmem:s14+$0xFFFFFFD0];
	v55 =	vadd.s32 $0x2800, v20;
	v27 =	vadd.f32 v27, v28;
	v22 =	vmax.f32 v32, v22  }
0xd8: {  	v59 =	vmul.f32 $2.000000030e-01, v26;
	v40 =	vmul.f32 v22, v9;
	v19 =	vmax.f32 v19, v21;
	v21 =	vld [tilespmem:s13+$0x40]  }
0xd9: {  	v35 =	vmax.f32 v35, v60;
	v25 =	vadd.f32 v25, v23;
	v22 =	vld.idx.msk [tilespmem:v31+s12+$0x0], $0xffff;
	v31 =	vmul.f32 $2.000000030e-01, v27  }
0xda: {  	v29 =	vld.idx.msk [tilespmem:v29+s12+$0x0], $0xffff;
	v35 =	vmul.f32 v35, v9;
	v26 =	vmax.f32 v26, v59;
	v40 =	vsub.f32 v40, v19  }
0xdb: {  	v36 =	vld.idx.msk [tilespmem:v41+s12+$0x0], $0xffff;
	v27 =	vmax.f32 v27, v31;
	v31 =	vmul.f32 $2.000000030e-01, v25;
	v42 =	vmul.f32 v26, v9  }
0xdc: {  	v33 =	vld.idx.msk [tilespmem:v55+s12+$0x0], $0xffff;
	v27 =	vmul.f32 v27, v9;
	v61 =	vmul.f32 $1.442695020e+00, v40  }
0xdd: {  	v32 =	vld.idx.msk [tilespmem:v57+s12+$0x0], $0xffff;
	v25 =	vmax.f32 v25, v31;
	v31 =	vsub.f32 v42, v19;
	v37 =	vadd.s32 $0x2800, v21  }
0xde: {  	s16 =	simm.s32 $0x11550;
	s17 =	simm.s32 $0x0;
	v26 =	vld.idx.msk [tilespmem:v54+s12+$0x0], $0xffff;
	v62 =	vmul.f32 v25, v9;
	v63 =	vsub.f32 v27, v19;
	(erf) = vpow2.f32 v61  }
0xdf: {  	s18 =	simm.s32 $0x78F0;
	s19 =	simm.s32 $0xC770;
	s20 =	simm.s32 $0xA0;
	v25 =	vld.idx.msk [tilespmem:v56+s12+$0x0], $0xffff;
	v39 =	vmul.f32 $1.442695020e+00, v31  }
0xe0: {  	s15 =	simm.s32 $0x11550;
	s14 =	simm.s32 $0x16380;
	s13 =	simm.s32 $0x18B80;
	v35 =	vsub.f32 v35, v19;
	v27 =	vld.idx.msk [tilespmem:v58+s12+$0x0], $0xffff;
	v40 =	vsub.f32 v62, v19;
	v38 =	vmul.f32 $1.442695020e+00, v63  }
.LBB2_5:
0xe1: {  	v31 =	vld [tilespmem:s18+$0x20];
	s21 =	sand.u32 $0x7FE0, s20;
	s17 =	sadd.s32 $0xA, s17;
	v41 =	vadd.f32 v33, v29;
	s16 =	sadd.s32 $0xA0, s16;
	(erf) = vpow2.f32 v39  }
0xe2: {  	p0 =	slt.u32 s17, $0x4D8;
	v39 =	vmul.f32 $1.442695020e+00, v40;
	v37 =	vld.idx.msk [tilespmem:v37+s12+$0x0], $0xffff  }
0xe3: {  	v40 =	vadd.f32 v32, v26;
	v33 =	vld [tilespmem:s19+$0xFFFFFFB0];
	v42 =	vmul.f32 $2.000000030e-01, v41;
	(erf) = vpow2.f32 v38  }
0xe4: {  	v35 =	vmul.f32 $1.442695020e+00, v35;
	v32 =	vld [tilespmem:s18+$0xFFFFFFC0];
	(erf) = vpow2.f32 v39  }
0xe5: {  	v39 =	vmul.f32 $2.000000030e-01, v40;
	v43 =	vadd.f32 v34, v27;
	v38 =	vld [tilespmem:s21+$0xC700];
	v41 =	vmax.f32 v41, v42  }
0xe6: {  	v36 =	vadd.f32 v36, v22;
	v34 =	vld [tilespmem:s19+$0xFFFFFFC0];
	v41 =	vmul.f32 v41, v9;
	(erf) = vpow2.f32 v35  }
0xe7: {  	v39 =	vmax.f32 v40, v39;
	v40 =	vmul.f32 $2.000000030e-01, v43;
	v42 =	vld [tilespmem:s19+$0x10];
	v44 =	vpop (erf)  }
0xe8: {  	v39 =	vmul.f32 v39, v9;
	v47 =	vmul.f32 $2.000000030e-01, v36;
	v35 =	vld [tilespmem:s18+$0x0];
	v41 =	vsub.f32 v41, v19  }
0xe9: {  	v37 =	vadd.f32 v37, v25;
	v40 =	vmax.f32 v43, v40;
	v24 =	vmul.f32 v44, v24;
	v46 =	vld [tilespmem:s19+$0xFFFFFFE0];
	[tilespmem:s15+$0xFFFFFFF0] =	vst v44  }
0xea: {  	v39 =	vsub.f32 v39, v19;
	v36 =	vmax.f32 v36, v47;
	v43 =	vld [tilespmem:s19+$0xFFFFFFF0];
	v41 =	vmul.f32 $1.442695020e+00, v41;
	v45 =	vpop (erf)  }
0xeb: {  	v36 =	vmul.f32 v36, v9;
	v47 =	vld [tilespmem:s18+$0xFFFFFFF0];
	[tilespmem:s15+$0x0] =	vst v45;
	v30 =	vmul.f32 v45, v30  }
0xec: {  	v40 =	vmul.f32 v40, v9;
	v39 =	vmul.f32 $1.442695020e+00, v39;
	[tilespmem:v16+s14+$0x0] =	vst.idx.add.f32.msk $0xffff, v44;
	v44 =	vpop (erf)  }
0xed: {  	v49 =	vmul.f32 $2.000000030e-01, v37;
	v36 =	vsub.f32 v36, v19;
	[tilespmem:v17+s14+$0x0] =	vst.idx.add.f32.msk $0xffff, v45;
	v48 =	vpop (erf);
	(erf) = vpow2.f32 v41  }
0xee: {  	v40 =	vsub.f32 v40, v19;
	v28 =	vmul.f32 v44, v28;
	v41 =	vld [tilespmem:s19+$0x0];
	[tilespmem:s15+$0x10] =	vst v48;
	(erf) = vpow2.f32 v39  }
0xef: {  	v37 =	vmax.f32 v37, v49;
	v36 =	vmul.f32 $1.442695020e+00, v36;
	v23 =	vmul.f32 v48, v23;
	v39 =	vld [tilespmem:s18+$0x10];
	[tilespmem:s11+$0x11580] =	vst v44;
	v45 =	vpop (erf);
	s11 =	smov.u32 s21  }
0xf0: {  	v37 =	vmul.f32 v37, v9;
	v18 =	vmul.f32 v45, v18;
	[tilespmem:v14+s14+$0x0] =	vst.idx.add.f32.msk $0xffff, v44  }
0xf1: {  	[tilespmem:v15+s14+$0x0] =	vst.idx.add.f32.msk $0xffff, v48;
	(erf) = vpow2.f32 v36  }
0xf2: {  	v36 =	vmul.f32 $1.442695020e+00, v40;
	[tilespmem:v17+s13+$0x0] =	vst.idx.add.f32.msk $0xffff, v30;
	v30 =	vsub.f32 v37, v19  }
0xf3: {  	[tilespmem:v14+s13+$0x0] =	vst.idx.add.f32.msk $0xffff, v28;
	v14 =	vmov v38;
	v17 =	vmov v41  }
0xf4: {  	v28 =	vadd.s32 $0x2800, v17;
	[tilespmem:v16+s13+$0x0] =	vst.idx.add.f32.msk $0xffff, v24;
	v24 =	vmul.f32 $1.442695020e+00, v30;
	(erf) = vpow2.f32 v36;
	v16 =	vmovc v43  }
0xf5: {  	v30 =	vld [tilespmem:s19+$0xFFFFFFD0];
	[tilespmem:s15+$0xFFFFFFE0] =	vst v45  }
0xf6: {  	v36 =	vld [tilespmem:s18+$0xFFFFFFE0];
	v37 =	vpop (erf);
	(erf) = vpow2.f32 v24  }
0xf7: {  	v38 =	vld [tilespmem:s11+$0x7880];
	[tilespmem:s15+$0x20] =	vst v37;
	v24 =	vmul.f32 v37, v29;
	v29 =	vpop (erf)  }
0xf8: {  	v40 =	vadd.s32 $0x2800, v16;
	[tilespmem:v15+s13+$0x0] =	vst.idx.add.f32.msk $0xffff, v23;
	v15 =	vmov v42  }
0xf9: {  	v23 =	vadd.s32 $0x2800, v46;
	[tilespmem:v20+s14+$0x0] =	vst.idx.add.f32.msk $0xffff, v37  }
0xfa: {  	[tilespmem:v13+s14+$0x0] =	vst.idx.add.f32.msk $0xffff, v45;
	v37 =	vpop (erf)  }
0xfb: {  	v41 =	vadd.s32 $0x2800, v34;
	v26 =	vmul.f32 v29, v26;
	[tilespmem:v20+s13+$0x0] =	vst.idx.add.f32.msk $0xffff, v24  }
0xfc: {  	v42 =	vadd.s32 $0x2800, v33;
	v43 =	vld.idx.msk [tilespmem:v28+s12+$0x0], $0xffff;
	[tilespmem:s15+$0xFFFFFFC0] =	vst v37  }
0xfd: {  	[tilespmem:v13+s13+$0x0] =	vst.idx.add.f32.msk $0xffff, v18;
	v20 =	vpop (erf);
	v13 =	vmov v46  }
0xfe: {  	v28 =	vadd.s32 $0x2800, v14;
	v18 =	vld.idx.msk [tilespmem:v36+s12+$0x0], $0xffff;
	[tilespmem:s15+$0xFFFFFFD0] =	vst v20;
	v27 =	vmul.f32 v20, v27  }
0xff: {  	v22 =	vmul.f32 v37, v22;
	[tilespmem:v12+s14+$0x0] =	vst.idx.add.f32.msk $0xffff, v20;
	v20 =	vpop (erf)  }
0x100: {  	v36 =	vld.idx.msk [tilespmem:v40+s12+$0x0], $0xffff;
	v40 =	vadd.s32 $0x2800, v15;
	[tilespmem:s15+$0x40] =	vst v20;
	v25 =	vmul.f32 v20, v25  }
0x101: {  	v44 =	vld.idx.msk [tilespmem:v23+s12+$0x0], $0xffff;
	[tilespmem:s15+$0xFFFFFFB0] =	vst v29;
	s15 =	smov.u32 s16  }
0x102: {  	v24 =	vld.idx.msk [tilespmem:v47+s12+$0x0], $0xffff  }
0x103: {  	[tilespmem:v21+s14+$0x0] =	vst.idx.add.f32.msk $0xffff, v20  }
0x104: {  	v45 =	vadd.s32 $0x2800, v30;
	v23 =	vld.idx.msk [tilespmem:v39+s12+$0x0], $0xffff  }
0x105: {  	[tilespmem:v21+s13+$0x0] =	vst.idx.add.f32.msk $0xffff, v25  }
0x106: {  	[tilespmem:v10+s14+$0x0] =	vst.idx.add.f32.msk $0xffff, v29  }
0x107: {  	v21 =	vld.idx.msk [tilespmem:v28+s12+$0x0], $0xffff  }
0x108: {  	[tilespmem:v11+s14+$0x0] =	vst.idx.add.f32.msk $0xffff, v37  }
0x109: {  	[tilespmem:v10+s13+$0x0] =	vst.idx.add.f32.msk $0xffff, v26;
	v10 =	vmov v33  }
0x10a: {  	[tilespmem:v12+s13+$0x0] =	vst.idx.add.f32.msk $0xffff, v27;
	v12 =	vmov v30  }
0x10b: {  	[tilespmem:v11+s13+$0x0] =	vst.idx.add.f32.msk $0xffff, v22;
	v11 =	vmov v34  }
0x10c: {  	v28 =	vld.idx.msk [tilespmem:v38+s12+$0x0], $0xffff  }
0x10d: {  	v30 =	vld.idx.msk [tilespmem:v35+s12+$0x0], $0xffff  }
0x10e: {  	v22 =	vadd.f32 v44, v18;
	v20 =	vld [tilespmem:s19+$0x20]  }
0x10f: {  	v25 =	vld.idx.msk [tilespmem:v40+s12+$0x0], $0xffff  }
0x110: {  	v26 =	vadd.f32 v36, v24  }
0x111: {  	v27 =	vmul.f32 $2.000000030e-01, v22;
	v34 =	vld.idx.msk [tilespmem:v45+s12+$0x0], $0xffff  }
0x112: {  	v29 =	vmul.f32 $2.000000030e-01, v26;
	v37 =	vadd.f32 v21, v28;
	v36 =	vld [tilespmem:s18+$0xFFFFFFB0]  }
0x113: {  	v21 =	vmax.f32 v22, v27;
	v27 =	vadd.f32 v43, v30;
	v33 =	vadd.s32 $0x2800, v20;
	v38 =	vld [tilespmem:s18+$0x40]  }
0x114: {  	v35 =	vmul.f32 v21, v9;
	v21 =	vmax.f32 v26, v29;
	v39 =	vld [tilespmem:s18+$0xFFFFFFD0]  }
0x115: {  	v26 =	vmul.f32 v21, v9;
	v29 =	vmul.f32 $2.000000030e-01, v27;
	v25 =	vadd.f32 v25, v23;
	v21 =	vld [tilespmem:s19+$0x40]  }
0x116: {  	v22 =	vld.idx.msk [tilespmem:v32+s12+$0x0], $0xffff;
	v32 =	vmul.f32 $2.000000030e-01, v37  }
0x117: {  	v35 =	vsub.f32 v35, v19;
	v26 =	vsub.f32 v26, v19;
	v27 =	vmax.f32 v27, v29;
	v29 =	vld.idx.msk [tilespmem:v31+s12+$0x0], $0xffff  }
0x118: {  	v27 =	vmul.f32 v27, v9;
	v31 =	vmul.f32 $2.000000030e-01, v25;
	v33 =	vld.idx.msk [tilespmem:v33+s12+$0x0], $0xffff;
	v37 =	vmax.f32 v37, v32  }
.Ltmp2:
0x119: {  	v40 =	vmul.f32 $1.442695020e+00, v26;
	v32 =	vld.idx.msk [tilespmem:v42+s12+$0x0], $0xffff;
	v42 =	vmul.f32 v37, v9;
	(pc) =	sbr.rel @p0 .LBB2_5-.Ltmp2, $4  }
0x11a: {  	v25 =	vmax.f32 v25, v31;
	v26 =	vld.idx.msk [tilespmem:v36+s12+$0x0], $0xffff;
	v36 =	vsub.f32 v27, v19;
	v37 =	vadd.s32 $0x2800, v21  }
0x11b: {  	v31 =	vmul.f32 v25, v9;
	v42 =	vsub.f32 v42, v19;
	v25 =	vld.idx.msk [tilespmem:v38+s12+$0x0], $0xffff;
	(erf) = vpow2.f32 v40  }
0x11c: {  	v27 =	vld.idx.msk [tilespmem:v39+s12+$0x0], $0xffff;
	v39 =	vmul.f32 $1.442695020e+00, v36  }
0x11d: {  	s20 =	sadd.s32 $0xA0, s20;
	s18 =	sadd.s32 $0xA0, s18;
	s19 =	sadd.s32 $0xA0, s19;
	v40 =	vsub.f32 v31, v19;
	v36 =	vld.idx.msk [tilespmem:v41+s12+$0x0], $0xffff;
	v38 =	vmul.f32 $1.442695020e+00, v42  }
0x11e: {  	_ =	sdelay $0x1  }
0x11f: {  	(erf) = vpow2.f32 v39  }
0x120: {  	v31 =	vadd.f32 v33, v29  }
0x121: {  	v42 =	vld.idx.msk [tilespmem:v37+s12+$0x0], $0xffff;
	(erf) = vpow2.f32 v38;
	v32 =	vadd.f32 v32, v26  }
0x122: {  	v62 =	vmul.f32 $1.442695020e+00, v40;
	v63 =	vmul.f32 $2.000000030e-01, v31  }
0x123: {  	v35 =	vmul.f32 $1.442695020e+00, v35;
	v43 =	vmul.f32 $2.000000030e-01, v32  }
0x124: {  	(erf) = vpow2.f32 v62;
	v34 =	vadd.f32 v34, v27;
	v31 =	vmax.f32 v31, v63  }
0x125: {  	v36 =	vadd.f32 v36, v22;
	v31 =	vmul.f32 v31, v9;
	v32 =	vmax.f32 v32, v43;
	v46 =	vpop (erf)  }
0x126: {  	v45 =	vmul.f32 $2.000000030e-01, v34;
	v33 =	vadd.f32 v42, v25;
	[tilespmem:s15+$0xFFFFFFF0] =	vst v46;
	v54 =	vmul.f32 v46, v24  }
0x127: {  	v44 =	vmul.f32 $2.000000030e-01, v36;
	v32 =	vmul.f32 v32, v9;
	v31 =	vsub.f32 v31, v19;
	[tilespmem:v16+s14+$0x0] =	vst.idx.add.f32.msk $0xffff, v46  }
0x128: {  	(erf) = vpow2.f32 v35;
	v50 =	vmul.f32 $2.000000030e-01, v33;
	v47 =	vpop (erf);
	[tilespmem:v16+s13+$0x0] =	vst.idx.add.f32.msk $0xffff, v54  }
0x129: {  	v36 =	vmax.f32 v36, v44;
	v32 =	vsub.f32 v32, v19;
	v31 =	vmul.f32 $1.442695020e+00, v31;
	[tilespmem:s15+$0x0] =	vst v47  }
0x12a: {  	v48 =	vmul.f32 v36, v9;
	v49 =	vpop (erf);
	v30 =	vmul.f32 v47, v30;
	[tilespmem:v17+s14+$0x0] =	vst.idx.add.f32.msk $0xffff, v47  }
0x12b: {  	v34 =	vmax.f32 v34, v45;
	v32 =	vmul.f32 $1.442695020e+00, v32;
	(erf) = vpow2.f32 v31;
	[tilespmem:s11+$0x11580] =	vst v49  }
0x12c: {  	v51 =	vmul.f32 v34, v9;
	v33 =	vmax.f32 v33, v50;
	[tilespmem:v14+s14+$0x0] =	vst.idx.add.f32.msk $0xffff, v49  }
0x12d: {  	v52 =	vsub.f32 v48, v19;
	v28 =	vmul.f32 v49, v28;
	v53 =	vpop (erf);
	(erf) = vpow2.f32 v32;
	[tilespmem:v17+s13+$0x0] =	vst.idx.add.f32.msk $0xffff, v30  }
0x12e: {  	v9 =	vmul.f32 v33, v9;
	v31 =	vsub.f32 v51, v19;
	[tilespmem:s15+$0x10] =	vst v53  }
0x12f: {  	v34 =	vmul.f32 $1.442695020e+00, v52;
	[tilespmem:v14+s13+$0x0] =	vst.idx.add.f32.msk $0xffff, v28;
	v56 =	vmul.f32 v53, v23  }
0x130: {  	v31 =	vmul.f32 $1.442695020e+00, v31;
	[tilespmem:v15+s14+$0x0] =	vst.idx.add.f32.msk $0xffff, v53  }
0x131: {  	v9 =	vsub.f32 v9, v19;
	(erf) = vpow2.f32 v34;
	v55 =	vpop (erf);
	[tilespmem:v15+s13+$0x0] =	vst.idx.add.f32.msk $0xffff, v56  }
0x132: {  	(erf) = vpow2.f32 v31;
	[tilespmem:s15+$0xFFFFFFE0] =	vst v55;
	v14 =	vmul.f32 v55, v18  }
0x133: {  	v9 =	vmul.f32 $1.442695020e+00, v9;
	[tilespmem:v13+s14+$0x0] =	vst.idx.add.f32.msk $0xffff, v55  }
0x134: {  	[tilespmem:v13+s13+$0x0] =	vst.idx.add.f32.msk $0xffff, v14;
	v57 =	vpop (erf)  }
0x135: {  	(erf) = vpow2.f32 v9;
	[tilespmem:s15+$0x20] =	vst v57  }
0x136: {  	v9 =	vmul.f32 v57, v29;
	v58 =	vpop (erf);
	[tilespmem:v20+s14+$0x0] =	vst.idx.add.f32.msk $0xffff, v57  }
0x137: {  	[tilespmem:s15+$0xFFFFFFB0] =	vst v58  }
0x138: {  	v62 =	vmul.f32 v58, v26;
	[tilespmem:v20+s13+$0x0] =	vst.idx.add.f32.msk $0xffff, v9  }
0x139: {  	[tilespmem:v10+s14+$0x0] =	vst.idx.add.f32.msk $0xffff, v58  }
0x13a: {  	v59 =	vpop (erf);
	[tilespmem:v10+s13+$0x0] =	vst.idx.add.f32.msk $0xffff, v62  }
0x13b: {  	[tilespmem:s15+$0xFFFFFFC0] =	vst v59;
	v9 =	vpop (erf)  }
0x13c: {  	[tilespmem:s15+$0xFFFFFFD0] =	vst v9  }
0x13d: {  	[tilespmem:v11+s14+$0x0] =	vst.idx.add.f32.msk $0xffff, v59  }
0x13e: {  	s25 =	sshrl.u32 s1, $0x3;
	v63 =	vmul.f32 v59, v22;
	v60 =	vpop (erf);
	[tilespmem:v12+s14+$0x0] =	vst.idx.add.f32.msk $0xffff, v9  }
0x13f: {  	s11 =	smul.u32 $0x50000, s25;
	[tilespmem:s15+$0x40] =	vst v60  }
0x140: {  	v61 =	vmul.f32 v60, v25;
	[tilespmem:v11+s13+$0x0] =	vst.idx.add.f32.msk $0xffff, v63  }
0x141: {  	s26 =	sshll.u32 s1, $0x7;
	s28 =	simm.s32 $0x80;
	s11 =	sshrl.u32 s11, $0x2;
	v9 =	vmul.f32 v9, v27;
	[tilespmem:v21+s14+$0x0] =	vst.idx.add.f32.msk $0xffff, v60  }
0x142: {  	s29 =	simm.s32 $0x400;
	s12 =	sand.u32 $0x380, s26;
	s11 =	sadd.s32 s11, s8;
	[tilespmem:v21+s13+$0x0] =	vst.idx.add.f32.msk $0xffff, v61  }
0x143: {  	s30 =	simm.s32 $0x16380;
	s31 =	simm.s32 $0x3;
	s11 =	sadd.s32 s12, s11;
	[tilespmem:v12+s13+$0x0] =	vst.idx.add.f32.msk $0xffff, v9  }
0x144: {  	[spmem:s11] =	stream.strided.scatter [tilespmem:s30], [sflag:$0x3], $0x2800, s29, s28, $0x38;
	[tilespmem:$0x1E7C0] =	vst v63  }
0x145: {  	_ =	swait.ge [sflag:s31], $0x2800  }
0x146: {  	[sflag:s31] =	ssyncset.done $0x0  }
0x147: {  	[sflag:s31] =	ssyncadd.s32 $0xFFFFD800  }
0x148: {  	s14 =	simm.s32 $0x163C0;
	v9 =	vimm.f32 $0.0e+00;
	[bflag:$0x0] =	sbarrier.arrive $0xFFFF  }
0x149: {  	[tilespmem:s14+$0xFFFFFFC0] =	vst v9  }
0x14a: {  	[tilespmem:s14+$0x30] =	vst v9  }
0x14b: {  	[tilespmem:s14+$0x20] =	vst v9  }
0x14c: {  	[tilespmem:s14+$0x10] =	vst v9  }
0x14d: {  	[tilespmem:s14+$0x0] =	vst v9  }
0x14e: {  	[tilespmem:s14+$0xFFFFFFF0] =	vst v9  }
0x14f: {  	s12 =	simm.s32 $0x0;
	[tilespmem:s14+$0xFFFFFFE0] =	vst v9  }
.LBB2_7:
0x150: {  	s12 =	sadd.s32 $0x8, s12;
	[tilespmem:s14+$0xFFFFFFD0] =	vst v9;
	s14 =	sadd.s32 $0x80, s14  }
0x151: {  	[tilespmem:s14+$0xFFFFFFC0] =	vst v9;
	p0 =	slt.u32 s12, $0x20  }
0x152: {  	[tilespmem:s14+$0x30] =	vst v9  }
.Ltmp3:
0x153: {  	[tilespmem:s14+$0x20] =	vst v9;
	(pc) =	sbr.rel @p0 .LBB2_7-.Ltmp3, $4  }
0x154: {  	[tilespmem:s14+$0x10] =	vst v9  }
0x155: {  	[tilespmem:s14+$0x0] =	vst v9  }
0x156: {  	[tilespmem:s14+$0xFFFFFFF0] =	vst v9  }
0x157: {  	[tilespmem:s14+$0xFFFFFFE0] =	vst v9  }
0x158: {  	s12 =	smul.u32 $0x5000, s1  }
0x159: {  	s13 =	simm.s32 $0x80  }
0x15a: {  	[tilespmem:s14+$0xFFFFFFD0] =	vst v9;
	s14 =	simm.s32 $0x400;
	s15 =	simm.s32 $0x1B380;
	s12 =	sshrl.u32 s12, $0x2  }
0x15b: {  	s16 =	simm.s32 $0x3;
	s8 =	sadd.s32 s12, s8;
	s12 =	simm.s32 $0x0  }
.LBB2_9:
0x15c: {  	s17 =	sshrl.u32 s12, $0x3  }
0x15d: {  	s17 =	smul.u32 $0x50000, s17;
	_ =	sdelay $0x1  }
0x15e: {  	s18 =	sshll.u32 s12, $0x7;
	s17 =	sshra.s32 s17, $0x2  }
0x15f: {  	s18 =	sand.u32 $0x380, s18;
	s17 =	sadd.s32 s17, s8  }
0x160: {  	s17 =	sadd.s32 s18, s17  }
0x161: {  	[tilespmem:s15], [sflag:$0x3] =	stream.strided.gather [spmem:s17], $0x280, s14, s13, $0x38;
	[tilespmem:$0x1E7C0] =	vst v63  }
0x162: {  	_ =	swait.ge [sflag:s16], $0x280  }
0x163: {  	[sflag:s16] =	ssyncset.done $0x0  }
0x164: {  	s17 =	simm.s32 $0x163C0;
	[sflag:s16] =	ssyncadd.s32 $0xFFFFFD80  }
0x165: {  	s18 =	simm.s32 $0x1B3C0;
	v10 =	vld [tilespmem:s17+$0x30]  }
0x166: {  	v11 =	vld [tilespmem:s18+$0x30]  }
0x167: {  	v9 =	vld [tilespmem:s18+$0xFFFFFFC0]  }
0x168: {  	v12 =	vld [tilespmem:s17+$0xFFFFFFD0]  }
0x169: {  	v13 =	vld [tilespmem:s18+$0xFFFFFFD0]  }
0x16a: {  	v14 =	vld [tilespmem:s17+$0xFFFFFFE0]  }
0x16b: {  	v15 =	vld [tilespmem:s18+$0xFFFFFFE0]  }
0x16c: {  	v16 =	vld [tilespmem:s17+$0xFFFFFFF0]  }
0x16d: {  	v17 =	vld [tilespmem:s18+$0xFFFFFFF0]  }
0x16e: {  	v18 =	vld [tilespmem:s17+$0x0]  }
0x16f: {  	v19 =	vld [tilespmem:s18+$0x0];
	v11 =	vadd.f32 v11, v10  }
0x170: {  	v13 =	vadd.f32 v13, v12;
	v10 =	vld [tilespmem:s17+$0x10]  }
0x171: {  	v14 =	vadd.f32 v15, v14;
	v12 =	vld [tilespmem:s18+$0x10];
	[tilespmem:s17+$0x30] =	vst v11  }
0x172: {  	v15 =	vadd.f32 v17, v16;
	[tilespmem:s17+$0xFFFFFFD0] =	vst v13;
	v11 =	vld [tilespmem:s17+$0x20]  }
0x173: {  	[tilespmem:s17+$0xFFFFFFE0] =	vst v14;
	v14 =	vld [tilespmem:s18+$0x20]  }
0x174: {  	s19 =	simm.s32 $0x0;
	s20 =	simm.s32 $0x16440;
	v13 =	vld [tilespmem:s17+$0xFFFFFFC0];
	[tilespmem:s17+$0xFFFFFFF0] =	vst v15;
	v15 =	vadd.f32 v19, v18  }
.LBB2_10:
0x175: {  	v16 =	vld [tilespmem:s20+$0x30];
	s18 =	sadd.s32 $0x80, s18  }
0x176: {  	s19 =	sadd.s32 $0x8, s19;
	v17 =	vld [tilespmem:s18+$0x30];
	[tilespmem:s17+$0x0] =	vst v15;
	v10 =	vadd.f32 v12, v10  }
0x177: {  	p0 =	slt.u32 s19, $0x20;
	v12 =	vld [tilespmem:s18+$0xFFFFFFC0]  }
0x178: {  	v15 =	vld [tilespmem:s20+$0xFFFFFFD0];
	[tilespmem:s17+$0x10] =	vst v10;
	v10 =	vadd.f32 v14, v11  }
0x179: {  	v11 =	vld [tilespmem:s18+$0xFFFFFFD0];
	v18 =	vadd.f32 v9, v13  }
0x17a: {  	v13 =	vld [tilespmem:s20+$0xFFFFFFE0];
	[tilespmem:s17+$0x20] =	vst v10  }
0x17b: {  	v10 =	vld [tilespmem:s18+$0xFFFFFFE0];
	v14 =	vadd.f32 v17, v16;
	[tilespmem:s17+$0xFFFFFFC0] =	vst v18;
	s17 =	smov.u32 s20  }
0x17c: {  	v16 =	vld [tilespmem:s20+$0xFFFFFFF0];
	v9 =	vmov v12  }
0x17d: {  	v17 =	vld [tilespmem:s18+$0xFFFFFFF0];
	[tilespmem:s20+$0x30] =	vst v14  }
0x17e: {  	v11 =	vadd.f32 v11, v15;
	v15 =	vld [tilespmem:s20+$0x0]  }
0x17f: {  	v18 =	vld [tilespmem:s18+$0x0]  }
.Ltmp4:
0x180: {  	[tilespmem:s20+$0xFFFFFFD0] =	vst v11;
	v11 =	vadd.f32 v10, v13;
	v10 =	vld [tilespmem:s20+$0x10];
	(pc) =	sbr.rel @p0 .LBB2_10-.Ltmp4, $4  }
0x181: {  	v12 =	vld [tilespmem:s18+$0x10]  }
0x182: {  	[tilespmem:s20+$0xFFFFFFE0] =	vst v11;
	v16 =	vadd.f32 v17, v16;
	v11 =	vld [tilespmem:s20+$0x20]  }
0x183: {  	v14 =	vld [tilespmem:s18+$0x20]  }
0x184: {  	s20 =	sadd.s32 $0x80, s20;
	v13 =	vld [tilespmem:s17+$0xFFFFFFC0];
	[tilespmem:s17+$0xFFFFFFF0] =	vst v16;
	v15 =	vadd.f32 v18, v15  }
0x185: {  	s12 =	sadd.s32 $0x1, s12  }
0x186: {  	p0 =	sne.s32 s12, $0x10  }
.Ltmp5:
0x187: {  	v10 =	vadd.f32 v12, v10;
	(pc) =	sbr.rel @p0 .LBB2_9-.Ltmp5, $4  }
0x188: {  	[tilespmem:s17+$0x0] =	vst v15;
	v11 =	vadd.f32 v14, v11  }
0x189: {  	[tilespmem:s17+$0x10] =	vst v10;
	v9 =	vadd.f32 v9, v13  }
0x18a: {  	[tilespmem:s17+$0x20] =	vst v11  }
0x18b: {  	[tilespmem:s17+$0xFFFFFFC0] =	vst v9  }
0x18c: {  	[bflag:$0x0] =	sbarrier.arrive $0xFFFF;
	s12 =	simm.s32 $0x80  }
0x18d: {  	s13 =	simm.s32 $0x400;
	s14 =	simm.s32 $0x18B80;
	s31 =	simm.s32 $0x3  }
0x18e: {  	[spmem:s11] =	stream.strided.scatter [tilespmem:s14], [sflag:$0x3], $0x2800, s13, s12, $0x38;
	[tilespmem:$0x1E7C0] =	vst v63  }
0x18f: {  	_ =	swait.ge [sflag:s31], $0x2800  }
0x190: {  	[sflag:s31] =	ssyncset.done $0x0  }
0x191: {  	[sflag:s31] =	ssyncadd.s32 $0xFFFFD800  }
0x192: {  	v9 =	vimm.f32 $0.0e+00;
	s14 =	simm.s32 $0x18BC0;
	[bflag:$0x0] =	sbarrier.arrive $0xFFFF  }
0x193: {  	[tilespmem:s14+$0xFFFFFFC0] =	vst v9  }
0x194: {  	[tilespmem:s14+$0x30] =	vst v9  }
0x195: {  	[tilespmem:s14+$0x20] =	vst v9  }
0x196: {  	[tilespmem:s14+$0x10] =	vst v9  }
0x197: {  	[tilespmem:s14+$0x0] =	vst v9  }
0x198: {  	[tilespmem:s14+$0xFFFFFFF0] =	vst v9  }
0x199: {  	s12 =	simm.s32 $0x0;
	[tilespmem:s14+$0xFFFFFFE0] =	vst v9  }
.LBB2_13:
0x19a: {  	s12 =	sadd.s32 $0x8, s12;
	[tilespmem:s14+$0xFFFFFFD0] =	vst v9;
	s14 =	sadd.s32 $0x80, s14  }
0x19b: {  	[tilespmem:s14+$0xFFFFFFC0] =	vst v9;
	p0 =	slt.u32 s12, $0x20  }
0x19c: {  	[tilespmem:s14+$0x30] =	vst v9  }
.Ltmp6:
0x19d: {  	[tilespmem:s14+$0x20] =	vst v9;
	(pc) =	sbr.rel @p0 .LBB2_13-.Ltmp6, $4  }
0x19e: {  	[tilespmem:s14+$0x10] =	vst v9  }
0x19f: {  	[tilespmem:s14+$0x0] =	vst v9  }
0x1a0: {  	[tilespmem:s14+$0xFFFFFFF0] =	vst v9  }
0x1a1: {  	[tilespmem:s14+$0xFFFFFFE0] =	vst v9  }
0x1a2: {  	s12 =	simm.s32 $0x0;
	s13 =	simm.s32 $0x80  }
0x1a3: {  	[tilespmem:s14+$0xFFFFFFD0] =	vst v9;
	s14 =	simm.s32 $0x400;
	s15 =	simm.s32 $0x1B600;
	s16 =	simm.s32 $0x3  }
.LBB2_15:
0x1a4: {  	s17 =	sshrl.u32 s12, $0x3  }
0x1a5: {  	s17 =	smul.u32 $0x50000, s17;
	_ =	sdelay $0x1  }
0x1a6: {  	s18 =	sshll.u32 s12, $0x7;
	s17 =	sshra.s32 s17, $0x2  }
0x1a7: {  	s18 =	sand.u32 $0x380, s18;
	s17 =	sadd.s32 s17, s8  }
0x1a8: {  	s17 =	sadd.s32 s18, s17  }
0x1a9: {  	[tilespmem:s15], [sflag:$0x3] =	stream.strided.gather [spmem:s17], $0x280, s14, s13, $0x38;
	[tilespmem:$0x1E7C0] =	vst v63  }
0x1aa: {  	_ =	swait.ge [sflag:s16], $0x280  }
0x1ab: {  	[sflag:s16] =	ssyncset.done $0x0  }
0x1ac: {  	s17 =	simm.s32 $0x18BC0;
	[sflag:s16] =	ssyncadd.s32 $0xFFFFFD80  }
0x1ad: {  	s18 =	simm.s32 $0x1B640;
	v10 =	vld [tilespmem:s17+$0x30]  }
0x1ae: {  	v11 =	vld [tilespmem:s18+$0x30]  }
0x1af: {  	v9 =	vld [tilespmem:s18+$0xFFFFFFC0]  }
0x1b0: {  	v12 =	vld [tilespmem:s17+$0xFFFFFFD0]  }
0x1b1: {  	v13 =	vld [tilespmem:s18+$0xFFFFFFD0]  }
0x1b2: {  	v14 =	vld [tilespmem:s17+$0xFFFFFFE0]  }
0x1b3: {  	v15 =	vld [tilespmem:s18+$0xFFFFFFE0]  }
0x1b4: {  	v16 =	vld [tilespmem:s17+$0xFFFFFFF0]  }
0x1b5: {  	v17 =	vld [tilespmem:s18+$0xFFFFFFF0]  }
0x1b6: {  	v18 =	vld [tilespmem:s17+$0x0]  }
0x1b7: {  	v19 =	vld [tilespmem:s18+$0x0];
	v11 =	vadd.f32 v11, v10  }
0x1b8: {  	v13 =	vadd.f32 v13, v12;
	v10 =	vld [tilespmem:s17+$0x10]  }
0x1b9: {  	v14 =	vadd.f32 v15, v14;
	v12 =	vld [tilespmem:s18+$0x10];
	[tilespmem:s17+$0x30] =	vst v11  }
0x1ba: {  	v15 =	vadd.f32 v17, v16;
	[tilespmem:s17+$0xFFFFFFD0] =	vst v13;
	v11 =	vld [tilespmem:s17+$0x20]  }
0x1bb: {  	[tilespmem:s17+$0xFFFFFFE0] =	vst v14;
	v14 =	vld [tilespmem:s18+$0x20]  }
0x1bc: {  	s19 =	simm.s32 $0x0;
	s20 =	simm.s32 $0x18C40;
	v13 =	vld [tilespmem:s17+$0xFFFFFFC0];
	[tilespmem:s17+$0xFFFFFFF0] =	vst v15;
	v15 =	vadd.f32 v19, v18  }
.LBB2_16:
0x1bd: {  	v16 =	vld [tilespmem:s20+$0x30];
	s18 =	sadd.s32 $0x80, s18  }
0x1be: {  	s19 =	sadd.s32 $0x8, s19;
	v17 =	vld [tilespmem:s18+$0x30];
	[tilespmem:s17+$0x0] =	vst v15;
	v10 =	vadd.f32 v12, v10  }
0x1bf: {  	p0 =	slt.u32 s19, $0x20;
	v12 =	vld [tilespmem:s18+$0xFFFFFFC0]  }
0x1c0: {  	v15 =	vld [tilespmem:s20+$0xFFFFFFD0];
	[tilespmem:s17+$0x10] =	vst v10;
	v10 =	vadd.f32 v14, v11  }
0x1c1: {  	v11 =	vld [tilespmem:s18+$0xFFFFFFD0];
	v18 =	vadd.f32 v9, v13  }
0x1c2: {  	v13 =	vld [tilespmem:s20+$0xFFFFFFE0];
	[tilespmem:s17+$0x20] =	vst v10  }
0x1c3: {  	v10 =	vld [tilespmem:s18+$0xFFFFFFE0];
	v14 =	vadd.f32 v17, v16;
	[tilespmem:s17+$0xFFFFFFC0] =	vst v18;
	s17 =	smov.u32 s20  }
0x1c4: {  	v16 =	vld [tilespmem:s20+$0xFFFFFFF0];
	v9 =	vmov v12  }
0x1c5: {  	v17 =	vld [tilespmem:s18+$0xFFFFFFF0];
	[tilespmem:s20+$0x30] =	vst v14  }
0x1c6: {  	v11 =	vadd.f32 v11, v15;
	v15 =	vld [tilespmem:s20+$0x0]  }
0x1c7: {  	v18 =	vld [tilespmem:s18+$0x0]  }
.Ltmp7:
0x1c8: {  	[tilespmem:s20+$0xFFFFFFD0] =	vst v11;
	v11 =	vadd.f32 v10, v13;
	v10 =	vld [tilespmem:s20+$0x10];
	(pc) =	sbr.rel @p0 .LBB2_16-.Ltmp7, $4  }
0x1c9: {  	v12 =	vld [tilespmem:s18+$0x10]  }
0x1ca: {  	[tilespmem:s20+$0xFFFFFFE0] =	vst v11;
	v16 =	vadd.f32 v17, v16;
	v11 =	vld [tilespmem:s20+$0x20]  }
0x1cb: {  	v14 =	vld [tilespmem:s18+$0x20]  }
0x1cc: {  	s20 =	sadd.s32 $0x80, s20;
	v13 =	vld [tilespmem:s17+$0xFFFFFFC0];
	[tilespmem:s17+$0xFFFFFFF0] =	vst v16;
	v15 =	vadd.f32 v18, v15  }
0x1cd: {  	s12 =	sadd.s32 $0x1, s12  }
0x1ce: {  	p0 =	sne.s32 s12, $0x10  }
.Ltmp8:
0x1cf: {  	v10 =	vadd.f32 v12, v10;
	(pc) =	sbr.rel @p0 .LBB2_15-.Ltmp8, $4  }
0x1d0: {  	[tilespmem:s17+$0x0] =	vst v15;
	v11 =	vadd.f32 v14, v11  }
0x1d1: {  	[tilespmem:s17+$0x10] =	vst v10;
	v9 =	vadd.f32 v9, v13  }
0x1d2: {  	[tilespmem:s17+$0x20] =	vst v11  }
0x1d3: {  	[tilespmem:s17+$0xFFFFFFC0] =	vst v9  }
0x1d4: {  	s13 =	simm.s32 $0x163C0  }
0x1d5: {  	v9 =	vld [tilespmem:s13+$0xFFFFFFD0]  }
0x1d6: {  	v10 =	vld [tilespmem:s13+$0xFFFFFFC0];
	_ =	sdelay $0x3  }
0x1d7: {  	v9 =	vadd.f32 $1.000000020e-16, v9  }
0x1d8: {  	v11 =	vld [tilespmem:s13+$0xFFFFFFE0];
	v10 =	vadd.f32 $1.000000020e-16, v10  }
0x1d9: {  	v12 =	vld [tilespmem:s13+$0xFFFFFFF0];
	(erf) = vrcp.f32 v9  }
0x1da: {  	(erf) = vrcp.f32 v10;
	v10 =	vld [tilespmem:s13+$0x0];
	_ =	sdelay $0x1  }
0x1db: {  	v13 =	vld [tilespmem:s13+$0x30]  }
0x1dc: {  	s12 =	simm.s32 $0x18BC0;
	v14 =	vld [tilespmem:s13+$0x10];
	v11 =	vadd.f32 $1.000000020e-16, v11  }
0x1dd: {  	s16 =	simm.s32 $0x16440;
	v15 =	vld [tilespmem:s12+$0xFFFFFFC0]  }
0x1de: {  	v16 =	vld [tilespmem:s16+$0xFFFFFFD0];
	v12 =	vadd.f32 $1.000000020e-16, v12;
	(erf) = vrcp.f32 v11;
	v10 =	vadd.f32 $1.000000020e-16, v10  }
0x1df: {  	v11 =	vld [tilespmem:s13+$0x20]  }
0x1e0: {  	v18 =	vld [tilespmem:s16+$0xFFFFFFC0];
	(erf) = vrcp.f32 v12  }
0x1e1: {  	v9 =	vld [tilespmem:s12+$0xFFFFFFD0];
	v17 =	vpop (erf)  }
0x1e2: {  	v14 =	vadd.f32 $1.000000020e-16, v14;
	v12 =	vld [tilespmem:s16+$0xFFFFFFF0];
	(erf) = vrcp.f32 v10;
	v10 =	vpop (erf)  }
0x1e3: {  	v19 =	vld [tilespmem:s12+$0xFFFFFFE0];
	v13 =	vadd.f32 $1.000000020e-16, v13;
	v10 =	vmul.f32 v10, v15;
	v15 =	vadd.f32 $1.000000020e-16, v16  }
0x1e4: {  	v11 =	vadd.f32 $1.000000020e-16, v11;
	(erf) = vrcp.f32 v14  }
0x1e5: {  	s14 =	sadd.s32 $0x70, s3;
	(erf) = vrcp.f32 v13;
	v16 =	vld [tilespmem:s12+$0xFFFFFFF0]  }
0x1e6: {  	s25 =	sadd.s32 $0xFFFFFF90, s14;
	v13 =	vmul.f32 v17, v9;
	(erf) = vrcp.f32 v11;
	v10 =	vadd.f32 v10, v8  }
0x1e7: {  	v20 =	vld [tilespmem:s16+$0xFFFFFFE0];
	p0 =	slt.u32 s25, $0x2710;
	v9 =	vadd.f32 $1.000000020e-16, v12;
	v11 =	vadd.f32 $1.000000020e-16, v18;
	(erf) = vrcp.f32 v15;
	v15 =	vpop (erf)  }
0x1e8: {  	s26 =	sadd.s32 $0xFFFFFFA0, s14;
	v12 =	vld [tilespmem:s12+$0x0];
	v13 =	vadd.f32 v13, v8;
	v10 =	vpsel !p0, $0x0, v10;
	v15 =	vmul.f32 v15, v19  }
0x1e9: {  	p1 =	slt.u32 s26, $0x2710;
	v14 =	vimm.f32 $0.0e+00;
	v18 =	vld [tilespmem:s12+$0x10];
	(erf) = vrcp.f32 v11;
	v11 =	vmul.f32 v10, v10;
	v19 =	vpop (erf)  }
0x1ea: {  	s28 =	sadd.s32 $0xFFFFFFB0, s14;
	v13 =	vpsel !p1, $0x0, v13;
	v16 =	vmul.f32 v19, v16;
	v15 =	vadd.f32 v15, v8  }
0x1eb: {  	p2 =	slt.u32 s28, $0x2710;
	v19 =	vadd.f32 v10, v14;
	v11 =	vadd.f32 v11, v14;
	v14 =	vmul.f32 v13, v13  }
0x1ec: {  	s29 =	sadd.s32 $0xFFFFFFC0, s14;
	v17 =	vadd.f32 $1.000000020e-16, v20;
	v20 =	vld [tilespmem:s12+$0x20];
	v21 =	vpop (erf);
	v16 =	vadd.f32 v16, v8;
	v15 =	vpsel !p2, $0x0, v15  }
0x1ed: {  	p3 =	slt.u32 s29, $0x2710;
	v12 =	vmul.f32 v21, v12;
	v22 =	vpop (erf);
	v11 =	vadd.f32 v14, v11;
	v14 =	vmul.f32 v15, v15  }
0x1ee: {  	v21 =	vld [tilespmem:s12+$0x30];
	v19 =	vadd.f32 v13, v19;
	v18 =	vmul.f32 v22, v18;
	v16 =	vpsel !p3, $0x0, v16  }
0x1ef: {  	s30 =	sadd.s32 $0xFFFFFFD0, s14;
	v22 =	vpop (erf);
	v12 =	vadd.f32 v12, v8;
	v11 =	vadd.f32 v14, v11;
	v14 =	vmul.f32 v16, v16  }
0x1f0: {  	p4 =	slt.u32 s30, $0x2710;
	s13 =	simm.s32 $0x18C40;
	[tilespmem:s12+$0xFFFFFFD0] =	vst v13;
	v23 =	vpop (erf);
	v19 =	vadd.f32 v15, v19;
	v18 =	vadd.f32 v18, v8  }
0x1f1: {  	s15 =	sadd.s32 $0xFFFFFFE0, s14;
	[tilespmem:s12+$0xFFFFFFC0] =	vst v10;
	v10 =	vld [tilespmem:s13+$0xFFFFFFD0];
	v20 =	vmul.f32 v23, v20;
	v24 =	vpsel !p4, $0x0, v12;
	v11 =	vadd.f32 v14, v11  }
0x1f2: {  	p5 =	slt.u32 s15, $0x2710;
	v13 =	vld [tilespmem:s16+$0x0];
	[tilespmem:s12+$0xFFFFFFE0] =	vst v15;
	v19 =	vadd.f32 v16, v19;
	v14 =	vmul.f32 v24, v24  }
0x1f3: {  	s31 =	sadd.s32 $0xFFFFFFF0, s14;
	v15 =	vld [tilespmem:s16+$0x10];
	[tilespmem:s12+$0xFFFFFFF0] =	vst v16;
	v23 =	vpsel !p5, $0x0, v18;
	v18 =	vadd.f32 v20, v8;
	v20 =	vmul.f32 v22, v21  }
0x1f4: {  	p6 =	slt.u32 s31, $0x2710;
	v12 =	vld [tilespmem:s16+$0x30];
	[tilespmem:s12+$0x0] =	vst v24;
	v63 =	vmul.f32 v23, v23;
	v19 =	vadd.f32 v24, v19;
	v22 =	vadd.f32 v14, v11  }
0x1f5: {  	v16 =	vld [tilespmem:s13+$0xFFFFFFC0];
	[tilespmem:s12+$0x10] =	vst v23;
	v21 =	vadd.f32 v20, v8;
	v11 =	vpop (erf);
	(erf) = vrcp.f32 v17;
	v17 =	vpsel !p6, $0x0, v18  }
0x1f6: {  	s15 =	simm.s32 $0x8;
	p1 =	slt.u32 s14, $0x2710;
	v19 =	vadd.f32 v23, v19;
	v18 =	vld [tilespmem:s16+$0x20];
	s16 =	simm.s32 $0x164C0;
	v20 =	vadd.f32 v63, v22;
	v14 =	vpop (erf);
	[tilespmem:s12+$0x20] =	vst v17;
	v22 =	vmul.f32 v17, v17  }
.LBB2_19:
0x1f7: {  	v23 =	vld [tilespmem:s16+$0xFFFFFFD0];
	v13 =	vadd.f32 $1.000000020e-16, v13;
	(erf) = vrcp.f32 v9;
	v9 =	vpsel !p1, $0x0, v21  }
0x1f8: {  	v21 =	vld [tilespmem:s16+$0xFFFFFFF0];
	v17 =	vadd.f32 v17, v19;
	v19 =	vadd.f32 v22, v20;
	[tilespmem:s12+$0x30] =	vst v9;
	v20 =	vmul.f32 v9, v9;
	s12 =	smov.u32 s13  }
0x1f9: {  	v12 =	vadd.f32 $1.000000020e-16, v12;
	v22 =	vld [tilespmem:s16+$0xFFFFFFC0];
	v15 =	vadd.f32 $1.000000020e-16, v15;
	(erf) = vrcp.f32 v13  }
0x1fa: {  	v13 =	vld [tilespmem:s13+$0xFFFFFFE0];
	v17 =	vadd.f32 v9, v17;
	v19 =	vadd.f32 v20, v19  }
0x1fb: {  	v9 =	vmul.f32 v14, v16;
	v20 =	vld [tilespmem:s16+$0xFFFFFFE0];
	v14 =	vadd.f32 $1.000000020e-16, v18;
	(erf) = vrcp.f32 v15  }
0x1fc: {  	s14 =	sadd.s32 $0x80, s14;
	v18 =	vadd.f32 $1.000000020e-16, v23;
	v16 =	vld [tilespmem:s13+$0xFFFFFFF0];
	(erf) = vrcp.f32 v12  }
0x1fd: {  	v10 =	vmul.f32 v11, v10;
	s17 =	sadd.s32 $0xFFFFFF90, s14;
	v12 =	vadd.f32 v9, v8;
	(erf) = vrcp.f32 v14  }
0x1fe: {  	p0 =	slt.u32 s17, $0x2710;
	v9 =	vadd.f32 $1.000000020e-16, v21;
	v11 =	vadd.f32 $1.000000020e-16, v22;
	(erf) = vrcp.f32 v18;
	v14 =	vld [tilespmem:s13+$0x0];
	v15 =	vpop (erf)  }
0x1ff: {  	v10 =	vadd.f32 v10, v8;
	s17 =	sadd.s32 $0xFFFFFFA0, s14;
	v12 =	vpsel !p0, $0x0, v12;
	v13 =	vmul.f32 v15, v13  }
0x200: {  	s15 =	sadd.s32 $0x8, s15;
	p1 =	slt.u32 s17, $0x2710;
	v18 =	vadd.f32 $1.000000020e-16, v20;
	(erf) = vrcp.f32 v11;
	[tilespmem:s13+$0xFFFFFFC0] =	vst v12;
	v11 =	vmul.f32 v12, v12;
	v15 =	vld [tilespmem:s13+$0x10];
	v20 =	vpop (erf)  }
0x201: {  	s17 =	sadd.s32 $0xFFFFFFB0, s14;
	v10 =	vpsel !p1, $0x0, v10;
	p0 =	slt.u32 s15, $0x20;
	v13 =	vadd.f32 v13, v8;
	v16 =	vmul.f32 v20, v16  }
0x202: {  	p1 =	slt.u32 s17, $0x2710;
	v12 =	vadd.f32 v12, v17;
	v17 =	vmul.f32 v10, v10;
	v11 =	vadd.f32 v11, v19;
	[tilespmem:s13+$0xFFFFFFD0] =	vst v10;
	v19 =	vld [tilespmem:s13+$0x20];
	v20 =	vpop (erf)  }
0x203: {  	s17 =	sadd.s32 $0xFFFFFFC0, s14;
	v13 =	vpsel !p1, $0x0, v13;
	v16 =	vadd.f32 v16, v8;
	v14 =	vmul.f32 v20, v14  }
0x204: {  	v10 =	vadd.f32 v10, v12;
	p1 =	slt.u32 s17, $0x2710;
	v23 =	vadd.f32 v17, v11;
	[tilespmem:s13+$0xFFFFFFE0] =	vst v13;
	v12 =	vmul.f32 v13, v13;
	v17 =	vld [tilespmem:s13+$0x30];
	v20 =	vpop (erf)  }
0x205: {  	s17 =	sadd.s32 $0xFFFFFFD0, s14;
	v16 =	vpsel !p1, $0x0, v16;
	v14 =	vadd.f32 v14, v8;
	v15 =	vmul.f32 v20, v15;
	v20 =	vpop (erf)  }
0x206: {  	v21 =	vadd.f32 v13, v10;
	s13 =	sadd.s32 $0x80, s13;
	p1 =	slt.u32 s17, $0x2710;
	v12 =	vadd.f32 v12, v23;
	[tilespmem:s12+$0xFFFFFFF0] =	vst v16;
	v22 =	vmul.f32 v16, v16;
	v13 =	vpop (erf)  }
0x207: {  	s17 =	sadd.s32 $0xFFFFFFE0, s14;
	v10 =	vld [tilespmem:s13+$0xFFFFFFD0];
	v11 =	vpop (erf);
	v23 =	vpsel !p1, $0x0, v14;
	v15 =	vadd.f32 v15, v8;
	v19 =	vmul.f32 v13, v19  }
.Ltmp9:
0x208: {  	v16 =	vadd.f32 v16, v21;
	p1 =	slt.u32 s17, $0x2710;
	v13 =	vld [tilespmem:s16+$0x0];
	v21 =	vadd.f32 v22, v12;
	[tilespmem:s12+$0x0] =	vst v23;
	v22 =	vmul.f32 v23, v23;
	(pc) =	sbr.rel @p0 .LBB2_19-.Ltmp9, $4  }
0x209: {  	s17 =	sadd.s32 $0xFFFFFFF0, s14;
	v12 =	vld [tilespmem:s16+$0x30];
	v14 =	vpop (erf);
	v24 =	vpsel !p1, $0x0, v15;
	v19 =	vadd.f32 v19, v8;
	v20 =	vmul.f32 v20, v17  }
0x20a: {  	v23 =	vadd.f32 v23, v16;
	p1 =	slt.u32 s17, $0x2710;
	v15 =	vld [tilespmem:s16+$0x10];
	v22 =	vadd.f32 v22, v21;
	[tilespmem:s12+$0x10] =	vst v24;
	v25 =	vmul.f32 v24, v24  }
0x20b: {  	v16 =	vld [tilespmem:s13+$0xFFFFFFC0];
	(erf) = vrcp.f32 v18;
	v17 =	vpsel !p1, $0x0, v19;
	v21 =	vadd.f32 v20, v8  }
0x20c: {  	v19 =	vadd.f32 v24, v23;
	p1 =	slt.u32 s14, $0x2710;
	v18 =	vld [tilespmem:s16+$0x20];
	s16 =	sadd.s32 $0x80, s16;
	v20 =	vadd.f32 v25, v22;
	[tilespmem:s12+$0x20] =	vst v17;
	v22 =	vmul.f32 v17, v17  }
0x20d: {  	v13 =	vadd.f32 $1.000000020e-16, v13;
	(erf) = vrcp.f32 v9;
	_ =	sdelay $0x1  }
0x20e: {  	v9 =	vadd.f32 $1.000000020e-16, v15;
	(erf) = vrcp.f32 v13  }
0x20f: {  	v10 =	vmul.f32 v11, v10;
	v13 =	vld [tilespmem:s13+$0xFFFFFFE0]  }
0x210: {  	v12 =	vadd.f32 $1.000000020e-16, v12;
	v14 =	vmul.f32 v14, v16;
	(erf) = vrcp.f32 v9  }
0x211: {  	s14 =	sadd.s32 $0x80, s14;
	v11 =	vadd.f32 v17, v19;
	v16 =	vld [tilespmem:s13+$0xFFFFFFF0];
	v15 =	vadd.f32 $1.000000020e-16, v18;
	v9 =	vpsel !p1, $0x0, v21  }
0x212: {  	s15 =	sadd.s32 $0xFFFFFF90, s14;
	(erf) = vrcp.f32 v12;
	v12 =	vadd.f32 v14, v8;
	v14 =	vadd.f32 v22, v20  }
0x213: {  	v17 =	vld [tilespmem:s13+$0x0];
	p0 =	slt.u32 s15, $0x2710;
	v11 =	vadd.f32 v9, v11;
	(erf) = vrcp.f32 v15;
	v15 =	vmul.f32 v9, v9;
	v18 =	vpop (erf)  }
0x214: {  	s20 =	sadd.s32 $0xFFFFFFA0, s14;
	v10 =	vadd.f32 v10, v8;
	v12 =	vpsel !p0, $0x0, v12;
	v13 =	vmul.f32 v18, v13  }
0x215: {  	p6 =	slt.u32 s20, $0x2710;
	v14 =	vadd.f32 v15, v14;
	v15 =	vmul.f32 v12, v12;
	v18 =	vld [tilespmem:s13+$0x10];
	v11 =	vadd.f32 v12, v11;
	v19 =	vpop (erf)  }
0x216: {  	s21 =	sadd.s32 $0xFFFFFFB0, s14;
	v10 =	vpsel !p6, $0x0, v10;
	v13 =	vadd.f32 v13, v8;
	v16 =	vmul.f32 v19, v16  }
0x217: {  	p1 =	slt.u32 s21, $0x2710;
	v14 =	vadd.f32 v15, v14;
	v15 =	vmul.f32 v10, v10;
	v11 =	vadd.f32 v10, v11;
	v20 =	vpop (erf)  }
0x218: {  	s22 =	sadd.s32 $0xFFFFFFC0, s14;
	v19 =	vld [tilespmem:s13+$0x20];
	v13 =	vpsel !p1, $0x0, v13;
	v16 =	vadd.f32 v16, v8;
	v17 =	vmul.f32 v20, v17  }
0x219: {  	p2 =	slt.u32 s22, $0x2710;
	v14 =	vadd.f32 v15, v14;
	v20 =	vld [tilespmem:s13+$0x30];
	v15 =	vmul.f32 v13, v13;
	v21 =	vpop (erf);
	v11 =	vadd.f32 v13, v11  }
0x21a: {  	s23 =	sadd.s32 $0xFFFFFFD0, s14;
	v16 =	vpsel !p2, $0x0, v16;
	v17 =	vadd.f32 v17, v8;
	v18 =	vmul.f32 v21, v18  }
0x21b: {  	p3 =	slt.u32 s23, $0x2710;
	v21 =	vpop (erf);
	v14 =	vadd.f32 v15, v14;
	v15 =	vmul.f32 v16, v16  }
0x21c: {  	v22 =	vpop (erf);
	v11 =	vadd.f32 v16, v11;
	v17 =	vpsel !p3, $0x0, v17;
	v18 =	vadd.f32 v18, v8  }
0x21d: {  	s24 =	sadd.s32 $0xFFFFFFE0, s14;
	v19 =	vmul.f32 v22, v19;
	v22 =	vimm.s32 $0x67452301;
	v14 =	vadd.f32 v15, v14  }
0x21e: {  	p4 =	slt.u32 s24, $0x2710;
	v15 =	vmul.f32 v17, v17;
	v20 =	vmul.f32 v21, v20;
	v11 =	vadd.f32 v17, v11  }
0x21f: {  	s25 =	sadd.s32 $0xFFFFFFF0, s14;
	v21 =	vimm.s32 $0xEFCDAB89;
	v18 =	vpsel !p4, $0x0, v18;
	v19 =	vadd.f32 v19, v8  }
0x220: {  	p5 =	slt.u32 s25, $0x2710;
	v14 =	vadd.f32 v15, v14;
	v15 =	vmul.f32 v18, v18;
	v8 =	vadd.f32 v20, v8  }
0x221: {  	v20 =	vunpack.c.l.s4.s8 v21;
	v21 =	vunpack.c.l.s4.s8 v22;
	v19 =	vpsel !p5, $0x0, v19  }
0x222: {  	v11 =	vadd.f32 v18, v11;
	v14 =	vadd.f32 v15, v14;
	v15 =	vmul.f32 v19, v19  }
0x223: {  	p6 =	slt.u32 s14, $0x2710;
	v22 =	vimm.s32 $0x54761032;
	v20 =	vunpack.c.0.s8.s32 v20;
	v21 =	vunpack.c.0.s8.s32 v21  }
0x224: {  	v8 =	vpsel !p6, $0x0, v8;
	v11 =	vadd.f32 v19, v11;
	v14 =	vadd.f32 v15, v14  }
0x225: {  	v15 =	vmul.f32 v8, v8;
	v20 =	vcombine.low v21, v20;
	v21 =	vimm.s32 $0xDCFE98BA  }
0x226: {  	v22 =	vunpack.c.l.s4.s8 v22;
	v21 =	vunpack.c.l.s4.s8 v21  }
0x227: {  	v23 =	vimm.s32 $0xBA98FEDC;
	v11 =	vadd.f32 v8, v11;
	v14 =	vadd.f32 v15, v14  }
0x228: {  	v22 =	vunpack.c.0.s8.s32 v22;
	v15 =	vand.u32 $0xF, v20;
	v21 =	vunpack.c.0.s8.s32 v21  }
0x229: {  	v24 =	vimm.s32 $0x32107654;
	v20 =	vperm.xlane v11, v15;
	v15 =	vperm.xlane v14, v15  }
0x22a: {  	v21 =	vcombine.low v22, v21;
	v22 =	vunpack.c.l.s4.s8 v23;
	v23 =	vunpack.c.l.s4.s8 v24  }
0x22b: {  	v11 =	vadd.f32 v20, v11;
	v14 =	vadd.f32 v15, v14  }
0x22c: {  	v15 =	vand.u32 $0xF, v21;
	v20 =	vunpack.c.0.s8.s32 v22;
	v21 =	vunpack.c.0.s8.s32 v23  }
0x22d: {  	v23 =	vimm.s32 $0xFEDCBA98;
	v22 =	vperm.xlane v11, v15;
	v15 =	vperm.xlane v14, v15  }
0x22e: {  	v23 =	vunpack.c.l.s4.s8 v23;
	v20 =	vcombine.low v21, v20;
	v21 =	vimm.s32 $0x76543210  }
0x22f: {  	v21 =	vunpack.c.l.s4.s8 v21;
	v14 =	vadd.f32 v15, v14  }
0x230: {  	v11 =	vadd.f32 v22, v11;
	v15 =	vand.u32 $0xF, v20;
	v20 =	vunpack.c.0.s8.s32 v23  }
0x231: {  	v21 =	vunpack.c.0.s8.s32 v21;
	v22 =	vperm.xlane v14, v15  }
0x232: {  	[tilespmem:s12+$0x30] =	vst v9;
	v9 =	vperm.xlane v11, v15;
	v15 =	vand.u32 $0xF, v20  }
0x233: {  	[tilespmem:s13+$0xFFFFFFC0] =	vst v12;
	v12 =	vcombine.low v15, v21;
	v14 =	vadd.f32 v22, v14  }
0x234: {  	[tilespmem:s13+$0xFFFFFFD0] =	vst v10;
	v9 =	vadd.f32 v9, v11  }
0x235: {  	[tilespmem:s13+$0xFFFFFFE0] =	vst v13;
	v10 =	vperm.xlane v14, v12  }
0x236: {  	[tilespmem:s13+$0xFFFFFFF0] =	vst v16;
	v11 =	vperm.xlane v9, v12  }
0x237: {  	[tilespmem:s13+$0x0] =	vst v17;
	v10 =	vadd.f32 v10, v14  }
0x238: {  	[tilespmem:s13+$0x10] =	vst v18;
	v9 =	vadd.f32 v11, v9  }
0x239: {  	[tilespmem:s13+$0x20] =	vst v19;
	v10 =	vsel vm0, $0x0, v10  }
0x23a: {  	[tilespmem:s13+$0x30] =	vst v8;
	v8 =	vsel vm1, v9, v10  }
0x23b: {  	s26 =	sadd.s32 $0x100, s5;
	s28 =	simm.s32 $0x1B880;
	s29 =	simm.s32 $0x3;
	[tilespmem:$0x1B880] =	vst v8  }
0x23c: {  	[spmem:s26] =	stream.linear.scatter [tilespmem:s28], [sflag:$0x3], $0x10, $0x38;
	[tilespmem:$0x1E7C0] =	vst v63  }
0x23d: {  	_ =	swait.ge [sflag:s29], $0x10  }
0x23e: {  	[sflag:s29] =	ssyncset.done $0x0  }
0x23f: {  	[sflag:s29] =	ssyncadd.s32 $0xFFFFFFF0  }
0x240: {  	s30 =	sadd.s32 $0x100, s4;
	s31 =	simm.s32 $0x1B900;
	[bflag:$0x0] =	sbarrier.arrive $0xFFFF  }
0x241: {  	[tilespmem:s31], [sflag:$0x3] =	stream.linear.gather [spmem:s30], $0x100, $0x38;
	[tilespmem:$0x1E7C0] =	vst v63  }
0x242: {  	_ =	swait.ge [sflag:s29], $0x100  }
0x243: {  	[sflag:s29] =	ssyncset.done $0x0  }
0x244: {  	[sflag:s29] =	ssyncadd.s32 $0xFFFFFF00  }
0x245: {  	v8 =	vld [tilespmem:$0x1B900];
	_ =	sdelay $0x1  }
0x246: {  	v9 =	vld [tilespmem:$0x1B910];
	_ =	sdelay $0x1  }
0x247: {  	v10 =	vld [tilespmem:$0x1B920]  }
0x248: {  	v8 =	vadd.f32 $0.0e+00, v8  }
0x249: {  	v11 =	vld [tilespmem:$0x1B930]  }
0x24a: {  	v8 =	vadd.f32 v9, v8  }
0x24b: {  	v9 =	vld [tilespmem:$0x1B940]  }
0x24c: {  	v8 =	vadd.f32 v10, v8  }
0x24d: {  	v10 =	vld [tilespmem:$0x1B950]  }
0x24e: {  	v8 =	vadd.f32 v11, v8  }
0x24f: {  	v11 =	vld [tilespmem:$0x1B960]  }
0x250: {  	v8 =	vadd.f32 v9, v8  }
0x251: {  	v9 =	vld [tilespmem:$0x1B970]  }
0x252: {  	v8 =	vadd.f32 v10, v8  }
0x253: {  	v10 =	vld [tilespmem:$0x1B980]  }
0x254: {  	v8 =	vadd.f32 v11, v8  }
0x255: {  	v11 =	vld [tilespmem:$0x1B990]  }
0x256: {  	v8 =	vadd.f32 v9, v8  }
0x257: {  	v9 =	vld [tilespmem:$0x1B9A0]  }
0x258: {  	v8 =	vadd.f32 v10, v8  }
0x259: {  	v10 =	vld [tilespmem:$0x1B9B0]  }
0x25a: {  	v8 =	vadd.f32 v11, v8  }
0x25b: {  	v11 =	vld [tilespmem:$0x1B9C0]  }
0x25c: {  	v8 =	vadd.f32 v9, v8  }
0x25d: {  	v9 =	vld [tilespmem:$0x1B9D0]  }
0x25e: {  	v8 =	vadd.f32 v10, v8  }
0x25f: {  	v12 =	vimm.f32 $1.000000000e+04;
	v10 =	vld [tilespmem:$0x1B9E0]  }
0x260: {  	(erf) = vrcp.f32 v12;
	v8 =	vadd.f32 v11, v8  }
0x261: {  	v11 =	vld [tilespmem:$0x1B9F0]  }
0x262: {  	v8 =	vadd.f32 v9, v8;
	_ =	sdelay $0x1  }
0x263: {  	v8 =	vadd.f32 v10, v8;
	_ =	sdelay $0x1  }
0x264: {  	v10 =	vadd.f32 v11, v8;
	v8 =	vimm.s32 $0x0;
	_ =	sdelay $0x1  }
0x265: {  	v9 =	vperm.xlane v10, v8  }
0x266: {  	v11 =	vimm.s32 $0x1;
	v8 =	vpop (erf)  }
0x267: {  	v10 =	vperm.xlane v10, v11;
	v9 =	vmul.f32 v9, v8;
	_ =	sdelay $0x1  }
0x268: {  	v10 =	vmul.f32 v10, v8;
	v11 =	vmul.f32 v9, v9;
	_ =	sdelay $0x1  }
0x269: {  	v10 =	vsub.f32 v10, v11;
	_ =	sdelay $0x1  }
0x26a: {  	v10 =	vadd.f32 $9.999999740e-06, v10;
	_ =	sdelay $0x1  }
0x26b: {  	v11 =	vshra.s32 v10, $0x1;
	v10 =	vmul.f32 $5.000000000e-01, v10  }
0x26c: {  	v11 =	vsub.s32 $0x5F3759DF, v11  }
0x26d: {  	v12 =	vmul.f32 v11, v10;
	_ =	sdelay $0x1  }
0x26e: {  	v12 =	vmul.f32 v11, v12;
	_ =	sdelay $0x1  }
0x26f: {  	v12 =	vsub.f32 $1.500000000e+00, v12;
	_ =	sdelay $0x1  }
0x270: {  	v11 =	vmul.f32 v11, v12;
	_ =	sdelay $0x1  }
0x271: {  	v12 =	vmul.f32 v11, v10;
	_ =	sdelay $0x1  }
0x272: {  	v12 =	vmul.f32 v12, v11;
	_ =	sdelay $0x1  }
0x273: {  	v12 =	vsub.f32 $1.500000000e+00, v12;
	_ =	sdelay $0x1  }
0x274: {  	v11 =	vmul.f32 v12, v11;
	_ =	sdelay $0x1  }
0x275: {  	v12 =	vmul.f32 v11, v10;
	_ =	sdelay $0x1  }
0x276: {  	v12 =	vmul.f32 v12, v11  }
0x277: {  	s13 =	simm.s32 $0x18BC0  }
0x278: {  	v13 =	vld [tilespmem:s13+$0x30];
	v12 =	vsub.f32 $1.500000000e+00, v12  }
0x279: {  	v14 =	vld [tilespmem:s13+$0x10]  }
0x27a: {  	v15 =	vld [tilespmem:s13+$0x0];
	v11 =	vmul.f32 v12, v11  }
0x27b: {  	v16 =	vld [tilespmem:s13+$0xFFFFFFF0]  }
0x27c: {  	v17 =	vld [tilespmem:s13+$0xFFFFFFC0];
	v10 =	vmul.f32 v11, v10  }
0x27d: {  	v18 =	vld [tilespmem:s13+$0xFFFFFFD0]  }
0x27e: {  	v12 =	vld [tilespmem:s13+$0x20];
	v10 =	vmul.f32 v10, v11  }
0x27f: {  	s12 =	simm.s32 $0x18C40;
	v19 =	vld [tilespmem:s13+$0xFFFFFFE0]  }
0x280: {  	v21 =	vld [tilespmem:s12+$0x30];
	v13 =	vsub.f32 v13, v9;
	v10 =	vsub.f32 $1.500000000e+00, v10  }
0x281: {  	v16 =	vsub.f32 v16, v9;
	v17 =	vsub.f32 v17, v9  }
0x282: {  	v10 =	vmul.f32 v10, v11;
	v11 =	vsub.f32 v14, v9;
	v14 =	vsub.f32 v15, v9;
	v15 =	vld [tilespmem:s12+$0x20]  }
0x283: {  	v22 =	vld [tilespmem:s12+$0x10];
	v23 =	vmul.f32 v13, v7;
	v13 =	vsub.f32 v18, v9;
	v12 =	vsub.f32 v12, v9  }
0x284: {  	v19 =	vsub.f32 v19, v9;
	v17 =	vmul.f32 v17, v7;
	v16 =	vmul.f32 v16, v7  }
0x285: {  	v62 =	vmul.f32 v12, v7;
	v12 =	vsub.f32 v21, v9;
	v21 =	vmul.f32 v13, v7  }
0x286: {  	v20 =	vimm.f32 $0.0e+00;
	v18 =	vmul.f32 v11, v7;
	v14 =	vmul.f32 v14, v7  }
0x287: {  	v11 =	vsub.f32 v15, v9;
	v15 =	vmul.f32 v17, v10;
	v17 =	vmul.f32 v19, v7  }
0x288: {  	v13 =	vsub.f32 v22, v9;
	v23 =	vmul.f32 v23, v10;
	v19 =	vmul.f32 v21, v10  }
0x289: {  	v16 =	vmul.f32 v16, v10;
	v15 =	vadd.f32 v15, v6;
	v17 =	vmul.f32 v17, v10  }
0x28a: {  	v18 =	vmul.f32 v18, v10;
	v14 =	vmul.f32 v14, v10;
	v19 =	vadd.f32 v19, v6  }
0x28b: {  	v21 =	vmul.f32 v62, v10;
	v22 =	vmax.f32 v15, $0.0e+00;
	v17 =	vadd.f32 v17, v6  }
0x28c: {  	v15 =	vld [tilespmem:s12+$0x0];
	v19 =	vmax.f32 v19, $0.0e+00;
	[tilespmem:s13+$0xFFFFFFC0] =	vst v22;
	v20 =	vmax.f32 v20, v22;
	v22 =	vadd.f32 v16, v6  }
0x28d: {  	v14 =	vadd.f32 v14, v6;
	v16 =	vld [tilespmem:s12+$0xFFFFFFF0];
	[tilespmem:s13+$0xFFFFFFD0] =	vst v19;
	v19 =	vmax.f32 v20, v19;
	v20 =	vmax.f32 v17, $0.0e+00  }
0x28e: {  	v63 =	vadd.f32 v18, v6;
	v17 =	vld [tilespmem:s12+$0xFFFFFFC0];
	[tilespmem:s13+$0xFFFFFFE0] =	vst v20;
	v19 =	vmax.f32 v19, v20;
	v20 =	vmax.f32 v22, $0.0e+00  }
0x28f: {  	v18 =	vld [tilespmem:s12+$0xFFFFFFD0];
	v21 =	vadd.f32 v21, v6;
	v14 =	vmax.f32 v14, $0.0e+00;
	[tilespmem:s13+$0xFFFFFFF0] =	vst v20;
	v20 =	vmax.f32 v19, v20  }
0x290: {  	s15 =	simm.s32 $0x18CC0;
	s14 =	simm.s32 $0x8;
	[tilespmem:s13+$0x0] =	vst v14;
	v19 =	vld [tilespmem:s12+$0xFFFFFFE0];
	v22 =	vmax.f32 v20, v14;
	v14 =	vmax.f32 v63, $0.0e+00;
	v20 =	vadd.f32 v23, v6  }
.LBB2_21:
0x291: {  	v23 =	vld [tilespmem:s15+$0x30];
	v15 =	vsub.f32 v15, v9;
	[tilespmem:s13+$0x10] =	vst v14;
	v14 =	vmax.f32 v22, v14;
	v21 =	vmax.f32 v21, $0.0e+00  }
0x292: {  	v22 =	vld [tilespmem:s15+$0x20];
	v16 =	vsub.f32 v16, v9;
	[tilespmem:s13+$0x20] =	vst v21;
	v14 =	vmax.f32 v14, v21;
	v20 =	vmax.f32 v20, $0.0e+00  }
0x293: {  	v24 =	vmul.f32 v12, v7;
	v21 =	vld [tilespmem:s15+$0x10];
	v17 =	vsub.f32 v17, v9;
	[tilespmem:s13+$0x30] =	vst v20;
	v14 =	vmax.f32 v14, v20;
	s13 =	smov.u32 s12;
	s12 =	smov.u32 s15  }
0x294: {  	v25 =	vmul.f32 v11, v7;
	v20 =	vmul.f32 v13, v7;
	v18 =	vsub.f32 v18, v9  }
0x295: {  	v15 =	vmul.f32 v15, v7;
	v13 =	vmul.f32 v17, v7;
	v17 =	vsub.f32 v19, v9  }
0x296: {  	v16 =	vmul.f32 v16, v7;
	v12 =	vsub.f32 v23, v9;
	v18 =	vmul.f32 v18, v7  }
0x297: {  	v11 =	vsub.f32 v22, v9;
	v19 =	vmul.f32 v13, v10;
	v17 =	vmul.f32 v17, v7  }
0x298: {  	v23 =	vmul.f32 v24, v10;
	v13 =	vsub.f32 v21, v9;
	v18 =	vmul.f32 v18, v10  }
0x299: {  	v21 =	vmul.f32 v25, v10;
	v19 =	vadd.f32 v19, v6;
	v17 =	vmul.f32 v17, v10  }
0x29a: {  	s14 =	sadd.s32 $0x8, s14;
	v20 =	vmul.f32 v20, v10;
	v16 =	vmul.f32 v16, v10;
	v18 =	vadd.f32 v18, v6  }
0x29b: {  	p0 =	slt.u32 s14, $0x20;
	v22 =	vmul.f32 v15, v10;
	v19 =	vmax.f32 v19, $0.0e+00;
	v17 =	vadd.f32 v17, v6  }
.Ltmp10:
0x29c: {  	v15 =	vld [tilespmem:s15+$0x0];
	[tilespmem:s13+$0xFFFFFFC0] =	vst v19;
	v14 =	vmax.f32 v14, v19;
	v18 =	vmax.f32 v18, $0.0e+00;
	v19 =	vadd.f32 v16, v6;
	(pc) =	sbr.rel @p0 .LBB2_21-.Ltmp10, $4  }
0x29d: {  	v22 =	vadd.f32 v22, v6;
	v16 =	vld [tilespmem:s15+$0xFFFFFFF0];
	[tilespmem:s13+$0xFFFFFFD0] =	vst v18;
	v14 =	vmax.f32 v14, v18;
	v18 =	vmax.f32 v17, $0.0e+00  }
0x29e: {  	v20 =	vadd.f32 v20, v6;
	v17 =	vld [tilespmem:s15+$0xFFFFFFC0];
	[tilespmem:s13+$0xFFFFFFE0] =	vst v18;
	v14 =	vmax.f32 v14, v18;
	v19 =	vmax.f32 v19, $0.0e+00  }
0x29f: {  	v21 =	vadd.f32 v21, v6;
	v22 =	vmax.f32 v22, $0.0e+00;
	v18 =	vld [tilespmem:s15+$0xFFFFFFD0];
	[tilespmem:s13+$0xFFFFFFF0] =	vst v19;
	v14 =	vmax.f32 v14, v19  }
0x2a0: {  	s15 =	sadd.s32 $0x80, s15;
	v19 =	vld [tilespmem:s12+$0xFFFFFFE0];
	[tilespmem:s13+$0x0] =	vst v22;
	v22 =	vmax.f32 v14, v22;
	v14 =	vmax.f32 v20, $0.0e+00;
	v20 =	vadd.f32 v23, v6  }
0x2a1: {  	v15 =	vsub.f32 v15, v9;
	v22 =	vmax.f32 v22, v14  }
0x2a2: {  	v21 =	vmax.f32 v21, $0.0e+00;
	v12 =	vmul.f32 v12, v7;
	v13 =	vmul.f32 v13, v7  }
0x2a3: {  	v11 =	vmul.f32 v11, v7;
	v16 =	vsub.f32 v16, v9;
	v20 =	vmax.f32 v20, $0.0e+00  }
0x2a4: {  	v17 =	vsub.f32 v17, v9;
	v15 =	vmul.f32 v15, v7;
	v12 =	vmul.f32 v12, v10  }
0x2a5: {  	v11 =	vmul.f32 v11, v10;
	v13 =	vmul.f32 v13, v10;
	v18 =	vsub.f32 v18, v9  }
0x2a6: {  	v16 =	vmul.f32 v16, v7;
	v17 =	vmul.f32 v17, v7;
	v9 =	vsub.f32 v19, v9  }
0x2a7: {  	v19 =	vmax.f32 v22, v21;
	v13 =	vadd.f32 v13, v6;
	v18 =	vmul.f32 v18, v7  }
0x2a8: {  	v11 =	vadd.f32 v11, v6;
	v16 =	vmul.f32 v16, v10;
	v17 =	vmul.f32 v17, v10  }
0x2a9: {  	v7 =	vmul.f32 v9, v7;
	v9 =	vmax.f32 v19, v20;
	v19 =	vimm.s32 $0x67452301  }
0x2aa: {  	v13 =	vmax.f32 v13, $0.0e+00;
	v18 =	vmul.f32 v18, v10;
	v16 =	vadd.f32 v16, v6  }
0x2ab: {  	v17 =	vadd.f32 v17, v6;
	v7 =	vmul.f32 v7, v10;
	v10 =	vmul.f32 v15, v10  }
0x2ac: {  	v19 =	vunpack.c.l.s4.s8 v19;
	v18 =	vadd.f32 v18, v6;
	v16 =	vmax.f32 v16, $0.0e+00  }
0x2ad: {  	v17 =	vmax.f32 v17, $0.0e+00;
	v7 =	vadd.f32 v7, v6;
	v10 =	vadd.f32 v10, v6  }
0x2ae: {  	v9 =	vmax.f32 v9, v17;
	v15 =	vmax.f32 v18, $0.0e+00;
	v18 =	vimm.s32 $0xEFCDAB89  }
0x2af: {  	v9 =	vmax.f32 v9, v15;
	v7 =	vmax.f32 v7, $0.0e+00;
	v18 =	vunpack.c.l.s4.s8 v18  }
0x2b0: {  	v6 =	vadd.f32 v12, v6;
	v10 =	vmax.f32 v10, $0.0e+00;
	v9 =	vmax.f32 v9, v7  }
0x2b1: {  	v9 =	vmax.f32 v9, v16;
	v12 =	vunpack.c.0.s8.s32 v18;
	v18 =	vunpack.c.0.s8.s32 v19  }
0x2b2: {  	v11 =	vmax.f32 v11, $0.0e+00;
	v6 =	vmax.f32 v6, $0.0e+00;
	v9 =	vmax.f32 v9, v10  }
0x2b3: {  	v19 =	vimm.s32 $0xDCFE98BA;
	v9 =	vmax.f32 v9, v13;
	v12 =	vcombine.low v18, v12  }
0x2b4: {  	v18 =	vunpack.c.l.s4.s8 v19;
	v19 =	vimm.s32 $0x54761032;
	v9 =	vmax.f32 v9, v11  }
0x2b5: {  	v19 =	vunpack.c.l.s4.s8 v19;
	v9 =	vmax.f32 v9, v6  }
0x2b6: {  	v23 =	vimm.s32 $0x32107654;
	v12 =	vperm.xlane v9, v12  }
0x2b7: {  	v22 =	vimm.s32 $0xBA98FEDC;
	v18 =	vunpack.c.0.s8.s32 v18;
	v19 =	vunpack.c.0.s8.s32 v19  }
0x2b8: {  	[tilespmem:s13+$0x10] =	vst v14;
	v22 =	vunpack.c.l.s4.s8 v22;
	v9 =	vmax.f32 v9, v12;
	v12 =	vunpack.c.l.s4.s8 v23  }
0x2b9: {  	[tilespmem:s13+$0x20] =	vst v21;
	v21 =	vimm.s32 $0x76543210;
	v14 =	vcombine.low v19, v18;
	v19 =	vimm.s32 $0xFEDCBA98  }
0x2ba: {  	v18 =	vunpack.c.0.s8.s32 v22;
	v19 =	vunpack.c.l.s4.s8 v19;
	v12 =	vunpack.c.0.s8.s32 v12  }
0x2bb: {  	[tilespmem:s13+$0x30] =	vst v20;
	v20 =	vunpack.c.l.s4.s8 v21;
	v14 =	vperm.xlane v9, v14  }
0x2bc: {  	[tilespmem:s12+$0xFFFFFFC0] =	vst v17;
	v17 =	vunpack.c.0.s8.s32 v19;
	v12 =	vcombine.low v12, v18  }
0x2bd: {  	[tilespmem:s12+$0x10] =	vst v13;
	v9 =	vmax.f32 v9, v14;
	v14 =	vunpack.c.0.s8.s32 v20  }
0x2be: {  	[tilespmem:s12+$0xFFFFFFE0] =	vst v7;
	v7 =	vperm.xlane v9, v12;
	v12 =	vand.u32 $0xF, v17  }
0x2bf: {  	[tilespmem:s12+$0x20] =	vst v11;
	v12 =	vcombine.low v12, v14  }
0x2c0: {  	[tilespmem:s12+$0xFFFFFFF0] =	vst v16;
	v7 =	vmax.f32 v9, v7  }
0x2c1: {  	[tilespmem:s12+$0xFFFFFFD0] =	vst v15;
	v9 =	vperm.xlane v7, v12  }
0x2c2: {  	[tilespmem:s12+$0x0] =	vst v10  }
0x2c3: {  	[tilespmem:s12+$0x30] =	vst v6;
	v6 =	vmax.f32 v7, v9  }
0x2c4: {  	s20 =	sadd.s32 $0x200, s5;
	s21 =	simm.s32 $0x1B880;
	s22 =	simm.s32 $0x3;
	[tilespmem:$0x1B880] =	vst v6  }
0x2c5: {  	[spmem:s20] =	stream.linear.scatter [tilespmem:s21], [sflag:$0x3], $0x10, $0x38;
	[tilespmem:$0x1E7C0] =	vst v63  }
0x2c6: {  	_ =	swait.ge [sflag:s22], $0x10  }
0x2c7: {  	[sflag:s22] =	ssyncset.done $0x0  }
0x2c8: {  	[sflag:s22] =	ssyncadd.s32 $0xFFFFFFF0  }
0x2c9: {  	s23 =	sadd.s32 $0x200, s4;
	s14 =	simm.s32 $0x1B900;
	[bflag:$0x0] =	sbarrier.arrive $0xFFFF  }
0x2ca: {  	[tilespmem:s14], [sflag:$0x3] =	stream.linear.gather [spmem:s23], $0x100, $0x38;
	[tilespmem:$0x1E7C0] =	vst v63  }
0x2cb: {  	_ =	swait.ge [sflag:s22], $0x100  }
0x2cc: {  	[sflag:s22] =	ssyncset.done $0x0  }
0x2cd: {  	[sflag:s22] =	ssyncadd.s32 $0xFFFFFF00  }
0x2ce: {  	v22 =	vld [tilespmem:$0x1B900]  }
0x2cf: {  	v21 =	vld [tilespmem:$0x1B910]  }
0x2d0: {  	v20 =	vld [tilespmem:$0x1B920]  }
0x2d1: {  	v7 =	vld [tilespmem:$0x1B930]  }
0x2d2: {  	v19 =	vld [tilespmem:$0x1B940]  }
0x2d3: {  	v9 =	vld [tilespmem:$0x1B950]  }
0x2d4: {  	v11 =	vld [tilespmem:$0x1B960]  }
0x2d5: {  	v6 =	vld [tilespmem:$0x1B970]  }
0x2d6: {  	v18 =	vld [tilespmem:$0x1B980]  }
0x2d7: {  	v13 =	vld [tilespmem:$0x1B990]  }
0x2d8: {  	v17 =	vld [tilespmem:$0x1B9A0]  }
0x2d9: {  	v16 =	vld [tilespmem:$0x1B9B0]  }
0x2da: {  	v15 =	vld [tilespmem:$0x1B9C0]  }
0x2db: {  	v10 =	vld [tilespmem:$0x1B9D0]  }
0x2dc: {  	s24 =	sadd.s32 s3, s10;
	s25 =	simm.s32 $0x18B80;
	v12 =	vld [tilespmem:$0x1B9E0]  }
0x2dd: {  	v14 =	vld [tilespmem:$0x1B9F0];
	[spmem:s24] =	stream.linear.scatter [tilespmem:s25], [sflag:$0x3], $0x280, $0x38  }
0x2de: {  	_ =	swait.ge [sflag:s22], $0x280  }
0x2df: {  	[sflag:s22] =	ssyncset.done $0x0  }
0x2e0: {  	s26 =	sadd.s32 s3, s9;
	s28 =	simm.s32 $0x16380;
	[sflag:s22] =	ssyncadd.s32 $0xFFFFFD80  }
0x2e1: {  	[spmem:s26] =	stream.linear.scatter [tilespmem:s28], [sflag:$0x3], $0x280, $0x38;
	[tilespmem:$0x1E7C0] =	vst v63  }
0x2e2: {  	_ =	swait.ge [sflag:s22], $0x280  }
0x2e3: {  	[sflag:s22] =	ssyncset.done $0x0  }
0x2e4: {  	[sflag:s22] =	ssyncadd.s32 $0xFFFFFD80  }
0x2e5: {  	s29 =	simm.s32 $0x0;
	[bflag:$0x0] =	sbarrier.arrive $0xFFFF  }
0x2e6: {  	[tilespmem:s29], [sflag:$0x3] =	stream.linear.gather [spmem:s10], $0x2800, $0x38;
	[tilespmem:$0x1E7C0] =	vst v63  }
0x2e7: {  	_ =	swait.ge [sflag:s22], $0x2800  }
0x2e8: {  	[sflag:s22] =	ssyncset.done $0x0  }
0x2e9: {  	s10 =	simm.s32 $0x5000;
	[sflag:s22] =	ssyncadd.s32 $0xFFFFD800  }
0x2ea: {  	[tilespmem:s10], [sflag:$0x3] =	stream.linear.gather [spmem:s9], $0x2800, $0x38;
	[tilespmem:$0x1E7C0] =	vst v63  }
0x2eb: {  	_ =	swait.ge [sflag:s22], $0x2800  }
0x2ec: {  	[sflag:s22] =	ssyncset.done $0x0  }
0x2ed: {  	s30 =	simm.s32 $0xC6D0;
	[sflag:s22] =	ssyncadd.s32 $0xFFFFD800  }
0x2ee: {  	s31 =	sand.u32 $0x7FE0, s29;
	v23 =	vld [tilespmem:s30+$0x40]  }
0x2ef: {  	v24 =	vld [tilespmem:s31+$0xC700];
	_ =	sdelay $0x1  }
0x2f0: {  	v25 =	vld [tilespmem:s30+$0xFFFFFFC0]  }
0x2f1: {  	v26 =	vld [tilespmem:s30+$0xFFFFFFD0]  }
0x2f2: {  	v27 =	vld [tilespmem:s30+$0xFFFFFFE0]  }
0x2f3: {  	v28 =	vld [tilespmem:s30+$0xFFFFFFF0]  }
0x2f4: {  	v29 =	vld [tilespmem:s30+$0x0]  }
0x2f5: {  	v23 =	vld.idx.msk [tilespmem:v23+s10+$0x0], $0xffff  }
0x2f6: {  	v24 =	vld.idx.msk [tilespmem:v24+s10+$0x0], $0xffff  }
0x2f7: {  	v30 =	vld [tilespmem:s30+$0x10]  }
0x2f8: {  	v31 =	vld [tilespmem:s30+$0x20]  }
0x2f9: {  	v32 =	vld [tilespmem:s30+$0xFFFFFFB0]  }
0x2fa: {  	v25 =	vld.idx.msk [tilespmem:v25+s10+$0x0], $0xffff;
	v23 =	vadd.f32 $1.000000020e-16, v23  }
0x2fb: {  	v34 =	vld [tilespmem:s31+$0x11580];
	v24 =	vadd.f32 $1.000000020e-16, v24  }
0x2fc: {  	v26 =	vld.idx.msk [tilespmem:v26+s10+$0x0], $0xffff;
	(erf) = vrcp.f32 v23  }
0x2fd: {  	v27 =	vld.idx.msk [tilespmem:v27+s10+$0x0], $0xffff;
	(erf) = vrcp.f32 v24  }
0x2fe: {  	v28 =	vld.idx.msk [tilespmem:v28+s10+$0x0], $0xffff  }
0x2ff: {  	v29 =	vld.idx.msk [tilespmem:v29+s10+$0x0], $0xffff;
	v23 =	vadd.f32 $1.000000020e-16, v25  }
0x300: {  	v30 =	vld.idx.msk [tilespmem:v30+s10+$0x0], $0xffff  }
0x301: {  	v31 =	vld.idx.msk [tilespmem:v31+s10+$0x0], $0xffff;
	(erf) = vrcp.f32 v23;
	v23 =	vadd.f32 $1.000000020e-16, v26  }
0x302: {  	s9 =	simm.s32 $0x11550;
	v32 =	vld.idx.msk [tilespmem:v32+s10+$0x0], $0xffff;
	v24 =	vadd.f32 $1.000000020e-16, v27  }
0x303: {  	v33 =	vld [tilespmem:s9+$0x40];
	v25 =	vadd.f32 $1.000000020e-16, v28;
	(erf) = vrcp.f32 v23  }
0x304: {  	v26 =	vadd.f32 $1.000000020e-16, v29;
	(erf) = vrcp.f32 v24  }
0x305: {  	v27 =	vadd.f32 $1.000000020e-16, v30;
	v23 =	vld [tilespmem:s9+$0xFFFFFFB0];
	(erf) = vrcp.f32 v25;
	v28 =	vpop (erf)  }
0x306: {  	v29 =	vadd.f32 $1.000000020e-16, v31;
	v24 =	vld [tilespmem:s9+$0xFFFFFFC0];
	(erf) = vrcp.f32 v26;
	v30 =	vpop (erf)  }
0x307: {  	v31 =	vadd.f32 $1.000000020e-16, v32;
	v25 =	vld [tilespmem:s9+$0xFFFFFFD0];
	(erf) = vrcp.f32 v27;
	v30 =	vmul.f32 v30, v34  }
0x308: {  	v26 =	vld [tilespmem:s9+$0xFFFFFFE0];
	v28 =	vmul.f32 v28, v33;
	(erf) = vrcp.f32 v29  }
0x309: {  	v27 =	vld [tilespmem:s9+$0xFFFFFFF0];
	(erf) = vrcp.f32 v31  }
0x30a: {  	s15 =	simm.s32 $0xA0;
	v29 =	vld [tilespmem:s9+$0x0];
	[tilespmem:s9+$0x40] =	vst v28  }
0x30b: {  	s13 =	simm.s32 $0x0;
	s12 =	simm.s32 $0x11550;
	s14 =	simm.s32 $0xC770;
	v28 =	vld [tilespmem:s9+$0x10];
	[tilespmem:s31+$0x11580] =	vst v30;
	v30 =	vpop (erf)  }
.LBB2_23:
0x30c: {  	s16 =	sand.u32 $0x7FE0, s15;
	v31 =	vld [tilespmem:s14+$0x40];
	s13 =	sadd.s32 $0xA, s13;
	v24 =	vmul.f32 v30, v24;
	v30 =	vpop (erf)  }
0x30d: {  	v32 =	vld [tilespmem:s16+$0xC700];
	p0 =	slt.u32 s13, $0x4D8;
	v25 =	vmul.f32 v30, v25;
	v30 =	vpop (erf)  }
0x30e: {  	v33 =	vld [tilespmem:s14+$0xFFFFFFC0];
	[tilespmem:s9+$0xFFFFFFC0] =	vst v24;
	v24 =	vmul.f32 v30, v26;
	v26 =	vpop (erf)  }
0x30f: {  	v30 =	vld [tilespmem:s14+$0xFFFFFFD0];
	[tilespmem:s9+$0xFFFFFFD0] =	vst v25;
	v25 =	vmul.f32 v26, v27;
	v26 =	vpop (erf)  }
0x310: {  	v27 =	vld [tilespmem:s14+$0xFFFFFFE0];
	[tilespmem:s9+$0xFFFFFFE0] =	vst v24;
	v34 =	vmul.f32 v26, v29;
	v26 =	vpop (erf)  }
0x311: {  	v29 =	vld [tilespmem:s14+$0xFFFFFFF0];
	[tilespmem:s9+$0xFFFFFFF0] =	vst v25;
	v25 =	vmul.f32 v26, v28;
	v26 =	vpop (erf)  }
0x312: {  	v28 =	vld [tilespmem:s14+$0x0];
	[tilespmem:s9+$0x0] =	vst v34;
	v24 =	vpop (erf)  }
0x313: {  	v34 =	vld [tilespmem:s14+$0x10];
	v23 =	vmul.f32 v24, v23;
	[tilespmem:s9+$0x10] =	vst v25  }
0x314: {  	v24 =	vld.idx.msk [tilespmem:v31+s10+$0x0], $0xffff  }
0x315: {  	v25 =	vld.idx.msk [tilespmem:v32+s10+$0x0], $0xffff;
	[tilespmem:s9+$0xFFFFFFB0] =	vst v23  }
0x316: {  	v23 =	vld [tilespmem:s14+$0x20]  }
0x317: {  	v31 =	vld [tilespmem:s14+$0xFFFFFFB0]  }
0x318: {  	v32 =	vld.idx.msk [tilespmem:v33+s10+$0x0], $0xffff  }
0x319: {  	v30 =	vld.idx.msk [tilespmem:v30+s10+$0x0], $0xffff  }
0x31a: {  	v24 =	vadd.f32 $1.000000020e-16, v24;
	v27 =	vld.idx.msk [tilespmem:v27+s10+$0x0], $0xffff  }
0x31b: {  	v25 =	vadd.f32 $1.000000020e-16, v25;
	v29 =	vld.idx.msk [tilespmem:v29+s10+$0x0], $0xffff  }
0x31c: {  	v28 =	vld.idx.msk [tilespmem:v28+s10+$0x0], $0xffff;
	(erf) = vrcp.f32 v24  }
0x31d: {  	v24 =	vld.idx.msk [tilespmem:v34+s10+$0x0], $0xffff;
	(erf) = vrcp.f32 v25  }
0x31e: {  	v25 =	vadd.f32 $1.000000020e-16, v32;
	v32 =	vld.idx.msk [tilespmem:v23+s10+$0x0], $0xffff  }
0x31f: {  	v23 =	vadd.f32 $1.000000020e-16, v30;
	v31 =	vld.idx.msk [tilespmem:v31+s10+$0x0], $0xffff  }
0x320: {  	s9 =	sadd.s32 $0xA0, s9;
	v27 =	vadd.f32 $1.000000020e-16, v27;
	(erf) = vrcp.f32 v25;
	v30 =	vld [tilespmem:s12+$0x20]  }
0x321: {  	v25 =	vadd.f32 $1.000000020e-16, v29;
	v29 =	vld [tilespmem:s9+$0x40];
	(erf) = vrcp.f32 v23  }
0x322: {  	v28 =	vadd.f32 $1.000000020e-16, v28;
	v33 =	vld [tilespmem:s16+$0x11580];
	(erf) = vrcp.f32 v27  }
0x323: {  	v34 =	vadd.f32 $1.000000020e-16, v24;
	v23 =	vld [tilespmem:s9+$0xFFFFFFB0];
	(erf) = vrcp.f32 v25  }
0x324: {  	v32 =	vadd.f32 $1.000000020e-16, v32;
	v24 =	vld [tilespmem:s9+$0xFFFFFFC0];
	(erf) = vrcp.f32 v28  }
.Ltmp11:
0x325: {  	v28 =	vadd.f32 $1.000000020e-16, v31;
	v25 =	vld [tilespmem:s9+$0xFFFFFFD0];
	(erf) = vrcp.f32 v34;
	v27 =	vpop (erf);
	v30 =	vmul.f32 v26, v30;
	(pc) =	sbr.rel @p0 .LBB2_23-.Ltmp11, $4  }
0x326: {  	v26 =	vld [tilespmem:s9+$0xFFFFFFE0];
	v31 =	vmul.f32 v27, v29;
	(erf) = vrcp.f32 v32;
	v29 =	vpop (erf)  }
0x327: {  	v27 =	vld [tilespmem:s9+$0xFFFFFFF0];
	v32 =	vmul.f32 v29, v33;
	(erf) = vrcp.f32 v28;
	[tilespmem:s12+$0x20] =	vst v30;
	s12 =	smov.u32 s9  }
0x328: {  	v29 =	vld [tilespmem:s9+$0x0];
	[tilespmem:s9+$0x40] =	vst v31  }
0x329: {  	s15 =	sadd.s32 $0xA0, s15;
	s14 =	sadd.s32 $0xA0, s14;
	v28 =	vld [tilespmem:s9+$0x10];
	[tilespmem:s16+$0x11580] =	vst v32;
	v30 =	vpop (erf)  }
0x32a: {  	v31 =	vpop (erf);
	v24 =	vmul.f32 v30, v24  }
0x32b: {  	v56 =	vld [tilespmem:s12+$0x20];
	v52 =	vpop (erf);
	v25 =	vmul.f32 v31, v25  }
0x32c: {  	v53 =	vpop (erf);
	[tilespmem:s9+$0xFFFFFFC0] =	vst v24;
	v54 =	vmul.f32 v52, v26  }
0x32d: {  	v55 =	vpop (erf);
	[tilespmem:s9+$0xFFFFFFD0] =	vst v25;
	v57 =	vmul.f32 v53, v27  }
0x32e: {  	v58 =	vpop (erf);
	[tilespmem:s9+$0xFFFFFFE0] =	vst v54;
	v59 =	vmul.f32 v55, v29  }
0x32f: {  	v60 =	vpop (erf);
	[tilespmem:s9+$0xFFFFFFF0] =	vst v57;
	v61 =	vmul.f32 v58, v28  }
0x330: {  	v62 =	vpop (erf);
	[tilespmem:s9+$0x0] =	vst v59;
	v63 =	vmul.f32 v60, v56  }
0x331: {  	v23 =	vmul.f32 v62, v23;
	[tilespmem:s9+$0x10] =	vst v61  }
0x332: {  	[tilespmem:s12+$0x20] =	vst v63  }
0x333: {  	s6 =	sadd.s32 s6, s7;
	s30 =	simm.s32 $0x0;
	s31 =	simm.s32 $0x11500;
	[tilespmem:s9+$0xFFFFFFB0] =	vst v23  }
0x334: {  	[hbm4b:s6+s30] =	stream.linear.scatter [tilespmem:s31], [sflag:$0x2], $0x4E20, $0x38;
	[tilespmem:$0x1E7C0] =	vst v63  }
0x335: {  	v23 =	vimm.f32 $0.0e+00;
	s6 =	simm.s32 $0x163C0  }
0x336: {  	[tilespmem:s6+$0x30] =	vst v23  }
0x337: {  	[tilespmem:s6+$0xFFFFFFF0] =	vst v23  }
0x338: {  	[tilespmem:s6+$0xFFFFFFC0] =	vst v23  }
0x339: {  	[tilespmem:s6+$0xFFFFFFE0] =	vst v23  }
0x33a: {  	[tilespmem:s6+$0x10] =	vst v23  }
0x33b: {  	[tilespmem:s6+$0x20] =	vst v23  }
0x33c: {  	[tilespmem:s6+$0x0] =	vst v23  }
0x33d: {  	s7 =	simm.s32 $0x18BC0;
	[tilespmem:s6+$0xFFFFFFD0] =	vst v23  }
0x33e: {  	[tilespmem:s7+$0xFFFFFFC0] =	vst v23  }
0x33f: {  	[tilespmem:s7+$0x30] =	vst v23  }
0x340: {  	[tilespmem:s7+$0x20] =	vst v23  }
0x341: {  	[tilespmem:s7+$0x10] =	vst v23  }
0x342: {  	[tilespmem:s7+$0xFFFFFFE0] =	vst v23  }
0x343: {  	[tilespmem:s7+$0x0] =	vst v23  }
0x344: {  	s9 =	simm.s32 $0x0;
	[tilespmem:s7+$0xFFFFFFF0] =	vst v23  }
.LBB2_25:
0x345: {  	s9 =	sadd.s32 $0x8, s9;
	[tilespmem:s7+$0xFFFFFFD0] =	vst v23;
	s6 =	sadd.s32 $0x80, s6;
	s7 =	sadd.s32 $0x80, s7  }
0x346: {  	[tilespmem:s6+$0x30] =	vst v23;
	p0 =	slt.u32 s9, $0x278  }
0x347: {  	[tilespmem:s6+$0xFFFFFFF0] =	vst v23  }
0x348: {  	[tilespmem:s6+$0xFFFFFFC0] =	vst v23  }
0x349: {  	[tilespmem:s7+$0xFFFFFFC0] =	vst v23  }
0x34a: {  	[tilespmem:s7+$0x30] =	vst v23  }
0x34b: {  	[tilespmem:s6+$0xFFFFFFE0] =	vst v23  }
0x34c: {  	[tilespmem:s6+$0x10] =	vst v23  }
0x34d: {  	[tilespmem:s6+$0x20] =	vst v23  }
0x34e: {  	[tilespmem:s7+$0x20] =	vst v23  }
0x34f: {  	[tilespmem:s7+$0x10] =	vst v23  }
.Ltmp12:
0x350: {  	[tilespmem:s7+$0xFFFFFFE0] =	vst v23;
	(pc) =	sbr.rel @p0 .LBB2_25-.Ltmp12, $4  }
0x351: {  	[tilespmem:s6+$0x0] =	vst v23  }
0x352: {  	[tilespmem:s7+$0x0] =	vst v23  }
0x353: {  	[tilespmem:s7+$0xFFFFFFF0] =	vst v23  }
0x354: {  	[tilespmem:s6+$0xFFFFFFD0] =	vst v23  }
0x355: {  	v22 =	vmax.f32 v22, $-3.000000010e+38  }
0x356: {  	[tilespmem:s7+$0xFFFFFFD0] =	vst v23;
	s31 =	simm.s32 $0x7850;
	v21 =	vmax.f32 v22, v21  }
0x357: {  	s9 =	simm.s32 $0xC6D0;
	v20 =	vmax.f32 v21, v20;
	v21 =	vld [tilespmem:s31+$0xFFFFFFB0]  }
0x358: {  	v20 =	vmax.f32 v20, v7;
	v7 =	vld [tilespmem:s9+$0xFFFFFFB0]  }
0x359: {  	s6 =	simm.s32 $0x0;
	v19 =	vmax.f32 v20, v19  }
0x35a: {  	s10 =	sand.u32 $0x7FE0, s6;
	v24 =	vld [tilespmem:s31+$0x0];
	v19 =	vmax.f32 v19, v9  }
0x35b: {  	v9 =	vld [tilespmem:s10+$0xC700];
	v19 =	vmax.f32 v19, v11  }
0x35c: {  	v11 =	vld [tilespmem:s9+$0x40];
	v19 =	vmax.f32 v19, v6  }
0x35d: {  	v6 =	vld [tilespmem:s9+$0xFFFFFFC0];
	v18 =	vmax.f32 v19, v18  }
0x35e: {  	v19 =	vld [tilespmem:s31+$0xFFFFFFC0];
	v18 =	vmax.f32 v18, v13  }
0x35f: {  	v17 =	vmax.f32 v18, v17;
	v18 =	vld.idx.msk [tilespmem:v21+s6+$0x0], $0xffff  }
0x360: {  	v16 =	vmax.f32 v17, v16;
	v17 =	vld.idx.msk [tilespmem:v7+s6+$0x0], $0xffff  }
0x361: {  	v13 =	vld [tilespmem:s9+$0xFFFFFFE0]  }
0x362: {  	v23 =	vmin.f32 v5, $0.0e+00;
	v22 =	vmin.f32 v4, $0.0e+00;
	v15 =	vmax.f32 v16, v15;
	v16 =	vld [tilespmem:s31+$0xFFFFFFE0]  }
0x363: {  	v20 =	vmax.f32 v4, $0.0e+00;
	v24 =	vld.idx.msk [tilespmem:v24+s6+$0x0], $0xffff;
	v21 =	vmax.f32 v5, $0.0e+00;
	v15 =	vmax.f32 v15, v10  }
0x364: {  	v20 =	vadd.f32 v21, v20;
	v21 =	vadd.f32 v23, v22;
	v15 =	vmax.f32 v15, v12;
	v12 =	vld [tilespmem:s9+$0x0]  }
0x365: {  	v22 =	vld [tilespmem:s31+$0x20];
	v14 =	vmax.f32 v15, v14;
	v31 =	vmul.f32 v18, v4;
	v15 =	vmul.f32 v17, v5  }
0x366: {  	v10 =	vld [tilespmem:s9+$0x20];
	v17 =	vmul.f32 v14, v20;
	v14 =	vmul.f32 v14, v21  }
0x367: {  	v18 =	vld.idx.msk [tilespmem:v6+s6+$0x0], $0xffff  }
0x368: {  	v19 =	vld.idx.msk [tilespmem:v19+s6+$0x0], $0xffff;
	v15 =	vadd.f32 v15, v31;
	v20 =	vmul.f32 $2.000000030e-01, v17;
	v21 =	vmul.f32 $2.000000030e-01, v14  }
0x369: {  	v23 =	vld.idx.msk [tilespmem:v13+s6+$0x0], $0xffff  }
0x36a: {  	v16 =	vld.idx.msk [tilespmem:v16+s6+$0x0], $0xffff;
	v25 =	vmul.f32 $2.000000030e-01, v15;
	v17 =	vmax.f32 v17, v20;
	v20 =	vmax.f32 v14, v21  }
0x36b: {  	v14 =	vld [tilespmem:s9+$0xFFFFFFF0];
	v17 =	vmul.f32 v17, v3;
	v20 =	vmul.f32 v20, v3  }
0x36c: {  	v15 =	vmax.f32 v15, v25;
	v25 =	vld.idx.msk [tilespmem:v12+s6+$0x0], $0xffff  }
0x36d: {  	v26 =	vmul.f32 v15, v3;
	v15 =	vmax.f32 v17, v20;
	v20 =	vld [tilespmem:s31+$0x40]  }
0x36e: {  	v32 =	vld [tilespmem:s31+$0xFFFFFFF0];
	v18 =	vmul.f32 v18, v5  }
0x36f: {  	v29 =	vld [tilespmem:s10+$0x7880];
	v23 =	vmul.f32 v23, v5;
	v21 =	vmul.f32 v16, v4;
	v16 =	vsub.f32 v26, v15  }
0x370: {  	v22 =	vld.idx.msk [tilespmem:v22+s6+$0x0], $0xffff;
	v17 =	vmul.f32 v19, v4;
	v19 =	vmul.f32 v24, v4  }
0x371: {  	v26 =	vld.idx.msk [tilespmem:v10+s6+$0x0], $0xffff;
	v23 =	vadd.f32 v23, v21;
	v16 =	vmul.f32 $1.442695020e+00, v16;
	v24 =	vmul.f32 v25, v5  }
0x372: {  	v27 =	vld.idx.msk [tilespmem:v9+s6+$0x0], $0xffff;
	v25 =	vadd.f32 v18, v17  }
0x373: {  	v33 =	vld.idx.msk [tilespmem:v11+s6+$0x0], $0xffff;
	v18 =	vmul.f32 $2.000000030e-01, v23;
	(erf) = vpow2.f32 v16;
	v16 =	vadd.f32 v24, v19  }
0x374: {  	v30 =	vld.idx.msk [tilespmem:v14+s6+$0x0], $0xffff  }
0x375: {  	v22 =	vmul.f32 v22, v4;
	v18 =	vmax.f32 v23, v18;
	v28 =	vmul.f32 $2.000000030e-01, v16;
	v20 =	vld.idx.msk [tilespmem:v20+s6+$0x0], $0xffff  }
0x376: {  	v34 =	vmul.f32 v26, v5;
	v23 =	vmul.f32 v18, v3;
	v18 =	vld [tilespmem:s9+$0x10]  }
0x377: {  	v24 =	vmul.f32 $2.000000030e-01, v25;
	v16 =	vmax.f32 v16, v28;
	v28 =	vld [tilespmem:s31+$0x10]  }
0x378: {  	v26 =	vmul.f32 v27, v5;
	v34 =	vadd.f32 v34, v22;
	v27 =	vmul.f32 v16, v3;
	v16 =	vld [tilespmem:s9+$0xFFFFFFD0]  }
0x379: {  	v33 =	vmul.f32 v33, v5;
	v23 =	vsub.f32 v23, v15  }
0x37a: {  	v24 =	vmax.f32 v25, v24;
	v25 =	vmul.f32 v30, v5;
	v30 =	vld.idx.msk [tilespmem:v29+s6+$0x0], $0xffff;
	v38 =	vmul.f32 $2.000000030e-01, v34  }
0x37b: {  	v35 =	vmul.f32 v24, v3;
	v24 =	vld [tilespmem:s31+$0xFFFFFFD0];
	v36 =	vmul.f32 $1.442695020e+00, v23  }
0x37c: {  	s7 =	simm.s32 $0x16380;
	v29 =	vld.idx.msk [tilespmem:v32+s6+$0x0], $0xffff;
	v37 =	vsub.f32 v27, v15;
	v23 =	vmul.f32 v20, v4;
	v34 =	vmax.f32 v34, v38;
	v20 =	vpop (erf)  }
0x37d: {  	s12 =	simm.s32 $0x78F0;
	s13 =	simm.s32 $0xC770;
	v27 =	vsub.f32 v35, v15;
	v34 =	vmul.f32 v34, v3;
	(erf) = vpow2.f32 v36;
	[tilespmem:v7+s7+$0x0] =	vst.idx.add.f32.msk $0xffff, v20  }
0x37e: {  	s14 =	simm.s32 $0xA0;
	s10 =	simm.s32 $0x0;
	s9 =	simm.s32 $0x18B80;
	v32 =	vmul.f32 $1.442695020e+00, v37;
	v33 =	vadd.f32 v33, v23;
	v20 =	vmul.f32 v20, v31;
	v31 =	vld.idx.msk [tilespmem:v18+s6+$0x0], $0xffff  }
.LBB2_27:
0x37f: {  	s15 =	sand.u32 $0x7FE0, s14;
	s10 =	sadd.s32 $0xA, s10;
	v35 =	vld.idx.msk [tilespmem:v28+s6+$0x0], $0xffff;
	v30 =	vmul.f32 v30, v4  }
0x380: {  	p0 =	slt.u32 s10, $0x4D8;
	v36 =	vld.idx.msk [tilespmem:v16+s6+$0x0], $0xffff;
	v34 =	vsub.f32 v34, v15;
	v37 =	vmul.f32 $2.000000030e-01, v33  }
0x381: {  	v28 =	vld [tilespmem:s15+$0xC700];
	v26 =	vadd.f32 v26, v30;
	(erf) = vpow2.f32 v32  }
0x382: {  	v27 =	vmul.f32 $1.442695020e+00, v27;
	v32 =	vld [tilespmem:s13+$0x40];
	v34 =	vmul.f32 $1.442695020e+00, v34;
	v33 =	vmax.f32 v33, v37  }
0x383: {  	v37 =	vld.idx.msk [tilespmem:v24+s6+$0x0], $0xffff;
	v40 =	vmul.f32 $2.000000030e-01, v26;
	v33 =	vmul.f32 v33, v3  }
0x384: {  	v31 =	vmul.f32 v31, v5;
	v24 =	vld [tilespmem:s12+$0x40];
	(erf) = vpow2.f32 v34  }
0x385: {  	v39 =	vmul.f32 v29, v4;
	v34 =	vld [tilespmem:s12+$0xFFFFFFB0];
	v26 =	vmax.f32 v26, v40;
	(erf) = vpow2.f32 v27  }
0x386: {  	v35 =	vmul.f32 v35, v4;
	v33 =	vsub.f32 v33, v15;
	v27 =	vld [tilespmem:s13+$0xFFFFFFC0];
	v26 =	vmul.f32 v26, v3;
	v38 =	vpop (erf)  }
0x387: {  	v40 =	vadd.f32 v25, v39;
	v29 =	vld [tilespmem:s13+$0x20];
	v21 =	vmul.f32 v38, v21  }
0x388: {  	v36 =	vmul.f32 v36, v5;
	v33 =	vmul.f32 $1.442695020e+00, v33;
	[tilespmem:v13+s7+$0x0] =	vst.idx.add.f32.msk $0xffff, v38;
	v26 =	vsub.f32 v26, v15  }
0x389: {  	v31 =	vadd.f32 v31, v35;
	v37 =	vmul.f32 v37, v4;
	v38 =	vmul.f32 $2.000000030e-01, v40;
	v25 =	vld [tilespmem:s12+$0x20]  }
0x38a: {  	v41 =	vld [tilespmem:s12+$0xFFFFFFC0];
	v26 =	vmul.f32 $1.442695020e+00, v26;
	v42 =	vpop (erf);
	(erf) = vpow2.f32 v33  }
0x38b: {  	v43 =	vmul.f32 $2.000000030e-01, v31;
	v33 =	vadd.f32 v36, v37;
	v36 =	vmax.f32 v40, v38;
	[tilespmem:v12+s7+$0x0] =	vst.idx.add.f32.msk $0xffff, v42  }
0x38c: {  	[tilespmem:v13+s9+$0x0] =	vst.idx.add.f32.msk $0xffff, v21;
	v21 =	vmul.f32 v36, v3;
	(erf) = vpow2.f32 v26  }
0x38d: {  	v31 =	vmax.f32 v31, v43;
	v19 =	vmul.f32 v42, v19;
	v36 =	vmul.f32 $2.000000030e-01, v33;
	v26 =	vld [tilespmem:s13+$0xFFFFFFB0];
	v38 =	vpop (erf)  }
0x38e: {  	v31 =	vmul.f32 v31, v3;
	v13 =	vld [tilespmem:s13+$0xFFFFFFE0];
	v21 =	vsub.f32 v21, v15;
	v22 =	vmul.f32 v38, v22;
	v40 =	vpop (erf)  }
0x38f: {  	v42 =	vld [tilespmem:s12+$0x0];
	v43 =	vmul.f32 v40, v17;
	v17 =	vmax.f32 v33, v36  }
0x390: {  	v31 =	vsub.f32 v31, v15;
	v33 =	vld [tilespmem:s13+$0x0];
	v17 =	vmul.f32 v17, v3;
	v21 =	vmul.f32 $1.442695020e+00, v21  }
0x391: {  	v34 =	vld.idx.msk [tilespmem:v34+s6+$0x0], $0xffff  }
0x392: {  	v31 =	vmul.f32 $1.442695020e+00, v31;
	v36 =	vld.idx.msk [tilespmem:v27+s6+$0x0], $0xffff;
	v17 =	vsub.f32 v17, v15;
	(erf) = vpow2.f32 v21  }
0x393: {  	v21 =	vld.idx.msk [tilespmem:v41+s6+$0x0], $0xffff;
	v41 =	vpop (erf)  }
0x394: {  	[tilespmem:v11+s7+$0x0] =	vst.idx.add.f32.msk $0xffff, v41;
	v23 =	vmul.f32 v41, v23;
	(erf) = vpow2.f32 v31  }
0x395: {  	v17 =	vmul.f32 $1.442695020e+00, v17;
	v31 =	vld.idx.msk [tilespmem:v26+s6+$0x0], $0xffff;
	v41 =	vpop (erf)  }
0x396: {  	v44 =	vld [tilespmem:s12+$0xFFFFFFE0];
	v30 =	vmul.f32 v41, v30  }
0x397: {  	[tilespmem:v9+s7+$0x0] =	vst.idx.add.f32.msk $0xffff, v41  }
0x398: {  	v41 =	vld.idx.msk [tilespmem:v28+s6+$0x0], $0xffff  }
0x399: {  	v45 =	vld [tilespmem:s12+$0xFFFFFFF0]  }
0x39a: {  	v46 =	vld.idx.msk [tilespmem:v13+s6+$0x0], $0xffff;
	(erf) = vpow2.f32 v17  }
0x39b: {  	[tilespmem:v11+s9+$0x0] =	vst.idx.add.f32.msk $0xffff, v23;
	v17 =	vpop (erf);
	v11 =	vmov v32  }
0x39c: {  	[tilespmem:v14+s7+$0x0] =	vst.idx.add.f32.msk $0xffff, v17;
	v17 =	vmul.f32 v17, v39  }
0x39d: {  	v23 =	vld [tilespmem:s13+$0xFFFFFFF0];
	v32 =	vpop (erf)  }
0x39e: {  	[tilespmem:v12+s9+$0x0] =	vst.idx.add.f32.msk $0xffff, v19;
	v19 =	vmul.f32 v32, v35;
	v12 =	vmov v33  }
0x39f: {  	[tilespmem:v10+s7+$0x0] =	vst.idx.add.f32.msk $0xffff, v38  }
0x3a0: {  	v33 =	vld.idx.msk [tilespmem:v42+s6+$0x0], $0xffff  }
0x3a1: {  	[tilespmem:v14+s9+$0x0] =	vst.idx.add.f32.msk $0xffff, v17  }
0x3a2: {  	[tilespmem:v18+s7+$0x0] =	vst.idx.add.f32.msk $0xffff, v32;
	v14 =	vmov v23  }
0x3a3: {  	v34 =	vmul.f32 v34, v4;
	v23 =	vld.idx.msk [tilespmem:v44+s6+$0x0], $0xffff;
	v32 =	vpop (erf)  }
0x3a4: {  	v17 =	vmul.f32 v21, v4;
	v21 =	vmul.f32 v36, v5;
	[tilespmem:v9+s9+$0x0] =	vst.idx.add.f32.msk $0xffff, v30;
	v9 =	vmov v28  }
0x3a5: {  	v28 =	vmul.f32 v31, v5;
	[tilespmem:v7+s9+$0x0] =	vst.idx.add.f32.msk $0xffff, v20;
	v20 =	vmul.f32 v32, v37;
	v7 =	vmov v26  }
0x3a6: {  	v21 =	vadd.f32 v21, v17;
	v26 =	vmul.f32 v41, v5;
	[tilespmem:v6+s7+$0x0] =	vst.idx.add.f32.msk $0xffff, v40  }
0x3a7: {  	v28 =	vadd.f32 v28, v34;
	[tilespmem:v18+s9+$0x0] =	vst.idx.add.f32.msk $0xffff, v19  }
0x3a8: {  	v18 =	vmul.f32 $2.000000030e-01, v21;
	v30 =	vld.idx.msk [tilespmem:v12+s6+$0x0], $0xffff  }
0x3a9: {  	v31 =	vmul.f32 v46, v5;
	v19 =	vmul.f32 $2.000000030e-01, v28;
	[tilespmem:v16+s7+$0x0] =	vst.idx.add.f32.msk $0xffff, v32  }
0x3aa: {  	v18 =	vmax.f32 v21, v18;
	v21 =	vmul.f32 v23, v4;
	[tilespmem:v10+s9+$0x0] =	vst.idx.add.f32.msk $0xffff, v22;
	v10 =	vmov v29  }
0x3ab: {  	v19 =	vmax.f32 v28, v19;
	[tilespmem:v6+s9+$0x0] =	vst.idx.add.f32.msk $0xffff, v43;
	v6 =	vmov v27  }
0x3ac: {  	v22 =	vmul.f32 v19, v3;
	v23 =	vadd.f32 v31, v21;
	v28 =	vld.idx.msk [tilespmem:v14+s6+$0x0], $0xffff  }
0x3ad: {  	v19 =	vmul.f32 v33, v4;
	[tilespmem:v16+s9+$0x0] =	vst.idx.add.f32.msk $0xffff, v20  }
0x3ae: {  	v18 =	vmul.f32 v18, v3;
	v16 =	vsub.f32 v22, v15;
	v20 =	vmul.f32 $2.000000030e-01, v23;
	v29 =	vld [tilespmem:s15+$0x7880]  }
0x3af: {  	v22 =	vmul.f32 v30, v5;
	v30 =	vld.idx.msk [tilespmem:v10+s6+$0x0], $0xffff  }
0x3b0: {  	v27 =	vsub.f32 v18, v15;
	v16 =	vmul.f32 $1.442695020e+00, v16;
	v18 =	vmax.f32 v23, v20;
	v20 =	vld.idx.msk [tilespmem:v25+s6+$0x0], $0xffff  }
0x3b1: {  	v22 =	vadd.f32 v22, v19;
	v18 =	vmul.f32 v18, v3  }
0x3b2: {  	v25 =	vmul.f32 v28, v5;
	(erf) = vpow2.f32 v16  }
0x3b3: {  	v16 =	vsub.f32 v18, v15;
	v18 =	vmul.f32 $2.000000030e-01, v22;
	v31 =	vld.idx.msk [tilespmem:v11+s6+$0x0], $0xffff  }
0x3b4: {  	v23 =	vld.idx.msk [tilespmem:v24+s6+$0x0], $0xffff  }
0x3b5: {  	v33 =	vmul.f32 $1.442695020e+00, v16;
	v16 =	vmax.f32 v22, v18;
	v24 =	vmul.f32 v30, v5;
	v18 =	vld [tilespmem:s13+$0x10]  }
0x3b6: {  	v30 =	vmul.f32 v16, v3;
	v22 =	vmul.f32 v20, v4;
	v28 =	vld [tilespmem:s12+$0x10]  }
0x3b7: {  	v16 =	vld [tilespmem:s13+$0xFFFFFFD0]  }
0x3b8: {  	v38 =	vsub.f32 v30, v15;
	v35 =	vadd.f32 v24, v22;
	v30 =	vld.idx.msk [tilespmem:v29+s6+$0x0], $0xffff  }
.Ltmp13:
0x3b9: {  	v24 =	vld [tilespmem:s12+$0xFFFFFFD0];
	(pc) =	sbr.rel @p0 .LBB2_27-.Ltmp13, $4  }
0x3ba: {  	v32 =	vmul.f32 $1.442695020e+00, v38;
	v36 =	vmul.f32 $2.000000030e-01, v35  }
0x3bb: {  	v37 =	vmul.f32 v31, v5;
	v23 =	vmul.f32 v23, v4;
	v29 =	vld.idx.msk [tilespmem:v45+s6+$0x0], $0xffff;
	v20 =	vpop (erf)  }
0x3bc: {  	[tilespmem:v7+s7+$0x0] =	vst.idx.add.f32.msk $0xffff, v20;
	v20 =	vmul.f32 v20, v34;
	v34 =	vmax.f32 v35, v36;
	(erf) = vpow2.f32 v33  }
0x3bd: {  	s14 =	sadd.s32 $0xA0, s14;
	s13 =	sadd.s32 $0xA0, s13;
	s12 =	sadd.s32 $0xA0, s12;
	v33 =	vadd.f32 v37, v23;
	v31 =	vld.idx.msk [tilespmem:v18+s6+$0x0], $0xffff;
	v34 =	vmul.f32 v34, v3  }
0x3be: {  	_ =	sdelay $0x3  }
0x3bf: {  	v30 =	vmul.f32 v30, v4;
	v28 =	vld.idx.msk [tilespmem:v28+s6+$0x0], $0xffff  }
0x3c0: {  	v50 =	vld.idx.msk [tilespmem:v16+s6+$0x0], $0xffff;
	v34 =	vsub.f32 v34, v15;
	v35 =	vmul.f32 $2.000000030e-01, v33  }
0x3c1: {  	(erf) = vpow2.f32 v32;
	v27 =	vmul.f32 $1.442695020e+00, v27;
	v24 =	vld.idx.msk [tilespmem:v24+s6+$0x0], $0xffff;
	v26 =	vadd.f32 v26, v30  }
0x3c2: {  	v29 =	vmul.f32 v29, v4;
	v34 =	vmul.f32 $1.442695020e+00, v34;
	v33 =	vmax.f32 v33, v35  }
0x3c3: {  	v51 =	vmul.f32 $2.000000030e-01, v26;
	v33 =	vmul.f32 v33, v3  }
0x3c4: {  	v31 =	vmul.f32 v31, v5;
	v25 =	vadd.f32 v25, v29;
	(erf) = vpow2.f32 v34  }
0x3c5: {  	v28 =	vmul.f32 v28, v4;
	v5 =	vmul.f32 v50, v5  }
0x3c6: {  	v4 =	vmul.f32 v24, v4;
	v52 =	vmul.f32 $2.000000030e-01, v25  }
0x3c7: {  	v26 =	vmax.f32 v26, v51;
	(erf) = vpow2.f32 v27;
	v53 =	vsub.f32 v33, v15  }
0x3c8: {  	v26 =	vmul.f32 v26, v3;
	v31 =	vadd.f32 v31, v28;
	v25 =	vmax.f32 v25, v52  }
0x3c9: {  	v5 =	vadd.f32 v5, v4;
	v27 =	vmul.f32 $1.442695020e+00, v53;
	v25 =	vmul.f32 v25, v3  }
0x3ca: {  	v26 =	vsub.f32 v26, v15;
	v54 =	vmul.f32 $2.000000030e-01, v31  }
0x3cb: {  	v57 =	vmul.f32 $2.000000030e-01, v5;
	(erf) = vpow2.f32 v27;
	v55 =	vsub.f32 v25, v15  }
0x3cc: {  	v26 =	vmul.f32 $1.442695020e+00, v26;
	v56 =	vmax.f32 v31, v54  }
0x3cd: {  	v5 =	vmax.f32 v5, v57;
	v25 =	vmul.f32 v56, v3;
	v24 =	vmul.f32 $1.442695020e+00, v55  }
0x3ce: {  	[tilespmem:v7+s9+$0x0] =	vst.idx.add.f32.msk $0xffff, v20;
	v58 =	vpop (erf);
	v3 =	vmul.f32 v5, v3;
	(erf) = vpow2.f32 v26  }
0x3cf: {  	[tilespmem:v13+s7+$0x0] =	vst.idx.add.f32.msk $0xffff, v58;
	v59 =	vpop (erf);
	v25 =	vsub.f32 v25, v15;
	(erf) = vpow2.f32 v24  }
0x3d0: {  	v63 =	vmul.f32 v59, v19;
	v5 =	vmul.f32 v58, v21;
	v3 =	vsub.f32 v3, v15  }
0x3d1: {  	[tilespmem:v12+s7+$0x0] =	vst.idx.add.f32.msk $0xffff, v59;
	v25 =	vmul.f32 $1.442695020e+00, v25  }
0x3d2: {  	[tilespmem:v12+s9+$0x0] =	vst.idx.add.f32.msk $0xffff, v63;
	v60 =	vpop (erf);
	v3 =	vmul.f32 $1.442695020e+00, v3  }
0x3d3: {  	[tilespmem:v13+s9+$0x0] =	vst.idx.add.f32.msk $0xffff, v5;
	v61 =	vpop (erf);
	(erf) = vpow2.f32 v25  }
0x3d4: {  	[tilespmem:v10+s7+$0x0] =	vst.idx.add.f32.msk $0xffff, v60;
	v5 =	vpop (erf);
	(erf) = vpow2.f32 v3  }
0x3d5: {  	[tilespmem:v11+s7+$0x0] =	vst.idx.add.f32.msk $0xffff, v5;
	v5 =	vmul.f32 v5, v23  }
0x3d6: {  	[tilespmem:v6+s7+$0x0] =	vst.idx.add.f32.msk $0xffff, v61  }
0x3d7: {  	v62 =	vpop (erf);
	[tilespmem:v11+s9+$0x0] =	vst.idx.add.f32.msk $0xffff, v5  }
0x3d8: {  	[tilespmem:v9+s7+$0x0] =	vst.idx.add.f32.msk $0xffff, v62;
	v5 =	vmul.f32 v62, v30;
	v3 =	vpop (erf)  }
0x3d9: {  	[tilespmem:v14+s7+$0x0] =	vst.idx.add.f32.msk $0xffff, v3;
	v3 =	vmul.f32 v3, v29  }
0x3da: {  	[tilespmem:v9+s9+$0x0] =	vst.idx.add.f32.msk $0xffff, v5;
	v5 =	vmul.f32 v60, v22  }
0x3db: {  	[tilespmem:v14+s9+$0x0] =	vst.idx.add.f32.msk $0xffff, v3  }
0x3dc: {  	v11 =	vpop (erf);
	[tilespmem:v10+s9+$0x0] =	vst.idx.add.f32.msk $0xffff, v5  }
0x3dd: {  	[tilespmem:v18+s7+$0x0] =	vst.idx.add.f32.msk $0xffff, v11;
	v3 =	vmul.f32 v11, v28;
	v7 =	vpop (erf)  }
0x3de: {  	[tilespmem:v16+s7+$0x0] =	vst.idx.add.f32.msk $0xffff, v7;
	v4 =	vmul.f32 v7, v4  }
0x3df: {  	[tilespmem:v18+s9+$0x0] =	vst.idx.add.f32.msk $0xffff, v3;
	v3 =	vmul.f32 v61, v17  }
0x3e0: {  	s28 =	simm.s32 $0x80;
	[tilespmem:v16+s9+$0x0] =	vst.idx.add.f32.msk $0xffff, v4  }
0x3e1: {  	s29 =	simm.s32 $0x400;
	s30 =	simm.s32 $0x16380;
	s31 =	simm.s32 $0x3;
	[tilespmem:v6+s9+$0x0] =	vst.idx.add.f32.msk $0xffff, v3  }
0x3e2: {  	[spmem:s11] =	stream.strided.scatter [tilespmem:s30], [sflag:$0x3], $0x2800, s29, s28, $0x38;
	[tilespmem:$0x1E7C0] =	vst v63  }
0x3e3: {  	_ =	swait.ge [sflag:s31], $0x2800  }
0x3e4: {  	[sflag:s31] =	ssyncset.done $0x0  }
0x3e5: {  	[sflag:s31] =	ssyncadd.s32 $0xFFFFD800  }
0x3e6: {  	s9 =	simm.s32 $0x163C0;
	v3 =	vimm.f32 $0.0e+00;
	[bflag:$0x0] =	sbarrier.arrive $0xFFFF  }
0x3e7: {  	[tilespmem:s9+$0xFFFFFFC0] =	vst v3  }
0x3e8: {  	[tilespmem:s9+$0x30] =	vst v3  }
0x3e9: {  	[tilespmem:s9+$0x20] =	vst v3  }
0x3ea: {  	[tilespmem:s9+$0x10] =	vst v3  }
0x3eb: {  	[tilespmem:s9+$0x0] =	vst v3  }
0x3ec: {  	[tilespmem:s9+$0xFFFFFFF0] =	vst v3  }
0x3ed: {  	s6 =	simm.s32 $0x0;
	[tilespmem:s9+$0xFFFFFFE0] =	vst v3  }
.LBB2_29:
0x3ee: {  	s6 =	sadd.s32 $0x8, s6;
	[tilespmem:s9+$0xFFFFFFD0] =	vst v3;
	s9 =	sadd.s32 $0x80, s9  }
0x3ef: {  	[tilespmem:s9+$0xFFFFFFC0] =	vst v3;
	p0 =	slt.u32 s6, $0x20  }
0x3f0: {  	[tilespmem:s9+$0x30] =	vst v3  }
.Ltmp14:
0x3f1: {  	[tilespmem:s9+$0x20] =	vst v3;
	(pc) =	sbr.rel @p0 .LBB2_29-.Ltmp14, $4  }
0x3f2: {  	[tilespmem:s9+$0x10] =	vst v3  }
0x3f3: {  	[tilespmem:s9+$0x0] =	vst v3  }
0x3f4: {  	[tilespmem:s9+$0xFFFFFFF0] =	vst v3  }
0x3f5: {  	[tilespmem:s9+$0xFFFFFFE0] =	vst v3  }
0x3f6: {  	s6 =	simm.s32 $0x0;
	s7 =	simm.s32 $0x80  }
0x3f7: {  	[tilespmem:s9+$0xFFFFFFD0] =	vst v3;
	s9 =	simm.s32 $0x400;
	s10 =	simm.s32 $0x1B380;
	s12 =	simm.s32 $0x3  }
.LBB2_31:
0x3f8: {  	s13 =	sshrl.u32 s6, $0x3  }
0x3f9: {  	s13 =	smul.u32 $0x50000, s13;
	_ =	sdelay $0x1  }
0x3fa: {  	s14 =	sshll.u32 s6, $0x7;
	s13 =	sshra.s32 s13, $0x2  }
0x3fb: {  	s14 =	sand.u32 $0x380, s14;
	s13 =	sadd.s32 s13, s8  }
0x3fc: {  	s13 =	sadd.s32 s14, s13  }
0x3fd: {  	[tilespmem:s10], [sflag:$0x3] =	stream.strided.gather [spmem:s13], $0x280, s9, s7, $0x38;
	[tilespmem:$0x1E7C0] =	vst v63  }
0x3fe: {  	_ =	swait.ge [sflag:s12], $0x280  }
0x3ff: {  	[sflag:s12] =	ssyncset.done $0x0  }
0x400: {  	s13 =	simm.s32 $0x163C0;
	[sflag:s12] =	ssyncadd.s32 $0xFFFFFD80  }
0x401: {  	s14 =	simm.s32 $0x1B3C0;
	v4 =	vld [tilespmem:s13+$0x30]  }
0x402: {  	v5 =	vld [tilespmem:s14+$0x30]  }
0x403: {  	v3 =	vld [tilespmem:s14+$0xFFFFFFC0]  }
0x404: {  	v6 =	vld [tilespmem:s13+$0xFFFFFFD0]  }
0x405: {  	v7 =	vld [tilespmem:s14+$0xFFFFFFD0]  }
0x406: {  	v9 =	vld [tilespmem:s13+$0xFFFFFFE0]  }
0x407: {  	v10 =	vld [tilespmem:s14+$0xFFFFFFE0]  }
0x408: {  	v11 =	vld [tilespmem:s13+$0xFFFFFFF0]  }
0x409: {  	v12 =	vld [tilespmem:s14+$0xFFFFFFF0]  }
0x40a: {  	v13 =	vld [tilespmem:s13+$0x0]  }
0x40b: {  	v14 =	vld [tilespmem:s14+$0x0];
	v5 =	vadd.f32 v5, v4  }
0x40c: {  	v7 =	vadd.f32 v7, v6;
	v4 =	vld [tilespmem:s13+$0x10]  }
0x40d: {  	v9 =	vadd.f32 v10, v9;
	v6 =	vld [tilespmem:s14+$0x10];
	[tilespmem:s13+$0x30] =	vst v5  }
0x40e: {  	v10 =	vadd.f32 v12, v11;
	[tilespmem:s13+$0xFFFFFFD0] =	vst v7;
	v5 =	vld [tilespmem:s13+$0x20]  }
0x40f: {  	[tilespmem:s13+$0xFFFFFFE0] =	vst v9;
	v9 =	vld [tilespmem:s14+$0x20]  }
0x410: {  	s15 =	simm.s32 $0x0;
	s16 =	simm.s32 $0x16440;
	v7 =	vld [tilespmem:s13+$0xFFFFFFC0];
	[tilespmem:s13+$0xFFFFFFF0] =	vst v10;
	v10 =	vadd.f32 v14, v13  }
.LBB2_32:
0x411: {  	v11 =	vld [tilespmem:s16+$0x30];
	s14 =	sadd.s32 $0x80, s14  }
0x412: {  	s15 =	sadd.s32 $0x8, s15;
	v12 =	vld [tilespmem:s14+$0x30];
	[tilespmem:s13+$0x0] =	vst v10;
	v4 =	vadd.f32 v6, v4  }
0x413: {  	p0 =	slt.u32 s15, $0x20;
	v6 =	vld [tilespmem:s14+$0xFFFFFFC0]  }
0x414: {  	v10 =	vld [tilespmem:s16+$0xFFFFFFD0];
	[tilespmem:s13+$0x10] =	vst v4;
	v4 =	vadd.f32 v9, v5  }
0x415: {  	v5 =	vld [tilespmem:s14+$0xFFFFFFD0];
	v13 =	vadd.f32 v3, v7  }
0x416: {  	v7 =	vld [tilespmem:s16+$0xFFFFFFE0];
	[tilespmem:s13+$0x20] =	vst v4  }
0x417: {  	v4 =	vld [tilespmem:s14+$0xFFFFFFE0];
	v9 =	vadd.f32 v12, v11;
	[tilespmem:s13+$0xFFFFFFC0] =	vst v13;
	s13 =	smov.u32 s16  }
0x418: {  	v11 =	vld [tilespmem:s16+$0xFFFFFFF0];
	v3 =	vmov v6  }
0x419: {  	v12 =	vld [tilespmem:s14+$0xFFFFFFF0];
	[tilespmem:s16+$0x30] =	vst v9  }
0x41a: {  	v5 =	vadd.f32 v5, v10;
	v10 =	vld [tilespmem:s16+$0x0]  }
0x41b: {  	v13 =	vld [tilespmem:s14+$0x0]  }
.Ltmp15:
0x41c: {  	[tilespmem:s16+$0xFFFFFFD0] =	vst v5;
	v5 =	vadd.f32 v4, v7;
	v4 =	vld [tilespmem:s16+$0x10];
	(pc) =	sbr.rel @p0 .LBB2_32-.Ltmp15, $4  }
0x41d: {  	v6 =	vld [tilespmem:s14+$0x10]  }
0x41e: {  	[tilespmem:s16+$0xFFFFFFE0] =	vst v5;
	v11 =	vadd.f32 v12, v11;
	v5 =	vld [tilespmem:s16+$0x20]  }
0x41f: {  	v9 =	vld [tilespmem:s14+$0x20]  }
0x420: {  	s16 =	sadd.s32 $0x80, s16;
	v7 =	vld [tilespmem:s13+$0xFFFFFFC0];
	[tilespmem:s13+$0xFFFFFFF0] =	vst v11;
	v10 =	vadd.f32 v13, v10  }
0x421: {  	s6 =	sadd.s32 $0x1, s6  }
0x422: {  	p0 =	sne.s32 s6, $0x10  }
.Ltmp16:
0x423: {  	v4 =	vadd.f32 v6, v4;
	(pc) =	sbr.rel @p0 .LBB2_31-.Ltmp16, $4  }
0x424: {  	[tilespmem:s13+$0x0] =	vst v10;
	v5 =	vadd.f32 v9, v5  }
0x425: {  	[tilespmem:s13+$0x10] =	vst v4;
	v3 =	vadd.f32 v3, v7  }
0x426: {  	[tilespmem:s13+$0x20] =	vst v5  }
0x427: {  	[tilespmem:s13+$0xFFFFFFC0] =	vst v3  }
0x428: {  	[bflag:$0x0] =	sbarrier.arrive $0xFFFF;
	s6 =	simm.s32 $0x80  }
0x429: {  	s7 =	simm.s32 $0x400;
	s9 =	simm.s32 $0x18B80;
	s31 =	simm.s32 $0x3  }
0x42a: {  	[spmem:s11] =	stream.strided.scatter [tilespmem:s9], [sflag:$0x3], $0x2800, s7, s6, $0x38;
	[tilespmem:$0x1E7C0] =	vst v63  }
0x42b: {  	_ =	swait.ge [sflag:s31], $0x2800  }
0x42c: {  	[sflag:s31] =	ssyncset.done $0x0  }
0x42d: {  	[sflag:s31] =	ssyncadd.s32 $0xFFFFD800  }
0x42e: {  	v3 =	vimm.f32 $0.0e+00;
	s9 =	simm.s32 $0x18BC0;
	[bflag:$0x0] =	sbarrier.arrive $0xFFFF  }
0x42f: {  	[tilespmem:s9+$0xFFFFFFC0] =	vst v3  }
0x430: {  	[tilespmem:s9+$0x30] =	vst v3  }
0x431: {  	[tilespmem:s9+$0x20] =	vst v3  }
0x432: {  	[tilespmem:s9+$0x10] =	vst v3  }
0x433: {  	[tilespmem:s9+$0x0] =	vst v3  }
0x434: {  	[tilespmem:s9+$0xFFFFFFF0] =	vst v3  }
0x435: {  	s6 =	simm.s32 $0x0;
	[tilespmem:s9+$0xFFFFFFE0] =	vst v3  }
.LBB2_35:
0x436: {  	s6 =	sadd.s32 $0x8, s6;
	[tilespmem:s9+$0xFFFFFFD0] =	vst v3;
	s9 =	sadd.s32 $0x80, s9  }
0x437: {  	[tilespmem:s9+$0xFFFFFFC0] =	vst v3;
	p0 =	slt.u32 s6, $0x20  }
0x438: {  	[tilespmem:s9+$0x30] =	vst v3  }
.Ltmp17:
0x439: {  	[tilespmem:s9+$0x20] =	vst v3;
	(pc) =	sbr.rel @p0 .LBB2_35-.Ltmp17, $4  }
0x43a: {  	[tilespmem:s9+$0x10] =	vst v3  }
0x43b: {  	[tilespmem:s9+$0x0] =	vst v3  }
0x43c: {  	[tilespmem:s9+$0xFFFFFFF0] =	vst v3  }
0x43d: {  	[tilespmem:s9+$0xFFFFFFE0] =	vst v3  }
0x43e: {  	s6 =	simm.s32 $0x0;
	s7 =	simm.s32 $0x80  }
0x43f: {  	[tilespmem:s9+$0xFFFFFFD0] =	vst v3;
	s9 =	simm.s32 $0x400;
	s10 =	simm.s32 $0x1B600;
	s11 =	simm.s32 $0x3  }
.LBB2_37:
0x440: {  	s12 =	sshrl.u32 s6, $0x3  }
0x441: {  	s12 =	smul.u32 $0x50000, s12;
	_ =	sdelay $0x1  }
0x442: {  	s13 =	sshll.u32 s6, $0x7;
	s12 =	sshra.s32 s12, $0x2  }
0x443: {  	s13 =	sand.u32 $0x380, s13;
	s12 =	sadd.s32 s12, s8  }
0x444: {  	s12 =	sadd.s32 s13, s12  }
0x445: {  	[tilespmem:s10], [sflag:$0x3] =	stream.strided.gather [spmem:s12], $0x280, s9, s7, $0x38;
	[tilespmem:$0x1E7C0] =	vst v63  }
0x446: {  	_ =	swait.ge [sflag:s11], $0x280  }
0x447: {  	[sflag:s11] =	ssyncset.done $0x0  }
0x448: {  	s12 =	simm.s32 $0x18BC0;
	[sflag:s11] =	ssyncadd.s32 $0xFFFFFD80  }
0x449: {  	s13 =	simm.s32 $0x1B640;
	v4 =	vld [tilespmem:s12+$0x30]  }
0x44a: {  	v5 =	vld [tilespmem:s13+$0x30]  }
0x44b: {  	v3 =	vld [tilespmem:s13+$0xFFFFFFC0]  }
0x44c: {  	v6 =	vld [tilespmem:s12+$0xFFFFFFD0]  }
0x44d: {  	v7 =	vld [tilespmem:s13+$0xFFFFFFD0]  }
0x44e: {  	v9 =	vld [tilespmem:s12+$0xFFFFFFE0]  }
0x44f: {  	v10 =	vld [tilespmem:s13+$0xFFFFFFE0]  }
0x450: {  	v11 =	vld [tilespmem:s12+$0xFFFFFFF0]  }
0x451: {  	v12 =	vld [tilespmem:s13+$0xFFFFFFF0]  }
0x452: {  	v13 =	vld [tilespmem:s12+$0x0]  }
0x453: {  	v14 =	vld [tilespmem:s13+$0x0];
	v5 =	vadd.f32 v5, v4  }
0x454: {  	v7 =	vadd.f32 v7, v6;
	v4 =	vld [tilespmem:s12+$0x10]  }
0x455: {  	v9 =	vadd.f32 v10, v9;
	v6 =	vld [tilespmem:s13+$0x10];
	[tilespmem:s12+$0x30] =	vst v5  }
0x456: {  	v10 =	vadd.f32 v12, v11;
	[tilespmem:s12+$0xFFFFFFD0] =	vst v7;
	v5 =	vld [tilespmem:s12+$0x20]  }
0x457: {  	[tilespmem:s12+$0xFFFFFFE0] =	vst v9;
	v9 =	vld [tilespmem:s13+$0x20]  }
0x458: {  	s14 =	simm.s32 $0x0;
	s15 =	simm.s32 $0x18C40;
	v7 =	vld [tilespmem:s12+$0xFFFFFFC0];
	[tilespmem:s12+$0xFFFFFFF0] =	vst v10;
	v10 =	vadd.f32 v14, v13  }
.LBB2_38:
0x459: {  	v11 =	vld [tilespmem:s15+$0x30];
	s13 =	sadd.s32 $0x80, s13  }
0x45a: {  	s14 =	sadd.s32 $0x8, s14;
	v12 =	vld [tilespmem:s13+$0x30];
	[tilespmem:s12+$0x0] =	vst v10;
	v4 =	vadd.f32 v6, v4  }
0x45b: {  	p0 =	slt.u32 s14, $0x20;
	v6 =	vld [tilespmem:s13+$0xFFFFFFC0]  }
0x45c: {  	v10 =	vld [tilespmem:s15+$0xFFFFFFD0];
	[tilespmem:s12+$0x10] =	vst v4;
	v4 =	vadd.f32 v9, v5  }
0x45d: {  	v5 =	vld [tilespmem:s13+$0xFFFFFFD0];
	v13 =	vadd.f32 v3, v7  }
0x45e: {  	v7 =	vld [tilespmem:s15+$0xFFFFFFE0];
	[tilespmem:s12+$0x20] =	vst v4  }
0x45f: {  	v4 =	vld [tilespmem:s13+$0xFFFFFFE0];
	v9 =	vadd.f32 v12, v11;
	[tilespmem:s12+$0xFFFFFFC0] =	vst v13;
	s12 =	smov.u32 s15  }
0x460: {  	v11 =	vld [tilespmem:s15+$0xFFFFFFF0];
	v3 =	vmov v6  }
0x461: {  	v12 =	vld [tilespmem:s13+$0xFFFFFFF0];
	[tilespmem:s15+$0x30] =	vst v9  }
0x462: {  	v5 =	vadd.f32 v5, v10;
	v10 =	vld [tilespmem:s15+$0x0]  }
0x463: {  	v13 =	vld [tilespmem:s13+$0x0]  }
.Ltmp18:
0x464: {  	[tilespmem:s15+$0xFFFFFFD0] =	vst v5;
	v5 =	vadd.f32 v4, v7;
	v4 =	vld [tilespmem:s15+$0x10];
	(pc) =	sbr.rel @p0 .LBB2_38-.Ltmp18, $4  }
0x465: {  	v6 =	vld [tilespmem:s13+$0x10]  }
0x466: {  	[tilespmem:s15+$0xFFFFFFE0] =	vst v5;
	v11 =	vadd.f32 v12, v11;
	v5 =	vld [tilespmem:s15+$0x20]  }
0x467: {  	v9 =	vld [tilespmem:s13+$0x20]  }
0x468: {  	s15 =	sadd.s32 $0x80, s15;
	v7 =	vld [tilespmem:s12+$0xFFFFFFC0];
	[tilespmem:s12+$0xFFFFFFF0] =	vst v11;
	v10 =	vadd.f32 v13, v10  }
0x469: {  	s6 =	sadd.s32 $0x1, s6  }
0x46a: {  	p0 =	sne.s32 s6, $0x10  }
.Ltmp19:
0x46b: {  	v4 =	vadd.f32 v6, v4;
	(pc) =	sbr.rel @p0 .LBB2_37-.Ltmp19, $4  }
0x46c: {  	[tilespmem:s12+$0x0] =	vst v10;
	v5 =	vadd.f32 v9, v5  }
0x46d: {  	[tilespmem:s12+$0x10] =	vst v4;
	v3 =	vadd.f32 v3, v7  }
0x46e: {  	[tilespmem:s12+$0x20] =	vst v5  }
0x46f: {  	[tilespmem:s12+$0xFFFFFFC0] =	vst v3  }
0x470: {  	s7 =	simm.s32 $0x163C0  }
0x471: {  	v3 =	vld [tilespmem:s7+$0xFFFFFFD0]  }
0x472: {  	v4 =	vld [tilespmem:s7+$0xFFFFFFC0];
	_ =	sdelay $0x3  }
0x473: {  	v3 =	vadd.f32 $1.000000020e-16, v3  }
0x474: {  	v5 =	vld [tilespmem:s7+$0xFFFFFFE0];
	v4 =	vadd.f32 $1.000000020e-16, v4  }
0x475: {  	v6 =	vld [tilespmem:s7+$0xFFFFFFF0];
	(erf) = vrcp.f32 v3  }
0x476: {  	(erf) = vrcp.f32 v4;
	v4 =	vld [tilespmem:s7+$0x0];
	_ =	sdelay $0x1  }
0x477: {  	v7 =	vld [tilespmem:s7+$0x30]  }
0x478: {  	s6 =	simm.s32 $0x18BC0;
	v9 =	vld [tilespmem:s7+$0x10];
	v5 =	vadd.f32 $1.000000020e-16, v5  }
0x479: {  	s10 =	simm.s32 $0x16440;
	v10 =	vld [tilespmem:s6+$0xFFFFFFC0]  }
0x47a: {  	v11 =	vld [tilespmem:s10+$0xFFFFFFD0];
	v6 =	vadd.f32 $1.000000020e-16, v6;
	(erf) = vrcp.f32 v5;
	v4 =	vadd.f32 $1.000000020e-16, v4  }
0x47b: {  	v5 =	vld [tilespmem:s7+$0x20]  }
0x47c: {  	v13 =	vld [tilespmem:s10+$0xFFFFFFC0];
	(erf) = vrcp.f32 v6  }
0x47d: {  	v3 =	vld [tilespmem:s6+$0xFFFFFFD0];
	v12 =	vpop (erf)  }
0x47e: {  	v9 =	vadd.f32 $1.000000020e-16, v9;
	v6 =	vld [tilespmem:s10+$0xFFFFFFF0];
	(erf) = vrcp.f32 v4;
	v4 =	vpop (erf)  }
0x47f: {  	v14 =	vld [tilespmem:s6+$0xFFFFFFE0];
	v7 =	vadd.f32 $1.000000020e-16, v7;
	v4 =	vmul.f32 v4, v10;
	v10 =	vadd.f32 $1.000000020e-16, v11  }
0x480: {  	v5 =	vadd.f32 $1.000000020e-16, v5;
	(erf) = vrcp.f32 v9  }
0x481: {  	s8 =	sadd.s32 $0x70, s3;
	(erf) = vrcp.f32 v7;
	v11 =	vld [tilespmem:s6+$0xFFFFFFF0]  }
0x482: {  	s25 =	sadd.s32 $0xFFFFFF90, s8;
	v7 =	vmul.f32 v12, v3;
	(erf) = vrcp.f32 v5;
	v4 =	vadd.f32 v4, v2  }
0x483: {  	v15 =	vld [tilespmem:s10+$0xFFFFFFE0];
	p0 =	slt.u32 s25, $0x2710;
	v3 =	vadd.f32 $1.000000020e-16, v6;
	v5 =	vadd.f32 $1.000000020e-16, v13;
	(erf) = vrcp.f32 v10;
	v10 =	vpop (erf)  }
0x484: {  	s26 =	sadd.s32 $0xFFFFFFA0, s8;
	v6 =	vld [tilespmem:s6+$0x0];
	v7 =	vadd.f32 v7, v2;
	v4 =	vpsel !p0, $0x0, v4;
	v10 =	vmul.f32 v10, v14  }
0x485: {  	p1 =	slt.u32 s26, $0x2710;
	v9 =	vimm.f32 $0.0e+00;
	v13 =	vld [tilespmem:s6+$0x10];
	(erf) = vrcp.f32 v5;
	v5 =	vmul.f32 v4, v4;
	v14 =	vpop (erf)  }
0x486: {  	s28 =	sadd.s32 $0xFFFFFFB0, s8;
	v7 =	vpsel !p1, $0x0, v7;
	v11 =	vmul.f32 v14, v11;
	v10 =	vadd.f32 v10, v2  }
0x487: {  	p2 =	slt.u32 s28, $0x2710;
	v14 =	vadd.f32 v4, v9;
	v5 =	vadd.f32 v5, v9;
	v9 =	vmul.f32 v7, v7  }
0x488: {  	s29 =	sadd.s32 $0xFFFFFFC0, s8;
	v12 =	vadd.f32 $1.000000020e-16, v15;
	v15 =	vld [tilespmem:s6+$0x20];
	v16 =	vpop (erf);
	v11 =	vadd.f32 v11, v2;
	v10 =	vpsel !p2, $0x0, v10  }
0x489: {  	p3 =	slt.u32 s29, $0x2710;
	v6 =	vmul.f32 v16, v6;
	v17 =	vpop (erf);
	v5 =	vadd.f32 v9, v5;
	v9 =	vmul.f32 v10, v10  }
0x48a: {  	v16 =	vld [tilespmem:s6+$0x30];
	v14 =	vadd.f32 v7, v14;
	v13 =	vmul.f32 v17, v13;
	v11 =	vpsel !p3, $0x0, v11  }
0x48b: {  	s30 =	sadd.s32 $0xFFFFFFD0, s8;
	v17 =	vpop (erf);
	v6 =	vadd.f32 v6, v2;
	v5 =	vadd.f32 v9, v5;
	v9 =	vmul.f32 v11, v11  }
0x48c: {  	p4 =	slt.u32 s30, $0x2710;
	s7 =	simm.s32 $0x18C40;
	[tilespmem:s6+$0xFFFFFFD0] =	vst v7;
	v18 =	vpop (erf);
	v14 =	vadd.f32 v10, v14;
	v13 =	vadd.f32 v13, v2  }
0x48d: {  	s9 =	sadd.s32 $0xFFFFFFE0, s8;
	[tilespmem:s6+$0xFFFFFFC0] =	vst v4;
	v4 =	vld [tilespmem:s7+$0xFFFFFFD0];
	v15 =	vmul.f32 v18, v15;
	v19 =	vpsel !p4, $0x0, v6;
	v5 =	vadd.f32 v9, v5  }
0x48e: {  	p5 =	slt.u32 s9, $0x2710;
	v7 =	vld [tilespmem:s10+$0x0];
	[tilespmem:s6+$0xFFFFFFE0] =	vst v10;
	v14 =	vadd.f32 v11, v14;
	v9 =	vmul.f32 v19, v19  }
0x48f: {  	s31 =	sadd.s32 $0xFFFFFFF0, s8;
	v10 =	vld [tilespmem:s10+$0x10];
	[tilespmem:s6+$0xFFFFFFF0] =	vst v11;
	v18 =	vpsel !p5, $0x0, v13;
	v13 =	vadd.f32 v15, v2;
	v15 =	vmul.f32 v17, v16  }
0x490: {  	p6 =	slt.u32 s31, $0x2710;
	v6 =	vld [tilespmem:s10+$0x30];
	[tilespmem:s6+$0x0] =	vst v19;
	v14 =	vadd.f32 v19, v14;
	v19 =	vmul.f32 v18, v18;
	v17 =	vadd.f32 v9, v5  }
0x491: {  	v11 =	vld [tilespmem:s7+$0xFFFFFFC0];
	[tilespmem:s6+$0x10] =	vst v18;
	v16 =	vadd.f32 v15, v2;
	v5 =	vpop (erf);
	(erf) = vrcp.f32 v12;
	v12 =	vpsel !p6, $0x0, v13  }
0x492: {  	s9 =	simm.s32 $0x8;
	p1 =	slt.u32 s8, $0x2710;
	v14 =	vadd.f32 v18, v14;
	v13 =	vld [tilespmem:s10+$0x20];
	s10 =	simm.s32 $0x164C0;
	v15 =	vadd.f32 v19, v17;
	v9 =	vpop (erf);
	[tilespmem:s6+$0x20] =	vst v12;
	v17 =	vmul.f32 v12, v12  }
.LBB2_41:
0x493: {  	v18 =	vld [tilespmem:s10+$0xFFFFFFD0];
	v7 =	vadd.f32 $1.000000020e-16, v7;
	(erf) = vrcp.f32 v3;
	v3 =	vpsel !p1, $0x0, v16  }
0x494: {  	v16 =	vld [tilespmem:s10+$0xFFFFFFF0];
	v12 =	vadd.f32 v12, v14;
	v14 =	vadd.f32 v17, v15;
	[tilespmem:s6+$0x30] =	vst v3;
	v15 =	vmul.f32 v3, v3;
	s6 =	smov.u32 s7  }
0x495: {  	v6 =	vadd.f32 $1.000000020e-16, v6;
	v17 =	vld [tilespmem:s10+$0xFFFFFFC0];
	v10 =	vadd.f32 $1.000000020e-16, v10;
	(erf) = vrcp.f32 v7  }
0x496: {  	v7 =	vld [tilespmem:s7+$0xFFFFFFE0];
	v12 =	vadd.f32 v3, v12;
	v14 =	vadd.f32 v15, v14  }
0x497: {  	v3 =	vmul.f32 v9, v11;
	v15 =	vld [tilespmem:s10+$0xFFFFFFE0];
	v9 =	vadd.f32 $1.000000020e-16, v13;
	(erf) = vrcp.f32 v10  }
0x498: {  	s8 =	sadd.s32 $0x80, s8;
	v13 =	vadd.f32 $1.000000020e-16, v18;
	v11 =	vld [tilespmem:s7+$0xFFFFFFF0];
	(erf) = vrcp.f32 v6  }
0x499: {  	v4 =	vmul.f32 v5, v4;
	s11 =	sadd.s32 $0xFFFFFF90, s8;
	v6 =	vadd.f32 v3, v2;
	(erf) = vrcp.f32 v9  }
0x49a: {  	p0 =	slt.u32 s11, $0x2710;
	v3 =	vadd.f32 $1.000000020e-16, v16;
	v5 =	vadd.f32 $1.000000020e-16, v17;
	(erf) = vrcp.f32 v13;
	v9 =	vld [tilespmem:s7+$0x0];
	v10 =	vpop (erf)  }
0x49b: {  	v4 =	vadd.f32 v4, v2;
	s11 =	sadd.s32 $0xFFFFFFA0, s8;
	v6 =	vpsel !p0, $0x0, v6;
	v7 =	vmul.f32 v10, v7  }
0x49c: {  	s9 =	sadd.s32 $0x8, s9;
	p1 =	slt.u32 s11, $0x2710;
	v13 =	vadd.f32 $1.000000020e-16, v15;
	(erf) = vrcp.f32 v5;
	[tilespmem:s7+$0xFFFFFFC0] =	vst v6;
	v5 =	vmul.f32 v6, v6;
	v10 =	vld [tilespmem:s7+$0x10];
	v15 =	vpop (erf)  }
0x49d: {  	s11 =	sadd.s32 $0xFFFFFFB0, s8;
	v4 =	vpsel !p1, $0x0, v4;
	p0 =	slt.u32 s9, $0x20;
	v7 =	vadd.f32 v7, v2;
	v11 =	vmul.f32 v15, v11  }
0x49e: {  	p1 =	slt.u32 s11, $0x2710;
	v6 =	vadd.f32 v6, v12;
	v12 =	vmul.f32 v4, v4;
	v5 =	vadd.f32 v5, v14;
	[tilespmem:s7+$0xFFFFFFD0] =	vst v4;
	v14 =	vld [tilespmem:s7+$0x20];
	v15 =	vpop (erf)  }
0x49f: {  	s11 =	sadd.s32 $0xFFFFFFC0, s8;
	v7 =	vpsel !p1, $0x0, v7;
	v11 =	vadd.f32 v11, v2;
	v9 =	vmul.f32 v15, v9  }
0x4a0: {  	v4 =	vadd.f32 v4, v6;
	p1 =	slt.u32 s11, $0x2710;
	v18 =	vadd.f32 v12, v5;
	[tilespmem:s7+$0xFFFFFFE0] =	vst v7;
	v6 =	vmul.f32 v7, v7;
	v12 =	vld [tilespmem:s7+$0x30];
	v15 =	vpop (erf)  }
0x4a1: {  	s11 =	sadd.s32 $0xFFFFFFD0, s8;
	v11 =	vpsel !p1, $0x0, v11;
	v9 =	vadd.f32 v9, v2;
	v10 =	vmul.f32 v15, v10;
	v15 =	vpop (erf)  }
0x4a2: {  	v16 =	vadd.f32 v7, v4;
	s7 =	sadd.s32 $0x80, s7;
	p1 =	slt.u32 s11, $0x2710;
	v6 =	vadd.f32 v6, v18;
	[tilespmem:s6+$0xFFFFFFF0] =	vst v11;
	v17 =	vmul.f32 v11, v11;
	v7 =	vpop (erf)  }
0x4a3: {  	s11 =	sadd.s32 $0xFFFFFFE0, s8;
	v4 =	vld [tilespmem:s7+$0xFFFFFFD0];
	v5 =	vpop (erf);
	v18 =	vpsel !p1, $0x0, v9;
	v10 =	vadd.f32 v10, v2;
	v14 =	vmul.f32 v7, v14  }
.Ltmp20:
0x4a4: {  	v11 =	vadd.f32 v11, v16;
	p1 =	slt.u32 s11, $0x2710;
	v7 =	vld [tilespmem:s10+$0x0];
	v16 =	vadd.f32 v17, v6;
	[tilespmem:s6+$0x0] =	vst v18;
	v17 =	vmul.f32 v18, v18;
	(pc) =	sbr.rel @p0 .LBB2_41-.Ltmp20, $4  }
0x4a5: {  	s11 =	sadd.s32 $0xFFFFFFF0, s8;
	v6 =	vld [tilespmem:s10+$0x30];
	v9 =	vpop (erf);
	v19 =	vpsel !p1, $0x0, v10;
	v14 =	vadd.f32 v14, v2;
	v15 =	vmul.f32 v15, v12  }
0x4a6: {  	v18 =	vadd.f32 v18, v11;
	p1 =	slt.u32 s11, $0x2710;
	v10 =	vld [tilespmem:s10+$0x10];
	v17 =	vadd.f32 v17, v16;
	[tilespmem:s6+$0x10] =	vst v19;
	v20 =	vmul.f32 v19, v19  }
0x4a7: {  	v11 =	vld [tilespmem:s7+$0xFFFFFFC0];
	(erf) = vrcp.f32 v13;
	v12 =	vpsel !p1, $0x0, v14;
	v16 =	vadd.f32 v15, v2  }
0x4a8: {  	v14 =	vadd.f32 v19, v18;
	p1 =	slt.u32 s8, $0x2710;
	v13 =	vld [tilespmem:s10+$0x20];
	s10 =	sadd.s32 $0x80, s10;
	v15 =	vadd.f32 v20, v17;
	[tilespmem:s6+$0x20] =	vst v12;
	v17 =	vmul.f32 v12, v12  }
0x4a9: {  	v7 =	vadd.f32 $1.000000020e-16, v7;
	(erf) = vrcp.f32 v3  }
0x4aa: {  	v46 =	vimm.s32 $0xEFCDAB89  }
0x4ab: {  	v47 =	vimm.s32 $0x67452301;
	v3 =	vadd.f32 $1.000000020e-16, v10;
	(erf) = vrcp.f32 v7  }
0x4ac: {  	v4 =	vmul.f32 v5, v4;
	v50 =	vimm.s32 $0xDCFE98BA;
	v6 =	vadd.f32 $1.000000020e-16, v6;
	v7 =	vld [tilespmem:s7+$0xFFFFFFE0]  }
0x4ad: {  	v9 =	vmul.f32 v9, v11;
	v10 =	vadd.f32 $1.000000020e-16, v13;
	(erf) = vrcp.f32 v3  }
0x4ae: {  	s8 =	sadd.s32 $0x80, s8;
	v51 =	vimm.s32 $0x54761032;
	v5 =	vadd.f32 v12, v14;
	v11 =	vld [tilespmem:s7+$0xFFFFFFF0];
	(erf) = vrcp.f32 v6  }
0x4af: {  	s9 =	sadd.s32 $0xFFFFFF90, s8;
	v3 =	vpsel !p1, $0x0, v16;
	v6 =	vadd.f32 v9, v2;
	(erf) = vrcp.f32 v10  }
0x4b0: {  	v36 =	vld [tilespmem:s7+$0x0];
	v48 =	vunpack.c.l.s4.s8 v46;
	p0 =	slt.u32 s9, $0x2710;
	v9 =	vadd.f32 v17, v15;
	v10 =	vmul.f32 v3, v3;
	v37 =	vpop (erf)  }
0x4b1: {  	s22 =	sadd.s32 $0xFFFFFFA0, s8;
	v4 =	vadd.f32 v4, v2;
	v6 =	vpsel !p0, $0x0, v6;
	v7 =	vmul.f32 v37, v7  }
0x4b2: {  	v38 =	vld [tilespmem:s7+$0x10];
	p6 =	slt.u32 s22, $0x2710;
	v5 =	vadd.f32 v3, v5;
	v9 =	vadd.f32 v10, v9;
	v10 =	vmul.f32 v6, v6;
	v39 =	vpop (erf)  }
0x4b3: {  	s23 =	sadd.s32 $0xFFFFFFB0, s8;
	v4 =	vpsel !p6, $0x0, v4;
	v7 =	vadd.f32 v7, v2;
	v11 =	vmul.f32 v39, v11  }
0x4b4: {  	v40 =	vld [tilespmem:s7+$0x20];
	p1 =	slt.u32 s23, $0x2710;
	v5 =	vadd.f32 v6, v5;
	v9 =	vadd.f32 v10, v9;
	v10 =	vmul.f32 v4, v4;
	v41 =	vpop (erf)  }
0x4b5: {  	s24 =	sadd.s32 $0xFFFFFFC0, s8;
	v7 =	vpsel !p1, $0x0, v7;
	v11 =	vadd.f32 v11, v2;
	v12 =	vmul.f32 v41, v36  }
0x4b6: {  	v42 =	vld [tilespmem:s7+$0x30];
	p2 =	slt.u32 s24, $0x2710;
	v5 =	vadd.f32 v4, v5;
	v9 =	vadd.f32 v10, v9;
	v10 =	vmul.f32 v7, v7;
	v43 =	vpop (erf)  }
0x4b7: {  	s25 =	sadd.s32 $0xFFFFFFD0, s8;
	v11 =	vpsel !p2, $0x0, v11;
	v12 =	vadd.f32 v12, v2;
	v13 =	vmul.f32 v43, v38;
	v44 =	vpop (erf)  }
0x4b8: {  	p3 =	slt.u32 s25, $0x2710;
	v5 =	vadd.f32 v7, v5;
	v9 =	vadd.f32 v10, v9;
	v10 =	vmul.f32 v11, v11;
	v45 =	vpop (erf)  }
0x4b9: {  	s26 =	sadd.s32 $0xFFFFFFE0, s8;
	v12 =	vpsel !p3, $0x0, v12;
	v13 =	vadd.f32 v13, v2;
	v14 =	vmul.f32 v45, v40  }
0x4ba: {  	p4 =	slt.u32 s26, $0x2710;
	v5 =	vadd.f32 v11, v5;
	v9 =	vadd.f32 v10, v9;
	v10 =	vmul.f32 v12, v12  }
0x4bb: {  	s28 =	sadd.s32 $0xFFFFFFF0, s8;
	v15 =	vmul.f32 v44, v42;
	v13 =	vpsel !p4, $0x0, v13;
	v14 =	vadd.f32 v14, v2  }
0x4bc: {  	p5 =	slt.u32 s28, $0x2710;
	v5 =	vadd.f32 v12, v5;
	v9 =	vadd.f32 v10, v9;
	v10 =	vmul.f32 v13, v13  }
0x4bd: {  	v49 =	vunpack.c.l.s4.s8 v47;
	v2 =	vadd.f32 v15, v2;
	v14 =	vpsel !p5, $0x0, v14  }
0x4be: {  	p6 =	slt.u32 s8, $0x2710;
	v5 =	vadd.f32 v13, v5;
	v9 =	vadd.f32 v10, v9;
	v10 =	vmul.f32 v14, v14  }
0x4bf: {  	v16 =	vunpack.c.0.s8.s32 v49;
	v15 =	vunpack.c.0.s8.s32 v48;
	v2 =	vpsel !p6, $0x0, v2  }
0x4c0: {  	v5 =	vadd.f32 v14, v5;
	v9 =	vadd.f32 v10, v9;
	v10 =	vmul.f32 v2, v2  }
0x4c1: {  	v17 =	vunpack.c.l.s4.s8 v51;
	v15 =	vcombine.low v16, v15;
	v16 =	vunpack.c.l.s4.s8 v50  }
0x4c2: {  	v18 =	vimm.s32 $0xBA98FEDC;
	v5 =	vadd.f32 v2, v5;
	v9 =	vadd.f32 v10, v9  }
0x4c3: {  	v17 =	vunpack.c.0.s8.s32 v17;
	v16 =	vunpack.c.0.s8.s32 v16;
	v10 =	vand.u32 $0xF, v15  }
0x4c4: {  	v19 =	vimm.s32 $0x32107654;
	v15 =	vperm.xlane v5, v10;
	v10 =	vperm.xlane v9, v10  }
0x4c5: {  	v52 =	vunpack.c.l.s4.s8 v18;
	v53 =	vunpack.c.l.s4.s8 v19;
	v16 =	vcombine.low v17, v16  }
0x4c6: {  	v5 =	vadd.f32 v15, v5;
	v9 =	vadd.f32 v10, v9  }
0x4c7: {  	v54 =	vunpack.c.0.s8.s32 v52;
	v55 =	vunpack.c.0.s8.s32 v53;
	v10 =	vand.u32 $0xF, v16  }
0x4c8: {  	v57 =	vimm.s32 $0xFEDCBA98;
	v56 =	vperm.xlane v5, v10;
	v10 =	vperm.xlane v9, v10  }
0x4c9: {  	v58 =	vimm.s32 $0x76543210;
	v18 =	vunpack.c.l.s4.s8 v57;
	v15 =	vcombine.low v55, v54  }
0x4ca: {  	v9 =	vadd.f32 v10, v9;
	v10 =	vunpack.c.l.s4.s8 v58  }
0x4cb: {  	v59 =	vunpack.c.0.s8.s32 v18;
	v15 =	vand.u32 $0xF, v15;
	v5 =	vadd.f32 v56, v5  }
0x4cc: {  	v10 =	vunpack.c.0.s8.s32 v10;
	v60 =	vperm.xlane v9, v15  }
0x4cd: {  	[tilespmem:s6+$0x30] =	vst v3;
	v61 =	vand.u32 $0xF, v59;
	v3 =	vperm.xlane v5, v15  }
0x4ce: {  	[tilespmem:s7+$0xFFFFFFC0] =	vst v6;
	v6 =	vcombine.low v61, v10;
	v9 =	vadd.f32 v60, v9  }
0x4cf: {  	[tilespmem:s7+$0xFFFFFFD0] =	vst v4;
	v3 =	vadd.f32 v3, v5  }
0x4d0: {  	[tilespmem:s7+$0xFFFFFFE0] =	vst v7;
	v4 =	vperm.xlane v9, v6  }
0x4d1: {  	[tilespmem:s7+$0xFFFFFFF0] =	vst v11;
	v5 =	vperm.xlane v3, v6  }
0x4d2: {  	[tilespmem:s7+$0x0] =	vst v12;
	v4 =	vadd.f32 v4, v9  }
0x4d3: {  	[tilespmem:s7+$0x10] =	vst v13;
	v3 =	vadd.f32 v5, v3  }
0x4d4: {  	[tilespmem:s7+$0x20] =	vst v14;
	v4 =	vsel vm0, $0x0, v4  }
0x4d5: {  	[tilespmem:s7+$0x30] =	vst v2;
	v2 =	vsel vm1, v3, v4  }
0x4d6: {  	s5 =	sadd.s32 $0x300, s5;
	s29 =	simm.s32 $0x1B880;
	s30 =	simm.s32 $0x3;
	[tilespmem:$0x1B880] =	vst v2  }
0x4d7: {  	[spmem:s5] =	stream.linear.scatter [tilespmem:s29], [sflag:$0x3], $0x10, $0x38;
	[tilespmem:$0x1E7C0] =	vst v63  }
0x4d8: {  	_ =	swait.ge [sflag:s30], $0x10  }
0x4d9: {  	[sflag:s30] =	ssyncset.done $0x0  }
0x4da: {  	[sflag:s30] =	ssyncadd.s32 $0xFFFFFFF0  }
0x4db: {  	s4 =	sadd.s32 $0x300, s4;
	s31 =	simm.s32 $0x1B900;
	[bflag:$0x0] =	sbarrier.arrive $0xFFFF  }
0x4dc: {  	[tilespmem:s31], [sflag:$0x3] =	stream.linear.gather [spmem:s4], $0x100, $0x38;
	[tilespmem:$0x1E7C0] =	vst v63  }
0x4dd: {  	_ =	swait.ge [sflag:s30], $0x100  }
0x4de: {  	[sflag:s30] =	ssyncset.done $0x0  }
0x4df: {  	[sflag:s30] =	ssyncadd.s32 $0xFFFFFF00  }
0x4e0: {  	v2 =	vld [tilespmem:$0x1B900];
	_ =	sdelay $0x1  }
0x4e1: {  	v3 =	vld [tilespmem:$0x1B910];
	_ =	sdelay $0x1  }
0x4e2: {  	v4 =	vld [tilespmem:$0x1B920]  }
0x4e3: {  	v2 =	vadd.f32 $0.0e+00, v2  }
0x4e4: {  	v5 =	vld [tilespmem:$0x1B930]  }
0x4e5: {  	v2 =	vadd.f32 v3, v2  }
0x4e6: {  	v3 =	vld [tilespmem:$0x1B940]  }
0x4e7: {  	v2 =	vadd.f32 v4, v2  }
0x4e8: {  	v4 =	vld [tilespmem:$0x1B950]  }
0x4e9: {  	v2 =	vadd.f32 v5, v2  }
0x4ea: {  	v5 =	vld [tilespmem:$0x1B960]  }
0x4eb: {  	v2 =	vadd.f32 v3, v2  }
0x4ec: {  	v3 =	vld [tilespmem:$0x1B970]  }
0x4ed: {  	v2 =	vadd.f32 v4, v2  }
0x4ee: {  	v4 =	vld [tilespmem:$0x1B980]  }
0x4ef: {  	v2 =	vadd.f32 v5, v2  }
0x4f0: {  	v5 =	vld [tilespmem:$0x1B990]  }
0x4f1: {  	v2 =	vadd.f32 v3, v2  }
0x4f2: {  	v3 =	vld [tilespmem:$0x1B9A0]  }
0x4f3: {  	v2 =	vadd.f32 v4, v2  }
0x4f4: {  	v4 =	vld [tilespmem:$0x1B9B0]  }
0x4f5: {  	v2 =	vadd.f32 v5, v2  }
0x4f6: {  	v5 =	vld [tilespmem:$0x1B9C0]  }
0x4f7: {  	v2 =	vadd.f32 v3, v2  }
0x4f8: {  	v3 =	vld [tilespmem:$0x1B9D0]  }
0x4f9: {  	v2 =	vadd.f32 v4, v2  }
0x4fa: {  	v4 =	vld [tilespmem:$0x1B9E0]  }
0x4fb: {  	v2 =	vadd.f32 v5, v2  }
0x4fc: {  	v5 =	vld [tilespmem:$0x1B9F0]  }
0x4fd: {  	v2 =	vadd.f32 v3, v2;
	_ =	sdelay $0x1  }
0x4fe: {  	v2 =	vadd.f32 v4, v2;
	_ =	sdelay $0x1  }
0x4ff: {  	v3 =	vadd.f32 v5, v2  }
0x500: {  	v2 =	vimm.s32 $0x0  }
0x501: {  	v2 =	vperm.xlane v3, v2  }
0x502: {  	v4 =	vimm.s32 $0x1  }
0x503: {  	v3 =	vperm.xlane v3, v4;
	v2 =	vmul.f32 v2, v8;
	_ =	sdelay $0x1  }
0x504: {  	v3 =	vmul.f32 v3, v8;
	v4 =	vmul.f32 v2, v2;
	_ =	sdelay $0x1  }
0x505: {  	v3 =	vsub.f32 v3, v4;
	_ =	sdelay $0x1  }
0x506: {  	v3 =	vadd.f32 $9.999999740e-06, v3;
	_ =	sdelay $0x1  }
0x507: {  	v4 =	vshra.s32 v3, $0x1;
	v3 =	vmul.f32 $5.000000000e-01, v3  }
0x508: {  	v4 =	vsub.s32 $0x5F3759DF, v4  }
0x509: {  	v5 =	vmul.f32 v4, v3;
	_ =	sdelay $0x1  }
0x50a: {  	v5 =	vmul.f32 v4, v5;
	_ =	sdelay $0x1  }
0x50b: {  	v5 =	vsub.f32 $1.500000000e+00, v5;
	_ =	sdelay $0x1  }
0x50c: {  	v4 =	vmul.f32 v4, v5;
	_ =	sdelay $0x1  }
0x50d: {  	v5 =	vmul.f32 v4, v3;
	_ =	sdelay $0x1  }
0x50e: {  	v5 =	vmul.f32 v5, v4;
	_ =	sdelay $0x1  }
0x50f: {  	v5 =	vsub.f32 $1.500000000e+00, v5;
	_ =	sdelay $0x1  }
0x510: {  	v4 =	vmul.f32 v5, v4;
	_ =	sdelay $0x1  }
0x511: {  	v5 =	vmul.f32 v4, v3;
	_ =	sdelay $0x1  }
0x512: {  	v5 =	vmul.f32 v5, v4;
	_ =	sdelay $0x1  }
0x513: {  	v5 =	vsub.f32 $1.500000000e+00, v5  }
0x514: {  	s4 =	simm.s32 $0x18BC0  }
0x515: {  	v6 =	vld [tilespmem:s4+$0xFFFFFFD0];
	v4 =	vmul.f32 v5, v4  }
0x516: {  	v5 =	vld [tilespmem:s4+$0x30]  }
0x517: {  	v7 =	vld [tilespmem:s4+$0xFFFFFFE0];
	v3 =	vmul.f32 v4, v3  }
0x518: {  	v9 =	vld [tilespmem:s4+$0x0]  }
0x519: {  	v11 =	vld [tilespmem:s4+$0x20];
	v3 =	vmul.f32 v3, v4  }
0x51a: {  	v8 =	vld [tilespmem:s4+$0xFFFFFFF0]  }
0x51b: {  	v10 =	vld [tilespmem:s4+$0x10];
	v5 =	vsub.f32 v5, v2;
	v3 =	vsub.f32 $1.500000000e+00, v3  }
0x51c: {  	v6 =	vsub.f32 v6, v2  }
0x51d: {  	v62 =	vld [tilespmem:s4+$0xFFFFFFC0];
	v5 =	vmul.f32 v5, v1;
	v3 =	vmul.f32 v3, v4  }
0x51e: {  	v9 =	vsub.f32 v9, v2;
	v6 =	vmul.f32 v6, v1;
	v4 =	vsub.f32 v7, v2  }
0x51f: {  	v11 =	vsub.f32 v11, v2;
	v7 =	vsub.f32 v8, v2;
	v63 =	vmul.f32 v5, v3  }
0x520: {  	v8 =	vmul.f32 v4, v1;
	v4 =	vmul.f32 v6, v3;
	v6 =	vsub.f32 v10, v2  }
0x521: {  	v7 =	vmul.f32 v7, v1;
	v5 =	vmul.f32 v9, v1;
	v13 =	vadd.f32 v63, v0  }
0x522: {  	v10 =	vsub.f32 v62, v2;
	v9 =	vmul.f32 v8, v3;
	v6 =	vmul.f32 v6, v1  }
0x523: {  	s6 =	simm.s32 $0x18C40;
	s5 =	simm.s32 $0x0;
	v8 =	vmul.f32 v7, v3;
	v7 =	vmul.f32 v11, v1;
	v11 =	vmax.f32 v13, $0.0e+00  }
.LBB2_43:
0x524: {  	v12 =	vld [tilespmem:s6+$0x30];
	s5 =	sadd.s32 $0x8, s5;
	v10 =	vmul.f32 v10, v1;
	v4 =	vadd.f32 v4, v0;
	v5 =	vmul.f32 v5, v3;
	[tilespmem:s4+$0x30] =	vst v11  }
0x525: {  	v9 =	vadd.f32 v9, v0;
	v6 =	vmul.f32 v6, v3;
	v11 =	vld [tilespmem:s6+$0xFFFFFFD0];
	p0 =	slt.u32 s5, $0x20;
	v7 =	vmul.f32 v7, v3  }
0x526: {  	v8 =	vadd.f32 v8, v0;
	v13 =	vld [tilespmem:s6+$0xFFFFFFE0];
	v10 =	vmul.f32 v10, v3;
	v5 =	vadd.f32 v5, v0  }
0x527: {  	v4 =	vmax.f32 v4, $0.0e+00;
	v6 =	vadd.f32 v6, v0;
	v14 =	vld [tilespmem:s6+$0xFFFFFFF0];
	v7 =	vadd.f32 v7, v0  }
0x528: {  	v8 =	vmax.f32 v8, $0.0e+00;
	v15 =	vld [tilespmem:s6+$0x0];
	v10 =	vadd.f32 v10, v0;
	[tilespmem:s4+$0xFFFFFFD0] =	vst v4;
	v4 =	vmax.f32 v9, $0.0e+00  }
0x529: {  	v9 =	vld [tilespmem:s6+$0x10];
	v12 =	vsub.f32 v12, v2;
	[tilespmem:s4+$0xFFFFFFE0] =	vst v4;
	v4 =	vmax.f32 v5, $0.0e+00;
	v5 =	vmax.f32 v6, $0.0e+00  }
0x52a: {  	v7 =	vmax.f32 v7, $0.0e+00;
	v6 =	vsub.f32 v11, v2;
	v11 =	vld [tilespmem:s6+$0x20];
	v10 =	vmax.f32 v10, $0.0e+00;
	[tilespmem:s4+$0xFFFFFFF0] =	vst v8  }
0x52b: {  	v8 =	vld [tilespmem:s6+$0xFFFFFFC0];
	v13 =	vsub.f32 v13, v2;
	v12 =	vmul.f32 v12, v1;
	[tilespmem:s4+$0xFFFFFFC0] =	vst v10  }
0x52c: {  	v6 =	vmul.f32 v6, v1;
	v10 =	vsub.f32 v14, v2;
	[tilespmem:s4+$0x0] =	vst v4  }
.Ltmp21:
0x52d: {  	v13 =	vmul.f32 v13, v1;
	v14 =	vsub.f32 v15, v2;
	v12 =	vmul.f32 v12, v3;
	[tilespmem:s4+$0x10] =	vst v5;
	(pc) =	sbr.rel @p0 .LBB2_43-.Ltmp21, $4  }
0x52e: {  	v4 =	vmul.f32 v6, v3;
	v15 =	vmul.f32 v10, v1;
	v6 =	vsub.f32 v9, v2;
	[tilespmem:s4+$0x20] =	vst v7;
	s4 =	smov.u32 s6  }
0x52f: {  	v5 =	vmul.f32 v14, v1;
	v7 =	vsub.f32 v11, v2;
	v11 =	vadd.f32 v12, v0  }
0x530: {  	v9 =	vmul.f32 v13, v3;
	v10 =	vsub.f32 v8, v2;
	v6 =	vmul.f32 v6, v1  }
0x531: {  	s6 =	sadd.s32 $0x80, s6;
	v8 =	vmul.f32 v15, v3;
	v7 =	vmul.f32 v7, v1;
	v11 =	vmax.f32 v11, $0.0e+00  }
0x532: {  	v2 =	vadd.f32 v4, v0  }
0x533: {  	v1 =	vmul.f32 v10, v1;
	v55 =	vadd.f32 v9, v0;
	v5 =	vmul.f32 v5, v3  }
0x534: {  	[tilespmem:s4+$0x30] =	vst v11;
	v6 =	vmul.f32 v6, v3;
	v8 =	vadd.f32 v8, v0;
	v2 =	vmax.f32 v2, $0.0e+00  }
0x535: {  	v57 =	vmul.f32 v7, v3;
	v56 =	vmax.f32 v55, $0.0e+00;
	v58 =	vadd.f32 v5, v0;
	[tilespmem:s4+$0xFFFFFFD0] =	vst v2  }
0x536: {  	v1 =	vmul.f32 v1, v3;
	v60 =	vadd.f32 v6, v0;
	v59 =	vmax.f32 v8, $0.0e+00;
	[tilespmem:s4+$0xFFFFFFE0] =	vst v56  }
0x537: {  	v61 =	vadd.f32 v57, v0;
	[tilespmem:s4+$0xFFFFFFF0] =	vst v59;
	v62 =	vmax.f32 v58, $0.0e+00  }
0x538: {  	v1 =	vadd.f32 v1, v0;
	v63 =	vmax.f32 v60, $0.0e+00;
	[tilespmem:s4+$0x0] =	vst v62  }
0x539: {  	p0 =	sne.s32 s1, $0xF;
	v0 =	vmax.f32 v61, $0.0e+00;
	[tilespmem:s4+$0x10] =	vst v63  }
0x53a: {  	s3 =	sshrl.u32 @p0 s3, $0x3;
	v1 =	vmax.f32 v1, $0.0e+00;
	[tilespmem:s4+$0x20] =	vst v0  }
0x53b: {  	s5 =	simm.s32 @p0 $0x18B80;
	s3 =	sadd.s32 @p0 s2, s3;
	[tilespmem:s4+$0xFFFFFFC0] =	vst v1;
	s4 =	simm.s32 @p0 $0x0  }
0x53c: {  	[hbm4b:s3+s4] =	stream.linear.scatter @p0 [tilespmem:s5], [sflag:$0x3], $0x280, $0x38;
	[tilespmem:$0x1E7C0] =	vst v63  }
0x53d: {  	s3 =	simm.s32 @p0 $0x3  }
0x53e: {  	_ =	swait.ge @p0 [sflag:s3], $0x280  }
0x53f: {  	s2 =	sadd.s32 @!p0 $0x4B0, s2;
	[sflag:s3] =	ssyncset.done @p0 $0x0  }
0x540: {  	s4 =	simm.s32 @!p0 $0x18B80;
	[sflag:s3] =	ssyncadd.s32 @p0 $0xFFFFFD80;
	s3 =	simm.s32 @!p0 $0x0  }
0x541: {  	[hbm4b:s2+s3] =	stream.linear.scatter @!p0 [tilespmem:s4], [sflag:$0x3], $0x190, $0x38;
	[tilespmem:$0x1E7C0] =	vst v63  }
0x542: {  	s2 =	simm.s32 @!p0 $0x3  }
0x543: {  	_ =	swait.ge @!p0 [sflag:s2], $0x190  }
0x544: {  	[sflag:s2] =	ssyncset.done @!p0 $0x0  }
0x545: {  	s31 =	simm.s32 $0x2;
	[sflag:s2] =	ssyncadd.s32 @!p0 $0xFFFFFE70  }
0x546: {  	_ =	swait.ge [sflag:s31], $0x4E20  }
0x547: {  	[sflag:s31] =	ssyncset.done $0x0  }
0x548: {  	[sflag:s31] =	ssyncadd.s32 $0xFFFFB1E0  }
0x549: {  	_ =	sfence.sel $0x180000  }
0x54a: {  	[bflag:$0x0] =	sbarrier.arrive $0xFFFF  }
0x54b: {  	p0 =	sne.s32 s1, $0x0;
	_ =	strace $0x90000047  }
0x54c: {  	s0 =	sadd.s32 @!p0 $0x100000, s0;
	[bflag:$0x2] =	sbarrier.arrive $0xFFFF  }
0x54d: {  	[sflag:s0] =	ssyncadd.tile.s32 @!p0 $0x1;
	_ =	shalt  }
.Lfunc_end2:
_tile_overlayer_lowered:
.L_overlay_start_2:
0x54e: {  	(tag) =	ssettag $0x2  }
0x54f: {  	s0 =	rddreg [dreg:$0x0];
	s2 =	stileid.u32  }
0x550: {  	s1 =	rddreg [dreg:$0x1];
	p0 =	sne.s32 s2, $0x0  }
0x551: {  	s3 =	rddreg [dreg:$0x2];
	[bflag:$0x3] =	sbarrier.arrive $0xFFFF;
	s2 =	simm.s32 @!p0 $0x1C03  }
0x552: {  	[timem:s3], [sflag:s2] =	dma.local @!p0 [hbm:s0], s1  }
0x553: {  	s0 =	simm.s32 @!p0 $0x3  }
0x554: {  	_ =	swait.ge @!p0 [sflag:s0], s1  }
0x555: {  	s1 =	ssub.s32 @!p0 $0x0, s1;
	[sflag:s0] =	ssyncset.done @!p0 $0x0  }
0x556: {  	[sflag:s0] =	ssyncadd.s32 @!p0 s1  }
0x557: {  	[bflag:$0x3] =	sbarrier.arrive $0xFFFF  }
0x558: {  	_ =	shalt  }

</sc_bundles>
